<compile_context>
chip_gen: v7x
topology: tpu7x:2x2x1
jax: 0.10.2.dev20260603
libtpu: 0.0.44.dev20260713+nightly
codegen_flags: <defaults>
</compile_context>

<pallas_src>
import functools

import jax
import jax.numpy as jnp
from jax import lax
from jax.experimental import pallas as pl
from jax.experimental.pallas import tpu as pltpu
from jax.experimental.pallas import tpu_sc as plsc

_NUM_CORES = 2
_NUM_SUBCORES = 16
_NW = _NUM_CORES * _NUM_SUBCORES
_LANES = 16
_R = 16


@functools.lru_cache(maxsize=None)
def _build(B, T, DIM):
    rows_w = T // _NW
    R = _R if rows_w % _R == 0 else rows_w
    n_sub = rows_w // R
    n_tiles = n_sub * B
    groups_row = DIM // _LANES

    mesh = plsc.VectorSubcoreMesh(core_axis_name="c", subcore_axis_name="s")

    @functools.partial(
        pl.kernel,
        out_type=jax.ShapeDtypeStruct((B, T, DIM), jnp.float32),
        mesh=mesh,
        compiler_params=pltpu.CompilerParams(use_tc_tiling_on_sc=True),
        scratch_types=(
            [pltpu.VMEM((R, DIM), jnp.float32) for _ in range(4)]
            + [pltpu.VMEM((R, DIM), jnp.float32) for _ in range(2)]
            + [pltpu.SemaphoreType.DMA for _ in range(10)]
        ),
    )
    def k(x_hbm, pos_hbm, out_hbm,
          xv0, xv1, xv2, xv3, pv0, pv1,
          sxi0, sxi1, sxi2, sxi3, soo0, soo1, soo2, soo3, spi0, spi1):
        wid = lax.axis_index("s") * _NUM_CORES + lax.axis_index("c")
        base = wid * rows_w
        xv = (xv0, xv1, xv2, xv3)
        pv = (pv0, pv1)
        sxi = (sxi0, sxi1, sxi2, sxi3)
        soo = (soo0, soo1, soo2, soo3)
        spi = (spi0, spi1)

        def x_loc(kk):
            s, b = divmod(kk, B)
            return b, base + s * R

        def start_xin(kk):
            b, r0 = x_loc(kk)
            return pltpu.async_copy(
                x_hbm.at[b, pl.ds(r0, R), :], xv[kk % 4], sxi[kk % 4])

        def start_pin(s):
            return pltpu.async_copy(
                pos_hbm.at[pl.ds(base + s * R, R), :], pv[s % 2], spi[s % 2])

        def start_out(kk):
            b, r0 = x_loc(kk)
            return pltpu.async_copy(
                xv[kk % 4], out_hbm.at[b, pl.ds(r0, R), :], soo[kk % 4])

        pending = {}
        pending["p0"] = start_pin(0)
        for j in range(min(4, n_tiles)):
            pending[f"x{j}"] = start_xin(j)

        for st in range(n_tiles // 2):
            kk0 = 2 * st
            kk1 = kk0 + 1
            s, b0 = divmod(kk0, B)
            if b0 == 0:
                pending.pop(f"p{s}").wait()
                if s + 1 < n_sub:
                    pending[f"p{s + 1}"] = start_pin(s + 1)
            if st >= 1 and kk0 + 2 < n_tiles:
                pending.pop(f"o{kk0 - 2}").wait()
                pending[f"x{kk0 + 2}"] = start_xin(kk0 + 2)
                pending.pop(f"o{kk1 - 2}").wait()
                pending[f"x{kk1 + 2}"] = start_xin(kk1 + 2)
            pending.pop(f"x{kk0}").wait()
            pending.pop(f"x{kk1}").wait()

            xb0 = xv[kk0 % 4]
            xb1 = xv[kk1 % 4]
            pbuf = pv[s % 2]

            @plsc.parallel_loop(0, R * groups_row, step=1, unroll=8)
            def add_body(i):
                r = i // groups_row
                sl = pl.ds((i % groups_row) * _LANES, _LANES)
                pval = pbuf[r, sl]
                plsc.addupdate(xb0.at[r, sl], pval)
                plsc.addupdate(xb1.at[r, sl], pval)

            pending[f"o{kk0}"] = start_out(kk0)
            pending[f"o{kk1}"] = start_out(kk1)

        for h in pending.values():
            h.wait()

    return k


def kernel(x, pos):
    B, T, DIM = x.shape
    return _build(B, T, DIM)(x, pos[:T])

# --- scband reference (transcript-rebuilt; emitter-appended) ---
"""Pipeline reference for scband-learned-positional-embedding-10831907521175 (READ-ONLY COPY).

The authoritative reference and input builder live on the scoring server;
editing this copy changes nothing except your own understanding.
"""

import jax, jax.numpy as jnp
import numpy as np

DIM = 1024
MAX_LEN = 4096
B, T = 4, 4096

def setup_inputs(seed: int = 0) -> dict:
    key = jax.random.key(seed)
    kx, kp = jax.random.split(key)
    x = jax.random.normal(kx, (B, T, DIM), dtype=jnp.float32)
    pos = jax.random.normal(kp, (MAX_LEN, DIM), dtype=jnp.float32) * 0.02
    return {"x": x, "pos": pos}

def reference(x, pos):
    T_ = x.shape[1]
    idx = jnp.arange(T_)
    pe = jnp.take(pos, idx, axis=0)  # [T, dim]
    return x + pe[None, :, :]

if __name__ == "__main__":
    import jax
    _d = setup_inputs()
    print(jax.jit(kernel)(*tuple(_d.values())))

</pallas_src>

<mosaic_0001>
#map = affine_map<(d0, d1) -> (0, 0, 0)>
#map1 = affine_map<(d0, d1) -> (0, 0)>
module attributes {stable_mosaic.version = 14 : i64} {
  func.func @k(%arg0: i32, %arg1: i32, %arg2: memref<4x4096x1024xf32, #tpu.memory_space<hbm>>, %arg3: memref<4096x1024xf32, #tpu.memory_space<hbm>>, %arg4: memref<4x4096x1024xf32, #tpu.memory_space<hbm>>, %arg5: memref<16x1024xf32, #tpu.memory_space<vmem>>, %arg6: memref<16x1024xf32, #tpu.memory_space<vmem>>, %arg7: memref<16x1024xf32, #tpu.memory_space<vmem>>, %arg8: memref<16x1024xf32, #tpu.memory_space<vmem>>, %arg9: memref<16x1024xf32, #tpu.memory_space<vmem>>, %arg10: memref<16x1024xf32, #tpu.memory_space<vmem>>, %arg11: memref<!tpu.dma_semaphore, #tpu.memory_space<semaphore_mem>>, %arg12: memref<!tpu.dma_semaphore, #tpu.memory_space<semaphore_mem>>, %arg13: memref<!tpu.dma_semaphore, #tpu.memory_space<semaphore_mem>>, %arg14: memref<!tpu.dma_semaphore, #tpu.memory_space<semaphore_mem>>, %arg15: memref<!tpu.dma_semaphore, #tpu.memory_space<semaphore_mem>>, %arg16: memref<!tpu.dma_semaphore, #tpu.memory_space<semaphore_mem>>, %arg17: memref<!tpu.dma_semaphore, #tpu.memory_space<semaphore_mem>>, %arg18: memref<!tpu.dma_semaphore, #tpu.memory_space<semaphore_mem>>, %arg19: memref<!tpu.dma_semaphore, #tpu.memory_space<semaphore_mem>>, %arg20: memref<!tpu.dma_semaphore, #tpu.memory_space<semaphore_mem>>) attributes {dimension_semantics = [#tpu.dimension_semantics<core_parallel>, #tpu.dimension_semantics<subcore_parallel>], iteration_bounds = array<i64: 2, 16>, scalar_prefetch = 0 : i64, scratch_operands = 16 : i64, tpu.core_type = #tpu.core_type<sc_vector_subcore>, window_params = [{transform_indices = #map}, {transform_indices = #map1}, {transform_indices = #map}]} {
    %mul3A = arith.constant 2 : i32
    %mul3A_0 = arith.muli %arg1, %mul3A : i32
    %add3A = arith.addi %mul3A_0, %arg0 : i32
    %mul3A_1 = arith.constant 128 : i32
    %mul3A_2 = arith.muli %add3A, %mul3A_1 : i32
    %add3A_3 = arith.constant 0 : i32
    %add3A_4 = arith.addi %mul3A_2, %add3A_3 : i32
    %dma_start3A = arith.constant 0 : i32
    %dma_start3A_5 = tpu.memref_slice %arg3[%add3A_4, %dma_start3A] : memref<4096x1024xf32, #tpu.memory_space<hbm>> -> memref<16x1024xf32, #tpu.memory_space<hbm>>
    %dma_start3A_6 = arith.constant 0 : i32
    %dma_start3A_7 = tpu.memref_slice %arg3[%add3A_4, %dma_start3A_6] : memref<4096x1024xf32, #tpu.memory_space<hbm>> -> memref<16x1024xf32, #tpu.memory_space<hbm>>
    tpu.enqueue_dma source(%dma_start3A_7 : memref<16x1024xf32, #tpu.memory_space<hbm>>) target(%arg9 : memref<16x1024xf32, #tpu.memory_space<vmem>>) target_semaphore(%arg19 : memref<!tpu.dma_semaphore, #tpu.memory_space<semaphore_mem>>)
    %add3A_8 = arith.constant 0 : i32
    %add3A_9 = arith.addi %mul3A_2, %add3A_8 : i32
    %dma_start3A_10 = arith.constant 0 : i32
    %dma_start3A_11 = arith.constant 0 : i32
    %dma_start3A_12 = tpu.memref_slice %arg2[%dma_start3A_10, %add3A_9, %dma_start3A_11] : memref<4x4096x1024xf32, #tpu.memory_space<hbm>> -> memref<1x16x1024xf32, #tpu.memory_space<hbm>>
    %dma_start3A_13 = tpu.memref_squeeze %dma_start3A_12 : memref<1x16x1024xf32, #tpu.memory_space<hbm>> -> memref<16x1024xf32, #tpu.memory_space<hbm>>
    %dma_start3A_14 = arith.constant 0 : i32
    %dma_start3A_15 = tpu.memref_slice %arg2[%dma_start3A_10, %add3A_9, %dma_start3A_14] : memref<4x4096x1024xf32, #tpu.memory_space<hbm>> -> memref<1x16x1024xf32, #tpu.memory_space<hbm>>
    %dma_start3A_16 = tpu.memref_squeeze %dma_start3A_15 : memref<1x16x1024xf32, #tpu.memory_space<hbm>> -> memref<16x1024xf32, #tpu.memory_space<hbm>>
    tpu.enqueue_dma source(%dma_start3A_16 : memref<16x1024xf32, #tpu.memory_space<hbm>>) target(%arg5 : memref<16x1024xf32, #tpu.memory_space<vmem>>) target_semaphore(%arg11 : memref<!tpu.dma_semaphore, #tpu.memory_space<semaphore_mem>>)
    %add3A_17 = arith.constant 0 : i32
    %add3A_18 = arith.addi %mul3A_2, %add3A_17 : i32
    %dma_start3A_19 = arith.constant 1 : i32
    %dma_start3A_20 = arith.constant 0 : i32
    %dma_start3A_21 = tpu.memref_slice %arg2[%dma_start3A_19, %add3A_18, %dma_start3A_20] : memref<4x4096x1024xf32, #tpu.memory_space<hbm>> -> memref<1x16x1024xf32, #tpu.memory_space<hbm>>
    %dma_start3A_22 = tpu.memref_squeeze %dma_start3A_21 : memref<1x16x1024xf32, #tpu.memory_space<hbm>> -> memref<16x1024xf32, #tpu.memory_space<hbm>>
    %dma_start3A_23 = arith.constant 0 : i32
    %dma_start3A_24 = tpu.memref_slice %arg2[%dma_start3A_19, %add3A_18, %dma_start3A_23] : memref<4x4096x1024xf32, #tpu.memory_space<hbm>> -> memref<1x16x1024xf32, #tpu.memory_space<hbm>>
    %dma_start3A_25 = tpu.memref_squeeze %dma_start3A_24 : memref<1x16x1024xf32, #tpu.memory_space<hbm>> -> memref<16x1024xf32, #tpu.memory_space<hbm>>
    tpu.enqueue_dma source(%dma_start3A_25 : memref<16x1024xf32, #tpu.memory_space<hbm>>) target(%arg6 : memref<16x1024xf32, #tpu.memory_space<vmem>>) target_semaphore(%arg12 : memref<!tpu.dma_semaphore, #tpu.memory_space<semaphore_mem>>)
    %add3A_26 = arith.constant 0 : i32
    %add3A_27 = arith.addi %mul3A_2, %add3A_26 : i32
    %dma_start3A_28 = arith.constant 2 : i32
    %dma_start3A_29 = arith.constant 0 : i32
    %dma_start3A_30 = tpu.memref_slice %arg2[%dma_start3A_28, %add3A_27, %dma_start3A_29] : memref<4x4096x1024xf32, #tpu.memory_space<hbm>> -> memref<1x16x1024xf32, #tpu.memory_space<hbm>>
    %dma_start3A_31 = tpu.memref_squeeze %dma_start3A_30 : memref<1x16x1024xf32, #tpu.memory_space<hbm>> -> memref<16x1024xf32, #tpu.memory_space<hbm>>
    %dma_start3A_32 = arith.constant 0 : i32
    %dma_start3A_33 = tpu.memref_slice %arg2[%dma_start3A_28, %add3A_27, %dma_start3A_32] : memref<4x4096x1024xf32, #tpu.memory_space<hbm>> -> memref<1x16x1024xf32, #tpu.memory_space<hbm>>
    %dma_start3A_34 = tpu.memref_squeeze %dma_start3A_33 : memref<1x16x1024xf32, #tpu.memory_space<hbm>> -> memref<16x1024xf32, #tpu.memory_space<hbm>>
    tpu.enqueue_dma source(%dma_start3A_34 : memref<16x1024xf32, #tpu.memory_space<hbm>>) target(%arg7 : memref<16x1024xf32, #tpu.memory_space<vmem>>) target_semaphore(%arg13 : memref<!tpu.dma_semaphore, #tpu.memory_space<semaphore_mem>>)
    %add3A_35 = arith.constant 0 : i32
    %add3A_36 = arith.addi %mul3A_2, %add3A_35 : i32
    %dma_start3A_37 = arith.constant 3 : i32
    %dma_start3A_38 = arith.constant 0 : i32
    %dma_start3A_39 = tpu.memref_slice %arg2[%dma_start3A_37, %add3A_36, %dma_start3A_38] : memref<4x4096x1024xf32, #tpu.memory_space<hbm>> -> memref<1x16x1024xf32, #tpu.memory_space<hbm>>
    %dma_start3A_40 = tpu.memref_squeeze %dma_start3A_39 : memref<1x16x1024xf32, #tpu.memory_space<hbm>> -> memref<16x1024xf32, #tpu.memory_space<hbm>>
    %dma_start3A_41 = arith.constant 0 : i32
    %dma_start3A_42 = tpu.memref_slice %arg2[%dma_start3A_37, %add3A_36, %dma_start3A_41] : memref<4x4096x1024xf32, #tpu.memory_space<hbm>> -> memref<1x16x1024xf32, #tpu.memory_space<hbm>>
    %dma_start3A_43 = tpu.memref_squeeze %dma_start3A_42 : memref<1x16x1024xf32, #tpu.memory_space<hbm>> -> memref<16x1024xf32, #tpu.memory_space<hbm>>
    tpu.enqueue_dma source(%dma_start3A_43 : memref<16x1024xf32, #tpu.memory_space<hbm>>) target(%arg8 : memref<16x1024xf32, #tpu.memory_space<vmem>>) target_semaphore(%arg14 : memref<!tpu.dma_semaphore, #tpu.memory_space<semaphore_mem>>)
    %dma_wait3A = arith.constant 0 : i32
    %dma_wait3A_44 = tpu.memref_slice %arg3[%add3A_4, %dma_wait3A] : memref<4096x1024xf32, #tpu.memory_space<hbm>> -> memref<16x1024xf32, #tpu.memory_space<hbm>>
    %dma_wait3A_45 = arith.constant 0 : i32
    %dma_wait3A_46 = tpu.memref_slice %arg3[%add3A_4, %dma_wait3A_45] : memref<4096x1024xf32, #tpu.memory_space<hbm>> -> memref<16x1024xf32, #tpu.memory_space<hbm>>
    tpu.wait_dma2 semaphore(%arg19 : memref<!tpu.dma_semaphore, #tpu.memory_space<semaphore_mem>>) src(%dma_wait3A_46 : memref<16x1024xf32, #tpu.memory_space<hbm>>) dst(%arg9 : memref<16x1024xf32, #tpu.memory_space<vmem>>)
    %add3A_47 = arith.constant 16 : i32
    %add3A_48 = arith.addi %mul3A_2, %add3A_47 : i32
    %dma_start3A_49 = arith.constant 0 : i32
    %dma_start3A_50 = tpu.memref_slice %arg3[%add3A_48, %dma_start3A_49] : memref<4096x1024xf32, #tpu.memory_space<hbm>> -> memref<16x1024xf32, #tpu.memory_space<hbm>>
    %dma_start3A_51 = arith.constant 0 : i32
    %dma_start3A_52 = tpu.memref_slice %arg3[%add3A_48, %dma_start3A_51] : memref<4096x1024xf32, #tpu.memory_space<hbm>> -> memref<16x1024xf32, #tpu.memory_space<hbm>>
    tpu.enqueue_dma source(%dma_start3A_52 : memref<16x1024xf32, #tpu.memory_space<hbm>>) target(%arg10 : memref<16x1024xf32, #tpu.memory_space<vmem>>) target_semaphore(%arg20 : memref<!tpu.dma_semaphore, #tpu.memory_space<semaphore_mem>>)
    %dma_wait3A_53 = arith.constant 0 : i32
    %dma_wait3A_54 = arith.constant 0 : i32
    %dma_wait3A_55 = tpu.memref_slice %arg2[%dma_wait3A_53, %add3A_9, %dma_wait3A_54] : memref<4x4096x1024xf32, #tpu.memory_space<hbm>> -> memref<1x16x1024xf32, #tpu.memory_space<hbm>>
    %dma_wait3A_56 = tpu.memref_squeeze %dma_wait3A_55 : memref<1x16x1024xf32, #tpu.memory_space<hbm>> -> memref<16x1024xf32, #tpu.memory_space<hbm>>
    %dma_wait3A_57 = arith.constant 0 : i32
    %dma_wait3A_58 = tpu.memref_slice %arg2[%dma_wait3A_53, %add3A_9, %dma_wait3A_57] : memref<4x4096x1024xf32, #tpu.memory_space<hbm>> -> memref<1x16x1024xf32, #tpu.memory_space<hbm>>
    %dma_wait3A_59 = tpu.memref_squeeze %dma_wait3A_58 : memref<1x16x1024xf32, #tpu.memory_space<hbm>> -> memref<16x1024xf32, #tpu.memory_space<hbm>>
    tpu.wait_dma2 semaphore(%arg11 : memref<!tpu.dma_semaphore, #tpu.memory_space<semaphore_mem>>) src(%dma_wait3A_59 : memref<16x1024xf32, #tpu.memory_space<hbm>>) dst(%arg5 : memref<16x1024xf32, #tpu.memory_space<vmem>>)
    %dma_wait3A_60 = arith.constant 1 : i32
    %dma_wait3A_61 = arith.constant 0 : i32
    %dma_wait3A_62 = tpu.memref_slice %arg2[%dma_wait3A_60, %add3A_18, %dma_wait3A_61] : memref<4x4096x1024xf32, #tpu.memory_space<hbm>> -> memref<1x16x1024xf32, #tpu.memory_space<hbm>>
    %dma_wait3A_63 = tpu.memref_squeeze %dma_wait3A_62 : memref<1x16x1024xf32, #tpu.memory_space<hbm>> -> memref<16x1024xf32, #tpu.memory_space<hbm>>
    %dma_wait3A_64 = arith.constant 0 : i32
    %dma_wait3A_65 = tpu.memref_slice %arg2[%dma_wait3A_60, %add3A_18, %dma_wait3A_64] : memref<4x4096x1024xf32, #tpu.memory_space<hbm>> -> memref<1x16x1024xf32, #tpu.memory_space<hbm>>
    %dma_wait3A_66 = tpu.memref_squeeze %dma_wait3A_65 : memref<1x16x1024xf32, #tpu.memory_space<hbm>> -> memref<16x1024xf32, #tpu.memory_space<hbm>>
    tpu.wait_dma2 semaphore(%arg12 : memref<!tpu.dma_semaphore, #tpu.memory_space<semaphore_mem>>) src(%dma_wait3A_66 : memref<16x1024xf32, #tpu.memory_space<hbm>>) dst(%arg6 : memref<16x1024xf32, #tpu.memory_space<vmem>>)
    %parallel_loop3A = arith.constant 0 : i32
    %parallel_loop3A_67 = arith.constant 1024 : i32
    %parallel_loop3A_68 = arith.constant 1 : i32
    scf.for %parallel_loop3A_1152 = %parallel_loop3A to %parallel_loop3A_67 step %parallel_loop3A_68  : i32 {
      %parallel_loop3A_1153 = arith.constant 64 : i32
      %parallel_loop3A_1154 = arith.divsi %parallel_loop3A_1152, %parallel_loop3A_1153 : i32
      %parallel_loop3A_1155 = arith.constant 0 : i32
      %parallel_loop3A_1156 = arith.cmpi sgt, %parallel_loop3A_1152, %parallel_loop3A_1155 : i32
      %parallel_loop3A_1157 = arith.extui %parallel_loop3A_1156 : i1 to i32
      %parallel_loop3A_1158 = arith.constant 0 : i32
      %parallel_loop3A_1159 = arith.cmpi slt, %parallel_loop3A_1152, %parallel_loop3A_1158 : i32
      %parallel_loop3A_1160 = arith.extui %parallel_loop3A_1159 : i1 to i32
      %parallel_loop3A_1161 = arith.subi %parallel_loop3A_1157, %parallel_loop3A_1160 : i32
      %parallel_loop3A_1162 = arith.constant 0 : i32
      %parallel_loop3A_1163 = arith.cmpi sgt, %parallel_loop3A_1153, %parallel_loop3A_1162 : i32
      %parallel_loop3A_1164 = arith.extui %parallel_loop3A_1163 : i1 to i32
      %parallel_loop3A_1165 = arith.constant 0 : i32
      %parallel_loop3A_1166 = arith.cmpi slt, %parallel_loop3A_1153, %parallel_loop3A_1165 : i32
      %parallel_loop3A_1167 = arith.extui %parallel_loop3A_1166 : i1 to i32
      %parallel_loop3A_1168 = arith.subi %parallel_loop3A_1164, %parallel_loop3A_1167 : i32
      %parallel_loop3A_1169 = arith.cmpi ne, %parallel_loop3A_1161, %parallel_loop3A_1168 : i32
      %parallel_loop3A_1170 = arith.remsi %parallel_loop3A_1152, %parallel_loop3A_1153 : i32
      %parallel_loop3A_1171 = arith.constant 0 : i32
      %parallel_loop3A_1172 = arith.cmpi ne, %parallel_loop3A_1170, %parallel_loop3A_1171 : i32
      %parallel_loop3A_1173 = arith.andi %parallel_loop3A_1169, %parallel_loop3A_1172 : i1
      %parallel_loop3A_1174 = arith.constant 1 : i32
      %parallel_loop3A_1175 = arith.subi %parallel_loop3A_1154, %parallel_loop3A_1174 : i32
      %parallel_loop3A_1176 = arith.select %parallel_loop3A_1173, %parallel_loop3A_1175, %parallel_loop3A_1154 : i32
      %parallel_loop3A_1177 = arith.constant 64 : i32
      %parallel_loop3A_1178 = arith.constant 0 : i32
      %parallel_loop3A_1179 = arith.cmpi eq, %parallel_loop3A_1177, %parallel_loop3A_1178 : i32
      %parallel_loop3A_1180 = arith.constant 1 : i32
      %parallel_loop3A_1181 = arith.select %parallel_loop3A_1179, %parallel_loop3A_1180, %parallel_loop3A_1177 : i32
      %parallel_loop3A_1182 = arith.remsi %parallel_loop3A_1152, %parallel_loop3A_1181 : i32
      %parallel_loop3A_1183 = arith.constant 0 : i32
      %parallel_loop3A_1184 = arith.cmpi ne, %parallel_loop3A_1182, %parallel_loop3A_1183 : i32
      %parallel_loop3A_1185 = arith.constant 0 : i32
      %parallel_loop3A_1186 = arith.cmpi slt, %parallel_loop3A_1182, %parallel_loop3A_1185 : i32
      %parallel_loop3A_1187 = arith.constant 0 : i32
      %parallel_loop3A_1188 = arith.cmpi slt, %parallel_loop3A_1181, %parallel_loop3A_1187 : i32
      %parallel_loop3A_1189 = arith.xori %parallel_loop3A_1186, %parallel_loop3A_1188 : i1
      %parallel_loop3A_1190 = arith.andi %parallel_loop3A_1189, %parallel_loop3A_1184 : i1
      %parallel_loop3A_1191 = arith.addi %parallel_loop3A_1182, %parallel_loop3A_1181 : i32
      %parallel_loop3A_1192 = arith.select %parallel_loop3A_1190, %parallel_loop3A_1191, %parallel_loop3A_1182 : i32
      %parallel_loop3A_1193 = arith.constant 16 : i32
      %parallel_loop3A_1194 = arith.muli %parallel_loop3A_1192, %parallel_loop3A_1193 : i32
      %parallel_loop3A_1195 = arith.index_cast %parallel_loop3A_1176 : i32 to index
      %parallel_loop3A_1196 = arith.index_cast %parallel_loop3A_1194 : i32 to index
      %parallel_loop3A_1197 = tpu.vector_load %arg9[%parallel_loop3A_1195, %parallel_loop3A_1196] {strides = array<i32>} : memref<16x1024xf32, #tpu.memory_space<vmem>>, vector<1x16xf32>,
      %parallel_loop3A_1198 = vector.shape_cast %parallel_loop3A_1197 : vector<1x16xf32> to vector<16xf32>
      %parallel_loop3A_1199 = arith.index_cast %parallel_loop3A_1176 : i32 to index
      %parallel_loop3A_1200 = arith.index_cast %parallel_loop3A_1194 : i32 to index
      %parallel_loop3A_1201 = tpu.vector_load %arg5[%parallel_loop3A_1199, %parallel_loop3A_1200] {strides = array<i32>} : memref<16x1024xf32, #tpu.memory_space<vmem>>, vector<1x16xf32>,
      %parallel_loop3A_1202 = vector.shape_cast %parallel_loop3A_1201 : vector<1x16xf32> to vector<16xf32>
      %parallel_loop3A_1203 = vector.shape_cast %parallel_loop3A_1198 : vector<16xf32> to vector<1x16xf32>
      tpu.vector_store %arg5[%parallel_loop3A_1199, %parallel_loop3A_1200], %parallel_loop3A_1203 {add = true, strides = array<i32>} : memref<16x1024xf32, #tpu.memory_space<vmem>>, vector<1x16xf32>,
      %parallel_loop3A_1204 = arith.index_cast %parallel_loop3A_1176 : i32 to index
      %parallel_loop3A_1205 = arith.index_cast %parallel_loop3A_1194 : i32 to index
      %parallel_loop3A_1206 = tpu.vector_load %arg6[%parallel_loop3A_1204, %parallel_loop3A_1205] {strides = array<i32>} : memref<16x1024xf32, #tpu.memory_space<vmem>>, vector<1x16xf32>,
      %parallel_loop3A_1207 = vector.shape_cast %parallel_loop3A_1206 : vector<1x16xf32> to vector<16xf32>
      %parallel_loop3A_1208 = vector.shape_cast %parallel_loop3A_1198 : vector<16xf32> to vector<1x16xf32>
      tpu.vector_store %arg6[%parallel_loop3A_1204, %parallel_loop3A_1205], %parallel_loop3A_1208 {add = true, strides = array<i32>} : memref<16x1024xf32, #tpu.memory_space<vmem>>, vector<1x16xf32>,
    } {sc.loop_unroll_factor = 8 : i64, sc.parallel_access}
    %add3A_69 = arith.constant 0 : i32
    %add3A_70 = arith.addi %mul3A_2, %add3A_69 : i32
    %dma_start3A_71 = arith.constant 0 : i32
    %dma_start3A_72 = arith.constant 0 : i32
    %dma_start3A_73 = tpu.memref_slice %arg4[%dma_start3A_71, %add3A_70, %dma_start3A_72] : memref<4x4096x1024xf32, #tpu.memory_space<hbm>> -> memref<1x16x1024xf32, #tpu.memory_space<hbm>>
    %dma_start3A_74 = tpu.memref_squeeze %dma_start3A_73 : memref<1x16x1024xf32, #tpu.memory_space<hbm>> -> memref<16x1024xf32, #tpu.memory_space<hbm>>
    %dma_start3A_75 = arith.constant 0 : i32
    %dma_start3A_76 = tpu.memref_slice %arg4[%dma_start3A_71, %add3A_70, %dma_start3A_75] : memref<4x4096x1024xf32, #tpu.memory_space<hbm>> -> memref<1x16x1024xf32, #tpu.memory_space<hbm>>
    %dma_start3A_77 = tpu.memref_squeeze %dma_start3A_76 : memref<1x16x1024xf32, #tpu.memory_space<hbm>> -> memref<16x1024xf32, #tpu.memory_space<hbm>>
    tpu.enqueue_dma source(%arg5 : memref<16x1024xf32, #tpu.memory_space<vmem>>) target(%dma_start3A_77 : memref<16x1024xf32, #tpu.memory_space<hbm>>) target_semaphore(%arg15 : memref<!tpu.dma_semaphore, #tpu.memory_space<semaphore_mem>>)
    %add3A_78 = arith.constant 0 : i32
    %add3A_79 = arith.addi %mul3A_2, %add3A_78 : i32
    %dma_start3A_80 = arith.constant 1 : i32
    %dma_start3A_81 = arith.constant 0 : i32
    %dma_start3A_82 = tpu.memref_slice %arg4[%dma_start3A_80, %add3A_79, %dma_start3A_81] : memref<4x4096x1024xf32, #tpu.memory_space<hbm>> -> memref<1x16x1024xf32, #tpu.memory_space<hbm>>
    %dma_start3A_83 = tpu.memref_squeeze %dma_start3A_82 : memref<1x16x1024xf32, #tpu.memory_space<hbm>> -> memref<16x1024xf32, #tpu.memory_space<hbm>>
    %dma_start3A_84 = arith.constant 0 : i32
    %dma_start3A_85 = tpu.memref_slice %arg4[%dma_start3A_80, %add3A_79, %dma_start3A_84] : memref<4x4096x1024xf32, #tpu.memory_space<hbm>> -> memref<1x16x1024xf32, #tpu.memory_space<hbm>>
    %dma_start3A_86 = tpu.memref_squeeze %dma_start3A_85 : memref<1x16x1024xf32, #tpu.memory_space<hbm>> -> memref<16x1024xf32, #tpu.memory_space<hbm>>
    tpu.enqueue_dma source(%arg6 : memref<16x1024xf32, #tpu.memory_space<vmem>>) target(%dma_start3A_86 : memref<16x1024xf32, #tpu.memory_space<hbm>>) target_semaphore(%arg16 : memref<!tpu.dma_semaphore, #tpu.memory_space<semaphore_mem>>)
    %dma_wait3A_87 = arith.constant 0 : i32
    %dma_wait3A_88 = arith.constant 0 : i32
    %dma_wait3A_89 = tpu.memref_slice %arg4[%dma_wait3A_87, %add3A_70, %dma_wait3A_88] : memref<4x4096x1024xf32, #tpu.memory_space<hbm>> -> memref<1x16x1024xf32, #tpu.memory_space<hbm>>
    %dma_wait3A_90 = tpu.memref_squeeze %dma_wait3A_89 : memref<1x16x1024xf32, #tpu.memory_space<hbm>> -> memref<16x1024xf32, #tpu.memory_space<hbm>>
    %dma_wait3A_91 = arith.constant 0 : i32
    %dma_wait3A_92 = tpu.memref_slice %arg4[%dma_wait3A_87, %add3A_70, %dma_wait3A_91] : memref<4x4096x1024xf32, #tpu.memory_space<hbm>> -> memref<1x16x1024xf32, #tpu.memory_space<hbm>>
    %dma_wait3A_93 = tpu.memref_squeeze %dma_wait3A_92 : memref<1x16x1024xf32, #tpu.memory_space<hbm>> -> memref<16x1024xf32, #tpu.memory_space<hbm>>
    tpu.wait_dma2 semaphore(%arg15 : memref<!tpu.dma_semaphore, #tpu.memory_space<semaphore_mem>>) src(%arg5 : memref<16x1024xf32, #tpu.memory_space<vmem>>) dst(%dma_wait3A_93 : memref<16x1024xf32, #tpu.memory_space<hbm>>)
    %add3A_94 = arith.constant 16 : i32
    %add3A_95 = arith.addi %mul3A_2, %add3A_94 : i32
    %dma_start3A_96 = arith.constant 0 : i32
    %dma_start3A_97 = arith.constant 0 : i32
    %dma_start3A_98 = tpu.memref_slice %arg2[%dma_start3A_96, %add3A_95, %dma_start3A_97] : memref<4x4096x1024xf32, #tpu.memory_space<hbm>> -> memref<1x16x1024xf32, #tpu.memory_space<hbm>>
    %dma_start3A_99 = tpu.memref_squeeze %dma_start3A_98 : memref<1x16x1024xf32, #tpu.memory_space<hbm>> -> memref<16x1024xf32, #tpu.memory_space<hbm>>
    %dma_start3A_100 = arith.constant 0 : i32
    %dma_start3A_101 = tpu.memref_slice %arg2[%dma_start3A_96, %add3A_95, %dma_start3A_100] : memref<4x4096x1024xf32, #tpu.memory_space<hbm>> -> memref<1x16x1024xf32, #tpu.memory_space<hbm>>
    %dma_start3A_102 = tpu.memref_squeeze %dma_start3A_101 : memref<1x16x1024xf32, #tpu.memory_space<hbm>> -> memref<16x1024xf32, #tpu.memory_space<hbm>>
    tpu.enqueue_dma source(%dma_start3A_102 : memref<16x1024xf32, #tpu.memory_space<hbm>>) target(%arg5 : memref<16x1024xf32, #tpu.memory_space<vmem>>) target_semaphore(%arg11 : memref<!tpu.dma_semaphore, #tpu.memory_space<semaphore_mem>>)
    %dma_wait3A_103 = arith.constant 1 : i32
    %dma_wait3A_104 = arith.constant 0 : i32
    %dma_wait3A_105 = tpu.memref_slice %arg4[%dma_wait3A_103, %add3A_79, %dma_wait3A_104] : memref<4x4096x1024xf32, #tpu.memory_space<hbm>> -> memref<1x16x1024xf32, #tpu.memory_space<hbm>>
    %dma_wait3A_106 = tpu.memref_squeeze %dma_wait3A_105 : memref<1x16x1024xf32, #tpu.memory_space<hbm>> -> memref<16x1024xf32, #tpu.memory_space<hbm>>
    %dma_wait3A_107 = arith.constant 0 : i32
    %dma_wait3A_108 = tpu.memref_slice %arg4[%dma_wait3A_103, %add3A_79, %dma_wait3A_107] : memref<4x4096x1024xf32, #tpu.memory_space<hbm>> -> memref<1x16x1024xf32, #tpu.memory_space<hbm>>
    %dma_wait3A_109 = tpu.memref_squeeze %dma_wait3A_108 : memref<1x16x1024xf32, #tpu.memory_space<hbm>> -> memref<16x1024xf32, #tpu.memory_space<hbm>>
    tpu.wait_dma2 semaphore(%arg16 : memref<!tpu.dma_semaphore, #tpu.memory_space<semaphore_mem>>) src(%arg6 : memref<16x1024xf32, #tpu.memory_space<vmem>>) dst(%dma_wait3A_109 : memref<16x1024xf32, #tpu.memory_space<hbm>>)
    %add3A_110 = arith.constant 16 : i32
    %add3A_111 = arith.addi %mul3A_2, %add3A_110 : i32
    %dma_start3A_112 = arith.constant 1 : i32
    %dma_start3A_113 = arith.constant 0 : i32
    %dma_start3A_114 = tpu.memref_slice %arg2[%dma_start3A_112, %add3A_111, %dma_start3A_113] : memref<4x4096x1024xf32, #tpu.memory_space<hbm>> -> memref<1x16x1024xf32, #tpu.memory_space<hbm>>
    %dma_start3A_115 = tpu.memref_squeeze %dma_start3A_114 : memref<1x16x1024xf32, #tpu.memory_space<hbm>> -> memref<16x1024xf32, #tpu.memory_space<hbm>>
    %dma_start3A_116 = arith.constant 0 : i32
    %dma_start3A_117 = tpu.memref_slice %arg2[%dma_start3A_112, %add3A_111, %dma_start3A_116] : memref<4x4096x1024xf32, #tpu.memory_space<hbm>> -> memref<1x16x1024xf32, #tpu.memory_space<hbm>>
    %dma_start3A_118 = tpu.memref_squeeze %dma_start3A_117 : memref<1x16x1024xf32, #tpu.memory_space<hbm>> -> memref<16x1024xf32, #tpu.memory_space<hbm>>
    tpu.enqueue_dma source(%dma_start3A_118 : memref<16x1024xf32, #tpu.memory_space<hbm>>) target(%arg6 : memref<16x1024xf32, #tpu.memory_space<vmem>>) target_semaphore(%arg12 : memref<!tpu.dma_semaphore, #tpu.memory_space<semaphore_mem>>)
    %dma_wait3A_119 = arith.constant 2 : i32
    %dma_wait3A_120 = arith.constant 0 : i32
    %dma_wait3A_121 = tpu.memref_slice %arg2[%dma_wait3A_119, %add3A_27, %dma_wait3A_120] : memref<4x4096x1024xf32, #tpu.memory_space<hbm>> -> memref<1x16x1024xf32, #tpu.memory_space<hbm>>
    %dma_wait3A_122 = tpu.memref_squeeze %dma_wait3A_121 : memref<1x16x1024xf32, #tpu.memory_space<hbm>> -> memref<16x1024xf32, #tpu.memory_space<hbm>>
    %dma_wait3A_123 = arith.constant 0 : i32
    %dma_wait3A_124 = tpu.memref_slice %arg2[%dma_wait3A_119, %add3A_27, %dma_wait3A_123] : memref<4x4096x1024xf32, #tpu.memory_space<hbm>> -> memref<1x16x1024xf32, #tpu.memory_space<hbm>>
    %dma_wait3A_125 = tpu.memref_squeeze %dma_wait3A_124 : memref<1x16x1024xf32, #tpu.memory_space<hbm>> -> memref<16x1024xf32, #tpu.memory_space<hbm>>
    tpu.wait_dma2 semaphore(%arg13 : memref<!tpu.dma_semaphore, #tpu.memory_space<semaphore_mem>>) src(%dma_wait3A_125 : memref<16x1024xf32, #tpu.memory_space<hbm>>) dst(%arg7 : memref<16x1024xf32, #tpu.memory_space<vmem>>)
    %dma_wait3A_126 = arith.constant 3 : i32
    %dma_wait3A_127 = arith.constant 0 : i32
    %dma_wait3A_128 = tpu.memref_slice %arg2[%dma_wait3A_126, %add3A_36, %dma_wait3A_127] : memref<4x4096x1024xf32, #tpu.memory_space<hbm>> -> memref<1x16x1024xf32, #tpu.memory_space<hbm>>
    %dma_wait3A_129 = tpu.memref_squeeze %dma_wait3A_128 : memref<1x16x1024xf32, #tpu.memory_space<hbm>> -> memref<16x1024xf32, #tpu.memory_space<hbm>>
    %dma_wait3A_130 = arith.constant 0 : i32
    %dma_wait3A_131 = tpu.memref_slice %arg2[%dma_wait3A_126, %add3A_36, %dma_wait3A_130] : memref<4x4096x1024xf32, #tpu.memory_space<hbm>> -> memref<1x16x1024xf32, #tpu.memory_space<hbm>>
    %dma_wait3A_132 = tpu.memref_squeeze %dma_wait3A_131 : memref<1x16x1024xf32, #tpu.memory_space<hbm>> -> memref<16x1024xf32, #tpu.memory_space<hbm>>
    tpu.wait_dma2 semaphore(%arg14 : memref<!tpu.dma_semaphore, #tpu.memory_space<semaphore_mem>>) src(%dma_wait3A_132 : memref<16x1024xf32, #tpu.memory_space<hbm>>) dst(%arg8 : memref<16x1024xf32, #tpu.memory_space<vmem>>)
    %parallel_loop3A_133 = arith.constant 0 : i32
    %parallel_loop3A_134 = arith.constant 1024 : i32
    %parallel_loop3A_135 = arith.constant 1 : i32
    scf.for %parallel_loop3A_1152 = %parallel_loop3A_133 to %parallel_loop3A_134 step %parallel_loop3A_135  : i32 {
      %parallel_loop3A_1153 = arith.constant 64 : i32
      %parallel_loop3A_1154 = arith.divsi %parallel_loop3A_1152, %parallel_loop3A_1153 : i32
      %parallel_loop3A_1155 = arith.constant 0 : i32
      %parallel_loop3A_1156 = arith.cmpi sgt, %parallel_loop3A_1152, %parallel_loop3A_1155 : i32
      %parallel_loop3A_1157 = arith.extui %parallel_loop3A_1156 : i1 to i32
      %parallel_loop3A_1158 = arith.constant 0 : i32
      %parallel_loop3A_1159 = arith.cmpi slt, %parallel_loop3A_1152, %parallel_loop3A_1158 : i32
      %parallel_loop3A_1160 = arith.extui %parallel_loop3A_1159 : i1 to i32
      %parallel_loop3A_1161 = arith.subi %parallel_loop3A_1157, %parallel_loop3A_1160 : i32
      %parallel_loop3A_1162 = arith.constant 0 : i32
      %parallel_loop3A_1163 = arith.cmpi sgt, %parallel_loop3A_1153, %parallel_loop3A_1162 : i32
      %parallel_loop3A_1164 = arith.extui %parallel_loop3A_1163 : i1 to i32
      %parallel_loop3A_1165 = arith.constant 0 : i32
      %parallel_loop3A_1166 = arith.cmpi slt, %parallel_loop3A_1153, %parallel_loop3A_1165 : i32
      %parallel_loop3A_1167 = arith.extui %parallel_loop3A_1166 : i1 to i32
      %parallel_loop3A_1168 = arith.subi %parallel_loop3A_1164, %parallel_loop3A_1167 : i32
      %parallel_loop3A_1169 = arith.cmpi ne, %parallel_loop3A_1161, %parallel_loop3A_1168 : i32
      %parallel_loop3A_1170 = arith.remsi %parallel_loop3A_1152, %parallel_loop3A_1153 : i32
      %parallel_loop3A_1171 = arith.constant 0 : i32
      %parallel_loop3A_1172 = arith.cmpi ne, %parallel_loop3A_1170, %parallel_loop3A_1171 : i32
      %parallel_loop3A_1173 = arith.andi %parallel_loop3A_1169, %parallel_loop3A_1172 : i1
      %parallel_loop3A_1174 = arith.constant 1 : i32
      %parallel_loop3A_1175 = arith.subi %parallel_loop3A_1154, %parallel_loop3A_1174 : i32
      %parallel_loop3A_1176 = arith.select %parallel_loop3A_1173, %parallel_loop3A_1175, %parallel_loop3A_1154 : i32
      %parallel_loop3A_1177 = arith.constant 64 : i32
      %parallel_loop3A_1178 = arith.constant 0 : i32
      %parallel_loop3A_1179 = arith.cmpi eq, %parallel_loop3A_1177, %parallel_loop3A_1178 : i32
      %parallel_loop3A_1180 = arith.constant 1 : i32
      %parallel_loop3A_1181 = arith.select %parallel_loop3A_1179, %parallel_loop3A_1180, %parallel_loop3A_1177 : i32
      %parallel_loop3A_1182 = arith.remsi %parallel_loop3A_1152, %parallel_loop3A_1181 : i32
      %parallel_loop3A_1183 = arith.constant 0 : i32
      %parallel_loop3A_1184 = arith.cmpi ne, %parallel_loop3A_1182, %parallel_loop3A_1183 : i32
      %parallel_loop3A_1185 = arith.constant 0 : i32
      %parallel_loop3A_1186 = arith.cmpi slt, %parallel_loop3A_1182, %parallel_loop3A_1185 : i32
      %parallel_loop3A_1187 = arith.constant 0 : i32
      %parallel_loop3A_1188 = arith.cmpi slt, %parallel_loop3A_1181, %parallel_loop3A_1187 : i32
      %parallel_loop3A_1189 = arith.xori %parallel_loop3A_1186, %parallel_loop3A_1188 : i1
      %parallel_loop3A_1190 = arith.andi %parallel_loop3A_1189, %parallel_loop3A_1184 : i1
      %parallel_loop3A_1191 = arith.addi %parallel_loop3A_1182, %parallel_loop3A_1181 : i32
      %parallel_loop3A_1192 = arith.select %parallel_loop3A_1190, %parallel_loop3A_1191, %parallel_loop3A_1182 : i32
      %parallel_loop3A_1193 = arith.constant 16 : i32
      %parallel_loop3A_1194 = arith.muli %parallel_loop3A_1192, %parallel_loop3A_1193 : i32
      %parallel_loop3A_1195 = arith.index_cast %parallel_loop3A_1176 : i32 to index
      %parallel_loop3A_1196 = arith.index_cast %parallel_loop3A_1194 : i32 to index
      %parallel_loop3A_1197 = tpu.vector_load %arg9[%parallel_loop3A_1195, %parallel_loop3A_1196] {strides = array<i32>} : memref<16x1024xf32, #tpu.memory_space<vmem>>, vector<1x16xf32>,
      %parallel_loop3A_1198 = vector.shape_cast %parallel_loop3A_1197 : vector<1x16xf32> to vector<16xf32>
      %parallel_loop3A_1199 = arith.index_cast %parallel_loop3A_1176 : i32 to index
      %parallel_loop3A_1200 = arith.index_cast %parallel_loop3A_1194 : i32 to index
      %parallel_loop3A_1201 = tpu.vector_load %arg7[%parallel_loop3A_1199, %parallel_loop3A_1200] {strides = array<i32>} : memref<16x1024xf32, #tpu.memory_space<vmem>>, vector<1x16xf32>,
      %parallel_loop3A_1202 = vector.shape_cast %parallel_loop3A_1201 : vector<1x16xf32> to vector<16xf32>
      %parallel_loop3A_1203 = vector.shape_cast %parallel_loop3A_1198 : vector<16xf32> to vector<1x16xf32>
      tpu.vector_store %arg7[%parallel_loop3A_1199, %parallel_loop3A_1200], %parallel_loop3A_1203 {add = true, strides = array<i32>} : memref<16x1024xf32, #tpu.memory_space<vmem>>, vector<1x16xf32>,
      %parallel_loop3A_1204 = arith.index_cast %parallel_loop3A_1176 : i32 to index
      %parallel_loop3A_1205 = arith.index_cast %parallel_loop3A_1194 : i32 to index
      %parallel_loop3A_1206 = tpu.vector_load %arg8[%parallel_loop3A_1204, %parallel_loop3A_1205] {strides = array<i32>} : memref<16x1024xf32, #tpu.memory_space<vmem>>, vector<1x16xf32>,
      %parallel_loop3A_1207 = vector.shape_cast %parallel_loop3A_1206 : vector<1x16xf32> to vector<16xf32>
      %parallel_loop3A_1208 = vector.shape_cast %parallel_loop3A_1198 : vector<16xf32> to vector<1x16xf32>
      tpu.vector_store %arg8[%parallel_loop3A_1204, %parallel_loop3A_1205], %parallel_loop3A_1208 {add = true, strides = array<i32>} : memref<16x1024xf32, #tpu.memory_space<vmem>>, vector<1x16xf32>,
    } {sc.loop_unroll_factor = 8 : i64, sc.parallel_access}
    %add3A_136 = arith.constant 0 : i32
    %add3A_137 = arith.addi %mul3A_2, %add3A_136 : i32
    %dma_start3A_138 = arith.constant 2 : i32
    %dma_start3A_139 = arith.constant 0 : i32
    %dma_start3A_140 = tpu.memref_slice %arg4[%dma_start3A_138, %add3A_137, %dma_start3A_139] : memref<4x4096x1024xf32, #tpu.memory_space<hbm>> -> memref<1x16x1024xf32, #tpu.memory_space<hbm>>
    %dma_start3A_141 = tpu.memref_squeeze %dma_start3A_140 : memref<1x16x1024xf32, #tpu.memory_space<hbm>> -> memref<16x1024xf32, #tpu.memory_space<hbm>>
    %dma_start3A_142 = arith.constant 0 : i32
    %dma_start3A_143 = tpu.memref_slice %arg4[%dma_start3A_138, %add3A_137, %dma_start3A_142] : memref<4x4096x1024xf32, #tpu.memory_space<hbm>> -> memref<1x16x1024xf32, #tpu.memory_space<hbm>>
    %dma_start3A_144 = tpu.memref_squeeze %dma_start3A_143 : memref<1x16x1024xf32, #tpu.memory_space<hbm>> -> memref<16x1024xf32, #tpu.memory_space<hbm>>
    tpu.enqueue_dma source(%arg7 : memref<16x1024xf32, #tpu.memory_space<vmem>>) target(%dma_start3A_144 : memref<16x1024xf32, #tpu.memory_space<hbm>>) target_semaphore(%arg17 : memref<!tpu.dma_semaphore, #tpu.memory_space<semaphore_mem>>)
    %add3A_145 = arith.constant 0 : i32
    %add3A_146 = arith.addi %mul3A_2, %add3A_145 : i32
    %dma_start3A_147 = arith.constant 3 : i32
    %dma_start3A_148 = arith.constant 0 : i32
    %dma_start3A_149 = tpu.memref_slice %arg4[%dma_start3A_147, %add3A_146, %dma_start3A_148] : memref<4x4096x1024xf32, #tpu.memory_space<hbm>> -> memref<1x16x1024xf32, #tpu.memory_space<hbm>>
    %dma_start3A_150 = tpu.memref_squeeze %dma_start3A_149 : memref<1x16x1024xf32, #tpu.memory_space<hbm>> -> memref<16x1024xf32, #tpu.memory_space<hbm>>
    %dma_start3A_151 = arith.constant 0 : i32
    %dma_start3A_152 = tpu.memref_slice %arg4[%dma_start3A_147, %add3A_146, %dma_start3A_151] : memref<4x4096x1024xf32, #tpu.memory_space<hbm>> -> memref<1x16x1024xf32, #tpu.memory_space<hbm>>
    %dma_start3A_153 = tpu.memref_squeeze %dma_start3A_152 : memref<1x16x1024xf32, #tpu.memory_space<hbm>> -> memref<16x1024xf32, #tpu.memory_space<hbm>>
    tpu.enqueue_dma source(%arg8 : memref<16x1024xf32, #tpu.memory_space<vmem>>) target(%dma_start3A_153 : memref<16x1024xf32, #tpu.memory_space<hbm>>) target_semaphore(%arg18 : memref<!tpu.dma_semaphore, #tpu.memory_space<semaphore_mem>>)
    %dma_wait3A_154 = arith.constant 0 : i32
    %dma_wait3A_155 = tpu.memref_slice %arg3[%add3A_48, %dma_wait3A_154] : memref<4096x1024xf32, #tpu.memory_space<hbm>> -> memref<16x1024xf32, #tpu.memory_space<hbm>>
    %dma_wait3A_156 = arith.constant 0 : i32
    %dma_wait3A_157 = tpu.memref_slice %arg3[%add3A_48, %dma_wait3A_156] : memref<4096x1024xf32, #tpu.memory_space<hbm>> -> memref<16x1024xf32, #tpu.memory_space<hbm>>
    tpu.wait_dma2 semaphore(%arg20 : memref<!tpu.dma_semaphore, #tpu.memory_space<semaphore_mem>>) src(%dma_wait3A_157 : memref<16x1024xf32, #tpu.memory_space<hbm>>) dst(%arg10 : memref<16x1024xf32, #tpu.memory_space<vmem>>)
    %add3A_158 = arith.constant 32 : i32
    %add3A_159 = arith.addi %mul3A_2, %add3A_158 : i32
    %dma_start3A_160 = arith.constant 0 : i32
    %dma_start3A_161 = tpu.memref_slice %arg3[%add3A_159, %dma_start3A_160] : memref<4096x1024xf32, #tpu.memory_space<hbm>> -> memref<16x1024xf32, #tpu.memory_space<hbm>>
    %dma_start3A_162 = arith.constant 0 : i32
    %dma_start3A_163 = tpu.memref_slice %arg3[%add3A_159, %dma_start3A_162] : memref<4096x1024xf32, #tpu.memory_space<hbm>> -> memref<16x1024xf32, #tpu.memory_space<hbm>>
    tpu.enqueue_dma source(%dma_start3A_163 : memref<16x1024xf32, #tpu.memory_space<hbm>>) target(%arg9 : memref<16x1024xf32, #tpu.memory_space<vmem>>) target_semaphore(%arg19 : memref<!tpu.dma_semaphore, #tpu.memory_space<semaphore_mem>>)
    %dma_wait3A_164 = arith.constant 2 : i32
    %dma_wait3A_165 = arith.constant 0 : i32
    %dma_wait3A_166 = tpu.memref_slice %arg4[%dma_wait3A_164, %add3A_137, %dma_wait3A_165] : memref<4x4096x1024xf32, #tpu.memory_space<hbm>> -> memref<1x16x1024xf32, #tpu.memory_space<hbm>>
    %dma_wait3A_167 = tpu.memref_squeeze %dma_wait3A_166 : memref<1x16x1024xf32, #tpu.memory_space<hbm>> -> memref<16x1024xf32, #tpu.memory_space<hbm>>
    %dma_wait3A_168 = arith.constant 0 : i32
    %dma_wait3A_169 = tpu.memref_slice %arg4[%dma_wait3A_164, %add3A_137, %dma_wait3A_168] : memref<4x4096x1024xf32, #tpu.memory_space<hbm>> -> memref<1x16x1024xf32, #tpu.memory_space<hbm>>
    %dma_wait3A_170 = tpu.memref_squeeze %dma_wait3A_169 : memref<1x16x1024xf32, #tpu.memory_space<hbm>> -> memref<16x1024xf32, #tpu.memory_space<hbm>>
    tpu.wait_dma2 semaphore(%arg17 : memref<!tpu.dma_semaphore, #tpu.memory_space<semaphore_mem>>) src(%arg7 : memref<16x1024xf32, #tpu.memory_space<vmem>>) dst(%dma_wait3A_170 : memref<16x1024xf32, #tpu.memory_space<hbm>>)
    %add3A_171 = arith.constant 16 : i32
    %add3A_172 = arith.addi %mul3A_2, %add3A_171 : i32
    %dma_start3A_173 = arith.constant 2 : i32
    %dma_start3A_174 = arith.constant 0 : i32
    %dma_start3A_175 = tpu.memref_slice %arg2[%dma_start3A_173, %add3A_172, %dma_start3A_174] : memref<4x4096x1024xf32, #tpu.memory_space<hbm>> -> memref<1x16x1024xf32, #tpu.memory_space<hbm>>
    %dma_start3A_176 = tpu.memref_squeeze %dma_start3A_175 : memref<1x16x1024xf32, #tpu.memory_space<hbm>> -> memref<16x1024xf32, #tpu.memory_space<hbm>>
    %dma_start3A_177 = arith.constant 0 : i32
    %dma_start3A_178 = tpu.memref_slice %arg2[%dma_start3A_173, %add3A_172, %dma_start3A_177] : memref<4x4096x1024xf32, #tpu.memory_space<hbm>> -> memref<1x16x1024xf32, #tpu.memory_space<hbm>>
    %dma_start3A_179 = tpu.memref_squeeze %dma_start3A_178 : memref<1x16x1024xf32, #tpu.memory_space<hbm>> -> memref<16x1024xf32, #tpu.memory_space<hbm>>
    tpu.enqueue_dma source(%dma_start3A_179 : memref<16x1024xf32, #tpu.memory_space<hbm>>) target(%arg7 : memref<16x1024xf32, #tpu.memory_space<vmem>>) target_semaphore(%arg13 : memref<!tpu.dma_semaphore, #tpu.memory_space<semaphore_mem>>)
    %dma_wait3A_180 = arith.constant 3 : i32
    %dma_wait3A_181 = arith.constant 0 : i32
    %dma_wait3A_182 = tpu.memref_slice %arg4[%dma_wait3A_180, %add3A_146, %dma_wait3A_181] : memref<4x4096x1024xf32, #tpu.memory_space<hbm>> -> memref<1x16x1024xf32, #tpu.memory_space<hbm>>
    %dma_wait3A_183 = tpu.memref_squeeze %dma_wait3A_182 : memref<1x16x1024xf32, #tpu.memory_space<hbm>> -> memref<16x1024xf32, #tpu.memory_space<hbm>>
    %dma_wait3A_184 = arith.constant 0 : i32
    %dma_wait3A_185 = tpu.memref_slice %arg4[%dma_wait3A_180, %add3A_146, %dma_wait3A_184] : memref<4x4096x1024xf32, #tpu.memory_space<hbm>> -> memref<1x16x1024xf32, #tpu.memory_space<hbm>>
    %dma_wait3A_186 = tpu.memref_squeeze %dma_wait3A_185 : memref<1x16x1024xf32, #tpu.memory_space<hbm>> -> memref<16x1024xf32, #tpu.memory_space<hbm>>
    tpu.wait_dma2 semaphore(%arg18 : memref<!tpu.dma_semaphore, #tpu.memory_space<semaphore_mem>>) src(%arg8 : memref<16x1024xf32, #tpu.memory_space<vmem>>) dst(%dma_wait3A_186 : memref<16x1024xf32, #tpu.memory_space<hbm>>)
    %add3A_187 = arith.constant 16 : i32
    %add3A_188 = arith.addi %mul3A_2, %add3A_187 : i32
    %dma_start3A_189 = arith.constant 3 : i32
    %dma_start3A_190 = arith.constant 0 : i32
    %dma_start3A_191 = tpu.memref_slice %arg2[%dma_start3A_189, %add3A_188, %dma_start3A_190] : memref<4x4096x1024xf32, #tpu.memory_space<hbm>> -> memref<1x16x1024xf32, #tpu.memory_space<hbm>>
    %dma_start3A_192 = tpu.memref_squeeze %dma_start3A_191 : memref<1x16x1024xf32, #tpu.memory_space<hbm>> -> memref<16x1024xf32, #tpu.memory_space<hbm>>
    %dma_start3A_193 = arith.constant 0 : i32
    %dma_start3A_194 = tpu.memref_slice %arg2[%dma_start3A_189, %add3A_188, %dma_start3A_193] : memref<4x4096x1024xf32, #tpu.memory_space<hbm>> -> memref<1x16x1024xf32, #tpu.memory_space<hbm>>
    %dma_start3A_195 = tpu.memref_squeeze %dma_start3A_194 : memref<1x16x1024xf32, #tpu.memory_space<hbm>> -> memref<16x1024xf32, #tpu.memory_space<hbm>>
    tpu.enqueue_dma source(%dma_start3A_195 : memref<16x1024xf32, #tpu.memory_space<hbm>>) target(%arg8 : memref<16x1024xf32, #tpu.memory_space<vmem>>) target_semaphore(%arg14 : memref<!tpu.dma_semaphore, #tpu.memory_space<semaphore_mem>>)
    %dma_wait3A_196 = arith.constant 0 : i32
    %dma_wait3A_197 = arith.constant 0 : i32
    %dma_wait3A_198 = tpu.memref_slice %arg2[%dma_wait3A_196, %add3A_95, %dma_wait3A_197] : memref<4x4096x1024xf32, #tpu.memory_space<hbm>> -> memref<1x16x1024xf32, #tpu.memory_space<hbm>>
    %dma_wait3A_199 = tpu.memref_squeeze %dma_wait3A_198 : memref<1x16x1024xf32, #tpu.memory_space<hbm>> -> memref<16x1024xf32, #tpu.memory_space<hbm>>
    %dma_wait3A_200 = arith.constant 0 : i32
    %dma_wait3A_201 = tpu.memref_slice %arg2[%dma_wait3A_196, %add3A_95, %dma_wait3A_200] : memref<4x4096x1024xf32, #tpu.memory_space<hbm>> -> memref<1x16x1024xf32, #tpu.memory_space<hbm>>
    %dma_wait3A_202 = tpu.memref_squeeze %dma_wait3A_201 : memref<1x16x1024xf32, #tpu.memory_space<hbm>> -> memref<16x1024xf32, #tpu.memory_space<hbm>>
    tpu.wait_dma2 semaphore(%arg11 : memref<!tpu.dma_semaphore, #tpu.memory_space<semaphore_mem>>) src(%dma_wait3A_202 : memref<16x1024xf32, #tpu.memory_space<hbm>>) dst(%arg5 : memref<16x1024xf32, #tpu.memory_space<vmem>>)
    %dma_wait3A_203 = arith.constant 1 : i32
    %dma_wait3A_204 = arith.constant 0 : i32
    %dma_wait3A_205 = tpu.memref_slice %arg2[%dma_wait3A_203, %add3A_111, %dma_wait3A_204] : memref<4x4096x1024xf32, #tpu.memory_space<hbm>> -> memref<1x16x1024xf32, #tpu.memory_space<hbm>>
    %dma_wait3A_206 = tpu.memref_squeeze %dma_wait3A_205 : memref<1x16x1024xf32, #tpu.memory_space<hbm>> -> memref<16x1024xf32, #tpu.memory_space<hbm>>
    %dma_wait3A_207 = arith.constant 0 : i32
    %dma_wait3A_208 = tpu.memref_slice %arg2[%dma_wait3A_203, %add3A_111, %dma_wait3A_207] : memref<4x4096x1024xf32, #tpu.memory_space<hbm>> -> memref<1x16x1024xf32, #tpu.memory_space<hbm>>
    %dma_wait3A_209 = tpu.memref_squeeze %dma_wait3A_208 : memref<1x16x1024xf32, #tpu.memory_space<hbm>> -> memref<16x1024xf32, #tpu.memory_space<hbm>>
    tpu.wait_dma2 semaphore(%arg12 : memref<!tpu.dma_semaphore, #tpu.memory_space<semaphore_mem>>) src(%dma_wait3A_209 : memref<16x1024xf32, #tpu.memory_space<hbm>>) dst(%arg6 : memref<16x1024xf32, #tpu.memory_space<vmem>>)
    %parallel_loop3A_210 = arith.constant 0 : i32
    %parallel_loop3A_211 = arith.constant 1024 : i32
    %parallel_loop3A_212 = arith.constant 1 : i32
    scf.for %parallel_loop3A_1152 = %parallel_loop3A_210 to %parallel_loop3A_211 step %parallel_loop3A_212  : i32 {
      %parallel_loop3A_1153 = arith.constant 64 : i32
      %parallel_loop3A_1154 = arith.divsi %parallel_loop3A_1152, %parallel_loop3A_1153 : i32
      %parallel_loop3A_1155 = arith.constant 0 : i32
      %parallel_loop3A_1156 = arith.cmpi sgt, %parallel_loop3A_1152, %parallel_loop3A_1155 : i32
      %parallel_loop3A_1157 = arith.extui %parallel_loop3A_1156 : i1 to i32
      %parallel_loop3A_1158 = arith.constant 0 : i32
      %parallel_loop3A_1159 = arith.cmpi slt, %parallel_loop3A_1152, %parallel_loop3A_1158 : i32
      %parallel_loop3A_1160 = arith.extui %parallel_loop3A_1159 : i1 to i32
      %parallel_loop3A_1161 = arith.subi %parallel_loop3A_1157, %parallel_loop3A_1160 : i32
      %parallel_loop3A_1162 = arith.constant 0 : i32
      %parallel_loop3A_1163 = arith.cmpi sgt, %parallel_loop3A_1153, %parallel_loop3A_1162 : i32
      %parallel_loop3A_1164 = arith.extui %parallel_loop3A_1163 : i1 to i32
      %parallel_loop3A_1165 = arith.constant 0 : i32
      %parallel_loop3A_1166 = arith.cmpi slt, %parallel_loop3A_1153, %parallel_loop3A_1165 : i32
      %parallel_loop3A_1167 = arith.extui %parallel_loop3A_1166 : i1 to i32
      %parallel_loop3A_1168 = arith.subi %parallel_loop3A_1164, %parallel_loop3A_1167 : i32
      %parallel_loop3A_1169 = arith.cmpi ne, %parallel_loop3A_1161, %parallel_loop3A_1168 : i32
      %parallel_loop3A_1170 = arith.remsi %parallel_loop3A_1152, %parallel_loop3A_1153 : i32
      %parallel_loop3A_1171 = arith.constant 0 : i32
      %parallel_loop3A_1172 = arith.cmpi ne, %parallel_loop3A_1170, %parallel_loop3A_1171 : i32
      %parallel_loop3A_1173 = arith.andi %parallel_loop3A_1169, %parallel_loop3A_1172 : i1
      %parallel_loop3A_1174 = arith.constant 1 : i32
      %parallel_loop3A_1175 = arith.subi %parallel_loop3A_1154, %parallel_loop3A_1174 : i32
      %parallel_loop3A_1176 = arith.select %parallel_loop3A_1173, %parallel_loop3A_1175, %parallel_loop3A_1154 : i32
      %parallel_loop3A_1177 = arith.constant 64 : i32
      %parallel_loop3A_1178 = arith.constant 0 : i32
      %parallel_loop3A_1179 = arith.cmpi eq, %parallel_loop3A_1177, %parallel_loop3A_1178 : i32
      %parallel_loop3A_1180 = arith.constant 1 : i32
      %parallel_loop3A_1181 = arith.select %parallel_loop3A_1179, %parallel_loop3A_1180, %parallel_loop3A_1177 : i32
      %parallel_loop3A_1182 = arith.remsi %parallel_loop3A_1152, %parallel_loop3A_1181 : i32
      %parallel_loop3A_1183 = arith.constant 0 : i32
      %parallel_loop3A_1184 = arith.cmpi ne, %parallel_loop3A_1182, %parallel_loop3A_1183 : i32
      %parallel_loop3A_1185 = arith.constant 0 : i32
      %parallel_loop3A_1186 = arith.cmpi slt, %parallel_loop3A_1182, %parallel_loop3A_1185 : i32
      %parallel_loop3A_1187 = arith.constant 0 : i32
      %parallel_loop3A_1188 = arith.cmpi slt, %parallel_loop3A_1181, %parallel_loop3A_1187 : i32
      %parallel_loop3A_1189 = arith.xori %parallel_loop3A_1186, %parallel_loop3A_1188 : i1
      %parallel_loop3A_1190 = arith.andi %parallel_loop3A_1189, %parallel_loop3A_1184 : i1
      %parallel_loop3A_1191 = arith.addi %parallel_loop3A_1182, %parallel_loop3A_1181 : i32
      %parallel_loop3A_1192 = arith.select %parallel_loop3A_1190, %parallel_loop3A_1191, %parallel_loop3A_1182 : i32
      %parallel_loop3A_1193 = arith.constant 16 : i32
      %parallel_loop3A_1194 = arith.muli %parallel_loop3A_1192, %parallel_loop3A_1193 : i32
      %parallel_loop3A_1195 = arith.index_cast %parallel_loop3A_1176 : i32 to index
      %parallel_loop3A_1196 = arith.index_cast %parallel_loop3A_1194 : i32 to index
      %parallel_loop3A_1197 = tpu.vector_load %arg10[%parallel_loop3A_1195, %parallel_loop3A_1196] {strides = array<i32>} : memref<16x1024xf32, #tpu.memory_space<vmem>>, vector<1x16xf32>,
      %parallel_loop3A_1198 = vector.shape_cast %parallel_loop3A_1197 : vector<1x16xf32> to vector<16xf32>
      %parallel_loop3A_1199 = arith.index_cast %parallel_loop3A_1176 : i32 to index
      %parallel_loop3A_1200 = arith.index_cast %parallel_loop3A_1194 : i32 to index
      %parallel_loop3A_1201 = tpu.vector_load %arg5[%parallel_loop3A_1199, %parallel_loop3A_1200] {strides = array<i32>} : memref<16x1024xf32, #tpu.memory_space<vmem>>, vector<1x16xf32>,
      %parallel_loop3A_1202 = vector.shape_cast %parallel_loop3A_1201 : vector<1x16xf32> to vector<16xf32>
      %parallel_loop3A_1203 = vector.shape_cast %parallel_loop3A_1198 : vector<16xf32> to vector<1x16xf32>
      tpu.vector_store %arg5[%parallel_loop3A_1199, %parallel_loop3A_1200], %parallel_loop3A_1203 {add = true, strides = array<i32>} : memref<16x1024xf32, #tpu.memory_space<vmem>>, vector<1x16xf32>,
      %parallel_loop3A_1204 = arith.index_cast %parallel_loop3A_1176 : i32 to index
      %parallel_loop3A_1205 = arith.index_cast %parallel_loop3A_1194 : i32 to index
      %parallel_loop3A_1206 = tpu.vector_load %arg6[%parallel_loop3A_1204, %parallel_loop3A_1205] {strides = array<i32>} : memref<16x1024xf32, #tpu.memory_space<vmem>>, vector<1x16xf32>,
      %parallel_loop3A_1207 = vector.shape_cast %parallel_loop3A_1206 : vector<1x16xf32> to vector<16xf32>
      %parallel_loop3A_1208 = vector.shape_cast %parallel_loop3A_1198 : vector<16xf32> to vector<1x16xf32>
      tpu.vector_store %arg6[%parallel_loop3A_1204, %parallel_loop3A_1205], %parallel_loop3A_1208 {add = true, strides = array<i32>} : memref<16x1024xf32, #tpu.memory_space<vmem>>, vector<1x16xf32>,
    } {sc.loop_unroll_factor = 8 : i64, sc.parallel_access}
    %add3A_213 = arith.constant 16 : i32
    %add3A_214 = arith.addi %mul3A_2, %add3A_213 : i32
    %dma_start3A_215 = arith.constant 0 : i32
    %dma_start3A_216 = arith.constant 0 : i32
    %dma_start3A_217 = tpu.memref_slice %arg4[%dma_start3A_215, %add3A_214, %dma_start3A_216] : memref<4x4096x1024xf32, #tpu.memory_space<hbm>> -> memref<1x16x1024xf32, #tpu.memory_space<hbm>>
    %dma_start3A_218 = tpu.memref_squeeze %dma_start3A_217 : memref<1x16x1024xf32, #tpu.memory_space<hbm>> -> memref<16x1024xf32, #tpu.memory_space<hbm>>
    %dma_start3A_219 = arith.constant 0 : i32
    %dma_start3A_220 = tpu.memref_slice %arg4[%dma_start3A_215, %add3A_214, %dma_start3A_219] : memref<4x4096x1024xf32, #tpu.memory_space<hbm>> -> memref<1x16x1024xf32, #tpu.memory_space<hbm>>
    %dma_start3A_221 = tpu.memref_squeeze %dma_start3A_220 : memref<1x16x1024xf32, #tpu.memory_space<hbm>> -> memref<16x1024xf32, #tpu.memory_space<hbm>>
    tpu.enqueue_dma source(%arg5 : memref<16x1024xf32, #tpu.memory_space<vmem>>) target(%dma_start3A_221 : memref<16x1024xf32, #tpu.memory_space<hbm>>) target_semaphore(%arg15 : memref<!tpu.dma_semaphore, #tpu.memory_space<semaphore_mem>>)
    %add3A_222 = arith.constant 16 : i32
    %add3A_223 = arith.addi %mul3A_2, %add3A_222 : i32
    %dma_start3A_224 = arith.constant 1 : i32
    %dma_start3A_225 = arith.constant 0 : i32
    %dma_start3A_226 = tpu.memref_slice %arg4[%dma_start3A_224, %add3A_223, %dma_start3A_225] : memref<4x4096x1024xf32, #tpu.memory_space<hbm>> -> memref<1x16x1024xf32, #tpu.memory_space<hbm>>
    %dma_start3A_227 = tpu.memref_squeeze %dma_start3A_226 : memref<1x16x1024xf32, #tpu.memory_space<hbm>> -> memref<16x1024xf32, #tpu.memory_space<hbm>>
    %dma_start3A_228 = arith.constant 0 : i32
    %dma_start3A_229 = tpu.memref_slice %arg4[%dma_start3A_224, %add3A_223, %dma_start3A_228] : memref<4x4096x1024xf32, #tpu.memory_space<hbm>> -> memref<1x16x1024xf32, #tpu.memory_space<hbm>>
    %dma_start3A_230 = tpu.memref_squeeze %dma_start3A_229 : memref<1x16x1024xf32, #tpu.memory_space<hbm>> -> memref<16x1024xf32, #tpu.memory_space<hbm>>
    tpu.enqueue_dma source(%arg6 : memref<16x1024xf32, #tpu.memory_space<vmem>>) target(%dma_start3A_230 : memref<16x1024xf32, #tpu.memory_space<hbm>>) target_semaphore(%arg16 : memref<!tpu.dma_semaphore, #tpu.memory_space<semaphore_mem>>)
    %dma_wait3A_231 = arith.constant 0 : i32
    %dma_wait3A_232 = arith.constant 0 : i32
    %dma_wait3A_233 = tpu.memref_slice %arg4[%dma_wait3A_231, %add3A_214, %dma_wait3A_232] : memref<4x4096x1024xf32, #tpu.memory_space<hbm>> -> memref<1x16x1024xf32, #tpu.memory_space<hbm>>
    %dma_wait3A_234 = tpu.memref_squeeze %dma_wait3A_233 : memref<1x16x1024xf32, #tpu.memory_space<hbm>> -> memref<16x1024xf32, #tpu.memory_space<hbm>>
    %dma_wait3A_235 = arith.constant 0 : i32
    %dma_wait3A_236 = tpu.memref_slice %arg4[%dma_wait3A_231, %add3A_214, %dma_wait3A_235] : memref<4x4096x1024xf32, #tpu.memory_space<hbm>> -> memref<1x16x1024xf32, #tpu.memory_space<hbm>>
    %dma_wait3A_237 = tpu.memref_squeeze %dma_wait3A_236 : memref<1x16x1024xf32, #tpu.memory_space<hbm>> -> memref<16x1024xf32, #tpu.memory_space<hbm>>
    tpu.wait_dma2 semaphore(%arg15 : memref<!tpu.dma_semaphore, #tpu.memory_space<semaphore_mem>>) src(%arg5 : memref<16x1024xf32, #tpu.memory_space<vmem>>) dst(%dma_wait3A_237 : memref<16x1024xf32, #tpu.memory_space<hbm>>)
    %add3A_238 = arith.constant 32 : i32
    %add3A_239 = arith.addi %mul3A_2, %add3A_238 : i32
    %dma_start3A_240 = arith.constant 0 : i32
    %dma_start3A_241 = arith.constant 0 : i32
    %dma_start3A_242 = tpu.memref_slice %arg2[%dma_start3A_240, %add3A_239, %dma_start3A_241] : memref<4x4096x1024xf32, #tpu.memory_space<hbm>> -> memref<1x16x1024xf32, #tpu.memory_space<hbm>>
    %dma_start3A_243 = tpu.memref_squeeze %dma_start3A_242 : memref<1x16x1024xf32, #tpu.memory_space<hbm>> -> memref<16x1024xf32, #tpu.memory_space<hbm>>
    %dma_start3A_244 = arith.constant 0 : i32
    %dma_start3A_245 = tpu.memref_slice %arg2[%dma_start3A_240, %add3A_239, %dma_start3A_244] : memref<4x4096x1024xf32, #tpu.memory_space<hbm>> -> memref<1x16x1024xf32, #tpu.memory_space<hbm>>
    %dma_start3A_246 = tpu.memref_squeeze %dma_start3A_245 : memref<1x16x1024xf32, #tpu.memory_space<hbm>> -> memref<16x1024xf32, #tpu.memory_space<hbm>>
    tpu.enqueue_dma source(%dma_start3A_246 : memref<16x1024xf32, #tpu.memory_space<hbm>>) target(%arg5 : memref<16x1024xf32, #tpu.memory_space<vmem>>) target_semaphore(%arg11 : memref<!tpu.dma_semaphore, #tpu.memory_space<semaphore_mem>>)
    %dma_wait3A_247 = arith.constant 1 : i32
    %dma_wait3A_248 = arith.constant 0 : i32
    %dma_wait3A_249 = tpu.memref_slice %arg4[%dma_wait3A_247, %add3A_223, %dma_wait3A_248] : memref<4x4096x1024xf32, #tpu.memory_space<hbm>> -> memref<1x16x1024xf32, #tpu.memory_space<hbm>>
    %dma_wait3A_250 = tpu.memref_squeeze %dma_wait3A_249 : memref<1x16x1024xf32, #tpu.memory_space<hbm>> -> memref<16x1024xf32, #tpu.memory_space<hbm>>
    %dma_wait3A_251 = arith.constant 0 : i32
    %dma_wait3A_252 = tpu.memref_slice %arg4[%dma_wait3A_247, %add3A_223, %dma_wait3A_251] : memref<4x4096x1024xf32, #tpu.memory_space<hbm>> -> memref<1x16x1024xf32, #tpu.memory_space<hbm>>
    %dma_wait3A_253 = tpu.memref_squeeze %dma_wait3A_252 : memref<1x16x1024xf32, #tpu.memory_space<hbm>> -> memref<16x1024xf32, #tpu.memory_space<hbm>>
    tpu.wait_dma2 semaphore(%arg16 : memref<!tpu.dma_semaphore, #tpu.memory_space<semaphore_mem>>) src(%arg6 : memref<16x1024xf32, #tpu.memory_space<vmem>>) dst(%dma_wait3A_253 : memref<16x1024xf32, #tpu.memory_space<hbm>>)
    %add3A_254 = arith.constant 32 : i32
    %add3A_255 = arith.addi %mul3A_2, %add3A_254 : i32
    %dma_start3A_256 = arith.constant 1 : i32
    %dma_start3A_257 = arith.constant 0 : i32
    %dma_start3A_258 = tpu.memref_slice %arg2[%dma_start3A_256, %add3A_255, %dma_start3A_257] : memref<4x4096x1024xf32, #tpu.memory_space<hbm>> -> memref<1x16x1024xf32, #tpu.memory_space<hbm>>
    %dma_start3A_259 = tpu.memref_squeeze %dma_start3A_258 : memref<1x16x1024xf32, #tpu.memory_space<hbm>> -> memref<16x1024xf32, #tpu.memory_space<hbm>>
    %dma_start3A_260 = arith.constant 0 : i32
    %dma_start3A_261 = tpu.memref_slice %arg2[%dma_start3A_256, %add3A_255, %dma_start3A_260] : memref<4x4096x1024xf32, #tpu.memory_space<hbm>> -> memref<1x16x1024xf32, #tpu.memory_space<hbm>>
    %dma_start3A_262 = tpu.memref_squeeze %dma_start3A_261 : memref<1x16x1024xf32, #tpu.memory_space<hbm>> -> memref<16x1024xf32, #tpu.memory_space<hbm>>
    tpu.enqueue_dma source(%dma_start3A_262 : memref<16x1024xf32, #tpu.memory_space<hbm>>) target(%arg6 : memref<16x1024xf32, #tpu.memory_space<vmem>>) target_semaphore(%arg12 : memref<!tpu.dma_semaphore, #tpu.memory_space<semaphore_mem>>)
    %dma_wait3A_263 = arith.constant 2 : i32
    %dma_wait3A_264 = arith.constant 0 : i32
    %dma_wait3A_265 = tpu.memref_slice %arg2[%dma_wait3A_263, %add3A_172, %dma_wait3A_264] : memref<4x4096x1024xf32, #tpu.memory_space<hbm>> -> memref<1x16x1024xf32, #tpu.memory_space<hbm>>
    %dma_wait3A_266 = tpu.memref_squeeze %dma_wait3A_265 : memref<1x16x1024xf32, #tpu.memory_space<hbm>> -> memref<16x1024xf32, #tpu.memory_space<hbm>>
    %dma_wait3A_267 = arith.constant 0 : i32
    %dma_wait3A_268 = tpu.memref_slice %arg2[%dma_wait3A_263, %add3A_172, %dma_wait3A_267] : memref<4x4096x1024xf32, #tpu.memory_space<hbm>> -> memref<1x16x1024xf32, #tpu.memory_space<hbm>>
    %dma_wait3A_269 = tpu.memref_squeeze %dma_wait3A_268 : memref<1x16x1024xf32, #tpu.memory_space<hbm>> -> memref<16x1024xf32, #tpu.memory_space<hbm>>
    tpu.wait_dma2 semaphore(%arg13 : memref<!tpu.dma_semaphore, #tpu.memory_space<semaphore_mem>>) src(%dma_wait3A_269 : memref<16x1024xf32, #tpu.memory_space<hbm>>) dst(%arg7 : memref<16x1024xf32, #tpu.memory_space<vmem>>)
    %dma_wait3A_270 = arith.constant 3 : i32
    %dma_wait3A_271 = arith.constant 0 : i32
    %dma_wait3A_272 = tpu.memref_slice %arg2[%dma_wait3A_270, %add3A_188, %dma_wait3A_271] : memref<4x4096x1024xf32, #tpu.memory_space<hbm>> -> memref<1x16x1024xf32, #tpu.memory_space<hbm>>
    %dma_wait3A_273 = tpu.memref_squeeze %dma_wait3A_272 : memref<1x16x1024xf32, #tpu.memory_space<hbm>> -> memref<16x1024xf32, #tpu.memory_space<hbm>>
    %dma_wait3A_274 = arith.constant 0 : i32
    %dma_wait3A_275 = tpu.memref_slice %arg2[%dma_wait3A_270, %add3A_188, %dma_wait3A_274] : memref<4x4096x1024xf32, #tpu.memory_space<hbm>> -> memref<1x16x1024xf32, #tpu.memory_space<hbm>>
    %dma_wait3A_276 = tpu.memref_squeeze %dma_wait3A_275 : memref<1x16x1024xf32, #tpu.memory_space<hbm>> -> memref<16x1024xf32, #tpu.memory_space<hbm>>
    tpu.wait_dma2 semaphore(%arg14 : memref<!tpu.dma_semaphore, #tpu.memory_space<semaphore_mem>>) src(%dma_wait3A_276 : memref<16x1024xf32, #tpu.memory_space<hbm>>) dst(%arg8 : memref<16x1024xf32, #tpu.memory_space<vmem>>)
    %parallel_loop3A_277 = arith.constant 0 : i32
    %parallel_loop3A_278 = arith.constant 1024 : i32
    %parallel_loop3A_279 = arith.constant 1 : i32
    scf.for %parallel_loop3A_1152 = %parallel_loop3A_277 to %parallel_loop3A_278 step %parallel_loop3A_279  : i32 {
      %parallel_loop3A_1153 = arith.constant 64 : i32
      %parallel_loop3A_1154 = arith.divsi %parallel_loop3A_1152, %parallel_loop3A_1153 : i32
      %parallel_loop3A_1155 = arith.constant 0 : i32
      %parallel_loop3A_1156 = arith.cmpi sgt, %parallel_loop3A_1152, %parallel_loop3A_1155 : i32
      %parallel_loop3A_1157 = arith.extui %parallel_loop3A_1156 : i1 to i32
      %parallel_loop3A_1158 = arith.constant 0 : i32
      %parallel_loop3A_1159 = arith.cmpi slt, %parallel_loop3A_1152, %parallel_loop3A_1158 : i32
      %parallel_loop3A_1160 = arith.extui %parallel_loop3A_1159 : i1 to i32
      %parallel_loop3A_1161 = arith.subi %parallel_loop3A_1157, %parallel_loop3A_1160 : i32
      %parallel_loop3A_1162 = arith.constant 0 : i32
      %parallel_loop3A_1163 = arith.cmpi sgt, %parallel_loop3A_1153, %parallel_loop3A_1162 : i32
      %parallel_loop3A_1164 = arith.extui %parallel_loop3A_1163 : i1 to i32
      %parallel_loop3A_1165 = arith.constant 0 : i32
      %parallel_loop3A_1166 = arith.cmpi slt, %parallel_loop3A_1153, %parallel_loop3A_1165 : i32
      %parallel_loop3A_1167 = arith.extui %parallel_loop3A_1166 : i1 to i32
      %parallel_loop3A_1168 = arith.subi %parallel_loop3A_1164, %parallel_loop3A_1167 : i32
      %parallel_loop3A_1169 = arith.cmpi ne, %parallel_loop3A_1161, %parallel_loop3A_1168 : i32
      %parallel_loop3A_1170 = arith.remsi %parallel_loop3A_1152, %parallel_loop3A_1153 : i32
      %parallel_loop3A_1171 = arith.constant 0 : i32
      %parallel_loop3A_1172 = arith.cmpi ne, %parallel_loop3A_1170, %parallel_loop3A_1171 : i32
      %parallel_loop3A_1173 = arith.andi %parallel_loop3A_1169, %parallel_loop3A_1172 : i1
      %parallel_loop3A_1174 = arith.constant 1 : i32
      %parallel_loop3A_1175 = arith.subi %parallel_loop3A_1154, %parallel_loop3A_1174 : i32
      %parallel_loop3A_1176 = arith.select %parallel_loop3A_1173, %parallel_loop3A_1175, %parallel_loop3A_1154 : i32
      %parallel_loop3A_1177 = arith.constant 64 : i32
      %parallel_loop3A_1178 = arith.constant 0 : i32
      %parallel_loop3A_1179 = arith.cmpi eq, %parallel_loop3A_1177, %parallel_loop3A_1178 : i32
      %parallel_loop3A_1180 = arith.constant 1 : i32
      %parallel_loop3A_1181 = arith.select %parallel_loop3A_1179, %parallel_loop3A_1180, %parallel_loop3A_1177 : i32
      %parallel_loop3A_1182 = arith.remsi %parallel_loop3A_1152, %parallel_loop3A_1181 : i32
      %parallel_loop3A_1183 = arith.constant 0 : i32
      %parallel_loop3A_1184 = arith.cmpi ne, %parallel_loop3A_1182, %parallel_loop3A_1183 : i32
      %parallel_loop3A_1185 = arith.constant 0 : i32
      %parallel_loop3A_1186 = arith.cmpi slt, %parallel_loop3A_1182, %parallel_loop3A_1185 : i32
      %parallel_loop3A_1187 = arith.constant 0 : i32
      %parallel_loop3A_1188 = arith.cmpi slt, %parallel_loop3A_1181, %parallel_loop3A_1187 : i32
      %parallel_loop3A_1189 = arith.xori %parallel_loop3A_1186, %parallel_loop3A_1188 : i1
      %parallel_loop3A_1190 = arith.andi %parallel_loop3A_1189, %parallel_loop3A_1184 : i1
      %parallel_loop3A_1191 = arith.addi %parallel_loop3A_1182, %parallel_loop3A_1181 : i32
      %parallel_loop3A_1192 = arith.select %parallel_loop3A_1190, %parallel_loop3A_1191, %parallel_loop3A_1182 : i32
      %parallel_loop3A_1193 = arith.constant 16 : i32
      %parallel_loop3A_1194 = arith.muli %parallel_loop3A_1192, %parallel_loop3A_1193 : i32
      %parallel_loop3A_1195 = arith.index_cast %parallel_loop3A_1176 : i32 to index
      %parallel_loop3A_1196 = arith.index_cast %parallel_loop3A_1194 : i32 to index
      %parallel_loop3A_1197 = tpu.vector_load %arg10[%parallel_loop3A_1195, %parallel_loop3A_1196] {strides = array<i32>} : memref<16x1024xf32, #tpu.memory_space<vmem>>, vector<1x16xf32>,
      %parallel_loop3A_1198 = vector.shape_cast %parallel_loop3A_1197 : vector<1x16xf32> to vector<16xf32>
      %parallel_loop3A_1199 = arith.index_cast %parallel_loop3A_1176 : i32 to index
      %parallel_loop3A_1200 = arith.index_cast %parallel_loop3A_1194 : i32 to index
      %parallel_loop3A_1201 = tpu.vector_load %arg7[%parallel_loop3A_1199, %parallel_loop3A_1200] {strides = array<i32>} : memref<16x1024xf32, #tpu.memory_space<vmem>>, vector<1x16xf32>,
      %parallel_loop3A_1202 = vector.shape_cast %parallel_loop3A_1201 : vector<1x16xf32> to vector<16xf32>
      %parallel_loop3A_1203 = vector.shape_cast %parallel_loop3A_1198 : vector<16xf32> to vector<1x16xf32>
      tpu.vector_store %arg7[%parallel_loop3A_1199, %parallel_loop3A_1200], %parallel_loop3A_1203 {add = true, strides = array<i32>} : memref<16x1024xf32, #tpu.memory_space<vmem>>, vector<1x16xf32>,
      %parallel_loop3A_1204 = arith.index_cast %parallel_loop3A_1176 : i32 to index
      %parallel_loop3A_1205 = arith.index_cast %parallel_loop3A_1194 : i32 to index
      %parallel_loop3A_1206 = tpu.vector_load %arg8[%parallel_loop3A_1204, %parallel_loop3A_1205] {strides = array<i32>} : memref<16x1024xf32, #tpu.memory_space<vmem>>, vector<1x16xf32>,
      %parallel_loop3A_1207 = vector.shape_cast %parallel_loop3A_1206 : vector<1x16xf32> to vector<16xf32>
      %parallel_loop3A_1208 = vector.shape_cast %parallel_loop3A_1198 : vector<16xf32> to vector<1x16xf32>
      tpu.vector_store %arg8[%parallel_loop3A_1204, %parallel_loop3A_1205], %parallel_loop3A_1208 {add = true, strides = array<i32>} : memref<16x1024xf32, #tpu.memory_space<vmem>>, vector<1x16xf32>,
    } {sc.loop_unroll_factor = 8 : i64, sc.parallel_access}
    %add3A_280 = arith.constant 16 : i32
    %add3A_281 = arith.addi %mul3A_2, %add3A_280 : i32
    %dma_start3A_282 = arith.constant 2 : i32
    %dma_start3A_283 = arith.constant 0 : i32
    %dma_start3A_284 = tpu.memref_slice %arg4[%dma_start3A_282, %add3A_281, %dma_start3A_283] : memref<4x4096x1024xf32, #tpu.memory_space<hbm>> -> memref<1x16x1024xf32, #tpu.memory_space<hbm>>
    %dma_start3A_285 = tpu.memref_squeeze %dma_start3A_284 : memref<1x16x1024xf32, #tpu.memory_space<hbm>> -> memref<16x1024xf32, #tpu.memory_space<hbm>>
    %dma_start3A_286 = arith.constant 0 : i32
    %dma_start3A_287 = tpu.memref_slice %arg4[%dma_start3A_282, %add3A_281, %dma_start3A_286] : memref<4x4096x1024xf32, #tpu.memory_space<hbm>> -> memref<1x16x1024xf32, #tpu.memory_space<hbm>>
    %dma_start3A_288 = tpu.memref_squeeze %dma_start3A_287 : memref<1x16x1024xf32, #tpu.memory_space<hbm>> -> memref<16x1024xf32, #tpu.memory_space<hbm>>
    tpu.enqueue_dma source(%arg7 : memref<16x1024xf32, #tpu.memory_space<vmem>>) target(%dma_start3A_288 : memref<16x1024xf32, #tpu.memory_space<hbm>>) target_semaphore(%arg17 : memref<!tpu.dma_semaphore, #tpu.memory_space<semaphore_mem>>)
    %add3A_289 = arith.constant 16 : i32
    %add3A_290 = arith.addi %mul3A_2, %add3A_289 : i32
    %dma_start3A_291 = arith.constant 3 : i32
    %dma_start3A_292 = arith.constant 0 : i32
    %dma_start3A_293 = tpu.memref_slice %arg4[%dma_start3A_291, %add3A_290, %dma_start3A_292] : memref<4x4096x1024xf32, #tpu.memory_space<hbm>> -> memref<1x16x1024xf32, #tpu.memory_space<hbm>>
    %dma_start3A_294 = tpu.memref_squeeze %dma_start3A_293 : memref<1x16x1024xf32, #tpu.memory_space<hbm>> -> memref<16x1024xf32, #tpu.memory_space<hbm>>
    %dma_start3A_295 = arith.constant 0 : i32
    %dma_start3A_296 = tpu.memref_slice %arg4[%dma_start3A_291, %add3A_290, %dma_start3A_295] : memref<4x4096x1024xf32, #tpu.memory_space<hbm>> -> memref<1x16x1024xf32, #tpu.memory_space<hbm>>
    %dma_start3A_297 = tpu.memref_squeeze %dma_start3A_296 : memref<1x16x1024xf32, #tpu.memory_space<hbm>> -> memref<16x1024xf32, #tpu.memory_space<hbm>>
    tpu.enqueue_dma source(%arg8 : memref<16x1024xf32, #tpu.memory_space<vmem>>) target(%dma_start3A_297 : memref<16x1024xf32, #tpu.memory_space<hbm>>) target_semaphore(%arg18 : memref<!tpu.dma_semaphore, #tpu.memory_space<semaphore_mem>>)
    %dma_wait3A_298 = arith.constant 0 : i32
    %dma_wait3A_299 = tpu.memref_slice %arg3[%add3A_159, %dma_wait3A_298] : memref<4096x1024xf32, #tpu.memory_space<hbm>> -> memref<16x1024xf32, #tpu.memory_space<hbm>>
    %dma_wait3A_300 = arith.constant 0 : i32
    %dma_wait3A_301 = tpu.memref_slice %arg3[%add3A_159, %dma_wait3A_300] : memref<4096x1024xf32, #tpu.memory_space<hbm>> -> memref<16x1024xf32, #tpu.memory_space<hbm>>
    tpu.wait_dma2 semaphore(%arg19 : memref<!tpu.dma_semaphore, #tpu.memory_space<semaphore_mem>>) src(%dma_wait3A_301 : memref<16x1024xf32, #tpu.memory_space<hbm>>) dst(%arg9 : memref<16x1024xf32, #tpu.memory_space<vmem>>)
    %add3A_302 = arith.constant 48 : i32
    %add3A_303 = arith.addi %mul3A_2, %add3A_302 : i32
    %dma_start3A_304 = arith.constant 0 : i32
    %dma_start3A_305 = tpu.memref_slice %arg3[%add3A_303, %dma_start3A_304] : memref<4096x1024xf32, #tpu.memory_space<hbm>> -> memref<16x1024xf32, #tpu.memory_space<hbm>>
    %dma_start3A_306 = arith.constant 0 : i32
    %dma_start3A_307 = tpu.memref_slice %arg3[%add3A_303, %dma_start3A_306] : memref<4096x1024xf32, #tpu.memory_space<hbm>> -> memref<16x1024xf32, #tpu.memory_space<hbm>>
    tpu.enqueue_dma source(%dma_start3A_307 : memref<16x1024xf32, #tpu.memory_space<hbm>>) target(%arg10 : memref<16x1024xf32, #tpu.memory_space<vmem>>) target_semaphore(%arg20 : memref<!tpu.dma_semaphore, #tpu.memory_space<semaphore_mem>>)
    %dma_wait3A_308 = arith.constant 2 : i32
    %dma_wait3A_309 = arith.constant 0 : i32
    %dma_wait3A_310 = tpu.memref_slice %arg4[%dma_wait3A_308, %add3A_281, %dma_wait3A_309] : memref<4x4096x1024xf32, #tpu.memory_space<hbm>> -> memref<1x16x1024xf32, #tpu.memory_space<hbm>>
    %dma_wait3A_311 = tpu.memref_squeeze %dma_wait3A_310 : memref<1x16x1024xf32, #tpu.memory_space<hbm>> -> memref<16x1024xf32, #tpu.memory_space<hbm>>
    %dma_wait3A_312 = arith.constant 0 : i32
    %dma_wait3A_313 = tpu.memref_slice %arg4[%dma_wait3A_308, %add3A_281, %dma_wait3A_312] : memref<4x4096x1024xf32, #tpu.memory_space<hbm>> -> memref<1x16x1024xf32, #tpu.memory_space<hbm>>
    %dma_wait3A_314 = tpu.memref_squeeze %dma_wait3A_313 : memref<1x16x1024xf32, #tpu.memory_space<hbm>> -> memref<16x1024xf32, #tpu.memory_space<hbm>>
    tpu.wait_dma2 semaphore(%arg17 : memref<!tpu.dma_semaphore, #tpu.memory_space<semaphore_mem>>) src(%arg7 : memref<16x1024xf32, #tpu.memory_space<vmem>>) dst(%dma_wait3A_314 : memref<16x1024xf32, #tpu.memory_space<hbm>>)
    %add3A_315 = arith.constant 32 : i32
    %add3A_316 = arith.addi %mul3A_2, %add3A_315 : i32
    %dma_start3A_317 = arith.constant 2 : i32
    %dma_start3A_318 = arith.constant 0 : i32
    %dma_start3A_319 = tpu.memref_slice %arg2[%dma_start3A_317, %add3A_316, %dma_start3A_318] : memref<4x4096x1024xf32, #tpu.memory_space<hbm>> -> memref<1x16x1024xf32, #tpu.memory_space<hbm>>
    %dma_start3A_320 = tpu.memref_squeeze %dma_start3A_319 : memref<1x16x1024xf32, #tpu.memory_space<hbm>> -> memref<16x1024xf32, #tpu.memory_space<hbm>>
    %dma_start3A_321 = arith.constant 0 : i32
    %dma_start3A_322 = tpu.memref_slice %arg2[%dma_start3A_317, %add3A_316, %dma_start3A_321] : memref<4x4096x1024xf32, #tpu.memory_space<hbm>> -> memref<1x16x1024xf32, #tpu.memory_space<hbm>>
    %dma_start3A_323 = tpu.memref_squeeze %dma_start3A_322 : memref<1x16x1024xf32, #tpu.memory_space<hbm>> -> memref<16x1024xf32, #tpu.memory_space<hbm>>
    tpu.enqueue_dma source(%dma_start3A_323 : memref<16x1024xf32, #tpu.memory_space<hbm>>) target(%arg7 : memref<16x1024xf32, #tpu.memory_space<vmem>>) target_semaphore(%arg13 : memref<!tpu.dma_semaphore, #tpu.memory_space<semaphore_mem>>)
    %dma_wait3A_324 = arith.constant 3 : i32
    %dma_wait3A_325 = arith.constant 0 : i32
    %dma_wait3A_326 = tpu.memref_slice %arg4[%dma_wait3A_324, %add3A_290, %dma_wait3A_325] : memref<4x4096x1024xf32, #tpu.memory_space<hbm>> -> memref<1x16x1024xf32, #tpu.memory_space<hbm>>
    %dma_wait3A_327 = tpu.memref_squeeze %dma_wait3A_326 : memref<1x16x1024xf32, #tpu.memory_space<hbm>> -> memref<16x1024xf32, #tpu.memory_space<hbm>>
    %dma_wait3A_328 = arith.constant 0 : i32
    %dma_wait3A_329 = tpu.memref_slice %arg4[%dma_wait3A_324, %add3A_290, %dma_wait3A_328] : memref<4x4096x1024xf32, #tpu.memory_space<hbm>> -> memref<1x16x1024xf32, #tpu.memory_space<hbm>>
    %dma_wait3A_330 = tpu.memref_squeeze %dma_wait3A_329 : memref<1x16x1024xf32, #tpu.memory_space<hbm>> -> memref<16x1024xf32, #tpu.memory_space<hbm>>
    tpu.wait_dma2 semaphore(%arg18 : memref<!tpu.dma_semaphore, #tpu.memory_space<semaphore_mem>>) src(%arg8 : memref<16x1024xf32, #tpu.memory_space<vmem>>) dst(%dma_wait3A_330 : memref<16x1024xf32, #tpu.memory_space<hbm>>)
    %add3A_331 = arith.constant 32 : i32
    %add3A_332 = arith.addi %mul3A_2, %add3A_331 : i32
    %dma_start3A_333 = arith.constant 3 : i32
    %dma_start3A_334 = arith.constant 0 : i32
    %dma_start3A_335 = tpu.memref_slice %arg2[%dma_start3A_333, %add3A_332, %dma_start3A_334] : memref<4x4096x1024xf32, #tpu.memory_space<hbm>> -> memref<1x16x1024xf32, #tpu.memory_space<hbm>>
    %dma_start3A_336 = tpu.memref_squeeze %dma_start3A_335 : memref<1x16x1024xf32, #tpu.memory_space<hbm>> -> memref<16x1024xf32, #tpu.memory_space<hbm>>
    %dma_start3A_337 = arith.constant 0 : i32
    %dma_start3A_338 = tpu.memref_slice %arg2[%dma_start3A_333, %add3A_332, %dma_start3A_337] : memref<4x4096x1024xf32, #tpu.memory_space<hbm>> -> memref<1x16x1024xf32, #tpu.memory_space<hbm>>
    %dma_start3A_339 = tpu.memref_squeeze %dma_start3A_338 : memref<1x16x1024xf32, #tpu.memory_space<hbm>> -> memref<16x1024xf32, #tpu.memory_space<hbm>>
    tpu.enqueue_dma source(%dma_start3A_339 : memref<16x1024xf32, #tpu.memory_space<hbm>>) target(%arg8 : memref<16x1024xf32, #tpu.memory_space<vmem>>) target_semaphore(%arg14 : memref<!tpu.dma_semaphore, #tpu.memory_space<semaphore_mem>>)
    %dma_wait3A_340 = arith.constant 0 : i32
    %dma_wait3A_341 = arith.constant 0 : i32
    %dma_wait3A_342 = tpu.memref_slice %arg2[%dma_wait3A_340, %add3A_239, %dma_wait3A_341] : memref<4x4096x1024xf32, #tpu.memory_space<hbm>> -> memref<1x16x1024xf32, #tpu.memory_space<hbm>>
    %dma_wait3A_343 = tpu.memref_squeeze %dma_wait3A_342 : memref<1x16x1024xf32, #tpu.memory_space<hbm>> -> memref<16x1024xf32, #tpu.memory_space<hbm>>
    %dma_wait3A_344 = arith.constant 0 : i32
    %dma_wait3A_345 = tpu.memref_slice %arg2[%dma_wait3A_340, %add3A_239, %dma_wait3A_344] : memref<4x4096x1024xf32, #tpu.memory_space<hbm>> -> memref<1x16x1024xf32, #tpu.memory_space<hbm>>
    %dma_wait3A_346 = tpu.memref_squeeze %dma_wait3A_345 : memref<1x16x1024xf32, #tpu.memory_space<hbm>> -> memref<16x1024xf32, #tpu.memory_space<hbm>>
    tpu.wait_dma2 semaphore(%arg11 : memref<!tpu.dma_semaphore, #tpu.memory_space<semaphore_mem>>) src(%dma_wait3A_346 : memref<16x1024xf32, #tpu.memory_space<hbm>>) dst(%arg5 : memref<16x1024xf32, #tpu.memory_space<vmem>>)
    %dma_wait3A_347 = arith.constant 1 : i32
    %dma_wait3A_348 = arith.constant 0 : i32
    %dma_wait3A_349 = tpu.memref_slice %arg2[%dma_wait3A_347, %add3A_255, %dma_wait3A_348] : memref<4x4096x1024xf32, #tpu.memory_space<hbm>> -> memref<1x16x1024xf32, #tpu.memory_space<hbm>>
    %dma_wait3A_350 = tpu.memref_squeeze %dma_wait3A_349 : memref<1x16x1024xf32, #tpu.memory_space<hbm>> -> memref<16x1024xf32, #tpu.memory_space<hbm>>
    %dma_wait3A_351 = arith.constant 0 : i32
    %dma_wait3A_352 = tpu.memref_slice %arg2[%dma_wait3A_347, %add3A_255, %dma_wait3A_351] : memref<4x4096x1024xf32, #tpu.memory_space<hbm>> -> memref<1x16x1024xf32, #tpu.memory_space<hbm>>
    %dma_wait3A_353 = tpu.memref_squeeze %dma_wait3A_352 : memref<1x16x1024xf32, #tpu.memory_space<hbm>> -> memref<16x1024xf32, #tpu.memory_space<hbm>>
    tpu.wait_dma2 semaphore(%arg12 : memref<!tpu.dma_semaphore, #tpu.memory_space<semaphore_mem>>) src(%dma_wait3A_353 : memref<16x1024xf32, #tpu.memory_space<hbm>>) dst(%arg6 : memref<16x1024xf32, #tpu.memory_space<vmem>>)
    %parallel_loop3A_354 = arith.constant 0 : i32
    %parallel_loop3A_355 = arith.constant 1024 : i32
    %parallel_loop3A_356 = arith.constant 1 : i32
    scf.for %parallel_loop3A_1152 = %parallel_loop3A_354 to %parallel_loop3A_355 step %parallel_loop3A_356  : i32 {
      %parallel_loop3A_1153 = arith.constant 64 : i32
      %parallel_loop3A_1154 = arith.divsi %parallel_loop3A_1152, %parallel_loop3A_1153 : i32
      %parallel_loop3A_1155 = arith.constant 0 : i32
      %parallel_loop3A_1156 = arith.cmpi sgt, %parallel_loop3A_1152, %parallel_loop3A_1155 : i32
      %parallel_loop3A_1157 = arith.extui %parallel_loop3A_1156 : i1 to i32
      %parallel_loop3A_1158 = arith.constant 0 : i32
      %parallel_loop3A_1159 = arith.cmpi slt, %parallel_loop3A_1152, %parallel_loop3A_1158 : i32
      %parallel_loop3A_1160 = arith.extui %parallel_loop3A_1159 : i1 to i32
      %parallel_loop3A_1161 = arith.subi %parallel_loop3A_1157, %parallel_loop3A_1160 : i32
      %parallel_loop3A_1162 = arith.constant 0 : i32
      %parallel_loop3A_1163 = arith.cmpi sgt, %parallel_loop3A_1153, %parallel_loop3A_1162 : i32
      %parallel_loop3A_1164 = arith.extui %parallel_loop3A_1163 : i1 to i32
      %parallel_loop3A_1165 = arith.constant 0 : i32
      %parallel_loop3A_1166 = arith.cmpi slt, %parallel_loop3A_1153, %parallel_loop3A_1165 : i32
      %parallel_loop3A_1167 = arith.extui %parallel_loop3A_1166 : i1 to i32
      %parallel_loop3A_1168 = arith.subi %parallel_loop3A_1164, %parallel_loop3A_1167 : i32
      %parallel_loop3A_1169 = arith.cmpi ne, %parallel_loop3A_1161, %parallel_loop3A_1168 : i32
      %parallel_loop3A_1170 = arith.remsi %parallel_loop3A_1152, %parallel_loop3A_1153 : i32
      %parallel_loop3A_1171 = arith.constant 0 : i32
      %parallel_loop3A_1172 = arith.cmpi ne, %parallel_loop3A_1170, %parallel_loop3A_1171 : i32
      %parallel_loop3A_1173 = arith.andi %parallel_loop3A_1169, %parallel_loop3A_1172 : i1
      %parallel_loop3A_1174 = arith.constant 1 : i32
      %parallel_loop3A_1175 = arith.subi %parallel_loop3A_1154, %parallel_loop3A_1174 : i32
      %parallel_loop3A_1176 = arith.select %parallel_loop3A_1173, %parallel_loop3A_1175, %parallel_loop3A_1154 : i32
      %parallel_loop3A_1177 = arith.constant 64 : i32
      %parallel_loop3A_1178 = arith.constant 0 : i32
      %parallel_loop3A_1179 = arith.cmpi eq, %parallel_loop3A_1177, %parallel_loop3A_1178 : i32
      %parallel_loop3A_1180 = arith.constant 1 : i32
      %parallel_loop3A_1181 = arith.select %parallel_loop3A_1179, %parallel_loop3A_1180, %parallel_loop3A_1177 : i32
      %parallel_loop3A_1182 = arith.remsi %parallel_loop3A_1152, %parallel_loop3A_1181 : i32
      %parallel_loop3A_1183 = arith.constant 0 : i32
      %parallel_loop3A_1184 = arith.cmpi ne, %parallel_loop3A_1182, %parallel_loop3A_1183 : i32
      %parallel_loop3A_1185 = arith.constant 0 : i32
      %parallel_loop3A_1186 = arith.cmpi slt, %parallel_loop3A_1182, %parallel_loop3A_1185 : i32
      %parallel_loop3A_1187 = arith.constant 0 : i32
      %parallel_loop3A_1188 = arith.cmpi slt, %parallel_loop3A_1181, %parallel_loop3A_1187 : i32
      %parallel_loop3A_1189 = arith.xori %parallel_loop3A_1186, %parallel_loop3A_1188 : i1
      %parallel_loop3A_1190 = arith.andi %parallel_loop3A_1189, %parallel_loop3A_1184 : i1
      %parallel_loop3A_1191 = arith.addi %parallel_loop3A_1182, %parallel_loop3A_1181 : i32
      %parallel_loop3A_1192 = arith.select %parallel_loop3A_1190, %parallel_loop3A_1191, %parallel_loop3A_1182 : i32
      %parallel_loop3A_1193 = arith.constant 16 : i32
      %parallel_loop3A_1194 = arith.muli %parallel_loop3A_1192, %parallel_loop3A_1193 : i32
      %parallel_loop3A_1195 = arith.index_cast %parallel_loop3A_1176 : i32 to index
      %parallel_loop3A_1196 = arith.index_cast %parallel_loop3A_1194 : i32 to index
      %parallel_loop3A_1197 = tpu.vector_load %arg9[%parallel_loop3A_1195, %parallel_loop3A_1196] {strides = array<i32>} : memref<16x1024xf32, #tpu.memory_space<vmem>>, vector<1x16xf32>,
      %parallel_loop3A_1198 = vector.shape_cast %parallel_loop3A_1197 : vector<1x16xf32> to vector<16xf32>
      %parallel_loop3A_1199 = arith.index_cast %parallel_loop3A_1176 : i32 to index
      %parallel_loop3A_1200 = arith.index_cast %parallel_loop3A_1194 : i32 to index
      %parallel_loop3A_1201 = tpu.vector_load %arg5[%parallel_loop3A_1199, %parallel_loop3A_1200] {strides = array<i32>} : memref<16x1024xf32, #tpu.memory_space<vmem>>, vector<1x16xf32>,
      %parallel_loop3A_1202 = vector.shape_cast %parallel_loop3A_1201 : vector<1x16xf32> to vector<16xf32>
      %parallel_loop3A_1203 = vector.shape_cast %parallel_loop3A_1198 : vector<16xf32> to vector<1x16xf32>
      tpu.vector_store %arg5[%parallel_loop3A_1199, %parallel_loop3A_1200], %parallel_loop3A_1203 {add = true, strides = array<i32>} : memref<16x1024xf32, #tpu.memory_space<vmem>>, vector<1x16xf32>,
      %parallel_loop3A_1204 = arith.index_cast %parallel_loop3A_1176 : i32 to index
      %parallel_loop3A_1205 = arith.index_cast %parallel_loop3A_1194 : i32 to index
      %parallel_loop3A_1206 = tpu.vector_load %arg6[%parallel_loop3A_1204, %parallel_loop3A_1205] {strides = array<i32>} : memref<16x1024xf32, #tpu.memory_space<vmem>>, vector<1x16xf32>,
      %parallel_loop3A_1207 = vector.shape_cast %parallel_loop3A_1206 : vector<1x16xf32> to vector<16xf32>
      %parallel_loop3A_1208 = vector.shape_cast %parallel_loop3A_1198 : vector<16xf32> to vector<1x16xf32>
      tpu.vector_store %arg6[%parallel_loop3A_1204, %parallel_loop3A_1205], %parallel_loop3A_1208 {add = true, strides = array<i32>} : memref<16x1024xf32, #tpu.memory_space<vmem>>, vector<1x16xf32>,
    } {sc.loop_unroll_factor = 8 : i64, sc.parallel_access}
    %add3A_357 = arith.constant 32 : i32
    %add3A_358 = arith.addi %mul3A_2, %add3A_357 : i32
    %dma_start3A_359 = arith.constant 0 : i32
    %dma_start3A_360 = arith.constant 0 : i32
    %dma_start3A_361 = tpu.memref_slice %arg4[%dma_start3A_359, %add3A_358, %dma_start3A_360] : memref<4x4096x1024xf32, #tpu.memory_space<hbm>> -> memref<1x16x1024xf32, #tpu.memory_space<hbm>>
    %dma_start3A_362 = tpu.memref_squeeze %dma_start3A_361 : memref<1x16x1024xf32, #tpu.memory_space<hbm>> -> memref<16x1024xf32, #tpu.memory_space<hbm>>
    %dma_start3A_363 = arith.constant 0 : i32
    %dma_start3A_364 = tpu.memref_slice %arg4[%dma_start3A_359, %add3A_358, %dma_start3A_363] : memref<4x4096x1024xf32, #tpu.memory_space<hbm>> -> memref<1x16x1024xf32, #tpu.memory_space<hbm>>
    %dma_start3A_365 = tpu.memref_squeeze %dma_start3A_364 : memref<1x16x1024xf32, #tpu.memory_space<hbm>> -> memref<16x1024xf32, #tpu.memory_space<hbm>>
    tpu.enqueue_dma source(%arg5 : memref<16x1024xf32, #tpu.memory_space<vmem>>) target(%dma_start3A_365 : memref<16x1024xf32, #tpu.memory_space<hbm>>) target_semaphore(%arg15 : memref<!tpu.dma_semaphore, #tpu.memory_space<semaphore_mem>>)
    %add3A_366 = arith.constant 32 : i32
    %add3A_367 = arith.addi %mul3A_2, %add3A_366 : i32
    %dma_start3A_368 = arith.constant 1 : i32
    %dma_start3A_369 = arith.constant 0 : i32
    %dma_start3A_370 = tpu.memref_slice %arg4[%dma_start3A_368, %add3A_367, %dma_start3A_369] : memref<4x4096x1024xf32, #tpu.memory_space<hbm>> -> memref<1x16x1024xf32, #tpu.memory_space<hbm>>
    %dma_start3A_371 = tpu.memref_squeeze %dma_start3A_370 : memref<1x16x1024xf32, #tpu.memory_space<hbm>> -> memref<16x1024xf32, #tpu.memory_space<hbm>>
    %dma_start3A_372 = arith.constant 0 : i32
    %dma_start3A_373 = tpu.memref_slice %arg4[%dma_start3A_368, %add3A_367, %dma_start3A_372] : memref<4x4096x1024xf32, #tpu.memory_space<hbm>> -> memref<1x16x1024xf32, #tpu.memory_space<hbm>>
    %dma_start3A_374 = tpu.memref_squeeze %dma_start3A_373 : memref<1x16x1024xf32, #tpu.memory_space<hbm>> -> memref<16x1024xf32, #tpu.memory_space<hbm>>
    tpu.enqueue_dma source(%arg6 : memref<16x1024xf32, #tpu.memory_space<vmem>>) target(%dma_start3A_374 : memref<16x1024xf32, #tpu.memory_space<hbm>>) target_semaphore(%arg16 : memref<!tpu.dma_semaphore, #tpu.memory_space<semaphore_mem>>)
    %dma_wait3A_375 = arith.constant 0 : i32
    %dma_wait3A_376 = arith.constant 0 : i32
    %dma_wait3A_377 = tpu.memref_slice %arg4[%dma_wait3A_375, %add3A_358, %dma_wait3A_376] : memref<4x4096x1024xf32, #tpu.memory_space<hbm>> -> memref<1x16x1024xf32, #tpu.memory_space<hbm>>
    %dma_wait3A_378 = tpu.memref_squeeze %dma_wait3A_377 : memref<1x16x1024xf32, #tpu.memory_space<hbm>> -> memref<16x1024xf32, #tpu.memory_space<hbm>>
    %dma_wait3A_379 = arith.constant 0 : i32
    %dma_wait3A_380 = tpu.memref_slice %arg4[%dma_wait3A_375, %add3A_358, %dma_wait3A_379] : memref<4x4096x1024xf32, #tpu.memory_space<hbm>> -> memref<1x16x1024xf32, #tpu.memory_space<hbm>>
    %dma_wait3A_381 = tpu.memref_squeeze %dma_wait3A_380 : memref<1x16x1024xf32, #tpu.memory_space<hbm>> -> memref<16x1024xf32, #tpu.memory_space<hbm>>
    tpu.wait_dma2 semaphore(%arg15 : memref<!tpu.dma_semaphore, #tpu.memory_space<semaphore_mem>>) src(%arg5 : memref<16x1024xf32, #tpu.memory_space<vmem>>) dst(%dma_wait3A_381 : memref<16x1024xf32, #tpu.memory_space<hbm>>)
    %add3A_382 = arith.constant 48 : i32
    %add3A_383 = arith.addi %mul3A_2, %add3A_382 : i32
    %dma_start3A_384 = arith.constant 0 : i32
    %dma_start3A_385 = arith.constant 0 : i32
    %dma_start3A_386 = tpu.memref_slice %arg2[%dma_start3A_384, %add3A_383, %dma_start3A_385] : memref<4x4096x1024xf32, #tpu.memory_space<hbm>> -> memref<1x16x1024xf32, #tpu.memory_space<hbm>>
    %dma_start3A_387 = tpu.memref_squeeze %dma_start3A_386 : memref<1x16x1024xf32, #tpu.memory_space<hbm>> -> memref<16x1024xf32, #tpu.memory_space<hbm>>
    %dma_start3A_388 = arith.constant 0 : i32
    %dma_start3A_389 = tpu.memref_slice %arg2[%dma_start3A_384, %add3A_383, %dma_start3A_388] : memref<4x4096x1024xf32, #tpu.memory_space<hbm>> -> memref<1x16x1024xf32, #tpu.memory_space<hbm>>
    %dma_start3A_390 = tpu.memref_squeeze %dma_start3A_389 : memref<1x16x1024xf32, #tpu.memory_space<hbm>> -> memref<16x1024xf32, #tpu.memory_space<hbm>>
    tpu.enqueue_dma source(%dma_start3A_390 : memref<16x1024xf32, #tpu.memory_space<hbm>>) target(%arg5 : memref<16x1024xf32, #tpu.memory_space<vmem>>) target_semaphore(%arg11 : memref<!tpu.dma_semaphore, #tpu.memory_space<semaphore_mem>>)
    %dma_wait3A_391 = arith.constant 1 : i32
    %dma_wait3A_392 = arith.constant 0 : i32
    %dma_wait3A_393 = tpu.memref_slice %arg4[%dma_wait3A_391, %add3A_367, %dma_wait3A_392] : memref<4x4096x1024xf32, #tpu.memory_space<hbm>> -> memref<1x16x1024xf32, #tpu.memory_space<hbm>>
    %dma_wait3A_394 = tpu.memref_squeeze %dma_wait3A_393 : memref<1x16x1024xf32, #tpu.memory_space<hbm>> -> memref<16x1024xf32, #tpu.memory_space<hbm>>
    %dma_wait3A_395 = arith.constant 0 : i32
    %dma_wait3A_396 = tpu.memref_slice %arg4[%dma_wait3A_391, %add3A_367, %dma_wait3A_395] : memref<4x4096x1024xf32, #tpu.memory_space<hbm>> -> memref<1x16x1024xf32, #tpu.memory_space<hbm>>
    %dma_wait3A_397 = tpu.memref_squeeze %dma_wait3A_396 : memref<1x16x1024xf32, #tpu.memory_space<hbm>> -> memref<16x1024xf32, #tpu.memory_space<hbm>>
    tpu.wait_dma2 semaphore(%arg16 : memref<!tpu.dma_semaphore, #tpu.memory_space<semaphore_mem>>) src(%arg6 : memref<16x1024xf32, #tpu.memory_space<vmem>>) dst(%dma_wait3A_397 : memref<16x1024xf32, #tpu.memory_space<hbm>>)
    %add3A_398 = arith.constant 48 : i32
    %add3A_399 = arith.addi %mul3A_2, %add3A_398 : i32
    %dma_start3A_400 = arith.constant 1 : i32
    %dma_start3A_401 = arith.constant 0 : i32
    %dma_start3A_402 = tpu.memref_slice %arg2[%dma_start3A_400, %add3A_399, %dma_start3A_401] : memref<4x4096x1024xf32, #tpu.memory_space<hbm>> -> memref<1x16x1024xf32, #tpu.memory_space<hbm>>
    %dma_start3A_403 = tpu.memref_squeeze %dma_start3A_402 : memref<1x16x1024xf32, #tpu.memory_space<hbm>> -> memref<16x1024xf32, #tpu.memory_space<hbm>>
    %dma_start3A_404 = arith.constant 0 : i32
    %dma_start3A_405 = tpu.memref_slice %arg2[%dma_start3A_400, %add3A_399, %dma_start3A_404] : memref<4x4096x1024xf32, #tpu.memory_space<hbm>> -> memref<1x16x1024xf32, #tpu.memory_space<hbm>>
    %dma_start3A_406 = tpu.memref_squeeze %dma_start3A_405 : memref<1x16x1024xf32, #tpu.memory_space<hbm>> -> memref<16x1024xf32, #tpu.memory_space<hbm>>
    tpu.enqueue_dma source(%dma_start3A_406 : memref<16x1024xf32, #tpu.memory_space<hbm>>) target(%arg6 : memref<16x1024xf32, #tpu.memory_space<vmem>>) target_semaphore(%arg12 : memref<!tpu.dma_semaphore, #tpu.memory_space<semaphore_mem>>)
    %dma_wait3A_407 = arith.constant 2 : i32
    %dma_wait3A_408 = arith.constant 0 : i32
    %dma_wait3A_409 = tpu.memref_slice %arg2[%dma_wait3A_407, %add3A_316, %dma_wait3A_408] : memref<4x4096x1024xf32, #tpu.memory_space<hbm>> -> memref<1x16x1024xf32, #tpu.memory_space<hbm>>
    %dma_wait3A_410 = tpu.memref_squeeze %dma_wait3A_409 : memref<1x16x1024xf32, #tpu.memory_space<hbm>> -> memref<16x1024xf32, #tpu.memory_space<hbm>>
    %dma_wait3A_411 = arith.constant 0 : i32
    %dma_wait3A_412 = tpu.memref_slice %arg2[%dma_wait3A_407, %add3A_316, %dma_wait3A_411] : memref<4x4096x1024xf32, #tpu.memory_space<hbm>> -> memref<1x16x1024xf32, #tpu.memory_space<hbm>>
    %dma_wait3A_413 = tpu.memref_squeeze %dma_wait3A_412 : memref<1x16x1024xf32, #tpu.memory_space<hbm>> -> memref<16x1024xf32, #tpu.memory_space<hbm>>
    tpu.wait_dma2 semaphore(%arg13 : memref<!tpu.dma_semaphore, #tpu.memory_space<semaphore_mem>>) src(%dma_wait3A_413 : memref<16x1024xf32, #tpu.memory_space<hbm>>) dst(%arg7 : memref<16x1024xf32, #tpu.memory_space<vmem>>)
    %dma_wait3A_414 = arith.constant 3 : i32
    %dma_wait3A_415 = arith.constant 0 : i32
    %dma_wait3A_416 = tpu.memref_slice %arg2[%dma_wait3A_414, %add3A_332, %dma_wait3A_415] : memref<4x4096x1024xf32, #tpu.memory_space<hbm>> -> memref<1x16x1024xf32, #tpu.memory_space<hbm>>
    %dma_wait3A_417 = tpu.memref_squeeze %dma_wait3A_416 : memref<1x16x1024xf32, #tpu.memory_space<hbm>> -> memref<16x1024xf32, #tpu.memory_space<hbm>>
    %dma_wait3A_418 = arith.constant 0 : i32
    %dma_wait3A_419 = tpu.memref_slice %arg2[%dma_wait3A_414, %add3A_332, %dma_wait3A_418] : memref<4x4096x1024xf32, #tpu.memory_space<hbm>> -> memref<1x16x1024xf32, #tpu.memory_space<hbm>>
    %dma_wait3A_420 = tpu.memref_squeeze %dma_wait3A_419 : memref<1x16x1024xf32, #tpu.memory_space<hbm>> -> memref<16x1024xf32, #tpu.memory_space<hbm>>
    tpu.wait_dma2 semaphore(%arg14 : memref<!tpu.dma_semaphore, #tpu.memory_space<semaphore_mem>>) src(%dma_wait3A_420 : memref<16x1024xf32, #tpu.memory_space<hbm>>) dst(%arg8 : memref<16x1024xf32, #tpu.memory_space<vmem>>)
    %parallel_loop3A_421 = arith.constant 0 : i32
    %parallel_loop3A_422 = arith.constant 1024 : i32
    %parallel_loop3A_423 = arith.constant 1 : i32
    scf.for %parallel_loop3A_1152 = %parallel_loop3A_421 to %parallel_loop3A_422 step %parallel_loop3A_423  : i32 {
      %parallel_loop3A_1153 = arith.constant 64 : i32
      %parallel_loop3A_1154 = arith.divsi %parallel_loop3A_1152, %parallel_loop3A_1153 : i32
      %parallel_loop3A_1155 = arith.constant 0 : i32
      %parallel_loop3A_1156 = arith.cmpi sgt, %parallel_loop3A_1152, %parallel_loop3A_1155 : i32
      %parallel_loop3A_1157 = arith.extui %parallel_loop3A_1156 : i1 to i32
      %parallel_loop3A_1158 = arith.constant 0 : i32
      %parallel_loop3A_1159 = arith.cmpi slt, %parallel_loop3A_1152, %parallel_loop3A_1158 : i32
      %parallel_loop3A_1160 = arith.extui %parallel_loop3A_1159 : i1 to i32
      %parallel_loop3A_1161 = arith.subi %parallel_loop3A_1157, %parallel_loop3A_1160 : i32
      %parallel_loop3A_1162 = arith.constant 0 : i32
      %parallel_loop3A_1163 = arith.cmpi sgt, %parallel_loop3A_1153, %parallel_loop3A_1162 : i32
      %parallel_loop3A_1164 = arith.extui %parallel_loop3A_1163 : i1 to i32
      %parallel_loop3A_1165 = arith.constant 0 : i32
      %parallel_loop3A_1166 = arith.cmpi slt, %parallel_loop3A_1153, %parallel_loop3A_1165 : i32
      %parallel_loop3A_1167 = arith.extui %parallel_loop3A_1166 : i1 to i32
      %parallel_loop3A_1168 = arith.subi %parallel_loop3A_1164, %parallel_loop3A_1167 : i32
      %parallel_loop3A_1169 = arith.cmpi ne, %parallel_loop3A_1161, %parallel_loop3A_1168 : i32
      %parallel_loop3A_1170 = arith.remsi %parallel_loop3A_1152, %parallel_loop3A_1153 : i32
      %parallel_loop3A_1171 = arith.constant 0 : i32
      %parallel_loop3A_1172 = arith.cmpi ne, %parallel_loop3A_1170, %parallel_loop3A_1171 : i32
      %parallel_loop3A_1173 = arith.andi %parallel_loop3A_1169, %parallel_loop3A_1172 : i1
      %parallel_loop3A_1174 = arith.constant 1 : i32
      %parallel_loop3A_1175 = arith.subi %parallel_loop3A_1154, %parallel_loop3A_1174 : i32
      %parallel_loop3A_1176 = arith.select %parallel_loop3A_1173, %parallel_loop3A_1175, %parallel_loop3A_1154 : i32
      %parallel_loop3A_1177 = arith.constant 64 : i32
      %parallel_loop3A_1178 = arith.constant 0 : i32
      %parallel_loop3A_1179 = arith.cmpi eq, %parallel_loop3A_1177, %parallel_loop3A_1178 : i32
      %parallel_loop3A_1180 = arith.constant 1 : i32
      %parallel_loop3A_1181 = arith.select %parallel_loop3A_1179, %parallel_loop3A_1180, %parallel_loop3A_1177 : i32
      %parallel_loop3A_1182 = arith.remsi %parallel_loop3A_1152, %parallel_loop3A_1181 : i32
      %parallel_loop3A_1183 = arith.constant 0 : i32
      %parallel_loop3A_1184 = arith.cmpi ne, %parallel_loop3A_1182, %parallel_loop3A_1183 : i32
      %parallel_loop3A_1185 = arith.constant 0 : i32
      %parallel_loop3A_1186 = arith.cmpi slt, %parallel_loop3A_1182, %parallel_loop3A_1185 : i32
      %parallel_loop3A_1187 = arith.constant 0 : i32
      %parallel_loop3A_1188 = arith.cmpi slt, %parallel_loop3A_1181, %parallel_loop3A_1187 : i32
      %parallel_loop3A_1189 = arith.xori %parallel_loop3A_1186, %parallel_loop3A_1188 : i1
      %parallel_loop3A_1190 = arith.andi %parallel_loop3A_1189, %parallel_loop3A_1184 : i1
      %parallel_loop3A_1191 = arith.addi %parallel_loop3A_1182, %parallel_loop3A_1181 : i32
      %parallel_loop3A_1192 = arith.select %parallel_loop3A_1190, %parallel_loop3A_1191, %parallel_loop3A_1182 : i32
      %parallel_loop3A_1193 = arith.constant 16 : i32
      %parallel_loop3A_1194 = arith.muli %parallel_loop3A_1192, %parallel_loop3A_1193 : i32
      %parallel_loop3A_1195 = arith.index_cast %parallel_loop3A_1176 : i32 to index
      %parallel_loop3A_1196 = arith.index_cast %parallel_loop3A_1194 : i32 to index
      %parallel_loop3A_1197 = tpu.vector_load %arg9[%parallel_loop3A_1195, %parallel_loop3A_1196] {strides = array<i32>} : memref<16x1024xf32, #tpu.memory_space<vmem>>, vector<1x16xf32>,
      %parallel_loop3A_1198 = vector.shape_cast %parallel_loop3A_1197 : vector<1x16xf32> to vector<16xf32>
      %parallel_loop3A_1199 = arith.index_cast %parallel_loop3A_1176 : i32 to index
      %parallel_loop3A_1200 = arith.index_cast %parallel_loop3A_1194 : i32 to index
      %parallel_loop3A_1201 = tpu.vector_load %arg7[%parallel_loop3A_1199, %parallel_loop3A_1200] {strides = array<i32>} : memref<16x1024xf32, #tpu.memory_space<vmem>>, vector<1x16xf32>,
      %parallel_loop3A_1202 = vector.shape_cast %parallel_loop3A_1201 : vector<1x16xf32> to vector<16xf32>
      %parallel_loop3A_1203 = vector.shape_cast %parallel_loop3A_1198 : vector<16xf32> to vector<1x16xf32>
      tpu.vector_store %arg7[%parallel_loop3A_1199, %parallel_loop3A_1200], %parallel_loop3A_1203 {add = true, strides = array<i32>} : memref<16x1024xf32, #tpu.memory_space<vmem>>, vector<1x16xf32>,
      %parallel_loop3A_1204 = arith.index_cast %parallel_loop3A_1176 : i32 to index
      %parallel_loop3A_1205 = arith.index_cast %parallel_loop3A_1194 : i32 to index
      %parallel_loop3A_1206 = tpu.vector_load %arg8[%parallel_loop3A_1204, %parallel_loop3A_1205] {strides = array<i32>} : memref<16x1024xf32, #tpu.memory_space<vmem>>, vector<1x16xf32>,
      %parallel_loop3A_1207 = vector.shape_cast %parallel_loop3A_1206 : vector<1x16xf32> to vector<16xf32>
      %parallel_loop3A_1208 = vector.shape_cast %parallel_loop3A_1198 : vector<16xf32> to vector<1x16xf32>
      tpu.vector_store %arg8[%parallel_loop3A_1204, %parallel_loop3A_1205], %parallel_loop3A_1208 {add = true, strides = array<i32>} : memref<16x1024xf32, #tpu.memory_space<vmem>>, vector<1x16xf32>,
    } {sc.loop_unroll_factor = 8 : i64, sc.parallel_access}
    %add3A_424 = arith.constant 32 : i32
    %add3A_425 = arith.addi %mul3A_2, %add3A_424 : i32
    %dma_start3A_426 = arith.constant 2 : i32
    %dma_start3A_427 = arith.constant 0 : i32
    %dma_start3A_428 = tpu.memref_slice %arg4[%dma_start3A_426, %add3A_425, %dma_start3A_427] : memref<4x4096x1024xf32, #tpu.memory_space<hbm>> -> memref<1x16x1024xf32, #tpu.memory_space<hbm>>
    %dma_start3A_429 = tpu.memref_squeeze %dma_start3A_428 : memref<1x16x1024xf32, #tpu.memory_space<hbm>> -> memref<16x1024xf32, #tpu.memory_space<hbm>>
    %dma_start3A_430 = arith.constant 0 : i32
    %dma_start3A_431 = tpu.memref_slice %arg4[%dma_start3A_426, %add3A_425, %dma_start3A_430] : memref<4x4096x1024xf32, #tpu.memory_space<hbm>> -> memref<1x16x1024xf32, #tpu.memory_space<hbm>>
    %dma_start3A_432 = tpu.memref_squeeze %dma_start3A_431 : memref<1x16x1024xf32, #tpu.memory_space<hbm>> -> memref<16x1024xf32, #tpu.memory_space<hbm>>
    tpu.enqueue_dma source(%arg7 : memref<16x1024xf32, #tpu.memory_space<vmem>>) target(%dma_start3A_432 : memref<16x1024xf32, #tpu.memory_space<hbm>>) target_semaphore(%arg17 : memref<!tpu.dma_semaphore, #tpu.memory_space<semaphore_mem>>)
    %add3A_433 = arith.constant 32 : i32
    %add3A_434 = arith.addi %mul3A_2, %add3A_433 : i32
    %dma_start3A_435 = arith.constant 3 : i32
    %dma_start3A_436 = arith.constant 0 : i32
    %dma_start3A_437 = tpu.memref_slice %arg4[%dma_start3A_435, %add3A_434, %dma_start3A_436] : memref<4x4096x1024xf32, #tpu.memory_space<hbm>> -> memref<1x16x1024xf32, #tpu.memory_space<hbm>>
    %dma_start3A_438 = tpu.memref_squeeze %dma_start3A_437 : memref<1x16x1024xf32, #tpu.memory_space<hbm>> -> memref<16x1024xf32, #tpu.memory_space<hbm>>
    %dma_start3A_439 = arith.constant 0 : i32
    %dma_start3A_440 = tpu.memref_slice %arg4[%dma_start3A_435, %add3A_434, %dma_start3A_439] : memref<4x4096x1024xf32, #tpu.memory_space<hbm>> -> memref<1x16x1024xf32, #tpu.memory_space<hbm>>
    %dma_start3A_441 = tpu.memref_squeeze %dma_start3A_440 : memref<1x16x1024xf32, #tpu.memory_space<hbm>> -> memref<16x1024xf32, #tpu.memory_space<hbm>>
    tpu.enqueue_dma source(%arg8 : memref<16x1024xf32, #tpu.memory_space<vmem>>) target(%dma_start3A_441 : memref<16x1024xf32, #tpu.memory_space<hbm>>) target_semaphore(%arg18 : memref<!tpu.dma_semaphore, #tpu.memory_space<semaphore_mem>>)
    %dma_wait3A_442 = arith.constant 0 : i32
    %dma_wait3A_443 = tpu.memref_slice %arg3[%add3A_303, %dma_wait3A_442] : memref<4096x1024xf32, #tpu.memory_space<hbm>> -> memref<16x1024xf32, #tpu.memory_space<hbm>>
    %dma_wait3A_444 = arith.constant 0 : i32
    %dma_wait3A_445 = tpu.memref_slice %arg3[%add3A_303, %dma_wait3A_444] : memref<4096x1024xf32, #tpu.memory_space<hbm>> -> memref<16x1024xf32, #tpu.memory_space<hbm>>
    tpu.wait_dma2 semaphore(%arg20 : memref<!tpu.dma_semaphore, #tpu.memory_space<semaphore_mem>>) src(%dma_wait3A_445 : memref<16x1024xf32, #tpu.memory_space<hbm>>) dst(%arg10 : memref<16x1024xf32, #tpu.memory_space<vmem>>)
    %add3A_446 = arith.constant 64 : i32
    %add3A_447 = arith.addi %mul3A_2, %add3A_446 : i32
    %dma_start3A_448 = arith.constant 0 : i32
    %dma_start3A_449 = tpu.memref_slice %arg3[%add3A_447, %dma_start3A_448] : memref<4096x1024xf32, #tpu.memory_space<hbm>> -> memref<16x1024xf32, #tpu.memory_space<hbm>>
    %dma_start3A_450 = arith.constant 0 : i32
    %dma_start3A_451 = tpu.memref_slice %arg3[%add3A_447, %dma_start3A_450] : memref<4096x1024xf32, #tpu.memory_space<hbm>> -> memref<16x1024xf32, #tpu.memory_space<hbm>>
    tpu.enqueue_dma source(%dma_start3A_451 : memref<16x1024xf32, #tpu.memory_space<hbm>>) target(%arg9 : memref<16x1024xf32, #tpu.memory_space<vmem>>) target_semaphore(%arg19 : memref<!tpu.dma_semaphore, #tpu.memory_space<semaphore_mem>>)
    %dma_wait3A_452 = arith.constant 2 : i32
    %dma_wait3A_453 = arith.constant 0 : i32
    %dma_wait3A_454 = tpu.memref_slice %arg4[%dma_wait3A_452, %add3A_425, %dma_wait3A_453] : memref<4x4096x1024xf32, #tpu.memory_space<hbm>> -> memref<1x16x1024xf32, #tpu.memory_space<hbm>>
    %dma_wait3A_455 = tpu.memref_squeeze %dma_wait3A_454 : memref<1x16x1024xf32, #tpu.memory_space<hbm>> -> memref<16x1024xf32, #tpu.memory_space<hbm>>
    %dma_wait3A_456 = arith.constant 0 : i32
    %dma_wait3A_457 = tpu.memref_slice %arg4[%dma_wait3A_452, %add3A_425, %dma_wait3A_456] : memref<4x4096x1024xf32, #tpu.memory_space<hbm>> -> memref<1x16x1024xf32, #tpu.memory_space<hbm>>
    %dma_wait3A_458 = tpu.memref_squeeze %dma_wait3A_457 : memref<1x16x1024xf32, #tpu.memory_space<hbm>> -> memref<16x1024xf32, #tpu.memory_space<hbm>>
    tpu.wait_dma2 semaphore(%arg17 : memref<!tpu.dma_semaphore, #tpu.memory_space<semaphore_mem>>) src(%arg7 : memref<16x1024xf32, #tpu.memory_space<vmem>>) dst(%dma_wait3A_458 : memref<16x1024xf32, #tpu.memory_space<hbm>>)
    %add3A_459 = arith.constant 48 : i32
    %add3A_460 = arith.addi %mul3A_2, %add3A_459 : i32
    %dma_start3A_461 = arith.constant 2 : i32
    %dma_start3A_462 = arith.constant 0 : i32
    %dma_start3A_463 = tpu.memref_slice %arg2[%dma_start3A_461, %add3A_460, %dma_start3A_462] : memref<4x4096x1024xf32, #tpu.memory_space<hbm>> -> memref<1x16x1024xf32, #tpu.memory_space<hbm>>
    %dma_start3A_464 = tpu.memref_squeeze %dma_start3A_463 : memref<1x16x1024xf32, #tpu.memory_space<hbm>> -> memref<16x1024xf32, #tpu.memory_space<hbm>>
    %dma_start3A_465 = arith.constant 0 : i32
    %dma_start3A_466 = tpu.memref_slice %arg2[%dma_start3A_461, %add3A_460, %dma_start3A_465] : memref<4x4096x1024xf32, #tpu.memory_space<hbm>> -> memref<1x16x1024xf32, #tpu.memory_space<hbm>>
    %dma_start3A_467 = tpu.memref_squeeze %dma_start3A_466 : memref<1x16x1024xf32, #tpu.memory_space<hbm>> -> memref<16x1024xf32, #tpu.memory_space<hbm>>
    tpu.enqueue_dma source(%dma_start3A_467 : memref<16x1024xf32, #tpu.memory_space<hbm>>) target(%arg7 : memref<16x1024xf32, #tpu.memory_space<vmem>>) target_semaphore(%arg13 : memref<!tpu.dma_semaphore, #tpu.memory_space<semaphore_mem>>)
    %dma_wait3A_468 = arith.constant 3 : i32
    %dma_wait3A_469 = arith.constant 0 : i32
    %dma_wait3A_470 = tpu.memref_slice %arg4[%dma_wait3A_468, %add3A_434, %dma_wait3A_469] : memref<4x4096x1024xf32, #tpu.memory_space<hbm>> -> memref<1x16x1024xf32, #tpu.memory_space<hbm>>
    %dma_wait3A_471 = tpu.memref_squeeze %dma_wait3A_470 : memref<1x16x1024xf32, #tpu.memory_space<hbm>> -> memref<16x1024xf32, #tpu.memory_space<hbm>>
    %dma_wait3A_472 = arith.constant 0 : i32
    %dma_wait3A_473 = tpu.memref_slice %arg4[%dma_wait3A_468, %add3A_434, %dma_wait3A_472] : memref<4x4096x1024xf32, #tpu.memory_space<hbm>> -> memref<1x16x1024xf32, #tpu.memory_space<hbm>>
    %dma_wait3A_474 = tpu.memref_squeeze %dma_wait3A_473 : memref<1x16x1024xf32, #tpu.memory_space<hbm>> -> memref<16x1024xf32, #tpu.memory_space<hbm>>
    tpu.wait_dma2 semaphore(%arg18 : memref<!tpu.dma_semaphore, #tpu.memory_space<semaphore_mem>>) src(%arg8 : memref<16x1024xf32, #tpu.memory_space<vmem>>) dst(%dma_wait3A_474 : memref<16x1024xf32, #tpu.memory_space<hbm>>)
    %add3A_475 = arith.constant 48 : i32
    %add3A_476 = arith.addi %mul3A_2, %add3A_475 : i32
    %dma_start3A_477 = arith.constant 3 : i32
    %dma_start3A_478 = arith.constant 0 : i32
    %dma_start3A_479 = tpu.memref_slice %arg2[%dma_start3A_477, %add3A_476, %dma_start3A_478] : memref<4x4096x1024xf32, #tpu.memory_space<hbm>> -> memref<1x16x1024xf32, #tpu.memory_space<hbm>>
    %dma_start3A_480 = tpu.memref_squeeze %dma_start3A_479 : memref<1x16x1024xf32, #tpu.memory_space<hbm>> -> memref<16x1024xf32, #tpu.memory_space<hbm>>
    %dma_start3A_481 = arith.constant 0 : i32
    %dma_start3A_482 = tpu.memref_slice %arg2[%dma_start3A_477, %add3A_476, %dma_start3A_481] : memref<4x4096x1024xf32, #tpu.memory_space<hbm>> -> memref<1x16x1024xf32, #tpu.memory_space<hbm>>
    %dma_start3A_483 = tpu.memref_squeeze %dma_start3A_482 : memref<1x16x1024xf32, #tpu.memory_space<hbm>> -> memref<16x1024xf32, #tpu.memory_space<hbm>>
    tpu.enqueue_dma source(%dma_start3A_483 : memref<16x1024xf32, #tpu.memory_space<hbm>>) target(%arg8 : memref<16x1024xf32, #tpu.memory_space<vmem>>) target_semaphore(%arg14 : memref<!tpu.dma_semaphore, #tpu.memory_space<semaphore_mem>>)
    %dma_wait3A_484 = arith.constant 0 : i32
    %dma_wait3A_485 = arith.constant 0 : i32
    %dma_wait3A_486 = tpu.memref_slice %arg2[%dma_wait3A_484, %add3A_383, %dma_wait3A_485] : memref<4x4096x1024xf32, #tpu.memory_space<hbm>> -> memref<1x16x1024xf32, #tpu.memory_space<hbm>>
    %dma_wait3A_487 = tpu.memref_squeeze %dma_wait3A_486 : memref<1x16x1024xf32, #tpu.memory_space<hbm>> -> memref<16x1024xf32, #tpu.memory_space<hbm>>
    %dma_wait3A_488 = arith.constant 0 : i32
    %dma_wait3A_489 = tpu.memref_slice %arg2[%dma_wait3A_484, %add3A_383, %dma_wait3A_488] : memref<4x4096x1024xf32, #tpu.memory_space<hbm>> -> memref<1x16x1024xf32, #tpu.memory_space<hbm>>
    %dma_wait3A_490 = tpu.memref_squeeze %dma_wait3A_489 : memref<1x16x1024xf32, #tpu.memory_space<hbm>> -> memref<16x1024xf32, #tpu.memory_space<hbm>>
    tpu.wait_dma2 semaphore(%arg11 : memref<!tpu.dma_semaphore, #tpu.memory_space<semaphore_mem>>) src(%dma_wait3A_490 : memref<16x1024xf32, #tpu.memory_space<hbm>>) dst(%arg5 : memref<16x1024xf32, #tpu.memory_space<vmem>>)
    %dma_wait3A_491 = arith.constant 1 : i32
    %dma_wait3A_492 = arith.constant 0 : i32
    %dma_wait3A_493 = tpu.memref_slice %arg2[%dma_wait3A_491, %add3A_399, %dma_wait3A_492] : memref<4x4096x1024xf32, #tpu.memory_space<hbm>> -> memref<1x16x1024xf32, #tpu.memory_space<hbm>>
    %dma_wait3A_494 = tpu.memref_squeeze %dma_wait3A_493 : memref<1x16x1024xf32, #tpu.memory_space<hbm>> -> memref<16x1024xf32, #tpu.memory_space<hbm>>
    %dma_wait3A_495 = arith.constant 0 : i32
    %dma_wait3A_496 = tpu.memref_slice %arg2[%dma_wait3A_491, %add3A_399, %dma_wait3A_495] : memref<4x4096x1024xf32, #tpu.memory_space<hbm>> -> memref<1x16x1024xf32, #tpu.memory_space<hbm>>
    %dma_wait3A_497 = tpu.memref_squeeze %dma_wait3A_496 : memref<1x16x1024xf32, #tpu.memory_space<hbm>> -> memref<16x1024xf32, #tpu.memory_space<hbm>>
    tpu.wait_dma2 semaphore(%arg12 : memref<!tpu.dma_semaphore, #tpu.memory_space<semaphore_mem>>) src(%dma_wait3A_497 : memref<16x1024xf32, #tpu.memory_space<hbm>>) dst(%arg6 : memref<16x1024xf32, #tpu.memory_space<vmem>>)
    %parallel_loop3A_498 = arith.constant 0 : i32
    %parallel_loop3A_499 = arith.constant 1024 : i32
    %parallel_loop3A_500 = arith.constant 1 : i32
    scf.for %parallel_loop3A_1152 = %parallel_loop3A_498 to %parallel_loop3A_499 step %parallel_loop3A_500  : i32 {
      %parallel_loop3A_1153 = arith.constant 64 : i32
      %parallel_loop3A_1154 = arith.divsi %parallel_loop3A_1152, %parallel_loop3A_1153 : i32
      %parallel_loop3A_1155 = arith.constant 0 : i32
      %parallel_loop3A_1156 = arith.cmpi sgt, %parallel_loop3A_1152, %parallel_loop3A_1155 : i32
      %parallel_loop3A_1157 = arith.extui %parallel_loop3A_1156 : i1 to i32
      %parallel_loop3A_1158 = arith.constant 0 : i32
      %parallel_loop3A_1159 = arith.cmpi slt, %parallel_loop3A_1152, %parallel_loop3A_1158 : i32
      %parallel_loop3A_1160 = arith.extui %parallel_loop3A_1159 : i1 to i32
      %parallel_loop3A_1161 = arith.subi %parallel_loop3A_1157, %parallel_loop3A_1160 : i32
      %parallel_loop3A_1162 = arith.constant 0 : i32
      %parallel_loop3A_1163 = arith.cmpi sgt, %parallel_loop3A_1153, %parallel_loop3A_1162 : i32
      %parallel_loop3A_1164 = arith.extui %parallel_loop3A_1163 : i1 to i32
      %parallel_loop3A_1165 = arith.constant 0 : i32
      %parallel_loop3A_1166 = arith.cmpi slt, %parallel_loop3A_1153, %parallel_loop3A_1165 : i32
      %parallel_loop3A_1167 = arith.extui %parallel_loop3A_1166 : i1 to i32
      %parallel_loop3A_1168 = arith.subi %parallel_loop3A_1164, %parallel_loop3A_1167 : i32
      %parallel_loop3A_1169 = arith.cmpi ne, %parallel_loop3A_1161, %parallel_loop3A_1168 : i32
      %parallel_loop3A_1170 = arith.remsi %parallel_loop3A_1152, %parallel_loop3A_1153 : i32
      %parallel_loop3A_1171 = arith.constant 0 : i32
      %parallel_loop3A_1172 = arith.cmpi ne, %parallel_loop3A_1170, %parallel_loop3A_1171 : i32
      %parallel_loop3A_1173 = arith.andi %parallel_loop3A_1169, %parallel_loop3A_1172 : i1
      %parallel_loop3A_1174 = arith.constant 1 : i32
      %parallel_loop3A_1175 = arith.subi %parallel_loop3A_1154, %parallel_loop3A_1174 : i32
      %parallel_loop3A_1176 = arith.select %parallel_loop3A_1173, %parallel_loop3A_1175, %parallel_loop3A_1154 : i32
      %parallel_loop3A_1177 = arith.constant 64 : i32
      %parallel_loop3A_1178 = arith.constant 0 : i32
      %parallel_loop3A_1179 = arith.cmpi eq, %parallel_loop3A_1177, %parallel_loop3A_1178 : i32
      %parallel_loop3A_1180 = arith.constant 1 : i32
      %parallel_loop3A_1181 = arith.select %parallel_loop3A_1179, %parallel_loop3A_1180, %parallel_loop3A_1177 : i32
      %parallel_loop3A_1182 = arith.remsi %parallel_loop3A_1152, %parallel_loop3A_1181 : i32
      %parallel_loop3A_1183 = arith.constant 0 : i32
      %parallel_loop3A_1184 = arith.cmpi ne, %parallel_loop3A_1182, %parallel_loop3A_1183 : i32
      %parallel_loop3A_1185 = arith.constant 0 : i32
      %parallel_loop3A_1186 = arith.cmpi slt, %parallel_loop3A_1182, %parallel_loop3A_1185 : i32
      %parallel_loop3A_1187 = arith.constant 0 : i32
      %parallel_loop3A_1188 = arith.cmpi slt, %parallel_loop3A_1181, %parallel_loop3A_1187 : i32
      %parallel_loop3A_1189 = arith.xori %parallel_loop3A_1186, %parallel_loop3A_1188 : i1
      %parallel_loop3A_1190 = arith.andi %parallel_loop3A_1189, %parallel_loop3A_1184 : i1
      %parallel_loop3A_1191 = arith.addi %parallel_loop3A_1182, %parallel_loop3A_1181 : i32
      %parallel_loop3A_1192 = arith.select %parallel_loop3A_1190, %parallel_loop3A_1191, %parallel_loop3A_1182 : i32
      %parallel_loop3A_1193 = arith.constant 16 : i32
      %parallel_loop3A_1194 = arith.muli %parallel_loop3A_1192, %parallel_loop3A_1193 : i32
      %parallel_loop3A_1195 = arith.index_cast %parallel_loop3A_1176 : i32 to index
      %parallel_loop3A_1196 = arith.index_cast %parallel_loop3A_1194 : i32 to index
      %parallel_loop3A_1197 = tpu.vector_load %arg10[%parallel_loop3A_1195, %parallel_loop3A_1196] {strides = array<i32>} : memref<16x1024xf32, #tpu.memory_space<vmem>>, vector<1x16xf32>,
      %parallel_loop3A_1198 = vector.shape_cast %parallel_loop3A_1197 : vector<1x16xf32> to vector<16xf32>
      %parallel_loop3A_1199 = arith.index_cast %parallel_loop3A_1176 : i32 to index
      %parallel_loop3A_1200 = arith.index_cast %parallel_loop3A_1194 : i32 to index
      %parallel_loop3A_1201 = tpu.vector_load %arg5[%parallel_loop3A_1199, %parallel_loop3A_1200] {strides = array<i32>} : memref<16x1024xf32, #tpu.memory_space<vmem>>, vector<1x16xf32>,
      %parallel_loop3A_1202 = vector.shape_cast %parallel_loop3A_1201 : vector<1x16xf32> to vector<16xf32>
      %parallel_loop3A_1203 = vector.shape_cast %parallel_loop3A_1198 : vector<16xf32> to vector<1x16xf32>
      tpu.vector_store %arg5[%parallel_loop3A_1199, %parallel_loop3A_1200], %parallel_loop3A_1203 {add = true, strides = array<i32>} : memref<16x1024xf32, #tpu.memory_space<vmem>>, vector<1x16xf32>,
      %parallel_loop3A_1204 = arith.index_cast %parallel_loop3A_1176 : i32 to index
      %parallel_loop3A_1205 = arith.index_cast %parallel_loop3A_1194 : i32 to index
      %parallel_loop3A_1206 = tpu.vector_load %arg6[%parallel_loop3A_1204, %parallel_loop3A_1205] {strides = array<i32>} : memref<16x1024xf32, #tpu.memory_space<vmem>>, vector<1x16xf32>,
      %parallel_loop3A_1207 = vector.shape_cast %parallel_loop3A_1206 : vector<1x16xf32> to vector<16xf32>
      %parallel_loop3A_1208 = vector.shape_cast %parallel_loop3A_1198 : vector<16xf32> to vector<1x16xf32>
      tpu.vector_store %arg6[%parallel_loop3A_1204, %parallel_loop3A_1205], %parallel_loop3A_1208 {add = true, strides = array<i32>} : memref<16x1024xf32, #tpu.memory_space<vmem>>, vector<1x16xf32>,
    } {sc.loop_unroll_factor = 8 : i64, sc.parallel_access}
    %add3A_501 = arith.constant 48 : i32
    %add3A_502 = arith.addi %mul3A_2, %add3A_501 : i32
    %dma_start3A_503 = arith.constant 0 : i32
    %dma_start3A_504 = arith.constant 0 : i32
    %dma_start3A_505 = tpu.memref_slice %arg4[%dma_start3A_503, %add3A_502, %dma_start3A_504] : memref<4x4096x1024xf32, #tpu.memory_space<hbm>> -> memref<1x16x1024xf32, #tpu.memory_space<hbm>>
    %dma_start3A_506 = tpu.memref_squeeze %dma_start3A_505 : memref<1x16x1024xf32, #tpu.memory_space<hbm>> -> memref<16x1024xf32, #tpu.memory_space<hbm>>
    %dma_start3A_507 = arith.constant 0 : i32
    %dma_start3A_508 = tpu.memref_slice %arg4[%dma_start3A_503, %add3A_502, %dma_start3A_507] : memref<4x4096x1024xf32, #tpu.memory_space<hbm>> -> memref<1x16x1024xf32, #tpu.memory_space<hbm>>
    %dma_start3A_509 = tpu.memref_squeeze %dma_start3A_508 : memref<1x16x1024xf32, #tpu.memory_space<hbm>> -> memref<16x1024xf32, #tpu.memory_space<hbm>>
    tpu.enqueue_dma source(%arg5 : memref<16x1024xf32, #tpu.memory_space<vmem>>) target(%dma_start3A_509 : memref<16x1024xf32, #tpu.memory_space<hbm>>) target_semaphore(%arg15 : memref<!tpu.dma_semaphore, #tpu.memory_space<semaphore_mem>>)
    %add3A_510 = arith.constant 48 : i32
    %add3A_511 = arith.addi %mul3A_2, %add3A_510 : i32
    %dma_start3A_512 = arith.constant 1 : i32
    %dma_start3A_513 = arith.constant 0 : i32
    %dma_start3A_514 = tpu.memref_slice %arg4[%dma_start3A_512, %add3A_511, %dma_start3A_513] : memref<4x4096x1024xf32, #tpu.memory_space<hbm>> -> memref<1x16x1024xf32, #tpu.memory_space<hbm>>
    %dma_start3A_515 = tpu.memref_squeeze %dma_start3A_514 : memref<1x16x1024xf32, #tpu.memory_space<hbm>> -> memref<16x1024xf32, #tpu.memory_space<hbm>>
    %dma_start3A_516 = arith.constant 0 : i32
    %dma_start3A_517 = tpu.memref_slice %arg4[%dma_start3A_512, %add3A_511, %dma_start3A_516] : memref<4x4096x1024xf32, #tpu.memory_space<hbm>> -> memref<1x16x1024xf32, #tpu.memory_space<hbm>>
    %dma_start3A_518 = tpu.memref_squeeze %dma_start3A_517 : memref<1x16x1024xf32, #tpu.memory_space<hbm>> -> memref<16x1024xf32, #tpu.memory_space<hbm>>
    tpu.enqueue_dma source(%arg6 : memref<16x1024xf32, #tpu.memory_space<vmem>>) target(%dma_start3A_518 : memref<16x1024xf32, #tpu.memory_space<hbm>>) target_semaphore(%arg16 : memref<!tpu.dma_semaphore, #tpu.memory_space<semaphore_mem>>)
    %dma_wait3A_519 = arith.constant 0 : i32
    %dma_wait3A_520 = arith.constant 0 : i32
    %dma_wait3A_521 = tpu.memref_slice %arg4[%dma_wait3A_519, %add3A_502, %dma_wait3A_520] : memref<4x4096x1024xf32, #tpu.memory_space<hbm>> -> memref<1x16x1024xf32, #tpu.memory_space<hbm>>
    %dma_wait3A_522 = tpu.memref_squeeze %dma_wait3A_521 : memref<1x16x1024xf32, #tpu.memory_space<hbm>> -> memref<16x1024xf32, #tpu.memory_space<hbm>>
    %dma_wait3A_523 = arith.constant 0 : i32
    %dma_wait3A_524 = tpu.memref_slice %arg4[%dma_wait3A_519, %add3A_502, %dma_wait3A_523] : memref<4x4096x1024xf32, #tpu.memory_space<hbm>> -> memref<1x16x1024xf32, #tpu.memory_space<hbm>>
    %dma_wait3A_525 = tpu.memref_squeeze %dma_wait3A_524 : memref<1x16x1024xf32, #tpu.memory_space<hbm>> -> memref<16x1024xf32, #tpu.memory_space<hbm>>
    tpu.wait_dma2 semaphore(%arg15 : memref<!tpu.dma_semaphore, #tpu.memory_space<semaphore_mem>>) src(%arg5 : memref<16x1024xf32, #tpu.memory_space<vmem>>) dst(%dma_wait3A_525 : memref<16x1024xf32, #tpu.memory_space<hbm>>)
    %add3A_526 = arith.constant 64 : i32
    %add3A_527 = arith.addi %mul3A_2, %add3A_526 : i32
    %dma_start3A_528 = arith.constant 0 : i32
    %dma_start3A_529 = arith.constant 0 : i32
    %dma_start3A_530 = tpu.memref_slice %arg2[%dma_start3A_528, %add3A_527, %dma_start3A_529] : memref<4x4096x1024xf32, #tpu.memory_space<hbm>> -> memref<1x16x1024xf32, #tpu.memory_space<hbm>>
    %dma_start3A_531 = tpu.memref_squeeze %dma_start3A_530 : memref<1x16x1024xf32, #tpu.memory_space<hbm>> -> memref<16x1024xf32, #tpu.memory_space<hbm>>
    %dma_start3A_532 = arith.constant 0 : i32
    %dma_start3A_533 = tpu.memref_slice %arg2[%dma_start3A_528, %add3A_527, %dma_start3A_532] : memref<4x4096x1024xf32, #tpu.memory_space<hbm>> -> memref<1x16x1024xf32, #tpu.memory_space<hbm>>
    %dma_start3A_534 = tpu.memref_squeeze %dma_start3A_533 : memref<1x16x1024xf32, #tpu.memory_space<hbm>> -> memref<16x1024xf32, #tpu.memory_space<hbm>>
    tpu.enqueue_dma source(%dma_start3A_534 : memref<16x1024xf32, #tpu.memory_space<hbm>>) target(%arg5 : memref<16x1024xf32, #tpu.memory_space<vmem>>) target_semaphore(%arg11 : memref<!tpu.dma_semaphore, #tpu.memory_space<semaphore_mem>>)
    %dma_wait3A_535 = arith.constant 1 : i32
    %dma_wait3A_536 = arith.constant 0 : i32
    %dma_wait3A_537 = tpu.memref_slice %arg4[%dma_wait3A_535, %add3A_511, %dma_wait3A_536] : memref<4x4096x1024xf32, #tpu.memory_space<hbm>> -> memref<1x16x1024xf32, #tpu.memory_space<hbm>>
    %dma_wait3A_538 = tpu.memref_squeeze %dma_wait3A_537 : memref<1x16x1024xf32, #tpu.memory_space<hbm>> -> memref<16x1024xf32, #tpu.memory_space<hbm>>
    %dma_wait3A_539 = arith.constant 0 : i32
    %dma_wait3A_540 = tpu.memref_slice %arg4[%dma_wait3A_535, %add3A_511, %dma_wait3A_539] : memref<4x4096x1024xf32, #tpu.memory_space<hbm>> -> memref<1x16x1024xf32, #tpu.memory_space<hbm>>
    %dma_wait3A_541 = tpu.memref_squeeze %dma_wait3A_540 : memref<1x16x1024xf32, #tpu.memory_space<hbm>> -> memref<16x1024xf32, #tpu.memory_space<hbm>>
    tpu.wait_dma2 semaphore(%arg16 : memref<!tpu.dma_semaphore, #tpu.memory_space<semaphore_mem>>) src(%arg6 : memref<16x1024xf32, #tpu.memory_space<vmem>>) dst(%dma_wait3A_541 : memref<16x1024xf32, #tpu.memory_space<hbm>>)
    %add3A_542 = arith.constant 64 : i32
    %add3A_543 = arith.addi %mul3A_2, %add3A_542 : i32
    %dma_start3A_544 = arith.constant 1 : i32
    %dma_start3A_545 = arith.constant 0 : i32
    %dma_start3A_546 = tpu.memref_slice %arg2[%dma_start3A_544, %add3A_543, %dma_start3A_545] : memref<4x4096x1024xf32, #tpu.memory_space<hbm>> -> memref<1x16x1024xf32, #tpu.memory_space<hbm>>
    %dma_start3A_547 = tpu.memref_squeeze %dma_start3A_546 : memref<1x16x1024xf32, #tpu.memory_space<hbm>> -> memref<16x1024xf32, #tpu.memory_space<hbm>>
    %dma_start3A_548 = arith.constant 0 : i32
    %dma_start3A_549 = tpu.memref_slice %arg2[%dma_start3A_544, %add3A_543, %dma_start3A_548] : memref<4x4096x1024xf32, #tpu.memory_space<hbm>> -> memref<1x16x1024xf32, #tpu.memory_space<hbm>>
    %dma_start3A_550 = tpu.memref_squeeze %dma_start3A_549 : memref<1x16x1024xf32, #tpu.memory_space<hbm>> -> memref<16x1024xf32, #tpu.memory_space<hbm>>
    tpu.enqueue_dma source(%dma_start3A_550 : memref<16x1024xf32, #tpu.memory_space<hbm>>) target(%arg6 : memref<16x1024xf32, #tpu.memory_space<vmem>>) target_semaphore(%arg12 : memref<!tpu.dma_semaphore, #tpu.memory_space<semaphore_mem>>)
    %dma_wait3A_551 = arith.constant 2 : i32
    %dma_wait3A_552 = arith.constant 0 : i32
    %dma_wait3A_553 = tpu.memref_slice %arg2[%dma_wait3A_551, %add3A_460, %dma_wait3A_552] : memref<4x4096x1024xf32, #tpu.memory_space<hbm>> -> memref<1x16x1024xf32, #tpu.memory_space<hbm>>
    %dma_wait3A_554 = tpu.memref_squeeze %dma_wait3A_553 : memref<1x16x1024xf32, #tpu.memory_space<hbm>> -> memref<16x1024xf32, #tpu.memory_space<hbm>>
    %dma_wait3A_555 = arith.constant 0 : i32
    %dma_wait3A_556 = tpu.memref_slice %arg2[%dma_wait3A_551, %add3A_460, %dma_wait3A_555] : memref<4x4096x1024xf32, #tpu.memory_space<hbm>> -> memref<1x16x1024xf32, #tpu.memory_space<hbm>>
    %dma_wait3A_557 = tpu.memref_squeeze %dma_wait3A_556 : memref<1x16x1024xf32, #tpu.memory_space<hbm>> -> memref<16x1024xf32, #tpu.memory_space<hbm>>
    tpu.wait_dma2 semaphore(%arg13 : memref<!tpu.dma_semaphore, #tpu.memory_space<semaphore_mem>>) src(%dma_wait3A_557 : memref<16x1024xf32, #tpu.memory_space<hbm>>) dst(%arg7 : memref<16x1024xf32, #tpu.memory_space<vmem>>)
    %dma_wait3A_558 = arith.constant 3 : i32
    %dma_wait3A_559 = arith.constant 0 : i32
    %dma_wait3A_560 = tpu.memref_slice %arg2[%dma_wait3A_558, %add3A_476, %dma_wait3A_559] : memref<4x4096x1024xf32, #tpu.memory_space<hbm>> -> memref<1x16x1024xf32, #tpu.memory_space<hbm>>
    %dma_wait3A_561 = tpu.memref_squeeze %dma_wait3A_560 : memref<1x16x1024xf32, #tpu.memory_space<hbm>> -> memref<16x1024xf32, #tpu.memory_space<hbm>>
    %dma_wait3A_562 = arith.constant 0 : i32
    %dma_wait3A_563 = tpu.memref_slice %arg2[%dma_wait3A_558, %add3A_476, %dma_wait3A_562] : memref<4x4096x1024xf32, #tpu.memory_space<hbm>> -> memref<1x16x1024xf32, #tpu.memory_space<hbm>>
    %dma_wait3A_564 = tpu.memref_squeeze %dma_wait3A_563 : memref<1x16x1024xf32, #tpu.memory_space<hbm>> -> memref<16x1024xf32, #tpu.memory_space<hbm>>
    tpu.wait_dma2 semaphore(%arg14 : memref<!tpu.dma_semaphore, #tpu.memory_space<semaphore_mem>>) src(%dma_wait3A_564 : memref<16x1024xf32, #tpu.memory_space<hbm>>) dst(%arg8 : memref<16x1024xf32, #tpu.memory_space<vmem>>)
    %parallel_loop3A_565 = arith.constant 0 : i32
    %parallel_loop3A_566 = arith.constant 1024 : i32
    %parallel_loop3A_567 = arith.constant 1 : i32
    scf.for %parallel_loop3A_1152 = %parallel_loop3A_565 to %parallel_loop3A_566 step %parallel_loop3A_567  : i32 {
      %parallel_loop3A_1153 = arith.constant 64 : i32
      %parallel_loop3A_1154 = arith.divsi %parallel_loop3A_1152, %parallel_loop3A_1153 : i32
      %parallel_loop3A_1155 = arith.constant 0 : i32
      %parallel_loop3A_1156 = arith.cmpi sgt, %parallel_loop3A_1152, %parallel_loop3A_1155 : i32
      %parallel_loop3A_1157 = arith.extui %parallel_loop3A_1156 : i1 to i32
      %parallel_loop3A_1158 = arith.constant 0 : i32
      %parallel_loop3A_1159 = arith.cmpi slt, %parallel_loop3A_1152, %parallel_loop3A_1158 : i32
      %parallel_loop3A_1160 = arith.extui %parallel_loop3A_1159 : i1 to i32
      %parallel_loop3A_1161 = arith.subi %parallel_loop3A_1157, %parallel_loop3A_1160 : i32
      %parallel_loop3A_1162 = arith.constant 0 : i32
      %parallel_loop3A_1163 = arith.cmpi sgt, %parallel_loop3A_1153, %parallel_loop3A_1162 : i32
      %parallel_loop3A_1164 = arith.extui %parallel_loop3A_1163 : i1 to i32
      %parallel_loop3A_1165 = arith.constant 0 : i32
      %parallel_loop3A_1166 = arith.cmpi slt, %parallel_loop3A_1153, %parallel_loop3A_1165 : i32
      %parallel_loop3A_1167 = arith.extui %parallel_loop3A_1166 : i1 to i32
      %parallel_loop3A_1168 = arith.subi %parallel_loop3A_1164, %parallel_loop3A_1167 : i32
      %parallel_loop3A_1169 = arith.cmpi ne, %parallel_loop3A_1161, %parallel_loop3A_1168 : i32
      %parallel_loop3A_1170 = arith.remsi %parallel_loop3A_1152, %parallel_loop3A_1153 : i32
      %parallel_loop3A_1171 = arith.constant 0 : i32
      %parallel_loop3A_1172 = arith.cmpi ne, %parallel_loop3A_1170, %parallel_loop3A_1171 : i32
      %parallel_loop3A_1173 = arith.andi %parallel_loop3A_1169, %parallel_loop3A_1172 : i1
      %parallel_loop3A_1174 = arith.constant 1 : i32
      %parallel_loop3A_1175 = arith.subi %parallel_loop3A_1154, %parallel_loop3A_1174 : i32
      %parallel_loop3A_1176 = arith.select %parallel_loop3A_1173, %parallel_loop3A_1175, %parallel_loop3A_1154 : i32
      %parallel_loop3A_1177 = arith.constant 64 : i32
      %parallel_loop3A_1178 = arith.constant 0 : i32
      %parallel_loop3A_1179 = arith.cmpi eq, %parallel_loop3A_1177, %parallel_loop3A_1178 : i32
      %parallel_loop3A_1180 = arith.constant 1 : i32
      %parallel_loop3A_1181 = arith.select %parallel_loop3A_1179, %parallel_loop3A_1180, %parallel_loop3A_1177 : i32
      %parallel_loop3A_1182 = arith.remsi %parallel_loop3A_1152, %parallel_loop3A_1181 : i32
      %parallel_loop3A_1183 = arith.constant 0 : i32
      %parallel_loop3A_1184 = arith.cmpi ne, %parallel_loop3A_1182, %parallel_loop3A_1183 : i32
      %parallel_loop3A_1185 = arith.constant 0 : i32
      %parallel_loop3A_1186 = arith.cmpi slt, %parallel_loop3A_1182, %parallel_loop3A_1185 : i32
      %parallel_loop3A_1187 = arith.constant 0 : i32
      %parallel_loop3A_1188 = arith.cmpi slt, %parallel_loop3A_1181, %parallel_loop3A_1187 : i32
      %parallel_loop3A_1189 = arith.xori %parallel_loop3A_1186, %parallel_loop3A_1188 : i1
      %parallel_loop3A_1190 = arith.andi %parallel_loop3A_1189, %parallel_loop3A_1184 : i1
      %parallel_loop3A_1191 = arith.addi %parallel_loop3A_1182, %parallel_loop3A_1181 : i32
      %parallel_loop3A_1192 = arith.select %parallel_loop3A_1190, %parallel_loop3A_1191, %parallel_loop3A_1182 : i32
      %parallel_loop3A_1193 = arith.constant 16 : i32
      %parallel_loop3A_1194 = arith.muli %parallel_loop3A_1192, %parallel_loop3A_1193 : i32
      %parallel_loop3A_1195 = arith.index_cast %parallel_loop3A_1176 : i32 to index
      %parallel_loop3A_1196 = arith.index_cast %parallel_loop3A_1194 : i32 to index
      %parallel_loop3A_1197 = tpu.vector_load %arg10[%parallel_loop3A_1195, %parallel_loop3A_1196] {strides = array<i32>} : memref<16x1024xf32, #tpu.memory_space<vmem>>, vector<1x16xf32>,
      %parallel_loop3A_1198 = vector.shape_cast %parallel_loop3A_1197 : vector<1x16xf32> to vector<16xf32>
      %parallel_loop3A_1199 = arith.index_cast %parallel_loop3A_1176 : i32 to index
      %parallel_loop3A_1200 = arith.index_cast %parallel_loop3A_1194 : i32 to index
      %parallel_loop3A_1201 = tpu.vector_load %arg7[%parallel_loop3A_1199, %parallel_loop3A_1200] {strides = array<i32>} : memref<16x1024xf32, #tpu.memory_space<vmem>>, vector<1x16xf32>,
      %parallel_loop3A_1202 = vector.shape_cast %parallel_loop3A_1201 : vector<1x16xf32> to vector<16xf32>
      %parallel_loop3A_1203 = vector.shape_cast %parallel_loop3A_1198 : vector<16xf32> to vector<1x16xf32>
      tpu.vector_store %arg7[%parallel_loop3A_1199, %parallel_loop3A_1200], %parallel_loop3A_1203 {add = true, strides = array<i32>} : memref<16x1024xf32, #tpu.memory_space<vmem>>, vector<1x16xf32>,
      %parallel_loop3A_1204 = arith.index_cast %parallel_loop3A_1176 : i32 to index
      %parallel_loop3A_1205 = arith.index_cast %parallel_loop3A_1194 : i32 to index
      %parallel_loop3A_1206 = tpu.vector_load %arg8[%parallel_loop3A_1204, %parallel_loop3A_1205] {strides = array<i32>} : memref<16x1024xf32, #tpu.memory_space<vmem>>, vector<1x16xf32>,
      %parallel_loop3A_1207 = vector.shape_cast %parallel_loop3A_1206 : vector<1x16xf32> to vector<16xf32>
      %parallel_loop3A_1208 = vector.shape_cast %parallel_loop3A_1198 : vector<16xf32> to vector<1x16xf32>
      tpu.vector_store %arg8[%parallel_loop3A_1204, %parallel_loop3A_1205], %parallel_loop3A_1208 {add = true, strides = array<i32>} : memref<16x1024xf32, #tpu.memory_space<vmem>>, vector<1x16xf32>,
    } {sc.loop_unroll_factor = 8 : i64, sc.parallel_access}
    %add3A_568 = arith.constant 48 : i32
    %add3A_569 = arith.addi %mul3A_2, %add3A_568 : i32
    %dma_start3A_570 = arith.constant 2 : i32
    %dma_start3A_571 = arith.constant 0 : i32
    %dma_start3A_572 = tpu.memref_slice %arg4[%dma_start3A_570, %add3A_569, %dma_start3A_571] : memref<4x4096x1024xf32, #tpu.memory_space<hbm>> -> memref<1x16x1024xf32, #tpu.memory_space<hbm>>
    %dma_start3A_573 = tpu.memref_squeeze %dma_start3A_572 : memref<1x16x1024xf32, #tpu.memory_space<hbm>> -> memref<16x1024xf32, #tpu.memory_space<hbm>>
    %dma_start3A_574 = arith.constant 0 : i32
    %dma_start3A_575 = tpu.memref_slice %arg4[%dma_start3A_570, %add3A_569, %dma_start3A_574] : memref<4x4096x1024xf32, #tpu.memory_space<hbm>> -> memref<1x16x1024xf32, #tpu.memory_space<hbm>>
    %dma_start3A_576 = tpu.memref_squeeze %dma_start3A_575 : memref<1x16x1024xf32, #tpu.memory_space<hbm>> -> memref<16x1024xf32, #tpu.memory_space<hbm>>
    tpu.enqueue_dma source(%arg7 : memref<16x1024xf32, #tpu.memory_space<vmem>>) target(%dma_start3A_576 : memref<16x1024xf32, #tpu.memory_space<hbm>>) target_semaphore(%arg17 : memref<!tpu.dma_semaphore, #tpu.memory_space<semaphore_mem>>)
    %add3A_577 = arith.constant 48 : i32
    %add3A_578 = arith.addi %mul3A_2, %add3A_577 : i32
    %dma_start3A_579 = arith.constant 3 : i32
    %dma_start3A_580 = arith.constant 0 : i32
    %dma_start3A_581 = tpu.memref_slice %arg4[%dma_start3A_579, %add3A_578, %dma_start3A_580] : memref<4x4096x1024xf32, #tpu.memory_space<hbm>> -> memref<1x16x1024xf32, #tpu.memory_space<hbm>>
    %dma_start3A_582 = tpu.memref_squeeze %dma_start3A_581 : memref<1x16x1024xf32, #tpu.memory_space<hbm>> -> memref<16x1024xf32, #tpu.memory_space<hbm>>
    %dma_start3A_583 = arith.constant 0 : i32
    %dma_start3A_584 = tpu.memref_slice %arg4[%dma_start3A_579, %add3A_578, %dma_start3A_583] : memref<4x4096x1024xf32, #tpu.memory_space<hbm>> -> memref<1x16x1024xf32, #tpu.memory_space<hbm>>
    %dma_start3A_585 = tpu.memref_squeeze %dma_start3A_584 : memref<1x16x1024xf32, #tpu.memory_space<hbm>> -> memref<16x1024xf32, #tpu.memory_space<hbm>>
    tpu.enqueue_dma source(%arg8 : memref<16x1024xf32, #tpu.memory_space<vmem>>) target(%dma_start3A_585 : memref<16x1024xf32, #tpu.memory_space<hbm>>) target_semaphore(%arg18 : memref<!tpu.dma_semaphore, #tpu.memory_space<semaphore_mem>>)
    %dma_wait3A_586 = arith.constant 0 : i32
    %dma_wait3A_587 = tpu.memref_slice %arg3[%add3A_447, %dma_wait3A_586] : memref<4096x1024xf32, #tpu.memory_space<hbm>> -> memref<16x1024xf32, #tpu.memory_space<hbm>>
    %dma_wait3A_588 = arith.constant 0 : i32
    %dma_wait3A_589 = tpu.memref_slice %arg3[%add3A_447, %dma_wait3A_588] : memref<4096x1024xf32, #tpu.memory_space<hbm>> -> memref<16x1024xf32, #tpu.memory_space<hbm>>
    tpu.wait_dma2 semaphore(%arg19 : memref<!tpu.dma_semaphore, #tpu.memory_space<semaphore_mem>>) src(%dma_wait3A_589 : memref<16x1024xf32, #tpu.memory_space<hbm>>) dst(%arg9 : memref<16x1024xf32, #tpu.memory_space<vmem>>)
    %add3A_590 = arith.constant 80 : i32
    %add3A_591 = arith.addi %mul3A_2, %add3A_590 : i32
    %dma_start3A_592 = arith.constant 0 : i32
    %dma_start3A_593 = tpu.memref_slice %arg3[%add3A_591, %dma_start3A_592] : memref<4096x1024xf32, #tpu.memory_space<hbm>> -> memref<16x1024xf32, #tpu.memory_space<hbm>>
    %dma_start3A_594 = arith.constant 0 : i32
    %dma_start3A_595 = tpu.memref_slice %arg3[%add3A_591, %dma_start3A_594] : memref<4096x1024xf32, #tpu.memory_space<hbm>> -> memref<16x1024xf32, #tpu.memory_space<hbm>>
    tpu.enqueue_dma source(%dma_start3A_595 : memref<16x1024xf32, #tpu.memory_space<hbm>>) target(%arg10 : memref<16x1024xf32, #tpu.memory_space<vmem>>) target_semaphore(%arg20 : memref<!tpu.dma_semaphore, #tpu.memory_space<semaphore_mem>>)
    %dma_wait3A_596 = arith.constant 2 : i32
    %dma_wait3A_597 = arith.constant 0 : i32
    %dma_wait3A_598 = tpu.memref_slice %arg4[%dma_wait3A_596, %add3A_569, %dma_wait3A_597] : memref<4x4096x1024xf32, #tpu.memory_space<hbm>> -> memref<1x16x1024xf32, #tpu.memory_space<hbm>>
    %dma_wait3A_599 = tpu.memref_squeeze %dma_wait3A_598 : memref<1x16x1024xf32, #tpu.memory_space<hbm>> -> memref<16x1024xf32, #tpu.memory_space<hbm>>
    %dma_wait3A_600 = arith.constant 0 : i32
    %dma_wait3A_601 = tpu.memref_slice %arg4[%dma_wait3A_596, %add3A_569, %dma_wait3A_600] : memref<4x4096x1024xf32, #tpu.memory_space<hbm>> -> memref<1x16x1024xf32, #tpu.memory_space<hbm>>
    %dma_wait3A_602 = tpu.memref_squeeze %dma_wait3A_601 : memref<1x16x1024xf32, #tpu.memory_space<hbm>> -> memref<16x1024xf32, #tpu.memory_space<hbm>>
    tpu.wait_dma2 semaphore(%arg17 : memref<!tpu.dma_semaphore, #tpu.memory_space<semaphore_mem>>) src(%arg7 : memref<16x1024xf32, #tpu.memory_space<vmem>>) dst(%dma_wait3A_602 : memref<16x1024xf32, #tpu.memory_space<hbm>>)
    %add3A_603 = arith.constant 64 : i32
    %add3A_604 = arith.addi %mul3A_2, %add3A_603 : i32
    %dma_start3A_605 = arith.constant 2 : i32
    %dma_start3A_606 = arith.constant 0 : i32
    %dma_start3A_607 = tpu.memref_slice %arg2[%dma_start3A_605, %add3A_604, %dma_start3A_606] : memref<4x4096x1024xf32, #tpu.memory_space<hbm>> -> memref<1x16x1024xf32, #tpu.memory_space<hbm>>
    %dma_start3A_608 = tpu.memref_squeeze %dma_start3A_607 : memref<1x16x1024xf32, #tpu.memory_space<hbm>> -> memref<16x1024xf32, #tpu.memory_space<hbm>>
    %dma_start3A_609 = arith.constant 0 : i32
    %dma_start3A_610 = tpu.memref_slice %arg2[%dma_start3A_605, %add3A_604, %dma_start3A_609] : memref<4x4096x1024xf32, #tpu.memory_space<hbm>> -> memref<1x16x1024xf32, #tpu.memory_space<hbm>>
    %dma_start3A_611 = tpu.memref_squeeze %dma_start3A_610 : memref<1x16x1024xf32, #tpu.memory_space<hbm>> -> memref<16x1024xf32, #tpu.memory_space<hbm>>
    tpu.enqueue_dma source(%dma_start3A_611 : memref<16x1024xf32, #tpu.memory_space<hbm>>) target(%arg7 : memref<16x1024xf32, #tpu.memory_space<vmem>>) target_semaphore(%arg13 : memref<!tpu.dma_semaphore, #tpu.memory_space<semaphore_mem>>)
    %dma_wait3A_612 = arith.constant 3 : i32
    %dma_wait3A_613 = arith.constant 0 : i32
    %dma_wait3A_614 = tpu.memref_slice %arg4[%dma_wait3A_612, %add3A_578, %dma_wait3A_613] : memref<4x4096x1024xf32, #tpu.memory_space<hbm>> -> memref<1x16x1024xf32, #tpu.memory_space<hbm>>
    %dma_wait3A_615 = tpu.memref_squeeze %dma_wait3A_614 : memref<1x16x1024xf32, #tpu.memory_space<hbm>> -> memref<16x1024xf32, #tpu.memory_space<hbm>>
    %dma_wait3A_616 = arith.constant 0 : i32
    %dma_wait3A_617 = tpu.memref_slice %arg4[%dma_wait3A_612, %add3A_578, %dma_wait3A_616] : memref<4x4096x1024xf32, #tpu.memory_space<hbm>> -> memref<1x16x1024xf32, #tpu.memory_space<hbm>>
    %dma_wait3A_618 = tpu.memref_squeeze %dma_wait3A_617 : memref<1x16x1024xf32, #tpu.memory_space<hbm>> -> memref<16x1024xf32, #tpu.memory_space<hbm>>
    tpu.wait_dma2 semaphore(%arg18 : memref<!tpu.dma_semaphore, #tpu.memory_space<semaphore_mem>>) src(%arg8 : memref<16x1024xf32, #tpu.memory_space<vmem>>) dst(%dma_wait3A_618 : memref<16x1024xf32, #tpu.memory_space<hbm>>)
    %add3A_619 = arith.constant 64 : i32
    %add3A_620 = arith.addi %mul3A_2, %add3A_619 : i32
    %dma_start3A_621 = arith.constant 3 : i32
    %dma_start3A_622 = arith.constant 0 : i32
    %dma_start3A_623 = tpu.memref_slice %arg2[%dma_start3A_621, %add3A_620, %dma_start3A_622] : memref<4x4096x1024xf32, #tpu.memory_space<hbm>> -> memref<1x16x1024xf32, #tpu.memory_space<hbm>>
    %dma_start3A_624 = tpu.memref_squeeze %dma_start3A_623 : memref<1x16x1024xf32, #tpu.memory_space<hbm>> -> memref<16x1024xf32, #tpu.memory_space<hbm>>
    %dma_start3A_625 = arith.constant 0 : i32
    %dma_start3A_626 = tpu.memref_slice %arg2[%dma_start3A_621, %add3A_620, %dma_start3A_625] : memref<4x4096x1024xf32, #tpu.memory_space<hbm>> -> memref<1x16x1024xf32, #tpu.memory_space<hbm>>
    %dma_start3A_627 = tpu.memref_squeeze %dma_start3A_626 : memref<1x16x1024xf32, #tpu.memory_space<hbm>> -> memref<16x1024xf32, #tpu.memory_space<hbm>>
    tpu.enqueue_dma source(%dma_start3A_627 : memref<16x1024xf32, #tpu.memory_space<hbm>>) target(%arg8 : memref<16x1024xf32, #tpu.memory_space<vmem>>) target_semaphore(%arg14 : memref<!tpu.dma_semaphore, #tpu.memory_space<semaphore_mem>>)
    %dma_wait3A_628 = arith.constant 0 : i32
    %dma_wait3A_629 = arith.constant 0 : i32
    %dma_wait3A_630 = tpu.memref_slice %arg2[%dma_wait3A_628, %add3A_527, %dma_wait3A_629] : memref<4x4096x1024xf32, #tpu.memory_space<hbm>> -> memref<1x16x1024xf32, #tpu.memory_space<hbm>>
    %dma_wait3A_631 = tpu.memref_squeeze %dma_wait3A_630 : memref<1x16x1024xf32, #tpu.memory_space<hbm>> -> memref<16x1024xf32, #tpu.memory_space<hbm>>
    %dma_wait3A_632 = arith.constant 0 : i32
    %dma_wait3A_633 = tpu.memref_slice %arg2[%dma_wait3A_628, %add3A_527, %dma_wait3A_632] : memref<4x4096x1024xf32, #tpu.memory_space<hbm>> -> memref<1x16x1024xf32, #tpu.memory_space<hbm>>
    %dma_wait3A_634 = tpu.memref_squeeze %dma_wait3A_633 : memref<1x16x1024xf32, #tpu.memory_space<hbm>> -> memref<16x1024xf32, #tpu.memory_space<hbm>>
    tpu.wait_dma2 semaphore(%arg11 : memref<!tpu.dma_semaphore, #tpu.memory_space<semaphore_mem>>) src(%dma_wait3A_634 : memref<16x1024xf32, #tpu.memory_space<hbm>>) dst(%arg5 : memref<16x1024xf32, #tpu.memory_space<vmem>>)
    %dma_wait3A_635 = arith.constant 1 : i32
    %dma_wait3A_636 = arith.constant 0 : i32
    %dma_wait3A_637 = tpu.memref_slice %arg2[%dma_wait3A_635, %add3A_543, %dma_wait3A_636] : memref<4x4096x1024xf32, #tpu.memory_space<hbm>> -> memref<1x16x1024xf32, #tpu.memory_space<hbm>>
    %dma_wait3A_638 = tpu.memref_squeeze %dma_wait3A_637 : memref<1x16x1024xf32, #tpu.memory_space<hbm>> -> memref<16x1024xf32, #tpu.memory_space<hbm>>
    %dma_wait3A_639 = arith.constant 0 : i32
    %dma_wait3A_640 = tpu.memref_slice %arg2[%dma_wait3A_635, %add3A_543, %dma_wait3A_639] : memref<4x4096x1024xf32, #tpu.memory_space<hbm>> -> memref<1x16x1024xf32, #tpu.memory_space<hbm>>
    %dma_wait3A_641 = tpu.memref_squeeze %dma_wait3A_640 : memref<1x16x1024xf32, #tpu.memory_space<hbm>> -> memref<16x1024xf32, #tpu.memory_space<hbm>>
    tpu.wait_dma2 semaphore(%arg12 : memref<!tpu.dma_semaphore, #tpu.memory_space<semaphore_mem>>) src(%dma_wait3A_641 : memref<16x1024xf32, #tpu.memory_space<hbm>>) dst(%arg6 : memref<16x1024xf32, #tpu.memory_space<vmem>>)
    %parallel_loop3A_642 = arith.constant 0 : i32
    %parallel_loop3A_643 = arith.constant 1024 : i32
    %parallel_loop3A_644 = arith.constant 1 : i32
    scf.for %parallel_loop3A_1152 = %parallel_loop3A_642 to %parallel_loop3A_643 step %parallel_loop3A_644  : i32 {
      %parallel_loop3A_1153 = arith.constant 64 : i32
      %parallel_loop3A_1154 = arith.divsi %parallel_loop3A_1152, %parallel_loop3A_1153 : i32
      %parallel_loop3A_1155 = arith.constant 0 : i32
      %parallel_loop3A_1156 = arith.cmpi sgt, %parallel_loop3A_1152, %parallel_loop3A_1155 : i32
      %parallel_loop3A_1157 = arith.extui %parallel_loop3A_1156 : i1 to i32
      %parallel_loop3A_1158 = arith.constant 0 : i32
      %parallel_loop3A_1159 = arith.cmpi slt, %parallel_loop3A_1152, %parallel_loop3A_1158 : i32
      %parallel_loop3A_1160 = arith.extui %parallel_loop3A_1159 : i1 to i32
      %parallel_loop3A_1161 = arith.subi %parallel_loop3A_1157, %parallel_loop3A_1160 : i32
      %parallel_loop3A_1162 = arith.constant 0 : i32
      %parallel_loop3A_1163 = arith.cmpi sgt, %parallel_loop3A_1153, %parallel_loop3A_1162 : i32
      %parallel_loop3A_1164 = arith.extui %parallel_loop3A_1163 : i1 to i32
      %parallel_loop3A_1165 = arith.constant 0 : i32
      %parallel_loop3A_1166 = arith.cmpi slt, %parallel_loop3A_1153, %parallel_loop3A_1165 : i32
      %parallel_loop3A_1167 = arith.extui %parallel_loop3A_1166 : i1 to i32
      %parallel_loop3A_1168 = arith.subi %parallel_loop3A_1164, %parallel_loop3A_1167 : i32
      %parallel_loop3A_1169 = arith.cmpi ne, %parallel_loop3A_1161, %parallel_loop3A_1168 : i32
      %parallel_loop3A_1170 = arith.remsi %parallel_loop3A_1152, %parallel_loop3A_1153 : i32
      %parallel_loop3A_1171 = arith.constant 0 : i32
      %parallel_loop3A_1172 = arith.cmpi ne, %parallel_loop3A_1170, %parallel_loop3A_1171 : i32
      %parallel_loop3A_1173 = arith.andi %parallel_loop3A_1169, %parallel_loop3A_1172 : i1
      %parallel_loop3A_1174 = arith.constant 1 : i32
      %parallel_loop3A_1175 = arith.subi %parallel_loop3A_1154, %parallel_loop3A_1174 : i32
      %parallel_loop3A_1176 = arith.select %parallel_loop3A_1173, %parallel_loop3A_1175, %parallel_loop3A_1154 : i32
      %parallel_loop3A_1177 = arith.constant 64 : i32
      %parallel_loop3A_1178 = arith.constant 0 : i32
      %parallel_loop3A_1179 = arith.cmpi eq, %parallel_loop3A_1177, %parallel_loop3A_1178 : i32
      %parallel_loop3A_1180 = arith.constant 1 : i32
      %parallel_loop3A_1181 = arith.select %parallel_loop3A_1179, %parallel_loop3A_1180, %parallel_loop3A_1177 : i32
      %parallel_loop3A_1182 = arith.remsi %parallel_loop3A_1152, %parallel_loop3A_1181 : i32
      %parallel_loop3A_1183 = arith.constant 0 : i32
      %parallel_loop3A_1184 = arith.cmpi ne, %parallel_loop3A_1182, %parallel_loop3A_1183 : i32
      %parallel_loop3A_1185 = arith.constant 0 : i32
      %parallel_loop3A_1186 = arith.cmpi slt, %parallel_loop3A_1182, %parallel_loop3A_1185 : i32
      %parallel_loop3A_1187 = arith.constant 0 : i32
      %parallel_loop3A_1188 = arith.cmpi slt, %parallel_loop3A_1181, %parallel_loop3A_1187 : i32
      %parallel_loop3A_1189 = arith.xori %parallel_loop3A_1186, %parallel_loop3A_1188 : i1
      %parallel_loop3A_1190 = arith.andi %parallel_loop3A_1189, %parallel_loop3A_1184 : i1
      %parallel_loop3A_1191 = arith.addi %parallel_loop3A_1182, %parallel_loop3A_1181 : i32
      %parallel_loop3A_1192 = arith.select %parallel_loop3A_1190, %parallel_loop3A_1191, %parallel_loop3A_1182 : i32
      %parallel_loop3A_1193 = arith.constant 16 : i32
      %parallel_loop3A_1194 = arith.muli %parallel_loop3A_1192, %parallel_loop3A_1193 : i32
      %parallel_loop3A_1195 = arith.index_cast %parallel_loop3A_1176 : i32 to index
      %parallel_loop3A_1196 = arith.index_cast %parallel_loop3A_1194 : i32 to index
      %parallel_loop3A_1197 = tpu.vector_load %arg9[%parallel_loop3A_1195, %parallel_loop3A_1196] {strides = array<i32>} : memref<16x1024xf32, #tpu.memory_space<vmem>>, vector<1x16xf32>,
      %parallel_loop3A_1198 = vector.shape_cast %parallel_loop3A_1197 : vector<1x16xf32> to vector<16xf32>
      %parallel_loop3A_1199 = arith.index_cast %parallel_loop3A_1176 : i32 to index
      %parallel_loop3A_1200 = arith.index_cast %parallel_loop3A_1194 : i32 to index
      %parallel_loop3A_1201 = tpu.vector_load %arg5[%parallel_loop3A_1199, %parallel_loop3A_1200] {strides = array<i32>} : memref<16x1024xf32, #tpu.memory_space<vmem>>, vector<1x16xf32>,
      %parallel_loop3A_1202 = vector.shape_cast %parallel_loop3A_1201 : vector<1x16xf32> to vector<16xf32>
      %parallel_loop3A_1203 = vector.shape_cast %parallel_loop3A_1198 : vector<16xf32> to vector<1x16xf32>
      tpu.vector_store %arg5[%parallel_loop3A_1199, %parallel_loop3A_1200], %parallel_loop3A_1203 {add = true, strides = array<i32>} : memref<16x1024xf32, #tpu.memory_space<vmem>>, vector<1x16xf32>,
      %parallel_loop3A_1204 = arith.index_cast %parallel_loop3A_1176 : i32 to index
      %parallel_loop3A_1205 = arith.index_cast %parallel_loop3A_1194 : i32 to index
      %parallel_loop3A_1206 = tpu.vector_load %arg6[%parallel_loop3A_1204, %parallel_loop3A_1205] {strides = array<i32>} : memref<16x1024xf32, #tpu.memory_space<vmem>>, vector<1x16xf32>,
      %parallel_loop3A_1207 = vector.shape_cast %parallel_loop3A_1206 : vector<1x16xf32> to vector<16xf32>
      %parallel_loop3A_1208 = vector.shape_cast %parallel_loop3A_1198 : vector<16xf32> to vector<1x16xf32>
      tpu.vector_store %arg6[%parallel_loop3A_1204, %parallel_loop3A_1205], %parallel_loop3A_1208 {add = true, strides = array<i32>} : memref<16x1024xf32, #tpu.memory_space<vmem>>, vector<1x16xf32>,
    } {sc.loop_unroll_factor = 8 : i64, sc.parallel_access}
    %add3A_645 = arith.constant 64 : i32
    %add3A_646 = arith.addi %mul3A_2, %add3A_645 : i32
    %dma_start3A_647 = arith.constant 0 : i32
    %dma_start3A_648 = arith.constant 0 : i32
    %dma_start3A_649 = tpu.memref_slice %arg4[%dma_start3A_647, %add3A_646, %dma_start3A_648] : memref<4x4096x1024xf32, #tpu.memory_space<hbm>> -> memref<1x16x1024xf32, #tpu.memory_space<hbm>>
    %dma_start3A_650 = tpu.memref_squeeze %dma_start3A_649 : memref<1x16x1024xf32, #tpu.memory_space<hbm>> -> memref<16x1024xf32, #tpu.memory_space<hbm>>
    %dma_start3A_651 = arith.constant 0 : i32
    %dma_start3A_652 = tpu.memref_slice %arg4[%dma_start3A_647, %add3A_646, %dma_start3A_651] : memref<4x4096x1024xf32, #tpu.memory_space<hbm>> -> memref<1x16x1024xf32, #tpu.memory_space<hbm>>
    %dma_start3A_653 = tpu.memref_squeeze %dma_start3A_652 : memref<1x16x1024xf32, #tpu.memory_space<hbm>> -> memref<16x1024xf32, #tpu.memory_space<hbm>>
    tpu.enqueue_dma source(%arg5 : memref<16x1024xf32, #tpu.memory_space<vmem>>) target(%dma_start3A_653 : memref<16x1024xf32, #tpu.memory_space<hbm>>) target_semaphore(%arg15 : memref<!tpu.dma_semaphore, #tpu.memory_space<semaphore_mem>>)
    %add3A_654 = arith.constant 64 : i32
    %add3A_655 = arith.addi %mul3A_2, %add3A_654 : i32
    %dma_start3A_656 = arith.constant 1 : i32
    %dma_start3A_657 = arith.constant 0 : i32
    %dma_start3A_658 = tpu.memref_slice %arg4[%dma_start3A_656, %add3A_655, %dma_start3A_657] : memref<4x4096x1024xf32, #tpu.memory_space<hbm>> -> memref<1x16x1024xf32, #tpu.memory_space<hbm>>
    %dma_start3A_659 = tpu.memref_squeeze %dma_start3A_658 : memref<1x16x1024xf32, #tpu.memory_space<hbm>> -> memref<16x1024xf32, #tpu.memory_space<hbm>>
    %dma_start3A_660 = arith.constant 0 : i32
    %dma_start3A_661 = tpu.memref_slice %arg4[%dma_start3A_656, %add3A_655, %dma_start3A_660] : memref<4x4096x1024xf32, #tpu.memory_space<hbm>> -> memref<1x16x1024xf32, #tpu.memory_space<hbm>>
    %dma_start3A_662 = tpu.memref_squeeze %dma_start3A_661 : memref<1x16x1024xf32, #tpu.memory_space<hbm>> -> memref<16x1024xf32, #tpu.memory_space<hbm>>
    tpu.enqueue_dma source(%arg6 : memref<16x1024xf32, #tpu.memory_space<vmem>>) target(%dma_start3A_662 : memref<16x1024xf32, #tpu.memory_space<hbm>>) target_semaphore(%arg16 : memref<!tpu.dma_semaphore, #tpu.memory_space<semaphore_mem>>)
    %dma_wait3A_663 = arith.constant 0 : i32
    %dma_wait3A_664 = arith.constant 0 : i32
    %dma_wait3A_665 = tpu.memref_slice %arg4[%dma_wait3A_663, %add3A_646, %dma_wait3A_664] : memref<4x4096x1024xf32, #tpu.memory_space<hbm>> -> memref<1x16x1024xf32, #tpu.memory_space<hbm>>
    %dma_wait3A_666 = tpu.memref_squeeze %dma_wait3A_665 : memref<1x16x1024xf32, #tpu.memory_space<hbm>> -> memref<16x1024xf32, #tpu.memory_space<hbm>>
    %dma_wait3A_667 = arith.constant 0 : i32
    %dma_wait3A_668 = tpu.memref_slice %arg4[%dma_wait3A_663, %add3A_646, %dma_wait3A_667] : memref<4x4096x1024xf32, #tpu.memory_space<hbm>> -> memref<1x16x1024xf32, #tpu.memory_space<hbm>>
    %dma_wait3A_669 = tpu.memref_squeeze %dma_wait3A_668 : memref<1x16x1024xf32, #tpu.memory_space<hbm>> -> memref<16x1024xf32, #tpu.memory_space<hbm>>
    tpu.wait_dma2 semaphore(%arg15 : memref<!tpu.dma_semaphore, #tpu.memory_space<semaphore_mem>>) src(%arg5 : memref<16x1024xf32, #tpu.memory_space<vmem>>) dst(%dma_wait3A_669 : memref<16x1024xf32, #tpu.memory_space<hbm>>)
    %add3A_670 = arith.constant 80 : i32
    %add3A_671 = arith.addi %mul3A_2, %add3A_670 : i32
    %dma_start3A_672 = arith.constant 0 : i32
    %dma_start3A_673 = arith.constant 0 : i32
    %dma_start3A_674 = tpu.memref_slice %arg2[%dma_start3A_672, %add3A_671, %dma_start3A_673] : memref<4x4096x1024xf32, #tpu.memory_space<hbm>> -> memref<1x16x1024xf32, #tpu.memory_space<hbm>>
    %dma_start3A_675 = tpu.memref_squeeze %dma_start3A_674 : memref<1x16x1024xf32, #tpu.memory_space<hbm>> -> memref<16x1024xf32, #tpu.memory_space<hbm>>
    %dma_start3A_676 = arith.constant 0 : i32
    %dma_start3A_677 = tpu.memref_slice %arg2[%dma_start3A_672, %add3A_671, %dma_start3A_676] : memref<4x4096x1024xf32, #tpu.memory_space<hbm>> -> memref<1x16x1024xf32, #tpu.memory_space<hbm>>
    %dma_start3A_678 = tpu.memref_squeeze %dma_start3A_677 : memref<1x16x1024xf32, #tpu.memory_space<hbm>> -> memref<16x1024xf32, #tpu.memory_space<hbm>>
    tpu.enqueue_dma source(%dma_start3A_678 : memref<16x1024xf32, #tpu.memory_space<hbm>>) target(%arg5 : memref<16x1024xf32, #tpu.memory_space<vmem>>) target_semaphore(%arg11 : memref<!tpu.dma_semaphore, #tpu.memory_space<semaphore_mem>>)
    %dma_wait3A_679 = arith.constant 1 : i32
    %dma_wait3A_680 = arith.constant 0 : i32
    %dma_wait3A_681 = tpu.memref_slice %arg4[%dma_wait3A_679, %add3A_655, %dma_wait3A_680] : memref<4x4096x1024xf32, #tpu.memory_space<hbm>> -> memref<1x16x1024xf32, #tpu.memory_space<hbm>>
    %dma_wait3A_682 = tpu.memref_squeeze %dma_wait3A_681 : memref<1x16x1024xf32, #tpu.memory_space<hbm>> -> memref<16x1024xf32, #tpu.memory_space<hbm>>
    %dma_wait3A_683 = arith.constant 0 : i32
    %dma_wait3A_684 = tpu.memref_slice %arg4[%dma_wait3A_679, %add3A_655, %dma_wait3A_683] : memref<4x4096x1024xf32, #tpu.memory_space<hbm>> -> memref<1x16x1024xf32, #tpu.memory_space<hbm>>
    %dma_wait3A_685 = tpu.memref_squeeze %dma_wait3A_684 : memref<1x16x1024xf32, #tpu.memory_space<hbm>> -> memref<16x1024xf32, #tpu.memory_space<hbm>>
    tpu.wait_dma2 semaphore(%arg16 : memref<!tpu.dma_semaphore, #tpu.memory_space<semaphore_mem>>) src(%arg6 : memref<16x1024xf32, #tpu.memory_space<vmem>>) dst(%dma_wait3A_685 : memref<16x1024xf32, #tpu.memory_space<hbm>>)
    %add3A_686 = arith.constant 80 : i32
    %add3A_687 = arith.addi %mul3A_2, %add3A_686 : i32
    %dma_start3A_688 = arith.constant 1 : i32
    %dma_start3A_689 = arith.constant 0 : i32
    %dma_start3A_690 = tpu.memref_slice %arg2[%dma_start3A_688, %add3A_687, %dma_start3A_689] : memref<4x4096x1024xf32, #tpu.memory_space<hbm>> -> memref<1x16x1024xf32, #tpu.memory_space<hbm>>
    %dma_start3A_691 = tpu.memref_squeeze %dma_start3A_690 : memref<1x16x1024xf32, #tpu.memory_space<hbm>> -> memref<16x1024xf32, #tpu.memory_space<hbm>>
    %dma_start3A_692 = arith.constant 0 : i32
    %dma_start3A_693 = tpu.memref_slice %arg2[%dma_start3A_688, %add3A_687, %dma_start3A_692] : memref<4x4096x1024xf32, #tpu.memory_space<hbm>> -> memref<1x16x1024xf32, #tpu.memory_space<hbm>>
    %dma_start3A_694 = tpu.memref_squeeze %dma_start3A_693 : memref<1x16x1024xf32, #tpu.memory_space<hbm>> -> memref<16x1024xf32, #tpu.memory_space<hbm>>
    tpu.enqueue_dma source(%dma_start3A_694 : memref<16x1024xf32, #tpu.memory_space<hbm>>) target(%arg6 : memref<16x1024xf32, #tpu.memory_space<vmem>>) target_semaphore(%arg12 : memref<!tpu.dma_semaphore, #tpu.memory_space<semaphore_mem>>)
    %dma_wait3A_695 = arith.constant 2 : i32
    %dma_wait3A_696 = arith.constant 0 : i32
    %dma_wait3A_697 = tpu.memref_slice %arg2[%dma_wait3A_695, %add3A_604, %dma_wait3A_696] : memref<4x4096x1024xf32, #tpu.memory_space<hbm>> -> memref<1x16x1024xf32, #tpu.memory_space<hbm>>
    %dma_wait3A_698 = tpu.memref_squeeze %dma_wait3A_697 : memref<1x16x1024xf32, #tpu.memory_space<hbm>> -> memref<16x1024xf32, #tpu.memory_space<hbm>>
    %dma_wait3A_699 = arith.constant 0 : i32
    %dma_wait3A_700 = tpu.memref_slice %arg2[%dma_wait3A_695, %add3A_604, %dma_wait3A_699] : memref<4x4096x1024xf32, #tpu.memory_space<hbm>> -> memref<1x16x1024xf32, #tpu.memory_space<hbm>>
    %dma_wait3A_701 = tpu.memref_squeeze %dma_wait3A_700 : memref<1x16x1024xf32, #tpu.memory_space<hbm>> -> memref<16x1024xf32, #tpu.memory_space<hbm>>
    tpu.wait_dma2 semaphore(%arg13 : memref<!tpu.dma_semaphore, #tpu.memory_space<semaphore_mem>>) src(%dma_wait3A_701 : memref<16x1024xf32, #tpu.memory_space<hbm>>) dst(%arg7 : memref<16x1024xf32, #tpu.memory_space<vmem>>)
    %dma_wait3A_702 = arith.constant 3 : i32
    %dma_wait3A_703 = arith.constant 0 : i32
    %dma_wait3A_704 = tpu.memref_slice %arg2[%dma_wait3A_702, %add3A_620, %dma_wait3A_703] : memref<4x4096x1024xf32, #tpu.memory_space<hbm>> -> memref<1x16x1024xf32, #tpu.memory_space<hbm>>
    %dma_wait3A_705 = tpu.memref_squeeze %dma_wait3A_704 : memref<1x16x1024xf32, #tpu.memory_space<hbm>> -> memref<16x1024xf32, #tpu.memory_space<hbm>>
    %dma_wait3A_706 = arith.constant 0 : i32
    %dma_wait3A_707 = tpu.memref_slice %arg2[%dma_wait3A_702, %add3A_620, %dma_wait3A_706] : memref<4x4096x1024xf32, #tpu.memory_space<hbm>> -> memref<1x16x1024xf32, #tpu.memory_space<hbm>>
    %dma_wait3A_708 = tpu.memref_squeeze %dma_wait3A_707 : memref<1x16x1024xf32, #tpu.memory_space<hbm>> -> memref<16x1024xf32, #tpu.memory_space<hbm>>
    tpu.wait_dma2 semaphore(%arg14 : memref<!tpu.dma_semaphore, #tpu.memory_space<semaphore_mem>>) src(%dma_wait3A_708 : memref<16x1024xf32, #tpu.memory_space<hbm>>) dst(%arg8 : memref<16x1024xf32, #tpu.memory_space<vmem>>)
    %parallel_loop3A_709 = arith.constant 0 : i32
    %parallel_loop3A_710 = arith.constant 1024 : i32
    %parallel_loop3A_711 = arith.constant 1 : i32
    scf.for %parallel_loop3A_1152 = %parallel_loop3A_709 to %parallel_loop3A_710 step %parallel_loop3A_711  : i32 {
      %parallel_loop3A_1153 = arith.constant 64 : i32
      %parallel_loop3A_1154 = arith.divsi %parallel_loop3A_1152, %parallel_loop3A_1153 : i32
      %parallel_loop3A_1155 = arith.constant 0 : i32
      %parallel_loop3A_1156 = arith.cmpi sgt, %parallel_loop3A_1152, %parallel_loop3A_1155 : i32
      %parallel_loop3A_1157 = arith.extui %parallel_loop3A_1156 : i1 to i32
      %parallel_loop3A_1158 = arith.constant 0 : i32
      %parallel_loop3A_1159 = arith.cmpi slt, %parallel_loop3A_1152, %parallel_loop3A_1158 : i32
      %parallel_loop3A_1160 = arith.extui %parallel_loop3A_1159 : i1 to i32
      %parallel_loop3A_1161 = arith.subi %parallel_loop3A_1157, %parallel_loop3A_1160 : i32
      %parallel_loop3A_1162 = arith.constant 0 : i32
      %parallel_loop3A_1163 = arith.cmpi sgt, %parallel_loop3A_1153, %parallel_loop3A_1162 : i32
      %parallel_loop3A_1164 = arith.extui %parallel_loop3A_1163 : i1 to i32
      %parallel_loop3A_1165 = arith.constant 0 : i32
      %parallel_loop3A_1166 = arith.cmpi slt, %parallel_loop3A_1153, %parallel_loop3A_1165 : i32
      %parallel_loop3A_1167 = arith.extui %parallel_loop3A_1166 : i1 to i32
      %parallel_loop3A_1168 = arith.subi %parallel_loop3A_1164, %parallel_loop3A_1167 : i32
      %parallel_loop3A_1169 = arith.cmpi ne, %parallel_loop3A_1161, %parallel_loop3A_1168 : i32
      %parallel_loop3A_1170 = arith.remsi %parallel_loop3A_1152, %parallel_loop3A_1153 : i32
      %parallel_loop3A_1171 = arith.constant 0 : i32
      %parallel_loop3A_1172 = arith.cmpi ne, %parallel_loop3A_1170, %parallel_loop3A_1171 : i32
      %parallel_loop3A_1173 = arith.andi %parallel_loop3A_1169, %parallel_loop3A_1172 : i1
      %parallel_loop3A_1174 = arith.constant 1 : i32
      %parallel_loop3A_1175 = arith.subi %parallel_loop3A_1154, %parallel_loop3A_1174 : i32
      %parallel_loop3A_1176 = arith.select %parallel_loop3A_1173, %parallel_loop3A_1175, %parallel_loop3A_1154 : i32
      %parallel_loop3A_1177 = arith.constant 64 : i32
      %parallel_loop3A_1178 = arith.constant 0 : i32
      %parallel_loop3A_1179 = arith.cmpi eq, %parallel_loop3A_1177, %parallel_loop3A_1178 : i32
      %parallel_loop3A_1180 = arith.constant 1 : i32
      %parallel_loop3A_1181 = arith.select %parallel_loop3A_1179, %parallel_loop3A_1180, %parallel_loop3A_1177 : i32
      %parallel_loop3A_1182 = arith.remsi %parallel_loop3A_1152, %parallel_loop3A_1181 : i32
      %parallel_loop3A_1183 = arith.constant 0 : i32
      %parallel_loop3A_1184 = arith.cmpi ne, %parallel_loop3A_1182, %parallel_loop3A_1183 : i32
      %parallel_loop3A_1185 = arith.constant 0 : i32
      %parallel_loop3A_1186 = arith.cmpi slt, %parallel_loop3A_1182, %parallel_loop3A_1185 : i32
      %parallel_loop3A_1187 = arith.constant 0 : i32
      %parallel_loop3A_1188 = arith.cmpi slt, %parallel_loop3A_1181, %parallel_loop3A_1187 : i32
      %parallel_loop3A_1189 = arith.xori %parallel_loop3A_1186, %parallel_loop3A_1188 : i1
      %parallel_loop3A_1190 = arith.andi %parallel_loop3A_1189, %parallel_loop3A_1184 : i1
      %parallel_loop3A_1191 = arith.addi %parallel_loop3A_1182, %parallel_loop3A_1181 : i32
      %parallel_loop3A_1192 = arith.select %parallel_loop3A_1190, %parallel_loop3A_1191, %parallel_loop3A_1182 : i32
      %parallel_loop3A_1193 = arith.constant 16 : i32
      %parallel_loop3A_1194 = arith.muli %parallel_loop3A_1192, %parallel_loop3A_1193 : i32
      %parallel_loop3A_1195 = arith.index_cast %parallel_loop3A_1176 : i32 to index
      %parallel_loop3A_1196 = arith.index_cast %parallel_loop3A_1194 : i32 to index
      %parallel_loop3A_1197 = tpu.vector_load %arg9[%parallel_loop3A_1195, %parallel_loop3A_1196] {strides = array<i32>} : memref<16x1024xf32, #tpu.memory_space<vmem>>, vector<1x16xf32>,
      %parallel_loop3A_1198 = vector.shape_cast %parallel_loop3A_1197 : vector<1x16xf32> to vector<16xf32>
      %parallel_loop3A_1199 = arith.index_cast %parallel_loop3A_1176 : i32 to index
      %parallel_loop3A_1200 = arith.index_cast %parallel_loop3A_1194 : i32 to index
      %parallel_loop3A_1201 = tpu.vector_load %arg7[%parallel_loop3A_1199, %parallel_loop3A_1200] {strides = array<i32>} : memref<16x1024xf32, #tpu.memory_space<vmem>>, vector<1x16xf32>,
      %parallel_loop3A_1202 = vector.shape_cast %parallel_loop3A_1201 : vector<1x16xf32> to vector<16xf32>
      %parallel_loop3A_1203 = vector.shape_cast %parallel_loop3A_1198 : vector<16xf32> to vector<1x16xf32>
      tpu.vector_store %arg7[%parallel_loop3A_1199, %parallel_loop3A_1200], %parallel_loop3A_1203 {add = true, strides = array<i32>} : memref<16x1024xf32, #tpu.memory_space<vmem>>, vector<1x16xf32>,
      %parallel_loop3A_1204 = arith.index_cast %parallel_loop3A_1176 : i32 to index
      %parallel_loop3A_1205 = arith.index_cast %parallel_loop3A_1194 : i32 to index
      %parallel_loop3A_1206 = tpu.vector_load %arg8[%parallel_loop3A_1204, %parallel_loop3A_1205] {strides = array<i32>} : memref<16x1024xf32, #tpu.memory_space<vmem>>, vector<1x16xf32>,
      %parallel_loop3A_1207 = vector.shape_cast %parallel_loop3A_1206 : vector<1x16xf32> to vector<16xf32>
      %parallel_loop3A_1208 = vector.shape_cast %parallel_loop3A_1198 : vector<16xf32> to vector<1x16xf32>
      tpu.vector_store %arg8[%parallel_loop3A_1204, %parallel_loop3A_1205], %parallel_loop3A_1208 {add = true, strides = array<i32>} : memref<16x1024xf32, #tpu.memory_space<vmem>>, vector<1x16xf32>,
    } {sc.loop_unroll_factor = 8 : i64, sc.parallel_access}
    %add3A_712 = arith.constant 64 : i32
    %add3A_713 = arith.addi %mul3A_2, %add3A_712 : i32
    %dma_start3A_714 = arith.constant 2 : i32
    %dma_start3A_715 = arith.constant 0 : i32
    %dma_start3A_716 = tpu.memref_slice %arg4[%dma_start3A_714, %add3A_713, %dma_start3A_715] : memref<4x4096x1024xf32, #tpu.memory_space<hbm>> -> memref<1x16x1024xf32, #tpu.memory_space<hbm>>
    %dma_start3A_717 = tpu.memref_squeeze %dma_start3A_716 : memref<1x16x1024xf32, #tpu.memory_space<hbm>> -> memref<16x1024xf32, #tpu.memory_space<hbm>>
    %dma_start3A_718 = arith.constant 0 : i32
    %dma_start3A_719 = tpu.memref_slice %arg4[%dma_start3A_714, %add3A_713, %dma_start3A_718] : memref<4x4096x1024xf32, #tpu.memory_space<hbm>> -> memref<1x16x1024xf32, #tpu.memory_space<hbm>>
    %dma_start3A_720 = tpu.memref_squeeze %dma_start3A_719 : memref<1x16x1024xf32, #tpu.memory_space<hbm>> -> memref<16x1024xf32, #tpu.memory_space<hbm>>
    tpu.enqueue_dma source(%arg7 : memref<16x1024xf32, #tpu.memory_space<vmem>>) target(%dma_start3A_720 : memref<16x1024xf32, #tpu.memory_space<hbm>>) target_semaphore(%arg17 : memref<!tpu.dma_semaphore, #tpu.memory_space<semaphore_mem>>)
    %add3A_721 = arith.constant 64 : i32
    %add3A_722 = arith.addi %mul3A_2, %add3A_721 : i32
    %dma_start3A_723 = arith.constant 3 : i32
    %dma_start3A_724 = arith.constant 0 : i32
    %dma_start3A_725 = tpu.memref_slice %arg4[%dma_start3A_723, %add3A_722, %dma_start3A_724] : memref<4x4096x1024xf32, #tpu.memory_space<hbm>> -> memref<1x16x1024xf32, #tpu.memory_space<hbm>>
    %dma_start3A_726 = tpu.memref_squeeze %dma_start3A_725 : memref<1x16x1024xf32, #tpu.memory_space<hbm>> -> memref<16x1024xf32, #tpu.memory_space<hbm>>
    %dma_start3A_727 = arith.constant 0 : i32
    %dma_start3A_728 = tpu.memref_slice %arg4[%dma_start3A_723, %add3A_722, %dma_start3A_727] : memref<4x4096x1024xf32, #tpu.memory_space<hbm>> -> memref<1x16x1024xf32, #tpu.memory_space<hbm>>
    %dma_start3A_729 = tpu.memref_squeeze %dma_start3A_728 : memref<1x16x1024xf32, #tpu.memory_space<hbm>> -> memref<16x1024xf32, #tpu.memory_space<hbm>>
    tpu.enqueue_dma source(%arg8 : memref<16x1024xf32, #tpu.memory_space<vmem>>) target(%dma_start3A_729 : memref<16x1024xf32, #tpu.memory_space<hbm>>) target_semaphore(%arg18 : memref<!tpu.dma_semaphore, #tpu.memory_space<semaphore_mem>>)
    %dma_wait3A_730 = arith.constant 0 : i32
    %dma_wait3A_731 = tpu.memref_slice %arg3[%add3A_591, %dma_wait3A_730] : memref<4096x1024xf32, #tpu.memory_space<hbm>> -> memref<16x1024xf32, #tpu.memory_space<hbm>>
    %dma_wait3A_732 = arith.constant 0 : i32
    %dma_wait3A_733 = tpu.memref_slice %arg3[%add3A_591, %dma_wait3A_732] : memref<4096x1024xf32, #tpu.memory_space<hbm>> -> memref<16x1024xf32, #tpu.memory_space<hbm>>
    tpu.wait_dma2 semaphore(%arg20 : memref<!tpu.dma_semaphore, #tpu.memory_space<semaphore_mem>>) src(%dma_wait3A_733 : memref<16x1024xf32, #tpu.memory_space<hbm>>) dst(%arg10 : memref<16x1024xf32, #tpu.memory_space<vmem>>)
    %add3A_734 = arith.constant 96 : i32
    %add3A_735 = arith.addi %mul3A_2, %add3A_734 : i32
    %dma_start3A_736 = arith.constant 0 : i32
    %dma_start3A_737 = tpu.memref_slice %arg3[%add3A_735, %dma_start3A_736] : memref<4096x1024xf32, #tpu.memory_space<hbm>> -> memref<16x1024xf32, #tpu.memory_space<hbm>>
    %dma_start3A_738 = arith.constant 0 : i32
    %dma_start3A_739 = tpu.memref_slice %arg3[%add3A_735, %dma_start3A_738] : memref<4096x1024xf32, #tpu.memory_space<hbm>> -> memref<16x1024xf32, #tpu.memory_space<hbm>>
    tpu.enqueue_dma source(%dma_start3A_739 : memref<16x1024xf32, #tpu.memory_space<hbm>>) target(%arg9 : memref<16x1024xf32, #tpu.memory_space<vmem>>) target_semaphore(%arg19 : memref<!tpu.dma_semaphore, #tpu.memory_space<semaphore_mem>>)
    %dma_wait3A_740 = arith.constant 2 : i32
    %dma_wait3A_741 = arith.constant 0 : i32
    %dma_wait3A_742 = tpu.memref_slice %arg4[%dma_wait3A_740, %add3A_713, %dma_wait3A_741] : memref<4x4096x1024xf32, #tpu.memory_space<hbm>> -> memref<1x16x1024xf32, #tpu.memory_space<hbm>>
    %dma_wait3A_743 = tpu.memref_squeeze %dma_wait3A_742 : memref<1x16x1024xf32, #tpu.memory_space<hbm>> -> memref<16x1024xf32, #tpu.memory_space<hbm>>
    %dma_wait3A_744 = arith.constant 0 : i32
    %dma_wait3A_745 = tpu.memref_slice %arg4[%dma_wait3A_740, %add3A_713, %dma_wait3A_744] : memref<4x4096x1024xf32, #tpu.memory_space<hbm>> -> memref<1x16x1024xf32, #tpu.memory_space<hbm>>
    %dma_wait3A_746 = tpu.memref_squeeze %dma_wait3A_745 : memref<1x16x1024xf32, #tpu.memory_space<hbm>> -> memref<16x1024xf32, #tpu.memory_space<hbm>>
    tpu.wait_dma2 semaphore(%arg17 : memref<!tpu.dma_semaphore, #tpu.memory_space<semaphore_mem>>) src(%arg7 : memref<16x1024xf32, #tpu.memory_space<vmem>>) dst(%dma_wait3A_746 : memref<16x1024xf32, #tpu.memory_space<hbm>>)
    %add3A_747 = arith.constant 80 : i32
    %add3A_748 = arith.addi %mul3A_2, %add3A_747 : i32
    %dma_start3A_749 = arith.constant 2 : i32
    %dma_start3A_750 = arith.constant 0 : i32
    %dma_start3A_751 = tpu.memref_slice %arg2[%dma_start3A_749, %add3A_748, %dma_start3A_750] : memref<4x4096x1024xf32, #tpu.memory_space<hbm>> -> memref<1x16x1024xf32, #tpu.memory_space<hbm>>
    %dma_start3A_752 = tpu.memref_squeeze %dma_start3A_751 : memref<1x16x1024xf32, #tpu.memory_space<hbm>> -> memref<16x1024xf32, #tpu.memory_space<hbm>>
    %dma_start3A_753 = arith.constant 0 : i32
    %dma_start3A_754 = tpu.memref_slice %arg2[%dma_start3A_749, %add3A_748, %dma_start3A_753] : memref<4x4096x1024xf32, #tpu.memory_space<hbm>> -> memref<1x16x1024xf32, #tpu.memory_space<hbm>>
    %dma_start3A_755 = tpu.memref_squeeze %dma_start3A_754 : memref<1x16x1024xf32, #tpu.memory_space<hbm>> -> memref<16x1024xf32, #tpu.memory_space<hbm>>
    tpu.enqueue_dma source(%dma_start3A_755 : memref<16x1024xf32, #tpu.memory_space<hbm>>) target(%arg7 : memref<16x1024xf32, #tpu.memory_space<vmem>>) target_semaphore(%arg13 : memref<!tpu.dma_semaphore, #tpu.memory_space<semaphore_mem>>)
    %dma_wait3A_756 = arith.constant 3 : i32
    %dma_wait3A_757 = arith.constant 0 : i32
    %dma_wait3A_758 = tpu.memref_slice %arg4[%dma_wait3A_756, %add3A_722, %dma_wait3A_757] : memref<4x4096x1024xf32, #tpu.memory_space<hbm>> -> memref<1x16x1024xf32, #tpu.memory_space<hbm>>
    %dma_wait3A_759 = tpu.memref_squeeze %dma_wait3A_758 : memref<1x16x1024xf32, #tpu.memory_space<hbm>> -> memref<16x1024xf32, #tpu.memory_space<hbm>>
    %dma_wait3A_760 = arith.constant 0 : i32
    %dma_wait3A_761 = tpu.memref_slice %arg4[%dma_wait3A_756, %add3A_722, %dma_wait3A_760] : memref<4x4096x1024xf32, #tpu.memory_space<hbm>> -> memref<1x16x1024xf32, #tpu.memory_space<hbm>>
    %dma_wait3A_762 = tpu.memref_squeeze %dma_wait3A_761 : memref<1x16x1024xf32, #tpu.memory_space<hbm>> -> memref<16x1024xf32, #tpu.memory_space<hbm>>
    tpu.wait_dma2 semaphore(%arg18 : memref<!tpu.dma_semaphore, #tpu.memory_space<semaphore_mem>>) src(%arg8 : memref<16x1024xf32, #tpu.memory_space<vmem>>) dst(%dma_wait3A_762 : memref<16x1024xf32, #tpu.memory_space<hbm>>)
    %add3A_763 = arith.constant 80 : i32
    %add3A_764 = arith.addi %mul3A_2, %add3A_763 : i32
    %dma_start3A_765 = arith.constant 3 : i32
    %dma_start3A_766 = arith.constant 0 : i32
    %dma_start3A_767 = tpu.memref_slice %arg2[%dma_start3A_765, %add3A_764, %dma_start3A_766] : memref<4x4096x1024xf32, #tpu.memory_space<hbm>> -> memref<1x16x1024xf32, #tpu.memory_space<hbm>>
    %dma_start3A_768 = tpu.memref_squeeze %dma_start3A_767 : memref<1x16x1024xf32, #tpu.memory_space<hbm>> -> memref<16x1024xf32, #tpu.memory_space<hbm>>
    %dma_start3A_769 = arith.constant 0 : i32
    %dma_start3A_770 = tpu.memref_slice %arg2[%dma_start3A_765, %add3A_764, %dma_start3A_769] : memref<4x4096x1024xf32, #tpu.memory_space<hbm>> -> memref<1x16x1024xf32, #tpu.memory_space<hbm>>
    %dma_start3A_771 = tpu.memref_squeeze %dma_start3A_770 : memref<1x16x1024xf32, #tpu.memory_space<hbm>> -> memref<16x1024xf32, #tpu.memory_space<hbm>>
    tpu.enqueue_dma source(%dma_start3A_771 : memref<16x1024xf32, #tpu.memory_space<hbm>>) target(%arg8 : memref<16x1024xf32, #tpu.memory_space<vmem>>) target_semaphore(%arg14 : memref<!tpu.dma_semaphore, #tpu.memory_space<semaphore_mem>>)
    %dma_wait3A_772 = arith.constant 0 : i32
    %dma_wait3A_773 = arith.constant 0 : i32
    %dma_wait3A_774 = tpu.memref_slice %arg2[%dma_wait3A_772, %add3A_671, %dma_wait3A_773] : memref<4x4096x1024xf32, #tpu.memory_space<hbm>> -> memref<1x16x1024xf32, #tpu.memory_space<hbm>>
    %dma_wait3A_775 = tpu.memref_squeeze %dma_wait3A_774 : memref<1x16x1024xf32, #tpu.memory_space<hbm>> -> memref<16x1024xf32, #tpu.memory_space<hbm>>
    %dma_wait3A_776 = arith.constant 0 : i32
    %dma_wait3A_777 = tpu.memref_slice %arg2[%dma_wait3A_772, %add3A_671, %dma_wait3A_776] : memref<4x4096x1024xf32, #tpu.memory_space<hbm>> -> memref<1x16x1024xf32, #tpu.memory_space<hbm>>
    %dma_wait3A_778 = tpu.memref_squeeze %dma_wait3A_777 : memref<1x16x1024xf32, #tpu.memory_space<hbm>> -> memref<16x1024xf32, #tpu.memory_space<hbm>>
    tpu.wait_dma2 semaphore(%arg11 : memref<!tpu.dma_semaphore, #tpu.memory_space<semaphore_mem>>) src(%dma_wait3A_778 : memref<16x1024xf32, #tpu.memory_space<hbm>>) dst(%arg5 : memref<16x1024xf32, #tpu.memory_space<vmem>>)
    %dma_wait3A_779 = arith.constant 1 : i32
    %dma_wait3A_780 = arith.constant 0 : i32
    %dma_wait3A_781 = tpu.memref_slice %arg2[%dma_wait3A_779, %add3A_687, %dma_wait3A_780] : memref<4x4096x1024xf32, #tpu.memory_space<hbm>> -> memref<1x16x1024xf32, #tpu.memory_space<hbm>>
    %dma_wait3A_782 = tpu.memref_squeeze %dma_wait3A_781 : memref<1x16x1024xf32, #tpu.memory_space<hbm>> -> memref<16x1024xf32, #tpu.memory_space<hbm>>
    %dma_wait3A_783 = arith.constant 0 : i32
    %dma_wait3A_784 = tpu.memref_slice %arg2[%dma_wait3A_779, %add3A_687, %dma_wait3A_783] : memref<4x4096x1024xf32, #tpu.memory_space<hbm>> -> memref<1x16x1024xf32, #tpu.memory_space<hbm>>
    %dma_wait3A_785 = tpu.memref_squeeze %dma_wait3A_784 : memref<1x16x1024xf32, #tpu.memory_space<hbm>> -> memref<16x1024xf32, #tpu.memory_space<hbm>>
    tpu.wait_dma2 semaphore(%arg12 : memref<!tpu.dma_semaphore, #tpu.memory_space<semaphore_mem>>) src(%dma_wait3A_785 : memref<16x1024xf32, #tpu.memory_space<hbm>>) dst(%arg6 : memref<16x1024xf32, #tpu.memory_space<vmem>>)
    %parallel_loop3A_786 = arith.constant 0 : i32
    %parallel_loop3A_787 = arith.constant 1024 : i32
    %parallel_loop3A_788 = arith.constant 1 : i32
    scf.for %parallel_loop3A_1152 = %parallel_loop3A_786 to %parallel_loop3A_787 step %parallel_loop3A_788  : i32 {
      %parallel_loop3A_1153 = arith.constant 64 : i32
      %parallel_loop3A_1154 = arith.divsi %parallel_loop3A_1152, %parallel_loop3A_1153 : i32
      %parallel_loop3A_1155 = arith.constant 0 : i32
      %parallel_loop3A_1156 = arith.cmpi sgt, %parallel_loop3A_1152, %parallel_loop3A_1155 : i32
      %parallel_loop3A_1157 = arith.extui %parallel_loop3A_1156 : i1 to i32
      %parallel_loop3A_1158 = arith.constant 0 : i32
      %parallel_loop3A_1159 = arith.cmpi slt, %parallel_loop3A_1152, %parallel_loop3A_1158 : i32
      %parallel_loop3A_1160 = arith.extui %parallel_loop3A_1159 : i1 to i32
      %parallel_loop3A_1161 = arith.subi %parallel_loop3A_1157, %parallel_loop3A_1160 : i32
      %parallel_loop3A_1162 = arith.constant 0 : i32
      %parallel_loop3A_1163 = arith.cmpi sgt, %parallel_loop3A_1153, %parallel_loop3A_1162 : i32
      %parallel_loop3A_1164 = arith.extui %parallel_loop3A_1163 : i1 to i32
      %parallel_loop3A_1165 = arith.constant 0 : i32
      %parallel_loop3A_1166 = arith.cmpi slt, %parallel_loop3A_1153, %parallel_loop3A_1165 : i32
      %parallel_loop3A_1167 = arith.extui %parallel_loop3A_1166 : i1 to i32
      %parallel_loop3A_1168 = arith.subi %parallel_loop3A_1164, %parallel_loop3A_1167 : i32
      %parallel_loop3A_1169 = arith.cmpi ne, %parallel_loop3A_1161, %parallel_loop3A_1168 : i32
      %parallel_loop3A_1170 = arith.remsi %parallel_loop3A_1152, %parallel_loop3A_1153 : i32
      %parallel_loop3A_1171 = arith.constant 0 : i32
      %parallel_loop3A_1172 = arith.cmpi ne, %parallel_loop3A_1170, %parallel_loop3A_1171 : i32
      %parallel_loop3A_1173 = arith.andi %parallel_loop3A_1169, %parallel_loop3A_1172 : i1
      %parallel_loop3A_1174 = arith.constant 1 : i32
      %parallel_loop3A_1175 = arith.subi %parallel_loop3A_1154, %parallel_loop3A_1174 : i32
      %parallel_loop3A_1176 = arith.select %parallel_loop3A_1173, %parallel_loop3A_1175, %parallel_loop3A_1154 : i32
      %parallel_loop3A_1177 = arith.constant 64 : i32
      %parallel_loop3A_1178 = arith.constant 0 : i32
      %parallel_loop3A_1179 = arith.cmpi eq, %parallel_loop3A_1177, %parallel_loop3A_1178 : i32
      %parallel_loop3A_1180 = arith.constant 1 : i32
      %parallel_loop3A_1181 = arith.select %parallel_loop3A_1179, %parallel_loop3A_1180, %parallel_loop3A_1177 : i32
      %parallel_loop3A_1182 = arith.remsi %parallel_loop3A_1152, %parallel_loop3A_1181 : i32
      %parallel_loop3A_1183 = arith.constant 0 : i32
      %parallel_loop3A_1184 = arith.cmpi ne, %parallel_loop3A_1182, %parallel_loop3A_1183 : i32
      %parallel_loop3A_1185 = arith.constant 0 : i32
      %parallel_loop3A_1186 = arith.cmpi slt, %parallel_loop3A_1182, %parallel_loop3A_1185 : i32
      %parallel_loop3A_1187 = arith.constant 0 : i32
      %parallel_loop3A_1188 = arith.cmpi slt, %parallel_loop3A_1181, %parallel_loop3A_1187 : i32
      %parallel_loop3A_1189 = arith.xori %parallel_loop3A_1186, %parallel_loop3A_1188 : i1
      %parallel_loop3A_1190 = arith.andi %parallel_loop3A_1189, %parallel_loop3A_1184 : i1
      %parallel_loop3A_1191 = arith.addi %parallel_loop3A_1182, %parallel_loop3A_1181 : i32
      %parallel_loop3A_1192 = arith.select %parallel_loop3A_1190, %parallel_loop3A_1191, %parallel_loop3A_1182 : i32
      %parallel_loop3A_1193 = arith.constant 16 : i32
      %parallel_loop3A_1194 = arith.muli %parallel_loop3A_1192, %parallel_loop3A_1193 : i32
      %parallel_loop3A_1195 = arith.index_cast %parallel_loop3A_1176 : i32 to index
      %parallel_loop3A_1196 = arith.index_cast %parallel_loop3A_1194 : i32 to index
      %parallel_loop3A_1197 = tpu.vector_load %arg10[%parallel_loop3A_1195, %parallel_loop3A_1196] {strides = array<i32>} : memref<16x1024xf32, #tpu.memory_space<vmem>>, vector<1x16xf32>,
      %parallel_loop3A_1198 = vector.shape_cast %parallel_loop3A_1197 : vector<1x16xf32> to vector<16xf32>
      %parallel_loop3A_1199 = arith.index_cast %parallel_loop3A_1176 : i32 to index
      %parallel_loop3A_1200 = arith.index_cast %parallel_loop3A_1194 : i32 to index
      %parallel_loop3A_1201 = tpu.vector_load %arg5[%parallel_loop3A_1199, %parallel_loop3A_1200] {strides = array<i32>} : memref<16x1024xf32, #tpu.memory_space<vmem>>, vector<1x16xf32>,
      %parallel_loop3A_1202 = vector.shape_cast %parallel_loop3A_1201 : vector<1x16xf32> to vector<16xf32>
      %parallel_loop3A_1203 = vector.shape_cast %parallel_loop3A_1198 : vector<16xf32> to vector<1x16xf32>
      tpu.vector_store %arg5[%parallel_loop3A_1199, %parallel_loop3A_1200], %parallel_loop3A_1203 {add = true, strides = array<i32>} : memref<16x1024xf32, #tpu.memory_space<vmem>>, vector<1x16xf32>,
      %parallel_loop3A_1204 = arith.index_cast %parallel_loop3A_1176 : i32 to index
      %parallel_loop3A_1205 = arith.index_cast %parallel_loop3A_1194 : i32 to index
      %parallel_loop3A_1206 = tpu.vector_load %arg6[%parallel_loop3A_1204, %parallel_loop3A_1205] {strides = array<i32>} : memref<16x1024xf32, #tpu.memory_space<vmem>>, vector<1x16xf32>,
      %parallel_loop3A_1207 = vector.shape_cast %parallel_loop3A_1206 : vector<1x16xf32> to vector<16xf32>
      %parallel_loop3A_1208 = vector.shape_cast %parallel_loop3A_1198 : vector<16xf32> to vector<1x16xf32>
      tpu.vector_store %arg6[%parallel_loop3A_1204, %parallel_loop3A_1205], %parallel_loop3A_1208 {add = true, strides = array<i32>} : memref<16x1024xf32, #tpu.memory_space<vmem>>, vector<1x16xf32>,
    } {sc.loop_unroll_factor = 8 : i64, sc.parallel_access}
    %add3A_789 = arith.constant 80 : i32
    %add3A_790 = arith.addi %mul3A_2, %add3A_789 : i32
    %dma_start3A_791 = arith.constant 0 : i32
    %dma_start3A_792 = arith.constant 0 : i32
    %dma_start3A_793 = tpu.memref_slice %arg4[%dma_start3A_791, %add3A_790, %dma_start3A_792] : memref<4x4096x1024xf32, #tpu.memory_space<hbm>> -> memref<1x16x1024xf32, #tpu.memory_space<hbm>>
    %dma_start3A_794 = tpu.memref_squeeze %dma_start3A_793 : memref<1x16x1024xf32, #tpu.memory_space<hbm>> -> memref<16x1024xf32, #tpu.memory_space<hbm>>
    %dma_start3A_795 = arith.constant 0 : i32
    %dma_start3A_796 = tpu.memref_slice %arg4[%dma_start3A_791, %add3A_790, %dma_start3A_795] : memref<4x4096x1024xf32, #tpu.memory_space<hbm>> -> memref<1x16x1024xf32, #tpu.memory_space<hbm>>
    %dma_start3A_797 = tpu.memref_squeeze %dma_start3A_796 : memref<1x16x1024xf32, #tpu.memory_space<hbm>> -> memref<16x1024xf32, #tpu.memory_space<hbm>>
    tpu.enqueue_dma source(%arg5 : memref<16x1024xf32, #tpu.memory_space<vmem>>) target(%dma_start3A_797 : memref<16x1024xf32, #tpu.memory_space<hbm>>) target_semaphore(%arg15 : memref<!tpu.dma_semaphore, #tpu.memory_space<semaphore_mem>>)
    %add3A_798 = arith.constant 80 : i32
    %add3A_799 = arith.addi %mul3A_2, %add3A_798 : i32
    %dma_start3A_800 = arith.constant 1 : i32
    %dma_start3A_801 = arith.constant 0 : i32
    %dma_start3A_802 = tpu.memref_slice %arg4[%dma_start3A_800, %add3A_799, %dma_start3A_801] : memref<4x4096x1024xf32, #tpu.memory_space<hbm>> -> memref<1x16x1024xf32, #tpu.memory_space<hbm>>
    %dma_start3A_803 = tpu.memref_squeeze %dma_start3A_802 : memref<1x16x1024xf32, #tpu.memory_space<hbm>> -> memref<16x1024xf32, #tpu.memory_space<hbm>>
    %dma_start3A_804 = arith.constant 0 : i32
    %dma_start3A_805 = tpu.memref_slice %arg4[%dma_start3A_800, %add3A_799, %dma_start3A_804] : memref<4x4096x1024xf32, #tpu.memory_space<hbm>> -> memref<1x16x1024xf32, #tpu.memory_space<hbm>>
    %dma_start3A_806 = tpu.memref_squeeze %dma_start3A_805 : memref<1x16x1024xf32, #tpu.memory_space<hbm>> -> memref<16x1024xf32, #tpu.memory_space<hbm>>
    tpu.enqueue_dma source(%arg6 : memref<16x1024xf32, #tpu.memory_space<vmem>>) target(%dma_start3A_806 : memref<16x1024xf32, #tpu.memory_space<hbm>>) target_semaphore(%arg16 : memref<!tpu.dma_semaphore, #tpu.memory_space<semaphore_mem>>)
    %dma_wait3A_807 = arith.constant 0 : i32
    %dma_wait3A_808 = arith.constant 0 : i32
    %dma_wait3A_809 = tpu.memref_slice %arg4[%dma_wait3A_807, %add3A_790, %dma_wait3A_808] : memref<4x4096x1024xf32, #tpu.memory_space<hbm>> -> memref<1x16x1024xf32, #tpu.memory_space<hbm>>
    %dma_wait3A_810 = tpu.memref_squeeze %dma_wait3A_809 : memref<1x16x1024xf32, #tpu.memory_space<hbm>> -> memref<16x1024xf32, #tpu.memory_space<hbm>>
    %dma_wait3A_811 = arith.constant 0 : i32
    %dma_wait3A_812 = tpu.memref_slice %arg4[%dma_wait3A_807, %add3A_790, %dma_wait3A_811] : memref<4x4096x1024xf32, #tpu.memory_space<hbm>> -> memref<1x16x1024xf32, #tpu.memory_space<hbm>>
    %dma_wait3A_813 = tpu.memref_squeeze %dma_wait3A_812 : memref<1x16x1024xf32, #tpu.memory_space<hbm>> -> memref<16x1024xf32, #tpu.memory_space<hbm>>
    tpu.wait_dma2 semaphore(%arg15 : memref<!tpu.dma_semaphore, #tpu.memory_space<semaphore_mem>>) src(%arg5 : memref<16x1024xf32, #tpu.memory_space<vmem>>) dst(%dma_wait3A_813 : memref<16x1024xf32, #tpu.memory_space<hbm>>)
    %add3A_814 = arith.constant 96 : i32
    %add3A_815 = arith.addi %mul3A_2, %add3A_814 : i32
    %dma_start3A_816 = arith.constant 0 : i32
    %dma_start3A_817 = arith.constant 0 : i32
    %dma_start3A_818 = tpu.memref_slice %arg2[%dma_start3A_816, %add3A_815, %dma_start3A_817] : memref<4x4096x1024xf32, #tpu.memory_space<hbm>> -> memref<1x16x1024xf32, #tpu.memory_space<hbm>>
    %dma_start3A_819 = tpu.memref_squeeze %dma_start3A_818 : memref<1x16x1024xf32, #tpu.memory_space<hbm>> -> memref<16x1024xf32, #tpu.memory_space<hbm>>
    %dma_start3A_820 = arith.constant 0 : i32
    %dma_start3A_821 = tpu.memref_slice %arg2[%dma_start3A_816, %add3A_815, %dma_start3A_820] : memref<4x4096x1024xf32, #tpu.memory_space<hbm>> -> memref<1x16x1024xf32, #tpu.memory_space<hbm>>
    %dma_start3A_822 = tpu.memref_squeeze %dma_start3A_821 : memref<1x16x1024xf32, #tpu.memory_space<hbm>> -> memref<16x1024xf32, #tpu.memory_space<hbm>>
    tpu.enqueue_dma source(%dma_start3A_822 : memref<16x1024xf32, #tpu.memory_space<hbm>>) target(%arg5 : memref<16x1024xf32, #tpu.memory_space<vmem>>) target_semaphore(%arg11 : memref<!tpu.dma_semaphore, #tpu.memory_space<semaphore_mem>>)
    %dma_wait3A_823 = arith.constant 1 : i32
    %dma_wait3A_824 = arith.constant 0 : i32
    %dma_wait3A_825 = tpu.memref_slice %arg4[%dma_wait3A_823, %add3A_799, %dma_wait3A_824] : memref<4x4096x1024xf32, #tpu.memory_space<hbm>> -> memref<1x16x1024xf32, #tpu.memory_space<hbm>>
    %dma_wait3A_826 = tpu.memref_squeeze %dma_wait3A_825 : memref<1x16x1024xf32, #tpu.memory_space<hbm>> -> memref<16x1024xf32, #tpu.memory_space<hbm>>
    %dma_wait3A_827 = arith.constant 0 : i32
    %dma_wait3A_828 = tpu.memref_slice %arg4[%dma_wait3A_823, %add3A_799, %dma_wait3A_827] : memref<4x4096x1024xf32, #tpu.memory_space<hbm>> -> memref<1x16x1024xf32, #tpu.memory_space<hbm>>
    %dma_wait3A_829 = tpu.memref_squeeze %dma_wait3A_828 : memref<1x16x1024xf32, #tpu.memory_space<hbm>> -> memref<16x1024xf32, #tpu.memory_space<hbm>>
    tpu.wait_dma2 semaphore(%arg16 : memref<!tpu.dma_semaphore, #tpu.memory_space<semaphore_mem>>) src(%arg6 : memref<16x1024xf32, #tpu.memory_space<vmem>>) dst(%dma_wait3A_829 : memref<16x1024xf32, #tpu.memory_space<hbm>>)
    %add3A_830 = arith.constant 96 : i32
    %add3A_831 = arith.addi %mul3A_2, %add3A_830 : i32
    %dma_start3A_832 = arith.constant 1 : i32
    %dma_start3A_833 = arith.constant 0 : i32
    %dma_start3A_834 = tpu.memref_slice %arg2[%dma_start3A_832, %add3A_831, %dma_start3A_833] : memref<4x4096x1024xf32, #tpu.memory_space<hbm>> -> memref<1x16x1024xf32, #tpu.memory_space<hbm>>
    %dma_start3A_835 = tpu.memref_squeeze %dma_start3A_834 : memref<1x16x1024xf32, #tpu.memory_space<hbm>> -> memref<16x1024xf32, #tpu.memory_space<hbm>>
    %dma_start3A_836 = arith.constant 0 : i32
    %dma_start3A_837 = tpu.memref_slice %arg2[%dma_start3A_832, %add3A_831, %dma_start3A_836] : memref<4x4096x1024xf32, #tpu.memory_space<hbm>> -> memref<1x16x1024xf32, #tpu.memory_space<hbm>>
    %dma_start3A_838 = tpu.memref_squeeze %dma_start3A_837 : memref<1x16x1024xf32, #tpu.memory_space<hbm>> -> memref<16x1024xf32, #tpu.memory_space<hbm>>
    tpu.enqueue_dma source(%dma_start3A_838 : memref<16x1024xf32, #tpu.memory_space<hbm>>) target(%arg6 : memref<16x1024xf32, #tpu.memory_space<vmem>>) target_semaphore(%arg12 : memref<!tpu.dma_semaphore, #tpu.memory_space<semaphore_mem>>)
    %dma_wait3A_839 = arith.constant 2 : i32
    %dma_wait3A_840 = arith.constant 0 : i32
    %dma_wait3A_841 = tpu.memref_slice %arg2[%dma_wait3A_839, %add3A_748, %dma_wait3A_840] : memref<4x4096x1024xf32, #tpu.memory_space<hbm>> -> memref<1x16x1024xf32, #tpu.memory_space<hbm>>
    %dma_wait3A_842 = tpu.memref_squeeze %dma_wait3A_841 : memref<1x16x1024xf32, #tpu.memory_space<hbm>> -> memref<16x1024xf32, #tpu.memory_space<hbm>>
    %dma_wait3A_843 = arith.constant 0 : i32
    %dma_wait3A_844 = tpu.memref_slice %arg2[%dma_wait3A_839, %add3A_748, %dma_wait3A_843] : memref<4x4096x1024xf32, #tpu.memory_space<hbm>> -> memref<1x16x1024xf32, #tpu.memory_space<hbm>>
    %dma_wait3A_845 = tpu.memref_squeeze %dma_wait3A_844 : memref<1x16x1024xf32, #tpu.memory_space<hbm>> -> memref<16x1024xf32, #tpu.memory_space<hbm>>
    tpu.wait_dma2 semaphore(%arg13 : memref<!tpu.dma_semaphore, #tpu.memory_space<semaphore_mem>>) src(%dma_wait3A_845 : memref<16x1024xf32, #tpu.memory_space<hbm>>) dst(%arg7 : memref<16x1024xf32, #tpu.memory_space<vmem>>)
    %dma_wait3A_846 = arith.constant 3 : i32
    %dma_wait3A_847 = arith.constant 0 : i32
    %dma_wait3A_848 = tpu.memref_slice %arg2[%dma_wait3A_846, %add3A_764, %dma_wait3A_847] : memref<4x4096x1024xf32, #tpu.memory_space<hbm>> -> memref<1x16x1024xf32, #tpu.memory_space<hbm>>
    %dma_wait3A_849 = tpu.memref_squeeze %dma_wait3A_848 : memref<1x16x1024xf32, #tpu.memory_space<hbm>> -> memref<16x1024xf32, #tpu.memory_space<hbm>>
    %dma_wait3A_850 = arith.constant 0 : i32
    %dma_wait3A_851 = tpu.memref_slice %arg2[%dma_wait3A_846, %add3A_764, %dma_wait3A_850] : memref<4x4096x1024xf32, #tpu.memory_space<hbm>> -> memref<1x16x1024xf32, #tpu.memory_space<hbm>>
    %dma_wait3A_852 = tpu.memref_squeeze %dma_wait3A_851 : memref<1x16x1024xf32, #tpu.memory_space<hbm>> -> memref<16x1024xf32, #tpu.memory_space<hbm>>
    tpu.wait_dma2 semaphore(%arg14 : memref<!tpu.dma_semaphore, #tpu.memory_space<semaphore_mem>>) src(%dma_wait3A_852 : memref<16x1024xf32, #tpu.memory_space<hbm>>) dst(%arg8 : memref<16x1024xf32, #tpu.memory_space<vmem>>)
    %parallel_loop3A_853 = arith.constant 0 : i32
    %parallel_loop3A_854 = arith.constant 1024 : i32
    %parallel_loop3A_855 = arith.constant 1 : i32
    scf.for %parallel_loop3A_1152 = %parallel_loop3A_853 to %parallel_loop3A_854 step %parallel_loop3A_855  : i32 {
      %parallel_loop3A_1153 = arith.constant 64 : i32
      %parallel_loop3A_1154 = arith.divsi %parallel_loop3A_1152, %parallel_loop3A_1153 : i32
      %parallel_loop3A_1155 = arith.constant 0 : i32
      %parallel_loop3A_1156 = arith.cmpi sgt, %parallel_loop3A_1152, %parallel_loop3A_1155 : i32
      %parallel_loop3A_1157 = arith.extui %parallel_loop3A_1156 : i1 to i32
      %parallel_loop3A_1158 = arith.constant 0 : i32
      %parallel_loop3A_1159 = arith.cmpi slt, %parallel_loop3A_1152, %parallel_loop3A_1158 : i32
      %parallel_loop3A_1160 = arith.extui %parallel_loop3A_1159 : i1 to i32
      %parallel_loop3A_1161 = arith.subi %parallel_loop3A_1157, %parallel_loop3A_1160 : i32
      %parallel_loop3A_1162 = arith.constant 0 : i32
      %parallel_loop3A_1163 = arith.cmpi sgt, %parallel_loop3A_1153, %parallel_loop3A_1162 : i32
      %parallel_loop3A_1164 = arith.extui %parallel_loop3A_1163 : i1 to i32
      %parallel_loop3A_1165 = arith.constant 0 : i32
      %parallel_loop3A_1166 = arith.cmpi slt, %parallel_loop3A_1153, %parallel_loop3A_1165 : i32
      %parallel_loop3A_1167 = arith.extui %parallel_loop3A_1166 : i1 to i32
      %parallel_loop3A_1168 = arith.subi %parallel_loop3A_1164, %parallel_loop3A_1167 : i32
      %parallel_loop3A_1169 = arith.cmpi ne, %parallel_loop3A_1161, %parallel_loop3A_1168 : i32
      %parallel_loop3A_1170 = arith.remsi %parallel_loop3A_1152, %parallel_loop3A_1153 : i32
      %parallel_loop3A_1171 = arith.constant 0 : i32
      %parallel_loop3A_1172 = arith.cmpi ne, %parallel_loop3A_1170, %parallel_loop3A_1171 : i32
      %parallel_loop3A_1173 = arith.andi %parallel_loop3A_1169, %parallel_loop3A_1172 : i1
      %parallel_loop3A_1174 = arith.constant 1 : i32
      %parallel_loop3A_1175 = arith.subi %parallel_loop3A_1154, %parallel_loop3A_1174 : i32
      %parallel_loop3A_1176 = arith.select %parallel_loop3A_1173, %parallel_loop3A_1175, %parallel_loop3A_1154 : i32
      %parallel_loop3A_1177 = arith.constant 64 : i32
      %parallel_loop3A_1178 = arith.constant 0 : i32
      %parallel_loop3A_1179 = arith.cmpi eq, %parallel_loop3A_1177, %parallel_loop3A_1178 : i32
      %parallel_loop3A_1180 = arith.constant 1 : i32
      %parallel_loop3A_1181 = arith.select %parallel_loop3A_1179, %parallel_loop3A_1180, %parallel_loop3A_1177 : i32
      %parallel_loop3A_1182 = arith.remsi %parallel_loop3A_1152, %parallel_loop3A_1181 : i32
      %parallel_loop3A_1183 = arith.constant 0 : i32
      %parallel_loop3A_1184 = arith.cmpi ne, %parallel_loop3A_1182, %parallel_loop3A_1183 : i32
      %parallel_loop3A_1185 = arith.constant 0 : i32
      %parallel_loop3A_1186 = arith.cmpi slt, %parallel_loop3A_1182, %parallel_loop3A_1185 : i32
      %parallel_loop3A_1187 = arith.constant 0 : i32
      %parallel_loop3A_1188 = arith.cmpi slt, %parallel_loop3A_1181, %parallel_loop3A_1187 : i32
      %parallel_loop3A_1189 = arith.xori %parallel_loop3A_1186, %parallel_loop3A_1188 : i1
      %parallel_loop3A_1190 = arith.andi %parallel_loop3A_1189, %parallel_loop3A_1184 : i1
      %parallel_loop3A_1191 = arith.addi %parallel_loop3A_1182, %parallel_loop3A_1181 : i32
      %parallel_loop3A_1192 = arith.select %parallel_loop3A_1190, %parallel_loop3A_1191, %parallel_loop3A_1182 : i32
      %parallel_loop3A_1193 = arith.constant 16 : i32
      %parallel_loop3A_1194 = arith.muli %parallel_loop3A_1192, %parallel_loop3A_1193 : i32
      %parallel_loop3A_1195 = arith.index_cast %parallel_loop3A_1176 : i32 to index
      %parallel_loop3A_1196 = arith.index_cast %parallel_loop3A_1194 : i32 to index
      %parallel_loop3A_1197 = tpu.vector_load %arg10[%parallel_loop3A_1195, %parallel_loop3A_1196] {strides = array<i32>} : memref<16x1024xf32, #tpu.memory_space<vmem>>, vector<1x16xf32>,
      %parallel_loop3A_1198 = vector.shape_cast %parallel_loop3A_1197 : vector<1x16xf32> to vector<16xf32>
      %parallel_loop3A_1199 = arith.index_cast %parallel_loop3A_1176 : i32 to index
      %parallel_loop3A_1200 = arith.index_cast %parallel_loop3A_1194 : i32 to index
      %parallel_loop3A_1201 = tpu.vector_load %arg7[%parallel_loop3A_1199, %parallel_loop3A_1200] {strides = array<i32>} : memref<16x1024xf32, #tpu.memory_space<vmem>>, vector<1x16xf32>,
      %parallel_loop3A_1202 = vector.shape_cast %parallel_loop3A_1201 : vector<1x16xf32> to vector<16xf32>
      %parallel_loop3A_1203 = vector.shape_cast %parallel_loop3A_1198 : vector<16xf32> to vector<1x16xf32>
      tpu.vector_store %arg7[%parallel_loop3A_1199, %parallel_loop3A_1200], %parallel_loop3A_1203 {add = true, strides = array<i32>} : memref<16x1024xf32, #tpu.memory_space<vmem>>, vector<1x16xf32>,
      %parallel_loop3A_1204 = arith.index_cast %parallel_loop3A_1176 : i32 to index
      %parallel_loop3A_1205 = arith.index_cast %parallel_loop3A_1194 : i32 to index
      %parallel_loop3A_1206 = tpu.vector_load %arg8[%parallel_loop3A_1204, %parallel_loop3A_1205] {strides = array<i32>} : memref<16x1024xf32, #tpu.memory_space<vmem>>, vector<1x16xf32>,
      %parallel_loop3A_1207 = vector.shape_cast %parallel_loop3A_1206 : vector<1x16xf32> to vector<16xf32>
      %parallel_loop3A_1208 = vector.shape_cast %parallel_loop3A_1198 : vector<16xf32> to vector<1x16xf32>
      tpu.vector_store %arg8[%parallel_loop3A_1204, %parallel_loop3A_1205], %parallel_loop3A_1208 {add = true, strides = array<i32>} : memref<16x1024xf32, #tpu.memory_space<vmem>>, vector<1x16xf32>,
    } {sc.loop_unroll_factor = 8 : i64, sc.parallel_access}
    %add3A_856 = arith.constant 80 : i32
    %add3A_857 = arith.addi %mul3A_2, %add3A_856 : i32
    %dma_start3A_858 = arith.constant 2 : i32
    %dma_start3A_859 = arith.constant 0 : i32
    %dma_start3A_860 = tpu.memref_slice %arg4[%dma_start3A_858, %add3A_857, %dma_start3A_859] : memref<4x4096x1024xf32, #tpu.memory_space<hbm>> -> memref<1x16x1024xf32, #tpu.memory_space<hbm>>
    %dma_start3A_861 = tpu.memref_squeeze %dma_start3A_860 : memref<1x16x1024xf32, #tpu.memory_space<hbm>> -> memref<16x1024xf32, #tpu.memory_space<hbm>>
    %dma_start3A_862 = arith.constant 0 : i32
    %dma_start3A_863 = tpu.memref_slice %arg4[%dma_start3A_858, %add3A_857, %dma_start3A_862] : memref<4x4096x1024xf32, #tpu.memory_space<hbm>> -> memref<1x16x1024xf32, #tpu.memory_space<hbm>>
    %dma_start3A_864 = tpu.memref_squeeze %dma_start3A_863 : memref<1x16x1024xf32, #tpu.memory_space<hbm>> -> memref<16x1024xf32, #tpu.memory_space<hbm>>
    tpu.enqueue_dma source(%arg7 : memref<16x1024xf32, #tpu.memory_space<vmem>>) target(%dma_start3A_864 : memref<16x1024xf32, #tpu.memory_space<hbm>>) target_semaphore(%arg17 : memref<!tpu.dma_semaphore, #tpu.memory_space<semaphore_mem>>)
    %add3A_865 = arith.constant 80 : i32
    %add3A_866 = arith.addi %mul3A_2, %add3A_865 : i32
    %dma_start3A_867 = arith.constant 3 : i32
    %dma_start3A_868 = arith.constant 0 : i32
    %dma_start3A_869 = tpu.memref_slice %arg4[%dma_start3A_867, %add3A_866, %dma_start3A_868] : memref<4x4096x1024xf32, #tpu.memory_space<hbm>> -> memref<1x16x1024xf32, #tpu.memory_space<hbm>>
    %dma_start3A_870 = tpu.memref_squeeze %dma_start3A_869 : memref<1x16x1024xf32, #tpu.memory_space<hbm>> -> memref<16x1024xf32, #tpu.memory_space<hbm>>
    %dma_start3A_871 = arith.constant 0 : i32
    %dma_start3A_872 = tpu.memref_slice %arg4[%dma_start3A_867, %add3A_866, %dma_start3A_871] : memref<4x4096x1024xf32, #tpu.memory_space<hbm>> -> memref<1x16x1024xf32, #tpu.memory_space<hbm>>
    %dma_start3A_873 = tpu.memref_squeeze %dma_start3A_872 : memref<1x16x1024xf32, #tpu.memory_space<hbm>> -> memref<16x1024xf32, #tpu.memory_space<hbm>>
    tpu.enqueue_dma source(%arg8 : memref<16x1024xf32, #tpu.memory_space<vmem>>) target(%dma_start3A_873 : memref<16x1024xf32, #tpu.memory_space<hbm>>) target_semaphore(%arg18 : memref<!tpu.dma_semaphore, #tpu.memory_space<semaphore_mem>>)
    %dma_wait3A_874 = arith.constant 0 : i32
    %dma_wait3A_875 = tpu.memref_slice %arg3[%add3A_735, %dma_wait3A_874] : memref<4096x1024xf32, #tpu.memory_space<hbm>> -> memref<16x1024xf32, #tpu.memory_space<hbm>>
    %dma_wait3A_876 = arith.constant 0 : i32
    %dma_wait3A_877 = tpu.memref_slice %arg3[%add3A_735, %dma_wait3A_876] : memref<4096x1024xf32, #tpu.memory_space<hbm>> -> memref<16x1024xf32, #tpu.memory_space<hbm>>
    tpu.wait_dma2 semaphore(%arg19 : memref<!tpu.dma_semaphore, #tpu.memory_space<semaphore_mem>>) src(%dma_wait3A_877 : memref<16x1024xf32, #tpu.memory_space<hbm>>) dst(%arg9 : memref<16x1024xf32, #tpu.memory_space<vmem>>)
    %add3A_878 = arith.constant 112 : i32
    %add3A_879 = arith.addi %mul3A_2, %add3A_878 : i32
    %dma_start3A_880 = arith.constant 0 : i32
    %dma_start3A_881 = tpu.memref_slice %arg3[%add3A_879, %dma_start3A_880] : memref<4096x1024xf32, #tpu.memory_space<hbm>> -> memref<16x1024xf32, #tpu.memory_space<hbm>>
    %dma_start3A_882 = arith.constant 0 : i32
    %dma_start3A_883 = tpu.memref_slice %arg3[%add3A_879, %dma_start3A_882] : memref<4096x1024xf32, #tpu.memory_space<hbm>> -> memref<16x1024xf32, #tpu.memory_space<hbm>>
    tpu.enqueue_dma source(%dma_start3A_883 : memref<16x1024xf32, #tpu.memory_space<hbm>>) target(%arg10 : memref<16x1024xf32, #tpu.memory_space<vmem>>) target_semaphore(%arg20 : memref<!tpu.dma_semaphore, #tpu.memory_space<semaphore_mem>>)
    %dma_wait3A_884 = arith.constant 2 : i32
    %dma_wait3A_885 = arith.constant 0 : i32
    %dma_wait3A_886 = tpu.memref_slice %arg4[%dma_wait3A_884, %add3A_857, %dma_wait3A_885] : memref<4x4096x1024xf32, #tpu.memory_space<hbm>> -> memref<1x16x1024xf32, #tpu.memory_space<hbm>>
    %dma_wait3A_887 = tpu.memref_squeeze %dma_wait3A_886 : memref<1x16x1024xf32, #tpu.memory_space<hbm>> -> memref<16x1024xf32, #tpu.memory_space<hbm>>
    %dma_wait3A_888 = arith.constant 0 : i32
    %dma_wait3A_889 = tpu.memref_slice %arg4[%dma_wait3A_884, %add3A_857, %dma_wait3A_888] : memref<4x4096x1024xf32, #tpu.memory_space<hbm>> -> memref<1x16x1024xf32, #tpu.memory_space<hbm>>
    %dma_wait3A_890 = tpu.memref_squeeze %dma_wait3A_889 : memref<1x16x1024xf32, #tpu.memory_space<hbm>> -> memref<16x1024xf32, #tpu.memory_space<hbm>>
    tpu.wait_dma2 semaphore(%arg17 : memref<!tpu.dma_semaphore, #tpu.memory_space<semaphore_mem>>) src(%arg7 : memref<16x1024xf32, #tpu.memory_space<vmem>>) dst(%dma_wait3A_890 : memref<16x1024xf32, #tpu.memory_space<hbm>>)
    %add3A_891 = arith.constant 96 : i32
    %add3A_892 = arith.addi %mul3A_2, %add3A_891 : i32
    %dma_start3A_893 = arith.constant 2 : i32
    %dma_start3A_894 = arith.constant 0 : i32
    %dma_start3A_895 = tpu.memref_slice %arg2[%dma_start3A_893, %add3A_892, %dma_start3A_894] : memref<4x4096x1024xf32, #tpu.memory_space<hbm>> -> memref<1x16x1024xf32, #tpu.memory_space<hbm>>
    %dma_start3A_896 = tpu.memref_squeeze %dma_start3A_895 : memref<1x16x1024xf32, #tpu.memory_space<hbm>> -> memref<16x1024xf32, #tpu.memory_space<hbm>>
    %dma_start3A_897 = arith.constant 0 : i32
    %dma_start3A_898 = tpu.memref_slice %arg2[%dma_start3A_893, %add3A_892, %dma_start3A_897] : memref<4x4096x1024xf32, #tpu.memory_space<hbm>> -> memref<1x16x1024xf32, #tpu.memory_space<hbm>>
    %dma_start3A_899 = tpu.memref_squeeze %dma_start3A_898 : memref<1x16x1024xf32, #tpu.memory_space<hbm>> -> memref<16x1024xf32, #tpu.memory_space<hbm>>
    tpu.enqueue_dma source(%dma_start3A_899 : memref<16x1024xf32, #tpu.memory_space<hbm>>) target(%arg7 : memref<16x1024xf32, #tpu.memory_space<vmem>>) target_semaphore(%arg13 : memref<!tpu.dma_semaphore, #tpu.memory_space<semaphore_mem>>)
    %dma_wait3A_900 = arith.constant 3 : i32
    %dma_wait3A_901 = arith.constant 0 : i32
    %dma_wait3A_902 = tpu.memref_slice %arg4[%dma_wait3A_900, %add3A_866, %dma_wait3A_901] : memref<4x4096x1024xf32, #tpu.memory_space<hbm>> -> memref<1x16x1024xf32, #tpu.memory_space<hbm>>
    %dma_wait3A_903 = tpu.memref_squeeze %dma_wait3A_902 : memref<1x16x1024xf32, #tpu.memory_space<hbm>> -> memref<16x1024xf32, #tpu.memory_space<hbm>>
    %dma_wait3A_904 = arith.constant 0 : i32
    %dma_wait3A_905 = tpu.memref_slice %arg4[%dma_wait3A_900, %add3A_866, %dma_wait3A_904] : memref<4x4096x1024xf32, #tpu.memory_space<hbm>> -> memref<1x16x1024xf32, #tpu.memory_space<hbm>>
    %dma_wait3A_906 = tpu.memref_squeeze %dma_wait3A_905 : memref<1x16x1024xf32, #tpu.memory_space<hbm>> -> memref<16x1024xf32, #tpu.memory_space<hbm>>
    tpu.wait_dma2 semaphore(%arg18 : memref<!tpu.dma_semaphore, #tpu.memory_space<semaphore_mem>>) src(%arg8 : memref<16x1024xf32, #tpu.memory_space<vmem>>) dst(%dma_wait3A_906 : memref<16x1024xf32, #tpu.memory_space<hbm>>)
    %add3A_907 = arith.constant 96 : i32
    %add3A_908 = arith.addi %mul3A_2, %add3A_907 : i32
    %dma_start3A_909 = arith.constant 3 : i32
    %dma_start3A_910 = arith.constant 0 : i32
    %dma_start3A_911 = tpu.memref_slice %arg2[%dma_start3A_909, %add3A_908, %dma_start3A_910] : memref<4x4096x1024xf32, #tpu.memory_space<hbm>> -> memref<1x16x1024xf32, #tpu.memory_space<hbm>>
    %dma_start3A_912 = tpu.memref_squeeze %dma_start3A_911 : memref<1x16x1024xf32, #tpu.memory_space<hbm>> -> memref<16x1024xf32, #tpu.memory_space<hbm>>
    %dma_start3A_913 = arith.constant 0 : i32
    %dma_start3A_914 = tpu.memref_slice %arg2[%dma_start3A_909, %add3A_908, %dma_start3A_913] : memref<4x4096x1024xf32, #tpu.memory_space<hbm>> -> memref<1x16x1024xf32, #tpu.memory_space<hbm>>
    %dma_start3A_915 = tpu.memref_squeeze %dma_start3A_914 : memref<1x16x1024xf32, #tpu.memory_space<hbm>> -> memref<16x1024xf32, #tpu.memory_space<hbm>>
    tpu.enqueue_dma source(%dma_start3A_915 : memref<16x1024xf32, #tpu.memory_space<hbm>>) target(%arg8 : memref<16x1024xf32, #tpu.memory_space<vmem>>) target_semaphore(%arg14 : memref<!tpu.dma_semaphore, #tpu.memory_space<semaphore_mem>>)
    %dma_wait3A_916 = arith.constant 0 : i32
    %dma_wait3A_917 = arith.constant 0 : i32
    %dma_wait3A_918 = tpu.memref_slice %arg2[%dma_wait3A_916, %add3A_815, %dma_wait3A_917] : memref<4x4096x1024xf32, #tpu.memory_space<hbm>> -> memref<1x16x1024xf32, #tpu.memory_space<hbm>>
    %dma_wait3A_919 = tpu.memref_squeeze %dma_wait3A_918 : memref<1x16x1024xf32, #tpu.memory_space<hbm>> -> memref<16x1024xf32, #tpu.memory_space<hbm>>
    %dma_wait3A_920 = arith.constant 0 : i32
    %dma_wait3A_921 = tpu.memref_slice %arg2[%dma_wait3A_916, %add3A_815, %dma_wait3A_920] : memref<4x4096x1024xf32, #tpu.memory_space<hbm>> -> memref<1x16x1024xf32, #tpu.memory_space<hbm>>
    %dma_wait3A_922 = tpu.memref_squeeze %dma_wait3A_921 : memref<1x16x1024xf32, #tpu.memory_space<hbm>> -> memref<16x1024xf32, #tpu.memory_space<hbm>>
    tpu.wait_dma2 semaphore(%arg11 : memref<!tpu.dma_semaphore, #tpu.memory_space<semaphore_mem>>) src(%dma_wait3A_922 : memref<16x1024xf32, #tpu.memory_space<hbm>>) dst(%arg5 : memref<16x1024xf32, #tpu.memory_space<vmem>>)
    %dma_wait3A_923 = arith.constant 1 : i32
    %dma_wait3A_924 = arith.constant 0 : i32
    %dma_wait3A_925 = tpu.memref_slice %arg2[%dma_wait3A_923, %add3A_831, %dma_wait3A_924] : memref<4x4096x1024xf32, #tpu.memory_space<hbm>> -> memref<1x16x1024xf32, #tpu.memory_space<hbm>>
    %dma_wait3A_926 = tpu.memref_squeeze %dma_wait3A_925 : memref<1x16x1024xf32, #tpu.memory_space<hbm>> -> memref<16x1024xf32, #tpu.memory_space<hbm>>
    %dma_wait3A_927 = arith.constant 0 : i32
    %dma_wait3A_928 = tpu.memref_slice %arg2[%dma_wait3A_923, %add3A_831, %dma_wait3A_927] : memref<4x4096x1024xf32, #tpu.memory_space<hbm>> -> memref<1x16x1024xf32, #tpu.memory_space<hbm>>
    %dma_wait3A_929 = tpu.memref_squeeze %dma_wait3A_928 : memref<1x16x1024xf32, #tpu.memory_space<hbm>> -> memref<16x1024xf32, #tpu.memory_space<hbm>>
    tpu.wait_dma2 semaphore(%arg12 : memref<!tpu.dma_semaphore, #tpu.memory_space<semaphore_mem>>) src(%dma_wait3A_929 : memref<16x1024xf32, #tpu.memory_space<hbm>>) dst(%arg6 : memref<16x1024xf32, #tpu.memory_space<vmem>>)
    %parallel_loop3A_930 = arith.constant 0 : i32
    %parallel_loop3A_931 = arith.constant 1024 : i32
    %parallel_loop3A_932 = arith.constant 1 : i32
    scf.for %parallel_loop3A_1152 = %parallel_loop3A_930 to %parallel_loop3A_931 step %parallel_loop3A_932  : i32 {
      %parallel_loop3A_1153 = arith.constant 64 : i32
      %parallel_loop3A_1154 = arith.divsi %parallel_loop3A_1152, %parallel_loop3A_1153 : i32
      %parallel_loop3A_1155 = arith.constant 0 : i32
      %parallel_loop3A_1156 = arith.cmpi sgt, %parallel_loop3A_1152, %parallel_loop3A_1155 : i32
      %parallel_loop3A_1157 = arith.extui %parallel_loop3A_1156 : i1 to i32
      %parallel_loop3A_1158 = arith.constant 0 : i32
      %parallel_loop3A_1159 = arith.cmpi slt, %parallel_loop3A_1152, %parallel_loop3A_1158 : i32
      %parallel_loop3A_1160 = arith.extui %parallel_loop3A_1159 : i1 to i32
      %parallel_loop3A_1161 = arith.subi %parallel_loop3A_1157, %parallel_loop3A_1160 : i32
      %parallel_loop3A_1162 = arith.constant 0 : i32
      %parallel_loop3A_1163 = arith.cmpi sgt, %parallel_loop3A_1153, %parallel_loop3A_1162 : i32
      %parallel_loop3A_1164 = arith.extui %parallel_loop3A_1163 : i1 to i32
      %parallel_loop3A_1165 = arith.constant 0 : i32
      %parallel_loop3A_1166 = arith.cmpi slt, %parallel_loop3A_1153, %parallel_loop3A_1165 : i32
      %parallel_loop3A_1167 = arith.extui %parallel_loop3A_1166 : i1 to i32
      %parallel_loop3A_1168 = arith.subi %parallel_loop3A_1164, %parallel_loop3A_1167 : i32
      %parallel_loop3A_1169 = arith.cmpi ne, %parallel_loop3A_1161, %parallel_loop3A_1168 : i32
      %parallel_loop3A_1170 = arith.remsi %parallel_loop3A_1152, %parallel_loop3A_1153 : i32
      %parallel_loop3A_1171 = arith.constant 0 : i32
      %parallel_loop3A_1172 = arith.cmpi ne, %parallel_loop3A_1170, %parallel_loop3A_1171 : i32
      %parallel_loop3A_1173 = arith.andi %parallel_loop3A_1169, %parallel_loop3A_1172 : i1
      %parallel_loop3A_1174 = arith.constant 1 : i32
      %parallel_loop3A_1175 = arith.subi %parallel_loop3A_1154, %parallel_loop3A_1174 : i32
      %parallel_loop3A_1176 = arith.select %parallel_loop3A_1173, %parallel_loop3A_1175, %parallel_loop3A_1154 : i32
      %parallel_loop3A_1177 = arith.constant 64 : i32
      %parallel_loop3A_1178 = arith.constant 0 : i32
      %parallel_loop3A_1179 = arith.cmpi eq, %parallel_loop3A_1177, %parallel_loop3A_1178 : i32
      %parallel_loop3A_1180 = arith.constant 1 : i32
      %parallel_loop3A_1181 = arith.select %parallel_loop3A_1179, %parallel_loop3A_1180, %parallel_loop3A_1177 : i32
      %parallel_loop3A_1182 = arith.remsi %parallel_loop3A_1152, %parallel_loop3A_1181 : i32
      %parallel_loop3A_1183 = arith.constant 0 : i32
      %parallel_loop3A_1184 = arith.cmpi ne, %parallel_loop3A_1182, %parallel_loop3A_1183 : i32
      %parallel_loop3A_1185 = arith.constant 0 : i32
      %parallel_loop3A_1186 = arith.cmpi slt, %parallel_loop3A_1182, %parallel_loop3A_1185 : i32
      %parallel_loop3A_1187 = arith.constant 0 : i32
      %parallel_loop3A_1188 = arith.cmpi slt, %parallel_loop3A_1181, %parallel_loop3A_1187 : i32
      %parallel_loop3A_1189 = arith.xori %parallel_loop3A_1186, %parallel_loop3A_1188 : i1
      %parallel_loop3A_1190 = arith.andi %parallel_loop3A_1189, %parallel_loop3A_1184 : i1
      %parallel_loop3A_1191 = arith.addi %parallel_loop3A_1182, %parallel_loop3A_1181 : i32
      %parallel_loop3A_1192 = arith.select %parallel_loop3A_1190, %parallel_loop3A_1191, %parallel_loop3A_1182 : i32
      %parallel_loop3A_1193 = arith.constant 16 : i32
      %parallel_loop3A_1194 = arith.muli %parallel_loop3A_1192, %parallel_loop3A_1193 : i32
      %parallel_loop3A_1195 = arith.index_cast %parallel_loop3A_1176 : i32 to index
      %parallel_loop3A_1196 = arith.index_cast %parallel_loop3A_1194 : i32 to index
      %parallel_loop3A_1197 = tpu.vector_load %arg9[%parallel_loop3A_1195, %parallel_loop3A_1196] {strides = array<i32>} : memref<16x1024xf32, #tpu.memory_space<vmem>>, vector<1x16xf32>,
      %parallel_loop3A_1198 = vector.shape_cast %parallel_loop3A_1197 : vector<1x16xf32> to vector<16xf32>
      %parallel_loop3A_1199 = arith.index_cast %parallel_loop3A_1176 : i32 to index
      %parallel_loop3A_1200 = arith.index_cast %parallel_loop3A_1194 : i32 to index
      %parallel_loop3A_1201 = tpu.vector_load %arg5[%parallel_loop3A_1199, %parallel_loop3A_1200] {strides = array<i32>} : memref<16x1024xf32, #tpu.memory_space<vmem>>, vector<1x16xf32>,
      %parallel_loop3A_1202 = vector.shape_cast %parallel_loop3A_1201 : vector<1x16xf32> to vector<16xf32>
      %parallel_loop3A_1203 = vector.shape_cast %parallel_loop3A_1198 : vector<16xf32> to vector<1x16xf32>
      tpu.vector_store %arg5[%parallel_loop3A_1199, %parallel_loop3A_1200], %parallel_loop3A_1203 {add = true, strides = array<i32>} : memref<16x1024xf32, #tpu.memory_space<vmem>>, vector<1x16xf32>,
      %parallel_loop3A_1204 = arith.index_cast %parallel_loop3A_1176 : i32 to index
      %parallel_loop3A_1205 = arith.index_cast %parallel_loop3A_1194 : i32 to index
      %parallel_loop3A_1206 = tpu.vector_load %arg6[%parallel_loop3A_1204, %parallel_loop3A_1205] {strides = array<i32>} : memref<16x1024xf32, #tpu.memory_space<vmem>>, vector<1x16xf32>,
      %parallel_loop3A_1207 = vector.shape_cast %parallel_loop3A_1206 : vector<1x16xf32> to vector<16xf32>
      %parallel_loop3A_1208 = vector.shape_cast %parallel_loop3A_1198 : vector<16xf32> to vector<1x16xf32>
      tpu.vector_store %arg6[%parallel_loop3A_1204, %parallel_loop3A_1205], %parallel_loop3A_1208 {add = true, strides = array<i32>} : memref<16x1024xf32, #tpu.memory_space<vmem>>, vector<1x16xf32>,
    } {sc.loop_unroll_factor = 8 : i64, sc.parallel_access}
    %add3A_933 = arith.constant 96 : i32
    %add3A_934 = arith.addi %mul3A_2, %add3A_933 : i32
    %dma_start3A_935 = arith.constant 0 : i32
    %dma_start3A_936 = arith.constant 0 : i32
    %dma_start3A_937 = tpu.memref_slice %arg4[%dma_start3A_935, %add3A_934, %dma_start3A_936] : memref<4x4096x1024xf32, #tpu.memory_space<hbm>> -> memref<1x16x1024xf32, #tpu.memory_space<hbm>>
    %dma_start3A_938 = tpu.memref_squeeze %dma_start3A_937 : memref<1x16x1024xf32, #tpu.memory_space<hbm>> -> memref<16x1024xf32, #tpu.memory_space<hbm>>
    %dma_start3A_939 = arith.constant 0 : i32
    %dma_start3A_940 = tpu.memref_slice %arg4[%dma_start3A_935, %add3A_934, %dma_start3A_939] : memref<4x4096x1024xf32, #tpu.memory_space<hbm>> -> memref<1x16x1024xf32, #tpu.memory_space<hbm>>
    %dma_start3A_941 = tpu.memref_squeeze %dma_start3A_940 : memref<1x16x1024xf32, #tpu.memory_space<hbm>> -> memref<16x1024xf32, #tpu.memory_space<hbm>>
    tpu.enqueue_dma source(%arg5 : memref<16x1024xf32, #tpu.memory_space<vmem>>) target(%dma_start3A_941 : memref<16x1024xf32, #tpu.memory_space<hbm>>) target_semaphore(%arg15 : memref<!tpu.dma_semaphore, #tpu.memory_space<semaphore_mem>>)
    %add3A_942 = arith.constant 96 : i32
    %add3A_943 = arith.addi %mul3A_2, %add3A_942 : i32
    %dma_start3A_944 = arith.constant 1 : i32
    %dma_start3A_945 = arith.constant 0 : i32
    %dma_start3A_946 = tpu.memref_slice %arg4[%dma_start3A_944, %add3A_943, %dma_start3A_945] : memref<4x4096x1024xf32, #tpu.memory_space<hbm>> -> memref<1x16x1024xf32, #tpu.memory_space<hbm>>
    %dma_start3A_947 = tpu.memref_squeeze %dma_start3A_946 : memref<1x16x1024xf32, #tpu.memory_space<hbm>> -> memref<16x1024xf32, #tpu.memory_space<hbm>>
    %dma_start3A_948 = arith.constant 0 : i32
    %dma_start3A_949 = tpu.memref_slice %arg4[%dma_start3A_944, %add3A_943, %dma_start3A_948] : memref<4x4096x1024xf32, #tpu.memory_space<hbm>> -> memref<1x16x1024xf32, #tpu.memory_space<hbm>>
    %dma_start3A_950 = tpu.memref_squeeze %dma_start3A_949 : memref<1x16x1024xf32, #tpu.memory_space<hbm>> -> memref<16x1024xf32, #tpu.memory_space<hbm>>
    tpu.enqueue_dma source(%arg6 : memref<16x1024xf32, #tpu.memory_space<vmem>>) target(%dma_start3A_950 : memref<16x1024xf32, #tpu.memory_space<hbm>>) target_semaphore(%arg16 : memref<!tpu.dma_semaphore, #tpu.memory_space<semaphore_mem>>)
    %dma_wait3A_951 = arith.constant 0 : i32
    %dma_wait3A_952 = arith.constant 0 : i32
    %dma_wait3A_953 = tpu.memref_slice %arg4[%dma_wait3A_951, %add3A_934, %dma_wait3A_952] : memref<4x4096x1024xf32, #tpu.memory_space<hbm>> -> memref<1x16x1024xf32, #tpu.memory_space<hbm>>
    %dma_wait3A_954 = tpu.memref_squeeze %dma_wait3A_953 : memref<1x16x1024xf32, #tpu.memory_space<hbm>> -> memref<16x1024xf32, #tpu.memory_space<hbm>>
    %dma_wait3A_955 = arith.constant 0 : i32
    %dma_wait3A_956 = tpu.memref_slice %arg4[%dma_wait3A_951, %add3A_934, %dma_wait3A_955] : memref<4x4096x1024xf32, #tpu.memory_space<hbm>> -> memref<1x16x1024xf32, #tpu.memory_space<hbm>>
    %dma_wait3A_957 = tpu.memref_squeeze %dma_wait3A_956 : memref<1x16x1024xf32, #tpu.memory_space<hbm>> -> memref<16x1024xf32, #tpu.memory_space<hbm>>
    tpu.wait_dma2 semaphore(%arg15 : memref<!tpu.dma_semaphore, #tpu.memory_space<semaphore_mem>>) src(%arg5 : memref<16x1024xf32, #tpu.memory_space<vmem>>) dst(%dma_wait3A_957 : memref<16x1024xf32, #tpu.memory_space<hbm>>)
    %add3A_958 = arith.constant 112 : i32
    %add3A_959 = arith.addi %mul3A_2, %add3A_958 : i32
    %dma_start3A_960 = arith.constant 0 : i32
    %dma_start3A_961 = arith.constant 0 : i32
    %dma_start3A_962 = tpu.memref_slice %arg2[%dma_start3A_960, %add3A_959, %dma_start3A_961] : memref<4x4096x1024xf32, #tpu.memory_space<hbm>> -> memref<1x16x1024xf32, #tpu.memory_space<hbm>>
    %dma_start3A_963 = tpu.memref_squeeze %dma_start3A_962 : memref<1x16x1024xf32, #tpu.memory_space<hbm>> -> memref<16x1024xf32, #tpu.memory_space<hbm>>
    %dma_start3A_964 = arith.constant 0 : i32
    %dma_start3A_965 = tpu.memref_slice %arg2[%dma_start3A_960, %add3A_959, %dma_start3A_964] : memref<4x4096x1024xf32, #tpu.memory_space<hbm>> -> memref<1x16x1024xf32, #tpu.memory_space<hbm>>
    %dma_start3A_966 = tpu.memref_squeeze %dma_start3A_965 : memref<1x16x1024xf32, #tpu.memory_space<hbm>> -> memref<16x1024xf32, #tpu.memory_space<hbm>>
    tpu.enqueue_dma source(%dma_start3A_966 : memref<16x1024xf32, #tpu.memory_space<hbm>>) target(%arg5 : memref<16x1024xf32, #tpu.memory_space<vmem>>) target_semaphore(%arg11 : memref<!tpu.dma_semaphore, #tpu.memory_space<semaphore_mem>>)
    %dma_wait3A_967 = arith.constant 1 : i32
    %dma_wait3A_968 = arith.constant 0 : i32
    %dma_wait3A_969 = tpu.memref_slice %arg4[%dma_wait3A_967, %add3A_943, %dma_wait3A_968] : memref<4x4096x1024xf32, #tpu.memory_space<hbm>> -> memref<1x16x1024xf32, #tpu.memory_space<hbm>>
    %dma_wait3A_970 = tpu.memref_squeeze %dma_wait3A_969 : memref<1x16x1024xf32, #tpu.memory_space<hbm>> -> memref<16x1024xf32, #tpu.memory_space<hbm>>
    %dma_wait3A_971 = arith.constant 0 : i32
    %dma_wait3A_972 = tpu.memref_slice %arg4[%dma_wait3A_967, %add3A_943, %dma_wait3A_971] : memref<4x4096x1024xf32, #tpu.memory_space<hbm>> -> memref<1x16x1024xf32, #tpu.memory_space<hbm>>
    %dma_wait3A_973 = tpu.memref_squeeze %dma_wait3A_972 : memref<1x16x1024xf32, #tpu.memory_space<hbm>> -> memref<16x1024xf32, #tpu.memory_space<hbm>>
    tpu.wait_dma2 semaphore(%arg16 : memref<!tpu.dma_semaphore, #tpu.memory_space<semaphore_mem>>) src(%arg6 : memref<16x1024xf32, #tpu.memory_space<vmem>>) dst(%dma_wait3A_973 : memref<16x1024xf32, #tpu.memory_space<hbm>>)
    %add3A_974 = arith.constant 112 : i32
    %add3A_975 = arith.addi %mul3A_2, %add3A_974 : i32
    %dma_start3A_976 = arith.constant 1 : i32
    %dma_start3A_977 = arith.constant 0 : i32
    %dma_start3A_978 = tpu.memref_slice %arg2[%dma_start3A_976, %add3A_975, %dma_start3A_977] : memref<4x4096x1024xf32, #tpu.memory_space<hbm>> -> memref<1x16x1024xf32, #tpu.memory_space<hbm>>
    %dma_start3A_979 = tpu.memref_squeeze %dma_start3A_978 : memref<1x16x1024xf32, #tpu.memory_space<hbm>> -> memref<16x1024xf32, #tpu.memory_space<hbm>>
    %dma_start3A_980 = arith.constant 0 : i32
    %dma_start3A_981 = tpu.memref_slice %arg2[%dma_start3A_976, %add3A_975, %dma_start3A_980] : memref<4x4096x1024xf32, #tpu.memory_space<hbm>> -> memref<1x16x1024xf32, #tpu.memory_space<hbm>>
    %dma_start3A_982 = tpu.memref_squeeze %dma_start3A_981 : memref<1x16x1024xf32, #tpu.memory_space<hbm>> -> memref<16x1024xf32, #tpu.memory_space<hbm>>
    tpu.enqueue_dma source(%dma_start3A_982 : memref<16x1024xf32, #tpu.memory_space<hbm>>) target(%arg6 : memref<16x1024xf32, #tpu.memory_space<vmem>>) target_semaphore(%arg12 : memref<!tpu.dma_semaphore, #tpu.memory_space<semaphore_mem>>)
    %dma_wait3A_983 = arith.constant 2 : i32
    %dma_wait3A_984 = arith.constant 0 : i32
    %dma_wait3A_985 = tpu.memref_slice %arg2[%dma_wait3A_983, %add3A_892, %dma_wait3A_984] : memref<4x4096x1024xf32, #tpu.memory_space<hbm>> -> memref<1x16x1024xf32, #tpu.memory_space<hbm>>
    %dma_wait3A_986 = tpu.memref_squeeze %dma_wait3A_985 : memref<1x16x1024xf32, #tpu.memory_space<hbm>> -> memref<16x1024xf32, #tpu.memory_space<hbm>>
    %dma_wait3A_987 = arith.constant 0 : i32
    %dma_wait3A_988 = tpu.memref_slice %arg2[%dma_wait3A_983, %add3A_892, %dma_wait3A_987] : memref<4x4096x1024xf32, #tpu.memory_space<hbm>> -> memref<1x16x1024xf32, #tpu.memory_space<hbm>>
    %dma_wait3A_989 = tpu.memref_squeeze %dma_wait3A_988 : memref<1x16x1024xf32, #tpu.memory_space<hbm>> -> memref<16x1024xf32, #tpu.memory_space<hbm>>
    tpu.wait_dma2 semaphore(%arg13 : memref<!tpu.dma_semaphore, #tpu.memory_space<semaphore_mem>>) src(%dma_wait3A_989 : memref<16x1024xf32, #tpu.memory_space<hbm>>) dst(%arg7 : memref<16x1024xf32, #tpu.memory_space<vmem>>)
    %dma_wait3A_990 = arith.constant 3 : i32
    %dma_wait3A_991 = arith.constant 0 : i32
    %dma_wait3A_992 = tpu.memref_slice %arg2[%dma_wait3A_990, %add3A_908, %dma_wait3A_991] : memref<4x4096x1024xf32, #tpu.memory_space<hbm>> -> memref<1x16x1024xf32, #tpu.memory_space<hbm>>
    %dma_wait3A_993 = tpu.memref_squeeze %dma_wait3A_992 : memref<1x16x1024xf32, #tpu.memory_space<hbm>> -> memref<16x1024xf32, #tpu.memory_space<hbm>>
    %dma_wait3A_994 = arith.constant 0 : i32
    %dma_wait3A_995 = tpu.memref_slice %arg2[%dma_wait3A_990, %add3A_908, %dma_wait3A_994] : memref<4x4096x1024xf32, #tpu.memory_space<hbm>> -> memref<1x16x1024xf32, #tpu.memory_space<hbm>>
    %dma_wait3A_996 = tpu.memref_squeeze %dma_wait3A_995 : memref<1x16x1024xf32, #tpu.memory_space<hbm>> -> memref<16x1024xf32, #tpu.memory_space<hbm>>
    tpu.wait_dma2 semaphore(%arg14 : memref<!tpu.dma_semaphore, #tpu.memory_space<semaphore_mem>>) src(%dma_wait3A_996 : memref<16x1024xf32, #tpu.memory_space<hbm>>) dst(%arg8 : memref<16x1024xf32, #tpu.memory_space<vmem>>)
    %parallel_loop3A_997 = arith.constant 0 : i32
    %parallel_loop3A_998 = arith.constant 1024 : i32
    %parallel_loop3A_999 = arith.constant 1 : i32
    scf.for %parallel_loop3A_1152 = %parallel_loop3A_997 to %parallel_loop3A_998 step %parallel_loop3A_999  : i32 {
      %parallel_loop3A_1153 = arith.constant 64 : i32
      %parallel_loop3A_1154 = arith.divsi %parallel_loop3A_1152, %parallel_loop3A_1153 : i32
      %parallel_loop3A_1155 = arith.constant 0 : i32
      %parallel_loop3A_1156 = arith.cmpi sgt, %parallel_loop3A_1152, %parallel_loop3A_1155 : i32
      %parallel_loop3A_1157 = arith.extui %parallel_loop3A_1156 : i1 to i32
      %parallel_loop3A_1158 = arith.constant 0 : i32
      %parallel_loop3A_1159 = arith.cmpi slt, %parallel_loop3A_1152, %parallel_loop3A_1158 : i32
      %parallel_loop3A_1160 = arith.extui %parallel_loop3A_1159 : i1 to i32
      %parallel_loop3A_1161 = arith.subi %parallel_loop3A_1157, %parallel_loop3A_1160 : i32
      %parallel_loop3A_1162 = arith.constant 0 : i32
      %parallel_loop3A_1163 = arith.cmpi sgt, %parallel_loop3A_1153, %parallel_loop3A_1162 : i32
      %parallel_loop3A_1164 = arith.extui %parallel_loop3A_1163 : i1 to i32
      %parallel_loop3A_1165 = arith.constant 0 : i32
      %parallel_loop3A_1166 = arith.cmpi slt, %parallel_loop3A_1153, %parallel_loop3A_1165 : i32
      %parallel_loop3A_1167 = arith.extui %parallel_loop3A_1166 : i1 to i32
      %parallel_loop3A_1168 = arith.subi %parallel_loop3A_1164, %parallel_loop3A_1167 : i32
      %parallel_loop3A_1169 = arith.cmpi ne, %parallel_loop3A_1161, %parallel_loop3A_1168 : i32
      %parallel_loop3A_1170 = arith.remsi %parallel_loop3A_1152, %parallel_loop3A_1153 : i32
      %parallel_loop3A_1171 = arith.constant 0 : i32
      %parallel_loop3A_1172 = arith.cmpi ne, %parallel_loop3A_1170, %parallel_loop3A_1171 : i32
      %parallel_loop3A_1173 = arith.andi %parallel_loop3A_1169, %parallel_loop3A_1172 : i1
      %parallel_loop3A_1174 = arith.constant 1 : i32
      %parallel_loop3A_1175 = arith.subi %parallel_loop3A_1154, %parallel_loop3A_1174 : i32
      %parallel_loop3A_1176 = arith.select %parallel_loop3A_1173, %parallel_loop3A_1175, %parallel_loop3A_1154 : i32
      %parallel_loop3A_1177 = arith.constant 64 : i32
      %parallel_loop3A_1178 = arith.constant 0 : i32
      %parallel_loop3A_1179 = arith.cmpi eq, %parallel_loop3A_1177, %parallel_loop3A_1178 : i32
      %parallel_loop3A_1180 = arith.constant 1 : i32
      %parallel_loop3A_1181 = arith.select %parallel_loop3A_1179, %parallel_loop3A_1180, %parallel_loop3A_1177 : i32
      %parallel_loop3A_1182 = arith.remsi %parallel_loop3A_1152, %parallel_loop3A_1181 : i32
      %parallel_loop3A_1183 = arith.constant 0 : i32
      %parallel_loop3A_1184 = arith.cmpi ne, %parallel_loop3A_1182, %parallel_loop3A_1183 : i32
      %parallel_loop3A_1185 = arith.constant 0 : i32
      %parallel_loop3A_1186 = arith.cmpi slt, %parallel_loop3A_1182, %parallel_loop3A_1185 : i32
      %parallel_loop3A_1187 = arith.constant 0 : i32
      %parallel_loop3A_1188 = arith.cmpi slt, %parallel_loop3A_1181, %parallel_loop3A_1187 : i32
      %parallel_loop3A_1189 = arith.xori %parallel_loop3A_1186, %parallel_loop3A_1188 : i1
      %parallel_loop3A_1190 = arith.andi %parallel_loop3A_1189, %parallel_loop3A_1184 : i1
      %parallel_loop3A_1191 = arith.addi %parallel_loop3A_1182, %parallel_loop3A_1181 : i32
      %parallel_loop3A_1192 = arith.select %parallel_loop3A_1190, %parallel_loop3A_1191, %parallel_loop3A_1182 : i32
      %parallel_loop3A_1193 = arith.constant 16 : i32
      %parallel_loop3A_1194 = arith.muli %parallel_loop3A_1192, %parallel_loop3A_1193 : i32
      %parallel_loop3A_1195 = arith.index_cast %parallel_loop3A_1176 : i32 to index
      %parallel_loop3A_1196 = arith.index_cast %parallel_loop3A_1194 : i32 to index
      %parallel_loop3A_1197 = tpu.vector_load %arg9[%parallel_loop3A_1195, %parallel_loop3A_1196] {strides = array<i32>} : memref<16x1024xf32, #tpu.memory_space<vmem>>, vector<1x16xf32>,
      %parallel_loop3A_1198 = vector.shape_cast %parallel_loop3A_1197 : vector<1x16xf32> to vector<16xf32>
      %parallel_loop3A_1199 = arith.index_cast %parallel_loop3A_1176 : i32 to index
      %parallel_loop3A_1200 = arith.index_cast %parallel_loop3A_1194 : i32 to index
      %parallel_loop3A_1201 = tpu.vector_load %arg7[%parallel_loop3A_1199, %parallel_loop3A_1200] {strides = array<i32>} : memref<16x1024xf32, #tpu.memory_space<vmem>>, vector<1x16xf32>,
      %parallel_loop3A_1202 = vector.shape_cast %parallel_loop3A_1201 : vector<1x16xf32> to vector<16xf32>
      %parallel_loop3A_1203 = vector.shape_cast %parallel_loop3A_1198 : vector<16xf32> to vector<1x16xf32>
      tpu.vector_store %arg7[%parallel_loop3A_1199, %parallel_loop3A_1200], %parallel_loop3A_1203 {add = true, strides = array<i32>} : memref<16x1024xf32, #tpu.memory_space<vmem>>, vector<1x16xf32>,
      %parallel_loop3A_1204 = arith.index_cast %parallel_loop3A_1176 : i32 to index
      %parallel_loop3A_1205 = arith.index_cast %parallel_loop3A_1194 : i32 to index
      %parallel_loop3A_1206 = tpu.vector_load %arg8[%parallel_loop3A_1204, %parallel_loop3A_1205] {strides = array<i32>} : memref<16x1024xf32, #tpu.memory_space<vmem>>, vector<1x16xf32>,
      %parallel_loop3A_1207 = vector.shape_cast %parallel_loop3A_1206 : vector<1x16xf32> to vector<16xf32>
      %parallel_loop3A_1208 = vector.shape_cast %parallel_loop3A_1198 : vector<16xf32> to vector<1x16xf32>
      tpu.vector_store %arg8[%parallel_loop3A_1204, %parallel_loop3A_1205], %parallel_loop3A_1208 {add = true, strides = array<i32>} : memref<16x1024xf32, #tpu.memory_space<vmem>>, vector<1x16xf32>,
    } {sc.loop_unroll_factor = 8 : i64, sc.parallel_access}
    %add3A_1000 = arith.constant 96 : i32
    %add3A_1001 = arith.addi %mul3A_2, %add3A_1000 : i32
    %dma_start3A_1002 = arith.constant 2 : i32
    %dma_start3A_1003 = arith.constant 0 : i32
    %dma_start3A_1004 = tpu.memref_slice %arg4[%dma_start3A_1002, %add3A_1001, %dma_start3A_1003] : memref<4x4096x1024xf32, #tpu.memory_space<hbm>> -> memref<1x16x1024xf32, #tpu.memory_space<hbm>>
    %dma_start3A_1005 = tpu.memref_squeeze %dma_start3A_1004 : memref<1x16x1024xf32, #tpu.memory_space<hbm>> -> memref<16x1024xf32, #tpu.memory_space<hbm>>
    %dma_start3A_1006 = arith.constant 0 : i32
    %dma_start3A_1007 = tpu.memref_slice %arg4[%dma_start3A_1002, %add3A_1001, %dma_start3A_1006] : memref<4x4096x1024xf32, #tpu.memory_space<hbm>> -> memref<1x16x1024xf32, #tpu.memory_space<hbm>>
    %dma_start3A_1008 = tpu.memref_squeeze %dma_start3A_1007 : memref<1x16x1024xf32, #tpu.memory_space<hbm>> -> memref<16x1024xf32, #tpu.memory_space<hbm>>
    tpu.enqueue_dma source(%arg7 : memref<16x1024xf32, #tpu.memory_space<vmem>>) target(%dma_start3A_1008 : memref<16x1024xf32, #tpu.memory_space<hbm>>) target_semaphore(%arg17 : memref<!tpu.dma_semaphore, #tpu.memory_space<semaphore_mem>>)
    %add3A_1009 = arith.constant 96 : i32
    %add3A_1010 = arith.addi %mul3A_2, %add3A_1009 : i32
    %dma_start3A_1011 = arith.constant 3 : i32
    %dma_start3A_1012 = arith.constant 0 : i32
    %dma_start3A_1013 = tpu.memref_slice %arg4[%dma_start3A_1011, %add3A_1010, %dma_start3A_1012] : memref<4x4096x1024xf32, #tpu.memory_space<hbm>> -> memref<1x16x1024xf32, #tpu.memory_space<hbm>>
    %dma_start3A_1014 = tpu.memref_squeeze %dma_start3A_1013 : memref<1x16x1024xf32, #tpu.memory_space<hbm>> -> memref<16x1024xf32, #tpu.memory_space<hbm>>
    %dma_start3A_1015 = arith.constant 0 : i32
    %dma_start3A_1016 = tpu.memref_slice %arg4[%dma_start3A_1011, %add3A_1010, %dma_start3A_1015] : memref<4x4096x1024xf32, #tpu.memory_space<hbm>> -> memref<1x16x1024xf32, #tpu.memory_space<hbm>>
    %dma_start3A_1017 = tpu.memref_squeeze %dma_start3A_1016 : memref<1x16x1024xf32, #tpu.memory_space<hbm>> -> memref<16x1024xf32, #tpu.memory_space<hbm>>
    tpu.enqueue_dma source(%arg8 : memref<16x1024xf32, #tpu.memory_space<vmem>>) target(%dma_start3A_1017 : memref<16x1024xf32, #tpu.memory_space<hbm>>) target_semaphore(%arg18 : memref<!tpu.dma_semaphore, #tpu.memory_space<semaphore_mem>>)
    %dma_wait3A_1018 = arith.constant 0 : i32
    %dma_wait3A_1019 = tpu.memref_slice %arg3[%add3A_879, %dma_wait3A_1018] : memref<4096x1024xf32, #tpu.memory_space<hbm>> -> memref<16x1024xf32, #tpu.memory_space<hbm>>
    %dma_wait3A_1020 = arith.constant 0 : i32
    %dma_wait3A_1021 = tpu.memref_slice %arg3[%add3A_879, %dma_wait3A_1020] : memref<4096x1024xf32, #tpu.memory_space<hbm>> -> memref<16x1024xf32, #tpu.memory_space<hbm>>
    tpu.wait_dma2 semaphore(%arg20 : memref<!tpu.dma_semaphore, #tpu.memory_space<semaphore_mem>>) src(%dma_wait3A_1021 : memref<16x1024xf32, #tpu.memory_space<hbm>>) dst(%arg10 : memref<16x1024xf32, #tpu.memory_space<vmem>>)
    %dma_wait3A_1022 = arith.constant 2 : i32
    %dma_wait3A_1023 = arith.constant 0 : i32
    %dma_wait3A_1024 = tpu.memref_slice %arg4[%dma_wait3A_1022, %add3A_1001, %dma_wait3A_1023] : memref<4x4096x1024xf32, #tpu.memory_space<hbm>> -> memref<1x16x1024xf32, #tpu.memory_space<hbm>>
    %dma_wait3A_1025 = tpu.memref_squeeze %dma_wait3A_1024 : memref<1x16x1024xf32, #tpu.memory_space<hbm>> -> memref<16x1024xf32, #tpu.memory_space<hbm>>
    %dma_wait3A_1026 = arith.constant 0 : i32
    %dma_wait3A_1027 = tpu.memref_slice %arg4[%dma_wait3A_1022, %add3A_1001, %dma_wait3A_1026] : memref<4x4096x1024xf32, #tpu.memory_space<hbm>> -> memref<1x16x1024xf32, #tpu.memory_space<hbm>>
    %dma_wait3A_1028 = tpu.memref_squeeze %dma_wait3A_1027 : memref<1x16x1024xf32, #tpu.memory_space<hbm>> -> memref<16x1024xf32, #tpu.memory_space<hbm>>
    tpu.wait_dma2 semaphore(%arg17 : memref<!tpu.dma_semaphore, #tpu.memory_space<semaphore_mem>>) src(%arg7 : memref<16x1024xf32, #tpu.memory_space<vmem>>) dst(%dma_wait3A_1028 : memref<16x1024xf32, #tpu.memory_space<hbm>>)
    %add3A_1029 = arith.constant 112 : i32
    %add3A_1030 = arith.addi %mul3A_2, %add3A_1029 : i32
    %dma_start3A_1031 = arith.constant 2 : i32
    %dma_start3A_1032 = arith.constant 0 : i32
    %dma_start3A_1033 = tpu.memref_slice %arg2[%dma_start3A_1031, %add3A_1030, %dma_start3A_1032] : memref<4x4096x1024xf32, #tpu.memory_space<hbm>> -> memref<1x16x1024xf32, #tpu.memory_space<hbm>>
    %dma_start3A_1034 = tpu.memref_squeeze %dma_start3A_1033 : memref<1x16x1024xf32, #tpu.memory_space<hbm>> -> memref<16x1024xf32, #tpu.memory_space<hbm>>
    %dma_start3A_1035 = arith.constant 0 : i32
    %dma_start3A_1036 = tpu.memref_slice %arg2[%dma_start3A_1031, %add3A_1030, %dma_start3A_1035] : memref<4x4096x1024xf32, #tpu.memory_space<hbm>> -> memref<1x16x1024xf32, #tpu.memory_space<hbm>>
    %dma_start3A_1037 = tpu.memref_squeeze %dma_start3A_1036 : memref<1x16x1024xf32, #tpu.memory_space<hbm>> -> memref<16x1024xf32, #tpu.memory_space<hbm>>
    tpu.enqueue_dma source(%dma_start3A_1037 : memref<16x1024xf32, #tpu.memory_space<hbm>>) target(%arg7 : memref<16x1024xf32, #tpu.memory_space<vmem>>) target_semaphore(%arg13 : memref<!tpu.dma_semaphore, #tpu.memory_space<semaphore_mem>>)
    %dma_wait3A_1038 = arith.constant 3 : i32
    %dma_wait3A_1039 = arith.constant 0 : i32
    %dma_wait3A_1040 = tpu.memref_slice %arg4[%dma_wait3A_1038, %add3A_1010, %dma_wait3A_1039] : memref<4x4096x1024xf32, #tpu.memory_space<hbm>> -> memref<1x16x1024xf32, #tpu.memory_space<hbm>>
    %dma_wait3A_1041 = tpu.memref_squeeze %dma_wait3A_1040 : memref<1x16x1024xf32, #tpu.memory_space<hbm>> -> memref<16x1024xf32, #tpu.memory_space<hbm>>
    %dma_wait3A_1042 = arith.constant 0 : i32
    %dma_wait3A_1043 = tpu.memref_slice %arg4[%dma_wait3A_1038, %add3A_1010, %dma_wait3A_1042] : memref<4x4096x1024xf32, #tpu.memory_space<hbm>> -> memref<1x16x1024xf32, #tpu.memory_space<hbm>>
    %dma_wait3A_1044 = tpu.memref_squeeze %dma_wait3A_1043 : memref<1x16x1024xf32, #tpu.memory_space<hbm>> -> memref<16x1024xf32, #tpu.memory_space<hbm>>
    tpu.wait_dma2 semaphore(%arg18 : memref<!tpu.dma_semaphore, #tpu.memory_space<semaphore_mem>>) src(%arg8 : memref<16x1024xf32, #tpu.memory_space<vmem>>) dst(%dma_wait3A_1044 : memref<16x1024xf32, #tpu.memory_space<hbm>>)
    %add3A_1045 = arith.constant 112 : i32
    %add3A_1046 = arith.addi %mul3A_2, %add3A_1045 : i32
    %dma_start3A_1047 = arith.constant 3 : i32
    %dma_start3A_1048 = arith.constant 0 : i32
    %dma_start3A_1049 = tpu.memref_slice %arg2[%dma_start3A_1047, %add3A_1046, %dma_start3A_1048] : memref<4x4096x1024xf32, #tpu.memory_space<hbm>> -> memref<1x16x1024xf32, #tpu.memory_space<hbm>>
    %dma_start3A_1050 = tpu.memref_squeeze %dma_start3A_1049 : memref<1x16x1024xf32, #tpu.memory_space<hbm>> -> memref<16x1024xf32, #tpu.memory_space<hbm>>
    %dma_start3A_1051 = arith.constant 0 : i32
    %dma_start3A_1052 = tpu.memref_slice %arg2[%dma_start3A_1047, %add3A_1046, %dma_start3A_1051] : memref<4x4096x1024xf32, #tpu.memory_space<hbm>> -> memref<1x16x1024xf32, #tpu.memory_space<hbm>>
    %dma_start3A_1053 = tpu.memref_squeeze %dma_start3A_1052 : memref<1x16x1024xf32, #tpu.memory_space<hbm>> -> memref<16x1024xf32, #tpu.memory_space<hbm>>
    tpu.enqueue_dma source(%dma_start3A_1053 : memref<16x1024xf32, #tpu.memory_space<hbm>>) target(%arg8 : memref<16x1024xf32, #tpu.memory_space<vmem>>) target_semaphore(%arg14 : memref<!tpu.dma_semaphore, #tpu.memory_space<semaphore_mem>>)
    %dma_wait3A_1054 = arith.constant 0 : i32
    %dma_wait3A_1055 = arith.constant 0 : i32
    %dma_wait3A_1056 = tpu.memref_slice %arg2[%dma_wait3A_1054, %add3A_959, %dma_wait3A_1055] : memref<4x4096x1024xf32, #tpu.memory_space<hbm>> -> memref<1x16x1024xf32, #tpu.memory_space<hbm>>
    %dma_wait3A_1057 = tpu.memref_squeeze %dma_wait3A_1056 : memref<1x16x1024xf32, #tpu.memory_space<hbm>> -> memref<16x1024xf32, #tpu.memory_space<hbm>>
    %dma_wait3A_1058 = arith.constant 0 : i32
    %dma_wait3A_1059 = tpu.memref_slice %arg2[%dma_wait3A_1054, %add3A_959, %dma_wait3A_1058] : memref<4x4096x1024xf32, #tpu.memory_space<hbm>> -> memref<1x16x1024xf32, #tpu.memory_space<hbm>>
    %dma_wait3A_1060 = tpu.memref_squeeze %dma_wait3A_1059 : memref<1x16x1024xf32, #tpu.memory_space<hbm>> -> memref<16x1024xf32, #tpu.memory_space<hbm>>
    tpu.wait_dma2 semaphore(%arg11 : memref<!tpu.dma_semaphore, #tpu.memory_space<semaphore_mem>>) src(%dma_wait3A_1060 : memref<16x1024xf32, #tpu.memory_space<hbm>>) dst(%arg5 : memref<16x1024xf32, #tpu.memory_space<vmem>>)
    %dma_wait3A_1061 = arith.constant 1 : i32
    %dma_wait3A_1062 = arith.constant 0 : i32
    %dma_wait3A_1063 = tpu.memref_slice %arg2[%dma_wait3A_1061, %add3A_975, %dma_wait3A_1062] : memref<4x4096x1024xf32, #tpu.memory_space<hbm>> -> memref<1x16x1024xf32, #tpu.memory_space<hbm>>
    %dma_wait3A_1064 = tpu.memref_squeeze %dma_wait3A_1063 : memref<1x16x1024xf32, #tpu.memory_space<hbm>> -> memref<16x1024xf32, #tpu.memory_space<hbm>>
    %dma_wait3A_1065 = arith.constant 0 : i32
    %dma_wait3A_1066 = tpu.memref_slice %arg2[%dma_wait3A_1061, %add3A_975, %dma_wait3A_1065] : memref<4x4096x1024xf32, #tpu.memory_space<hbm>> -> memref<1x16x1024xf32, #tpu.memory_space<hbm>>
    %dma_wait3A_1067 = tpu.memref_squeeze %dma_wait3A_1066 : memref<1x16x1024xf32, #tpu.memory_space<hbm>> -> memref<16x1024xf32, #tpu.memory_space<hbm>>
    tpu.wait_dma2 semaphore(%arg12 : memref<!tpu.dma_semaphore, #tpu.memory_space<semaphore_mem>>) src(%dma_wait3A_1067 : memref<16x1024xf32, #tpu.memory_space<hbm>>) dst(%arg6 : memref<16x1024xf32, #tpu.memory_space<vmem>>)
    %parallel_loop3A_1068 = arith.constant 0 : i32
    %parallel_loop3A_1069 = arith.constant 1024 : i32
    %parallel_loop3A_1070 = arith.constant 1 : i32
    scf.for %parallel_loop3A_1152 = %parallel_loop3A_1068 to %parallel_loop3A_1069 step %parallel_loop3A_1070  : i32 {
      %parallel_loop3A_1153 = arith.constant 64 : i32
      %parallel_loop3A_1154 = arith.divsi %parallel_loop3A_1152, %parallel_loop3A_1153 : i32
      %parallel_loop3A_1155 = arith.constant 0 : i32
      %parallel_loop3A_1156 = arith.cmpi sgt, %parallel_loop3A_1152, %parallel_loop3A_1155 : i32
      %parallel_loop3A_1157 = arith.extui %parallel_loop3A_1156 : i1 to i32
      %parallel_loop3A_1158 = arith.constant 0 : i32
      %parallel_loop3A_1159 = arith.cmpi slt, %parallel_loop3A_1152, %parallel_loop3A_1158 : i32
      %parallel_loop3A_1160 = arith.extui %parallel_loop3A_1159 : i1 to i32
      %parallel_loop3A_1161 = arith.subi %parallel_loop3A_1157, %parallel_loop3A_1160 : i32
      %parallel_loop3A_1162 = arith.constant 0 : i32
      %parallel_loop3A_1163 = arith.cmpi sgt, %parallel_loop3A_1153, %parallel_loop3A_1162 : i32
      %parallel_loop3A_1164 = arith.extui %parallel_loop3A_1163 : i1 to i32
      %parallel_loop3A_1165 = arith.constant 0 : i32
      %parallel_loop3A_1166 = arith.cmpi slt, %parallel_loop3A_1153, %parallel_loop3A_1165 : i32
      %parallel_loop3A_1167 = arith.extui %parallel_loop3A_1166 : i1 to i32
      %parallel_loop3A_1168 = arith.subi %parallel_loop3A_1164, %parallel_loop3A_1167 : i32
      %parallel_loop3A_1169 = arith.cmpi ne, %parallel_loop3A_1161, %parallel_loop3A_1168 : i32
      %parallel_loop3A_1170 = arith.remsi %parallel_loop3A_1152, %parallel_loop3A_1153 : i32
      %parallel_loop3A_1171 = arith.constant 0 : i32
      %parallel_loop3A_1172 = arith.cmpi ne, %parallel_loop3A_1170, %parallel_loop3A_1171 : i32
      %parallel_loop3A_1173 = arith.andi %parallel_loop3A_1169, %parallel_loop3A_1172 : i1
      %parallel_loop3A_1174 = arith.constant 1 : i32
      %parallel_loop3A_1175 = arith.subi %parallel_loop3A_1154, %parallel_loop3A_1174 : i32
      %parallel_loop3A_1176 = arith.select %parallel_loop3A_1173, %parallel_loop3A_1175, %parallel_loop3A_1154 : i32
      %parallel_loop3A_1177 = arith.constant 64 : i32
      %parallel_loop3A_1178 = arith.constant 0 : i32
      %parallel_loop3A_1179 = arith.cmpi eq, %parallel_loop3A_1177, %parallel_loop3A_1178 : i32
      %parallel_loop3A_1180 = arith.constant 1 : i32
      %parallel_loop3A_1181 = arith.select %parallel_loop3A_1179, %parallel_loop3A_1180, %parallel_loop3A_1177 : i32
      %parallel_loop3A_1182 = arith.remsi %parallel_loop3A_1152, %parallel_loop3A_1181 : i32
      %parallel_loop3A_1183 = arith.constant 0 : i32
      %parallel_loop3A_1184 = arith.cmpi ne, %parallel_loop3A_1182, %parallel_loop3A_1183 : i32
      %parallel_loop3A_1185 = arith.constant 0 : i32
      %parallel_loop3A_1186 = arith.cmpi slt, %parallel_loop3A_1182, %parallel_loop3A_1185 : i32
      %parallel_loop3A_1187 = arith.constant 0 : i32
      %parallel_loop3A_1188 = arith.cmpi slt, %parallel_loop3A_1181, %parallel_loop3A_1187 : i32
      %parallel_loop3A_1189 = arith.xori %parallel_loop3A_1186, %parallel_loop3A_1188 : i1
      %parallel_loop3A_1190 = arith.andi %parallel_loop3A_1189, %parallel_loop3A_1184 : i1
      %parallel_loop3A_1191 = arith.addi %parallel_loop3A_1182, %parallel_loop3A_1181 : i32
      %parallel_loop3A_1192 = arith.select %parallel_loop3A_1190, %parallel_loop3A_1191, %parallel_loop3A_1182 : i32
      %parallel_loop3A_1193 = arith.constant 16 : i32
      %parallel_loop3A_1194 = arith.muli %parallel_loop3A_1192, %parallel_loop3A_1193 : i32
      %parallel_loop3A_1195 = arith.index_cast %parallel_loop3A_1176 : i32 to index
      %parallel_loop3A_1196 = arith.index_cast %parallel_loop3A_1194 : i32 to index
      %parallel_loop3A_1197 = tpu.vector_load %arg10[%parallel_loop3A_1195, %parallel_loop3A_1196] {strides = array<i32>} : memref<16x1024xf32, #tpu.memory_space<vmem>>, vector<1x16xf32>,
      %parallel_loop3A_1198 = vector.shape_cast %parallel_loop3A_1197 : vector<1x16xf32> to vector<16xf32>
      %parallel_loop3A_1199 = arith.index_cast %parallel_loop3A_1176 : i32 to index
      %parallel_loop3A_1200 = arith.index_cast %parallel_loop3A_1194 : i32 to index
      %parallel_loop3A_1201 = tpu.vector_load %arg5[%parallel_loop3A_1199, %parallel_loop3A_1200] {strides = array<i32>} : memref<16x1024xf32, #tpu.memory_space<vmem>>, vector<1x16xf32>,
      %parallel_loop3A_1202 = vector.shape_cast %parallel_loop3A_1201 : vector<1x16xf32> to vector<16xf32>
      %parallel_loop3A_1203 = vector.shape_cast %parallel_loop3A_1198 : vector<16xf32> to vector<1x16xf32>
      tpu.vector_store %arg5[%parallel_loop3A_1199, %parallel_loop3A_1200], %parallel_loop3A_1203 {add = true, strides = array<i32>} : memref<16x1024xf32, #tpu.memory_space<vmem>>, vector<1x16xf32>,
      %parallel_loop3A_1204 = arith.index_cast %parallel_loop3A_1176 : i32 to index
      %parallel_loop3A_1205 = arith.index_cast %parallel_loop3A_1194 : i32 to index
      %parallel_loop3A_1206 = tpu.vector_load %arg6[%parallel_loop3A_1204, %parallel_loop3A_1205] {strides = array<i32>} : memref<16x1024xf32, #tpu.memory_space<vmem>>, vector<1x16xf32>,
      %parallel_loop3A_1207 = vector.shape_cast %parallel_loop3A_1206 : vector<1x16xf32> to vector<16xf32>
      %parallel_loop3A_1208 = vector.shape_cast %parallel_loop3A_1198 : vector<16xf32> to vector<1x16xf32>
      tpu.vector_store %arg6[%parallel_loop3A_1204, %parallel_loop3A_1205], %parallel_loop3A_1208 {add = true, strides = array<i32>} : memref<16x1024xf32, #tpu.memory_space<vmem>>, vector<1x16xf32>,
    } {sc.loop_unroll_factor = 8 : i64, sc.parallel_access}
    %add3A_1071 = arith.constant 112 : i32
    %add3A_1072 = arith.addi %mul3A_2, %add3A_1071 : i32
    %dma_start3A_1073 = arith.constant 0 : i32
    %dma_start3A_1074 = arith.constant 0 : i32
    %dma_start3A_1075 = tpu.memref_slice %arg4[%dma_start3A_1073, %add3A_1072, %dma_start3A_1074] : memref<4x4096x1024xf32, #tpu.memory_space<hbm>> -> memref<1x16x1024xf32, #tpu.memory_space<hbm>>
    %dma_start3A_1076 = tpu.memref_squeeze %dma_start3A_1075 : memref<1x16x1024xf32, #tpu.memory_space<hbm>> -> memref<16x1024xf32, #tpu.memory_space<hbm>>
    %dma_start3A_1077 = arith.constant 0 : i32
    %dma_start3A_1078 = tpu.memref_slice %arg4[%dma_start3A_1073, %add3A_1072, %dma_start3A_1077] : memref<4x4096x1024xf32, #tpu.memory_space<hbm>> -> memref<1x16x1024xf32, #tpu.memory_space<hbm>>
    %dma_start3A_1079 = tpu.memref_squeeze %dma_start3A_1078 : memref<1x16x1024xf32, #tpu.memory_space<hbm>> -> memref<16x1024xf32, #tpu.memory_space<hbm>>
    tpu.enqueue_dma source(%arg5 : memref<16x1024xf32, #tpu.memory_space<vmem>>) target(%dma_start3A_1079 : memref<16x1024xf32, #tpu.memory_space<hbm>>) target_semaphore(%arg15 : memref<!tpu.dma_semaphore, #tpu.memory_space<semaphore_mem>>)
    %add3A_1080 = arith.constant 112 : i32
    %add3A_1081 = arith.addi %mul3A_2, %add3A_1080 : i32
    %dma_start3A_1082 = arith.constant 1 : i32
    %dma_start3A_1083 = arith.constant 0 : i32
    %dma_start3A_1084 = tpu.memref_slice %arg4[%dma_start3A_1082, %add3A_1081, %dma_start3A_1083] : memref<4x4096x1024xf32, #tpu.memory_space<hbm>> -> memref<1x16x1024xf32, #tpu.memory_space<hbm>>
    %dma_start3A_1085 = tpu.memref_squeeze %dma_start3A_1084 : memref<1x16x1024xf32, #tpu.memory_space<hbm>> -> memref<16x1024xf32, #tpu.memory_space<hbm>>
    %dma_start3A_1086 = arith.constant 0 : i32
    %dma_start3A_1087 = tpu.memref_slice %arg4[%dma_start3A_1082, %add3A_1081, %dma_start3A_1086] : memref<4x4096x1024xf32, #tpu.memory_space<hbm>> -> memref<1x16x1024xf32, #tpu.memory_space<hbm>>
    %dma_start3A_1088 = tpu.memref_squeeze %dma_start3A_1087 : memref<1x16x1024xf32, #tpu.memory_space<hbm>> -> memref<16x1024xf32, #tpu.memory_space<hbm>>
    tpu.enqueue_dma source(%arg6 : memref<16x1024xf32, #tpu.memory_space<vmem>>) target(%dma_start3A_1088 : memref<16x1024xf32, #tpu.memory_space<hbm>>) target_semaphore(%arg16 : memref<!tpu.dma_semaphore, #tpu.memory_space<semaphore_mem>>)
    %dma_wait3A_1089 = arith.constant 2 : i32
    %dma_wait3A_1090 = arith.constant 0 : i32
    %dma_wait3A_1091 = tpu.memref_slice %arg2[%dma_wait3A_1089, %add3A_1030, %dma_wait3A_1090] : memref<4x4096x1024xf32, #tpu.memory_space<hbm>> -> memref<1x16x1024xf32, #tpu.memory_space<hbm>>
    %dma_wait3A_1092 = tpu.memref_squeeze %dma_wait3A_1091 : memref<1x16x1024xf32, #tpu.memory_space<hbm>> -> memref<16x1024xf32, #tpu.memory_space<hbm>>
    %dma_wait3A_1093 = arith.constant 0 : i32
    %dma_wait3A_1094 = tpu.memref_slice %arg2[%dma_wait3A_1089, %add3A_1030, %dma_wait3A_1093] : memref<4x4096x1024xf32, #tpu.memory_space<hbm>> -> memref<1x16x1024xf32, #tpu.memory_space<hbm>>
    %dma_wait3A_1095 = tpu.memref_squeeze %dma_wait3A_1094 : memref<1x16x1024xf32, #tpu.memory_space<hbm>> -> memref<16x1024xf32, #tpu.memory_space<hbm>>
    tpu.wait_dma2 semaphore(%arg13 : memref<!tpu.dma_semaphore, #tpu.memory_space<semaphore_mem>>) src(%dma_wait3A_1095 : memref<16x1024xf32, #tpu.memory_space<hbm>>) dst(%arg7 : memref<16x1024xf32, #tpu.memory_space<vmem>>)
    %dma_wait3A_1096 = arith.constant 3 : i32
    %dma_wait3A_1097 = arith.constant 0 : i32
    %dma_wait3A_1098 = tpu.memref_slice %arg2[%dma_wait3A_1096, %add3A_1046, %dma_wait3A_1097] : memref<4x4096x1024xf32, #tpu.memory_space<hbm>> -> memref<1x16x1024xf32, #tpu.memory_space<hbm>>
    %dma_wait3A_1099 = tpu.memref_squeeze %dma_wait3A_1098 : memref<1x16x1024xf32, #tpu.memory_space<hbm>> -> memref<16x1024xf32, #tpu.memory_space<hbm>>
    %dma_wait3A_1100 = arith.constant 0 : i32
    %dma_wait3A_1101 = tpu.memref_slice %arg2[%dma_wait3A_1096, %add3A_1046, %dma_wait3A_1100] : memref<4x4096x1024xf32, #tpu.memory_space<hbm>> -> memref<1x16x1024xf32, #tpu.memory_space<hbm>>
    %dma_wait3A_1102 = tpu.memref_squeeze %dma_wait3A_1101 : memref<1x16x1024xf32, #tpu.memory_space<hbm>> -> memref<16x1024xf32, #tpu.memory_space<hbm>>
    tpu.wait_dma2 semaphore(%arg14 : memref<!tpu.dma_semaphore, #tpu.memory_space<semaphore_mem>>) src(%dma_wait3A_1102 : memref<16x1024xf32, #tpu.memory_space<hbm>>) dst(%arg8 : memref<16x1024xf32, #tpu.memory_space<vmem>>)
    %parallel_loop3A_1103 = arith.constant 0 : i32
    %parallel_loop3A_1104 = arith.constant 1024 : i32
    %parallel_loop3A_1105 = arith.constant 1 : i32
    scf.for %parallel_loop3A_1152 = %parallel_loop3A_1103 to %parallel_loop3A_1104 step %parallel_loop3A_1105  : i32 {
      %parallel_loop3A_1153 = arith.constant 64 : i32
      %parallel_loop3A_1154 = arith.divsi %parallel_loop3A_1152, %parallel_loop3A_1153 : i32
      %parallel_loop3A_1155 = arith.constant 0 : i32
      %parallel_loop3A_1156 = arith.cmpi sgt, %parallel_loop3A_1152, %parallel_loop3A_1155 : i32
      %parallel_loop3A_1157 = arith.extui %parallel_loop3A_1156 : i1 to i32
      %parallel_loop3A_1158 = arith.constant 0 : i32
      %parallel_loop3A_1159 = arith.cmpi slt, %parallel_loop3A_1152, %parallel_loop3A_1158 : i32
      %parallel_loop3A_1160 = arith.extui %parallel_loop3A_1159 : i1 to i32
      %parallel_loop3A_1161 = arith.subi %parallel_loop3A_1157, %parallel_loop3A_1160 : i32
      %parallel_loop3A_1162 = arith.constant 0 : i32
      %parallel_loop3A_1163 = arith.cmpi sgt, %parallel_loop3A_1153, %parallel_loop3A_1162 : i32
      %parallel_loop3A_1164 = arith.extui %parallel_loop3A_1163 : i1 to i32
      %parallel_loop3A_1165 = arith.constant 0 : i32
      %parallel_loop3A_1166 = arith.cmpi slt, %parallel_loop3A_1153, %parallel_loop3A_1165 : i32
      %parallel_loop3A_1167 = arith.extui %parallel_loop3A_1166 : i1 to i32
      %parallel_loop3A_1168 = arith.subi %parallel_loop3A_1164, %parallel_loop3A_1167 : i32
      %parallel_loop3A_1169 = arith.cmpi ne, %parallel_loop3A_1161, %parallel_loop3A_1168 : i32
      %parallel_loop3A_1170 = arith.remsi %parallel_loop3A_1152, %parallel_loop3A_1153 : i32
      %parallel_loop3A_1171 = arith.constant 0 : i32
      %parallel_loop3A_1172 = arith.cmpi ne, %parallel_loop3A_1170, %parallel_loop3A_1171 : i32
      %parallel_loop3A_1173 = arith.andi %parallel_loop3A_1169, %parallel_loop3A_1172 : i1
      %parallel_loop3A_1174 = arith.constant 1 : i32
      %parallel_loop3A_1175 = arith.subi %parallel_loop3A_1154, %parallel_loop3A_1174 : i32
      %parallel_loop3A_1176 = arith.select %parallel_loop3A_1173, %parallel_loop3A_1175, %parallel_loop3A_1154 : i32
      %parallel_loop3A_1177 = arith.constant 64 : i32
      %parallel_loop3A_1178 = arith.constant 0 : i32
      %parallel_loop3A_1179 = arith.cmpi eq, %parallel_loop3A_1177, %parallel_loop3A_1178 : i32
      %parallel_loop3A_1180 = arith.constant 1 : i32
      %parallel_loop3A_1181 = arith.select %parallel_loop3A_1179, %parallel_loop3A_1180, %parallel_loop3A_1177 : i32
      %parallel_loop3A_1182 = arith.remsi %parallel_loop3A_1152, %parallel_loop3A_1181 : i32
      %parallel_loop3A_1183 = arith.constant 0 : i32
      %parallel_loop3A_1184 = arith.cmpi ne, %parallel_loop3A_1182, %parallel_loop3A_1183 : i32
      %parallel_loop3A_1185 = arith.constant 0 : i32
      %parallel_loop3A_1186 = arith.cmpi slt, %parallel_loop3A_1182, %parallel_loop3A_1185 : i32
      %parallel_loop3A_1187 = arith.constant 0 : i32
      %parallel_loop3A_1188 = arith.cmpi slt, %parallel_loop3A_1181, %parallel_loop3A_1187 : i32
      %parallel_loop3A_1189 = arith.xori %parallel_loop3A_1186, %parallel_loop3A_1188 : i1
      %parallel_loop3A_1190 = arith.andi %parallel_loop3A_1189, %parallel_loop3A_1184 : i1
      %parallel_loop3A_1191 = arith.addi %parallel_loop3A_1182, %parallel_loop3A_1181 : i32
      %parallel_loop3A_1192 = arith.select %parallel_loop3A_1190, %parallel_loop3A_1191, %parallel_loop3A_1182 : i32
      %parallel_loop3A_1193 = arith.constant 16 : i32
      %parallel_loop3A_1194 = arith.muli %parallel_loop3A_1192, %parallel_loop3A_1193 : i32
      %parallel_loop3A_1195 = arith.index_cast %parallel_loop3A_1176 : i32 to index
      %parallel_loop3A_1196 = arith.index_cast %parallel_loop3A_1194 : i32 to index
      %parallel_loop3A_1197 = tpu.vector_load %arg10[%parallel_loop3A_1195, %parallel_loop3A_1196] {strides = array<i32>} : memref<16x1024xf32, #tpu.memory_space<vmem>>, vector<1x16xf32>,
      %parallel_loop3A_1198 = vector.shape_cast %parallel_loop3A_1197 : vector<1x16xf32> to vector<16xf32>
      %parallel_loop3A_1199 = arith.index_cast %parallel_loop3A_1176 : i32 to index
      %parallel_loop3A_1200 = arith.index_cast %parallel_loop3A_1194 : i32 to index
      %parallel_loop3A_1201 = tpu.vector_load %arg7[%parallel_loop3A_1199, %parallel_loop3A_1200] {strides = array<i32>} : memref<16x1024xf32, #tpu.memory_space<vmem>>, vector<1x16xf32>,
      %parallel_loop3A_1202 = vector.shape_cast %parallel_loop3A_1201 : vector<1x16xf32> to vector<16xf32>
      %parallel_loop3A_1203 = vector.shape_cast %parallel_loop3A_1198 : vector<16xf32> to vector<1x16xf32>
      tpu.vector_store %arg7[%parallel_loop3A_1199, %parallel_loop3A_1200], %parallel_loop3A_1203 {add = true, strides = array<i32>} : memref<16x1024xf32, #tpu.memory_space<vmem>>, vector<1x16xf32>,
      %parallel_loop3A_1204 = arith.index_cast %parallel_loop3A_1176 : i32 to index
      %parallel_loop3A_1205 = arith.index_cast %parallel_loop3A_1194 : i32 to index
      %parallel_loop3A_1206 = tpu.vector_load %arg8[%parallel_loop3A_1204, %parallel_loop3A_1205] {strides = array<i32>} : memref<16x1024xf32, #tpu.memory_space<vmem>>, vector<1x16xf32>,
      %parallel_loop3A_1207 = vector.shape_cast %parallel_loop3A_1206 : vector<1x16xf32> to vector<16xf32>
      %parallel_loop3A_1208 = vector.shape_cast %parallel_loop3A_1198 : vector<16xf32> to vector<1x16xf32>
      tpu.vector_store %arg8[%parallel_loop3A_1204, %parallel_loop3A_1205], %parallel_loop3A_1208 {add = true, strides = array<i32>} : memref<16x1024xf32, #tpu.memory_space<vmem>>, vector<1x16xf32>,
    } {sc.loop_unroll_factor = 8 : i64, sc.parallel_access}
    %add3A_1106 = arith.constant 112 : i32
    %add3A_1107 = arith.addi %mul3A_2, %add3A_1106 : i32
    %dma_start3A_1108 = arith.constant 2 : i32
    %dma_start3A_1109 = arith.constant 0 : i32
    %dma_start3A_1110 = tpu.memref_slice %arg4[%dma_start3A_1108, %add3A_1107, %dma_start3A_1109] : memref<4x4096x1024xf32, #tpu.memory_space<hbm>> -> memref<1x16x1024xf32, #tpu.memory_space<hbm>>
    %dma_start3A_1111 = tpu.memref_squeeze %dma_start3A_1110 : memref<1x16x1024xf32, #tpu.memory_space<hbm>> -> memref<16x1024xf32, #tpu.memory_space<hbm>>
    %dma_start3A_1112 = arith.constant 0 : i32
    %dma_start3A_1113 = tpu.memref_slice %arg4[%dma_start3A_1108, %add3A_1107, %dma_start3A_1112] : memref<4x4096x1024xf32, #tpu.memory_space<hbm>> -> memref<1x16x1024xf32, #tpu.memory_space<hbm>>
    %dma_start3A_1114 = tpu.memref_squeeze %dma_start3A_1113 : memref<1x16x1024xf32, #tpu.memory_space<hbm>> -> memref<16x1024xf32, #tpu.memory_space<hbm>>
    tpu.enqueue_dma source(%arg7 : memref<16x1024xf32, #tpu.memory_space<vmem>>) target(%dma_start3A_1114 : memref<16x1024xf32, #tpu.memory_space<hbm>>) target_semaphore(%arg17 : memref<!tpu.dma_semaphore, #tpu.memory_space<semaphore_mem>>)
    %add3A_1115 = arith.constant 112 : i32
    %add3A_1116 = arith.addi %mul3A_2, %add3A_1115 : i32
    %dma_start3A_1117 = arith.constant 3 : i32
    %dma_start3A_1118 = arith.constant 0 : i32
    %dma_start3A_1119 = tpu.memref_slice %arg4[%dma_start3A_1117, %add3A_1116, %dma_start3A_1118] : memref<4x4096x1024xf32, #tpu.memory_space<hbm>> -> memref<1x16x1024xf32, #tpu.memory_space<hbm>>
    %dma_start3A_1120 = tpu.memref_squeeze %dma_start3A_1119 : memref<1x16x1024xf32, #tpu.memory_space<hbm>> -> memref<16x1024xf32, #tpu.memory_space<hbm>>
    %dma_start3A_1121 = arith.constant 0 : i32
    %dma_start3A_1122 = tpu.memref_slice %arg4[%dma_start3A_1117, %add3A_1116, %dma_start3A_1121] : memref<4x4096x1024xf32, #tpu.memory_space<hbm>> -> memref<1x16x1024xf32, #tpu.memory_space<hbm>>
    %dma_start3A_1123 = tpu.memref_squeeze %dma_start3A_1122 : memref<1x16x1024xf32, #tpu.memory_space<hbm>> -> memref<16x1024xf32, #tpu.memory_space<hbm>>
    tpu.enqueue_dma source(%arg8 : memref<16x1024xf32, #tpu.memory_space<vmem>>) target(%dma_start3A_1123 : memref<16x1024xf32, #tpu.memory_space<hbm>>) target_semaphore(%arg18 : memref<!tpu.dma_semaphore, #tpu.memory_space<semaphore_mem>>)
    %dma_wait3A_1124 = arith.constant 0 : i32
    %dma_wait3A_1125 = arith.constant 0 : i32
    %dma_wait3A_1126 = tpu.memref_slice %arg4[%dma_wait3A_1124, %add3A_1072, %dma_wait3A_1125] : memref<4x4096x1024xf32, #tpu.memory_space<hbm>> -> memref<1x16x1024xf32, #tpu.memory_space<hbm>>
    %dma_wait3A_1127 = tpu.memref_squeeze %dma_wait3A_1126 : memref<1x16x1024xf32, #tpu.memory_space<hbm>> -> memref<16x1024xf32, #tpu.memory_space<hbm>>
    %dma_wait3A_1128 = arith.constant 0 : i32
    %dma_wait3A_1129 = tpu.memref_slice %arg4[%dma_wait3A_1124, %add3A_1072, %dma_wait3A_1128] : memref<4x4096x1024xf32, #tpu.memory_space<hbm>> -> memref<1x16x1024xf32, #tpu.memory_space<hbm>>
    %dma_wait3A_1130 = tpu.memref_squeeze %dma_wait3A_1129 : memref<1x16x1024xf32, #tpu.memory_space<hbm>> -> memref<16x1024xf32, #tpu.memory_space<hbm>>
    tpu.wait_dma2 semaphore(%arg15 : memref<!tpu.dma_semaphore, #tpu.memory_space<semaphore_mem>>) src(%arg5 : memref<16x1024xf32, #tpu.memory_space<vmem>>) dst(%dma_wait3A_1130 : memref<16x1024xf32, #tpu.memory_space<hbm>>)
    %dma_wait3A_1131 = arith.constant 1 : i32
    %dma_wait3A_1132 = arith.constant 0 : i32
    %dma_wait3A_1133 = tpu.memref_slice %arg4[%dma_wait3A_1131, %add3A_1081, %dma_wait3A_1132] : memref<4x4096x1024xf32, #tpu.memory_space<hbm>> -> memref<1x16x1024xf32, #tpu.memory_space<hbm>>
    %dma_wait3A_1134 = tpu.memref_squeeze %dma_wait3A_1133 : memref<1x16x1024xf32, #tpu.memory_space<hbm>> -> memref<16x1024xf32, #tpu.memory_space<hbm>>
    %dma_wait3A_1135 = arith.constant 0 : i32
    %dma_wait3A_1136 = tpu.memref_slice %arg4[%dma_wait3A_1131, %add3A_1081, %dma_wait3A_1135] : memref<4x4096x1024xf32, #tpu.memory_space<hbm>> -> memref<1x16x1024xf32, #tpu.memory_space<hbm>>
    %dma_wait3A_1137 = tpu.memref_squeeze %dma_wait3A_1136 : memref<1x16x1024xf32, #tpu.memory_space<hbm>> -> memref<16x1024xf32, #tpu.memory_space<hbm>>
    tpu.wait_dma2 semaphore(%arg16 : memref<!tpu.dma_semaphore, #tpu.memory_space<semaphore_mem>>) src(%arg6 : memref<16x1024xf32, #tpu.memory_space<vmem>>) dst(%dma_wait3A_1137 : memref<16x1024xf32, #tpu.memory_space<hbm>>)
    %dma_wait3A_1138 = arith.constant 2 : i32
    %dma_wait3A_1139 = arith.constant 0 : i32
    %dma_wait3A_1140 = tpu.memref_slice %arg4[%dma_wait3A_1138, %add3A_1107, %dma_wait3A_1139] : memref<4x4096x1024xf32, #tpu.memory_space<hbm>> -> memref<1x16x1024xf32, #tpu.memory_space<hbm>>
    %dma_wait3A_1141 = tpu.memref_squeeze %dma_wait3A_1140 : memref<1x16x1024xf32, #tpu.memory_space<hbm>> -> memref<16x1024xf32, #tpu.memory_space<hbm>>
    %dma_wait3A_1142 = arith.constant 0 : i32
    %dma_wait3A_1143 = tpu.memref_slice %arg4[%dma_wait3A_1138, %add3A_1107, %dma_wait3A_1142] : memref<4x4096x1024xf32, #tpu.memory_space<hbm>> -> memref<1x16x1024xf32, #tpu.memory_space<hbm>>
    %dma_wait3A_1144 = tpu.memref_squeeze %dma_wait3A_1143 : memref<1x16x1024xf32, #tpu.memory_space<hbm>> -> memref<16x1024xf32, #tpu.memory_space<hbm>>
    tpu.wait_dma2 semaphore(%arg17 : memref<!tpu.dma_semaphore, #tpu.memory_space<semaphore_mem>>) src(%arg7 : memref<16x1024xf32, #tpu.memory_space<vmem>>) dst(%dma_wait3A_1144 : memref<16x1024xf32, #tpu.memory_space<hbm>>)
    %dma_wait3A_1145 = arith.constant 3 : i32
    %dma_wait3A_1146 = arith.constant 0 : i32
    %dma_wait3A_1147 = tpu.memref_slice %arg4[%dma_wait3A_1145, %add3A_1116, %dma_wait3A_1146] : memref<4x4096x1024xf32, #tpu.memory_space<hbm>> -> memref<1x16x1024xf32, #tpu.memory_space<hbm>>
    %dma_wait3A_1148 = tpu.memref_squeeze %dma_wait3A_1147 : memref<1x16x1024xf32, #tpu.memory_space<hbm>> -> memref<16x1024xf32, #tpu.memory_space<hbm>>
    %dma_wait3A_1149 = arith.constant 0 : i32
    %dma_wait3A_1150 = tpu.memref_slice %arg4[%dma_wait3A_1145, %add3A_1116, %dma_wait3A_1149] : memref<4x4096x1024xf32, #tpu.memory_space<hbm>> -> memref<1x16x1024xf32, #tpu.memory_space<hbm>>
    %dma_wait3A_1151 = tpu.memref_squeeze %dma_wait3A_1150 : memref<1x16x1024xf32, #tpu.memory_space<hbm>> -> memref<16x1024xf32, #tpu.memory_space<hbm>>
    tpu.wait_dma2 semaphore(%arg18 : memref<!tpu.dma_semaphore, #tpu.memory_space<semaphore_mem>>) src(%arg8 : memref<16x1024xf32, #tpu.memory_space<vmem>>) dst(%dma_wait3A_1151 : memref<16x1024xf32, #tpu.memory_space<hbm>>)
    return
  }
}

</mosaic_0001>

<sc_bundles>
// kernel: kernel.3.cloned.1.call-start
scs
__scs_entry_jumppad:
0x0: {  	(pc) =	sbr.rel $0x88, $3  }
0x1: {  	(tag) =	ssettag $0x0;
	lr =	simm.s32 $0x1  }
0x2: {  	[smem:$0x3F9F] =	sst lr;
	_ =	strace $0xD0000000  }
0x3: {  	_ = 	snop  }
0x4: {  	_ = 	snop  }
0x5: {  	_ = 	snop  }
0x6: {  	_ = 	snop  }
0x7: {  	_ = 	snop  }
__scs_overlays_trampoline_lowered:
0x8: {  	[smem:$0x3FAE] =	sst s0  }
0x9: {  	[smem:$0x3FAF] =	sst s1  }
0xa: {  	[smem:$0x3FB0] =	sst s2  }
0xb: {  	[smem:$0x3FB1] =	sst s3  }
0xc: {  	[smem:$0x3FB2] =	sst s4  }
0xd: {  	[smem:$0x3FB3] =	sst s5  }
0xe: {  	[smem:$0x3FB4] =	sst s6  }
0xf: {  	[smem:$0x3FB5] =	sst s7  }
0x10: {  	[smem:$0x3FB6] =	sst s8  }
0x11: {  	[smem:$0x3FB7] =	sst s9;
	s0 =	simm.s32 @!p0 $0x0  }
0x12: {  	s1 =	sld [smem:$0x3F9D];
	s0 =	simm.s32 @p0 $0x1  }
0x13: {  	[smem:$0x3FB8] =	sst s0;
	s0 =	simm.s32 @!p1 $0x0  }
0x14: {  	s2 =	sld [smem:$0x3F9C];
	s0 =	simm.s32 @p1 $0x1  }
0x15: {  	[smem:$0x3FB9] =	sst s0;
	s0 =	simm.s32 @!p2 $0x0  }
0x16: {  	s3 =	sld [smem:$0x3FDB];
	s0 =	simm.s32 @p2 $0x1  }
0x17: {  	s4 =	simm.s32 $0x1BF5;
	[smem:$0x3FBB] =	sst s0  }
0x18: {  	s0 =	sld [smem:$0x3F9E];
	_ =	swait.ge [sflag:s4], $0x0  }
0x19: {  	s7 =	sld [smem:$0x3F9F]  }
0x1a: {  	s8 =	sadd.s32 $0xFFFFE003, lr  }
0x1b: {  	s9 =	sadd.s32 $0xFFFFFEF7, lr;
	s5 =	simm.s32 $0xFFFFFFFF;
	p2 =	slt.u32 s8, $0xFFFFF086  }
0x1c: {  	p1 =	slt.u32 s9, $0xF7A;
	s5 =	simm.s32 @!p2 $0x0  }
0x1d: {  	s5 =	simm.s32 @p1 $0x1;
	p0 =	seq.s32 s7, s2  }
0x1e: {  	s7 =	smul.u32 @!p0 $0xF7A, s2;
	p2 =	seq.s32 @!p0 s5, $0x0  }
0x1f: {  	s9 =	smul.u32 $0xF7A, s1;
	s8 =	simm.s32 @!p0 $0x1BF5;
	p2 =	por !p2, p0  }
0x20: {  	[sflag:s8] =	ssyncset.s32 @!p0 $0xFFFFF086;
	s6 =	sadd.s32 @!p0 s3, s7;
	s7 =	simm.s32 @!p0 $0x108  }
0x21: {  	s3 =	sadd.s32 s3, s9;
	s6 =	sadd.s32 @!p0 $0x88, s6;
	s7 =	simm.s32 @p2 $0x1082  }
0x22: {  	[simem:s7], [sflag:s8] =	dma.local @!p0 [hbm:s6], $0xF7A  }
0x23: {  	s9 =	sor.u32 $0xD0000000, s2;
	s6 =	simm.s32 $0x108;
	_ =	swait.ge @!p0 [sflag:s8], $0x0  }
0x24: {  	s3 =	sadd.s32 $0x88, s3;
	s6 =	simm.s32 @!p1 $0x1082;
	[sflag:s4] =	ssyncset.s32 $0xFFFFF086  }
0x25: {  	[simem:s6], [sflag:s4] =	dma.local [hbm:s3], $0xF7A  }
0x26: {  	[smem:$0x3F9F] =	sst s1;
	(tag) =	ssettag s2;
	_ =	strace s9  }
0x27: {  	s1 =	sld [smem:$0x3FAF]  }
0x28: {  	s2 =	sld [smem:$0x3FB0]  }
0x29: {  	s4 =	sld [smem:$0x3FB2]  }
0x2a: {  	p0 =	seq.s32 s5, $0x0;
	s5 =	sld [smem:$0x3FB3]  }
0x2b: {  	s6 =	sld [smem:$0x3FB4]  }
0x2c: {  	s7 =	sld [smem:$0x3FB5]  }
0x2d: {  	s3 =	simm.s32 $0x108;
	s8 =	sld [smem:$0x3FB6]  }
0x2e: {  	s3 =	simm.s32 @!p0 $0x1082;
	s9 =	sld [smem:$0x3FB7]  }
0x2f: {  	lr =	sadd.s32 s0, s3;
	s0 =	sld [smem:$0x3FAE]  }
0x30: {  	s3 =	sld [smem:$0x3FB1]  }
0x31: {  	[smem:$0x3FBA] =	sst s10  }
0x32: {  	s10 =	sld [smem:$0x3FB8];
	_ =	sdelay $0x3  }
0x33: {  	p0 =	seq.s32 s10, $0x1;
	s10 =	sld [smem:$0x3FBA];
	_ =	sdelay $0x3  }
0x34: {  	[smem:$0x3FBA] =	sst s10  }
0x35: {  	s10 =	sld [smem:$0x3FB9];
	_ =	sdelay $0x3  }
0x36: {  	p1 =	seq.s32 s10, $0x1;
	s10 =	sld [smem:$0x3FBA];
	_ =	sdelay $0x3  }
0x37: {  	[smem:$0x3FBA] =	sst s10  }
0x38: {  	s10 =	sld [smem:$0x3FBB]  }
0x39: {  	_ = 	snop;
	(pc) =	sbr.ind lr, $3  }
0x3a: {  	_ = 	snop  }
0x3b: {  	_ = 	snop  }
0x3c: {  	p2 =	seq.s32 s10, $0x1;
	s10 =	sld [smem:$0x3FBA]  }
0x3d: {  	_ =	shalt  }
0x3e: {  	_ =	shalt  }
0x3f: {  	_ =	shalt  }
0x40: {  	_ =	shalt  }
0x41: {  	_ =	shalt  }
0x42: {  	_ =	shalt  }
0x43: {  	_ =	shalt  }
0x44: {  	_ =	shalt  }
0x45: {  	_ =	shalt  }
0x46: {  	_ =	shalt  }
0x47: {  	_ =	shalt  }
0x48: {  	_ =	shalt  }
0x49: {  	_ =	shalt  }
0x4a: {  	_ =	shalt  }
0x4b: {  	_ =	shalt  }
0x4c: {  	_ =	shalt  }
0x4d: {  	_ =	shalt  }
0x4e: {  	_ =	shalt  }
0x4f: {  	_ =	shalt  }
0x50: {  	_ =	shalt  }
0x51: {  	_ =	shalt  }
0x52: {  	_ =	shalt  }
0x53: {  	_ =	shalt  }
0x54: {  	_ =	shalt  }
0x55: {  	_ =	shalt  }
0x56: {  	_ =	shalt  }
0x57: {  	_ =	shalt  }
0x58: {  	_ =	shalt  }
0x59: {  	_ =	shalt  }
0x5a: {  	_ =	shalt  }
0x5b: {  	_ =	shalt  }
0x5c: {  	_ =	shalt  }
0x5d: {  	_ =	shalt  }
0x5e: {  	_ =	shalt  }
0x5f: {  	_ =	shalt  }
0x60: {  	_ =	shalt  }
0x61: {  	_ =	shalt  }
0x62: {  	_ =	shalt  }
0x63: {  	_ =	shalt  }
0x64: {  	_ =	shalt  }
0x65: {  	_ =	shalt  }
0x66: {  	_ =	shalt  }
0x67: {  	_ =	shalt  }
0x68: {  	_ =	shalt  }
0x69: {  	_ =	shalt  }
0x6a: {  	_ =	shalt  }
0x6b: {  	_ =	shalt  }
0x6c: {  	_ =	shalt  }
0x6d: {  	_ =	shalt  }
0x6e: {  	_ =	shalt  }
0x6f: {  	_ =	shalt  }
0x70: {  	_ =	shalt  }
0x71: {  	_ =	shalt  }
0x72: {  	_ =	shalt  }
0x73: {  	_ =	shalt  }
0x74: {  	_ =	shalt  }
0x75: {  	_ =	shalt  }
0x76: {  	_ =	shalt  }
0x77: {  	_ =	shalt  }
0x78: {  	_ =	shalt  }
0x79: {  	_ =	shalt  }
0x7a: {  	_ =	shalt  }
0x7b: {  	_ =	shalt  }
0x7c: {  	_ =	shalt  }
0x7d: {  	_ =	shalt  }
0x7e: {  	_ =	shalt  }
0x7f: {  	_ =	shalt  }
0x80: {  	_ =	shalt  }
0x81: {  	_ =	shalt  }
0x82: {  	_ =	shalt  }
0x83: {  	_ =	shalt  }
0x84: {  	_ =	shalt  }
0x85: {  	_ =	shalt  }
0x86: {  	_ =	shalt  }
0x87: {  	_ =	shalt  }
.Lfunc_end0:
.L_simem_size_0:
called_computation_lowered:
.L_overlay_start_0:
0x88: {  	s2 =	sld [smem:$0x3FD9]  }
0x89: {  	s3 =	sld [smem:$0x3FFE];
	_ =	sdelay $0x1  }
0x8a: {  	s1 =	srdreg.scid  }
0x8b: {  	s0 =	sand.u32 $0x1, s1  }
0x8c: {  	s18 =	sshll.u32 s0, $0xA;
	s2 =	sadd.s32 s3, s2  }
0x8d: {  	s2 =	sadd.s32 s2, s18  }
0x8e: {  	[smem:$0x3FC6] =	sst s2  }
0x8f: {  	_ = 	snop  }
0x90: {  	s2 =	sld [smem:$0x3FC9]  }
0x91: {  	s19 =	sld [smem:$0x3FC8]  }
0x92: {  	s4 =	sld [smem:$0x3FD0];
	(tm) =	ssettm $0x1  }
0x93: {  	s5 =	sld [smem:$0x3FFB];
	_ =	sdelay $0x3  }
0x94: {  	_ =	strace s5  }
0x95: {  	s5 =	sld [smem:$0x3FFC];
	_ =	sdelay $0x3  }
0x96: {  	_ =	strace s5  }
0x97: {  	s5 =	sld [smem:$0x3FFD];
	_ =	sdelay $0x3  }
0x98: {  	_ =	strace s5  }
0x99: {  	_ =	strace $0x8FFFFFFF  }
0x9a: {  	s20 =	sld [smem:$0x3FDB];
	_ =	sdelay $0x1  }
0x9b: {  	s6 =	simm.s32 $_scs_section_size  }
0x9c: {  	s7 =	simm.s32 $_size__tile_overlayer_lowered;
	s8 =	simm.s32 $_tile_overlayer_lowered  }
0x9d: {  	s23 =	simm.s32 $0x1BFF;
	s22 =	sshll.u32 s8, $0x1;
	s5 =	sadd.s32 s6, s20  }
0x9e: {  	s9 =	simm.s32 $0x0;
	s21 =	sshll.u32 s7, $0x1;
	s7 =	sadd.s32 s22, s5  }
0x9f: {  	[timem:s9], [sflag:s23] =	dma.local [hbm:s7], s21  }
0xa0: {  	_ =	swait.ge [sflag:s23], s21  }
0xa1: {  	s6 =	ssub.s32 $0x0, s21;
	[sflag:s23] =	ssyncset.done $0x0  }
0xa2: {  	[sflag:s23] =	ssyncadd.s32 s6;
	_ =	sdelay $0x1  }
0xa3: {  	s24 =	simm.s32 $0x1B8B  }
0xa4: {  	_ =	swait.ge [sflag:s24], $0x1  }
0xa5: {  	[sflag:s24] =	ssyncset.done $0x0  }
0xa6: {  	s25 =	simm.s32 $0x1B8E;
	[sflag:s24] =	ssyncadd.s32 $0xFFFFFFFF  }
0xa7: {  	s26 =	simm.s32 $execute0_lowered;
	[smem:$0x3FD2] =	sst s25  }
0xa8: {  	s6 =	sshll.u32 s26, $0x1;
	_ =	strace $0x80000046;
	[dreg:$0x1] =	wrdreg $0xFFFFFFFF  }
0xa9: {  	s28 =	simm.s32 $_size_execute0_lowered;
	s5 =	sadd.s32 s5, s6;
	[dreg:$0x0] =	wrdreg $0x0  }
0xaa: {  	s6 =	sshll.u32 s28, $0x1;
	[dreg:$0x2] =	wrdreg s5  }
0xab: {  	[dreg:$0x3] =	wrdreg s6  }
0xac: {  	[dreg:$0x4] =	wrdreg $0xC0  }
0xad: {  	_ =	task [dreg:s9], $0x5FFFF  }
0xae: {  	[dreg:$0x1] =	wrdreg $0xFFFFFFFF  }
0xaf: {  	[dreg:$0x0] =	wrdreg $0x60  }
0xb0: {  	[dreg:$0x2] =	wrdreg s2  }
0xb1: {  	[dreg:$0x3] =	wrdreg s19  }
0xb2: {  	[dreg:$0x4] =	wrdreg s4  }
0xb3: {  	[dreg:$0x5] =	wrdreg $0x9  }
0xb4: {  	_ =	task.clear_ibuf [dreg:s9], $0x6FFFF;
	_ =	strace $0x90000046  }
0xb5: {  	s29 =	simm.s32 $0x9;
	_ =	strace $0x80000048  }
0xb6: {  	_ =	swait.ge [sflag:s29], $0x1  }
0xb7: {  	[sflag:s29] =	ssyncadd.s32 $0xFFFFFFFF  }
0xb8: {  	_ =	strace $0x90000048  }
0xb9: {  	_ =	sfence  }
0xba: {  	s30 =	sld [smem:$0x0];
	_ =	sdelay $0x2  }
0xbb: {  	s31 =	sshll.u32 s1, $0xD;
	s1 =	sshrl.u32 s1, $0x2  }
0xbc: {  	s3 =	sand.u32 $0x4000, s31;
	s1 =	sadd.s32 s1, s30  }
0xbd: {  	s0 =	sor.u32 s3, s0;
	s1 =	sshll.u32 s1, $0x11  }
0xbe: {  	s0 =	sor.u32 s1, s0  }
0xbf: {  	s0 =	sadd.s32 $0x8F2B, s0  }
0xc0: {  	[sflag:s0] =	ssyncadd.remote.s32 $0x1  }
0xc1: {  	_ =	sfence.sel $0xFFFF  }
0xc2: {  	[dreg:$0x0] =	wrdreg $0xFFFFFFFF;
	(pc) =	sbr.abs _section_cstart, $3  }
0xc3: {  	[dreg:$0x1] =	wrdreg $0xFFFFFFFF  }
0xc4: {  	_ =	task.clear_ibuf [dreg:s9], $0x2FFFF;
	_ =	strace $0x9FFFFFFF  }
0xc5: {  	(tm) =	ssettm $0x7FFFFFFF  }
tec
execute0_lowered:
.L_overlay_start_1:
0x0: {  	(tag) =	ssettag $0x1  }
0x1: {  	s1 =	srdreg.scid;
	s0 =	rddreg [dreg:$0x0]  }
0x2: {  	s3 =	stileid.u32;
	s2 =	rddreg [dreg:$0x1];
	s1 =	sand.u32 $0x1, s1  }
0x3: {  	s13 =	rddreg [dreg:$0x2];
	s3 =	sshll.u32 s3, $0xF;
	s4 =	sshll.u32 s1, $0xE  }
0x4: {  	s5 =	ssub.s32 $0x2, s1;
	s1 =	simm.s32 $0x0;
	s6 =	sor.u32 s4, s3  }
0x5: {  	s25 =	sshrl.u32 s5, $0x1;
	[smem:$0x7FF] =	sst s1;
	s4 =	sor.u32 $0x80000, s6  }
0x6: {  	s14 =	ssub.s32 s5, s25;
	s5 =	sor.u32 $0x100000, s6;
	s26 =	sadd.s32 s0, s4  }
0x7: {  	s9 =	sor.u32 $0x180000, s6;
	s8 =	sadd.s32 s0, s5;
	[dreg:$0x4] =	wrdreg s26  }
0x8: {  	s7 =	sor.u32 $0x800, s6;
	s10 =	sadd.s32 s0, s9;
	[dreg:$0x5] =	wrdreg s8  }
0x9: {  	s11 =	sadd.s32 s2, s7;
	[dreg:$0x6] =	wrdreg s10  }
0xa: {  	s4 =	sadd.s32 s13, s4;
	[dreg:$0x7] =	wrdreg s11  }
0xb: {  	s15 =	sor.u32 $0x80800, s6;
	s12 =	sadd.s32 s0, s7;
	[dreg:$0x8] =	wrdreg s4  }
0xc: {  	s16 =	sadd.s32 s0, s15;
	[dreg:$0x9] =	wrdreg s12  }
0xd: {  	s3 =	sadd.s32 s13, s5;
	[dreg:$0xa] =	wrdreg s16  }
0xe: {  	s17 =	sor.u32 $0x1000, s6;
	s5 =	sadd.s32 s13, s9;
	[dreg:$0xb] =	wrdreg s3  }
0xf: {  	s18 =	sor.u32 $0x100800, s6;
	s9 =	sadd.s32 s2, s17;
	[dreg:$0xc] =	wrdreg s5  }
0x10: {  	s19 =	sor.u32 $0x180800, s6;
	s20 =	sadd.s32 s0, s18;
	[dreg:$0xd] =	wrdreg s9  }
0x11: {  	s21 =	sadd.s32 s0, s19;
	[dreg:$0xe] =	wrdreg s20  }
0x12: {  	s7 =	sadd.s32 s13, s7;
	[dreg:$0xf] =	wrdreg s21  }
0x13: {  	s22 =	sadd.s32 s0, s17;
	[dreg:$0x10] =	wrdreg s7  }
0x14: {  	s23 =	sor.u32 $0x81000, s6;
	s24 =	sadd.s32 s13, s19;
	[dreg:$0x12] =	wrdreg s22  }
0x15: {  	s25 =	sadd.s32 s0, s23;
	[dreg:$0x14] =	wrdreg s24  }
0x16: {  	s4 =	sadd.s32 s13, s15;
	[dreg:$0x16] =	wrdreg s25  }
0x17: {  	s5 =	sadd.s32 s13, s18;
	[dreg:$0x11] =	wrdreg s4  }
0x18: {  	s19 =	sor.u32 $0x2000, s6;
	s3 =	sadd.s32 s13, s17;
	[dreg:$0x13] =	wrdreg s5  }
0x19: {  	s22 =	sadd.s32 s2, s19;
	[dreg:$0x15] =	wrdreg s3  }
0x1a: {  	s26 =	sor.u32 $0x101000, s6;
	s4 =	sadd.s32 s13, s23;
	[smem:$0x7D6] =	sst s22  }
0x1b: {  	s5 =	sadd.s32 s0, s26;
	[dreg:$0x17] =	wrdreg s4  }
0x1c: {  	s7 =	sor.u32 $0x181000, s6;
	s3 =	sadd.s32 s13, s26;
	[dreg:$0x18] =	wrdreg s5  }
0x1d: {  	s8 =	sor.u32 $0x1800, s6;
	s9 =	sadd.s32 s0, s7;
	[dreg:$0x19] =	wrdreg s3  }
0x1e: {  	s10 =	sadd.s32 s2, s8;
	[dreg:$0x1a] =	wrdreg s9  }
0x1f: {  	s12 =	sor.u32 $0x81800, s6;
	s11 =	sadd.s32 s0, s8;
	[dreg:$0x1c] =	wrdreg s10  }
0x20: {  	s15 =	sor.u32 $0x101800, s6;
	s16 =	sadd.s32 s0, s12;
	[dreg:$0x1d] =	wrdreg s11  }
0x21: {  	s17 =	sadd.s32 s0, s15;
	[dreg:$0x1f] =	wrdreg s16  }
0x22: {  	s20 =	sor.u32 $0x181800, s6;
	s18 =	sadd.s32 s13, s15;
	[smem:$0x7D2] =	sst s17  }
0x23: {  	s21 =	sadd.s32 s0, s20;
	[smem:$0x7D3] =	sst s18  }
0x24: {  	s24 =	sor.u32 $0x82000, s6;
	s23 =	sadd.s32 s0, s19;
	[smem:$0x7D4] =	sst s21  }
0x25: {  	s25 =	sadd.s32 s0, s24;
	[smem:$0x7D7] =	sst s23  }
0x26: {  	s4 =	sadd.s32 s13, s7;
	[smem:$0x7D9] =	sst s25  }
0x27: {  	s26 =	sor.u32 $0x102000, s6;
	s3 =	sadd.s32 s13, s8;
	[dreg:$0x1b] =	wrdreg s4  }
0x28: {  	s5 =	sadd.s32 s0, s26;
	[dreg:$0x1e] =	wrdreg s3  }
0x29: {  	s21 =	sadd.s32 s2, s6;
	[smem:$0x7DB] =	sst s5  }
0x2a: {  	s3 =	sadd.s32 s13, s12;
	[smem:$0x7E8] =	sst s21  }
0x2b: {  	s7 =	sor.u32 $0x182000, s6;
	s4 =	sadd.s32 s13, s20;
	[smem:$0x7D1] =	sst s3  }
0x2c: {  	s9 =	sor.u32 $0x2800, s6;
	s8 =	sadd.s32 s0, s7;
	[smem:$0x7D5] =	sst s4  }
0x2d: {  	s10 =	sadd.s32 s2, s9;
	[smem:$0x7DD] =	sst s8  }
0x2e: {  	s16 =	sor.u32 $0x102800, s6;
	s11 =	sadd.s32 s0, s9;
	[smem:$0x7DF] =	sst s10  }
0x2f: {  	s18 =	sor.u32 $0x182800, s6;
	s17 =	sadd.s32 s0, s16;
	[smem:$0x7E0] =	sst s11  }
0x30: {  	s25 =	sor.u32 $0x83000, s6;
	s20 =	sadd.s32 s13, s18;
	[smem:$0x7E4] =	sst s17  }
0x31: {  	s5 =	sadd.s32 s0, s25;
	[smem:$0x7E7] =	sst s20  }
0x32: {  	s12 =	sor.u32 $0x82800, s6;
	s3 =	sadd.s32 s13, s19;
	[smem:$0x7ED] =	sst s5  }
0x33: {  	s15 =	sadd.s32 s0, s12;
	[smem:$0x7D8] =	sst s3  }
0x34: {  	s4 =	sadd.s32 s13, s12;
	[smem:$0x7E2] =	sst s15  }
0x35: {  	s19 =	sadd.s32 s0, s18;
	[smem:$0x7E3] =	sst s4  }
0x36: {  	s12 =	sadd.s32 s0, s6;
	[smem:$0x7E6] =	sst s19  }
0x37: {  	s22 =	sor.u32 $0x3000, s6;
	s3 =	sadd.s32 s13, s24;
	[smem:$0x7F3] =	sst s12  }
0x38: {  	s23 =	sor.u32 $0x3800, s6;
	s24 =	sadd.s32 s2, s22;
	[smem:$0x7DA] =	sst s3  }
0x39: {  	s8 =	sor.u32 $0x183000, s6;
	s2 =	sadd.s32 s2, s23;
	[smem:$0x7E9] =	sst s24  }
0x3a: {  	s10 =	sadd.s32 s0, s8;
	[smem:$0x7EA] =	sst s2  }
0x3b: {  	s11 =	sadd.s32 s13, s8;
	[smem:$0x7F1] =	sst s10  }
0x3c: {  	s17 =	sor.u32 $0x103800, s6;
	s19 =	sadd.s32 s0, s23;
	[smem:$0x7F2] =	sst s11  }
0x3d: {  	s21 =	sadd.s32 s0, s17;
	[smem:$0x7F5] =	sst s19  }
0x3e: {  	s3 =	sadd.s32 s13, s26;
	[smem:$0x7F7] =	sst s21  }
0x3f: {  	s26 =	sadd.s32 s0, s22;
	[smem:$0x7DC] =	sst s3  }
0x40: {  	s15 =	sor.u32 $0x83800, s6;
	s2 =	sadd.s32 s13, s25;
	[smem:$0x7EB] =	sst s26  }
0x41: {  	s28 =	simm.s32 $0xA;
	s20 =	sadd.s32 s0, s15;
	[smem:$0x7EE] =	sst s2  }
0x42: {  	s18 =	sor.u32 $0x183800, s6;
	s24 =	sadd.s32 s13, s17;
	[smem:$0x7F6] =	sst s20  }
0x43: {  	s29 =	simm.s32 $0x7;
	s25 =	sadd.s32 s13, s18;
	[smem:$0x7FB] =	sst s24  }
0x44: {  	s30 =	simm.s32 $0x8;
	s3 =	sadd.s32 s13, s7;
	[smem:$0x7FC] =	sst s25  }
0x45: {  	s7 =	sor.u32 $0x103000, s6;
	[smem:$0x7DE] =	sst s3;
	s3 =	sadd.s32 s13, s9  }
0x46: {  	s31 =	simm.s32 $0x0;
	s9 =	sadd.s32 s0, s7;
	[smem:$0x7E1] =	sst s3  }
0x47: {  	s17 =	simm.s32 $0x8000;
	s2 =	sadd.s32 s13, s7;
	[smem:$0x7EF] =	sst s9  }
0x48: {  	s21 =	simm.s32 $0x1;
	s0 =	sadd.s32 s0, s18;
	[smem:$0x7F0] =	sst s2  }
0x49: {  	s26 =	smax.u32 s14, $0x1;
	s3 =	sadd.s32 s13, s16;
	[smem:$0x7F8] =	sst s0  }
0x4a: {  	s24 =	simm.s32 $0x6;
	s16 =	sadd.s32 s13, s6;
	[smem:$0x7E5] =	sst s3  }
0x4b: {  	s25 =	simm.s32 $0x3;
	s3 =	sadd.s32 s13, s22;
	[smem:$0x7F4] =	sst s16  }
0x4c: {  	s18 =	simm.s32 $0xC000;
	s22 =	sadd.s32 s13, s23;
	[smem:$0x7EC] =	sst s3  }
0x4d: {  	s23 =	sadd.s32 s13, s15;
	s16 =	simm.s32 $0x4000;
	[smem:$0x7F9] =	sst s22  }
0x4e: {  	[smem:$0x7FA] =	sst s23;
	s22 =	simm.s32 $0x2;
	s23 =	simm.s32 $0x5  }
0x4f: {  	_ =	strace $0x80000047;
	[smem:$0x7FD] =	sst s26;
	s26 =	simm.s32 $0x4  }
.LBB2_1:
0x50: {  	s0 =	sld [smem:$0x7E8];
	_ =	sdelay $0x1  }
0x51: {  	s2 =	simm.s32 $0x10000;
	s20 =	sld [smem:$0x7F3]  }
0x52: {  	[tilespmem:s2], [sflag:$0x9] =	stream.linear.gather [hbm4b:s0+s1], $0x4000, $0x38;
	[tilespmem:$0x18000] =	vst v63  }
0x53: {  	_ = 	snop  }
0x54: {  	[tilespmem:s1], [sflag:$0x1] =	stream.linear.gather [hbm4b:s20+s1], $0x4000, $0x38;
	[tilespmem:$0x18000] =	vst v63  }
0x55: {  	s2 =	rddreg [dreg:$0x4]  }
0x56: {  	[tilespmem:s16], [sflag:$0x2] =	stream.linear.gather [hbm4b:s2+s1], $0x4000, $0x38;
	[tilespmem:$0x18000] =	vst v63  }
0x57: {  	s3 =	rddreg [dreg:$0x5]  }
0x58: {  	[tilespmem:s17], [sflag:$0x3] =	stream.linear.gather [hbm4b:s3+s1], $0x4000, $0x38;
	[tilespmem:$0x18000] =	vst v63  }
0x59: {  	s4 =	rddreg [dreg:$0x6];
	s5 =	simm.s32 $0x9  }
0x5a: {  	[tilespmem:s18], [sflag:$0x4] =	stream.linear.gather [hbm4b:s4+s1], $0x4000, $0x38;
	[tilespmem:$0x18000] =	vst v63  }
0x5b: {  	_ =	swait.ge [sflag:s5], $0x4000  }
0x5c: {  	[sflag:s5] =	ssyncset.done $0x0  }
0x5d: {  	s7 =	simm.s32 $0x14000;
	s6 =	rddreg [dreg:$0x7];
	[sflag:s5] =	ssyncadd.s32 $0xFFFFC000  }
0x5e: {  	[tilespmem:s7], [sflag:$0xA] =	stream.linear.gather [hbm4b:s6+s1], $0x4000, $0x38;
	[tilespmem:$0x18000] =	vst v63  }
0x5f: {  	_ =	swait.ge [sflag:s21], $0x4000  }
0x60: {  	[sflag:s21] =	ssyncset.done $0x0  }
0x61: {  	s8 =	simm.s32 $0x0;
	s9 =	sand.u32 $0x1C00, s1;
	[sflag:s21] =	ssyncadd.s32 $0xFFFFC000  }
0x62: {  	s0 =	sand.u32 $0x2000, s8;
	s3 =	simm.s32 $0x0;
	_ =	swait.ge [sflag:s22], $0x4000  }
0x63: {  	s0 =	sor.u32 s9, s0;
	s10 =	sand.u32 $0x380, s3;
	[sflag:s22] =	ssyncset.done $0x0  }
0x64: {  	s2 =	sor.u32 s10, s0;
	[sflag:s22] =	ssyncadd.s32 $0xFFFFC000  }
0x65: {  	v0 =	vld [tilespmem:s2+$0x10070]  }
0x66: {  	v3 =	vld [tilespmem:s2+$0x10000]  }
0x67: {  	v4 =	vld [tilespmem:s2+$0x10010]  }
0x68: {  	v5 =	vld [tilespmem:s2+$0x10020]  }
0x69: {  	v6 =	vld [tilespmem:s2+$0x10030]  }
0x6a: {  	v2 =	vld [tilespmem:s2+$0x10040]  }
0x6b: {  	s0 =	sor.u32 $0x70, s2;
	v1 =	vld [tilespmem:s2+$0x10050]  }
0x6c: {  	[tilespmem:s0+$0x0] =	vst.add.f32.msk $0xffff, v0  }
0x6d: {  	s13 =	sor.u32 $0x10, s2;
	[tilespmem:s2+$0x0] =	vst.add.f32.msk $0xffff, v3  }
0x6e: {  	s15 =	sor.u32 $0x20, s2;
	[tilespmem:s13+$0x0] =	vst.add.f32.msk $0xffff, v4  }
0x6f: {  	s20 =	sor.u32 $0x30, s2;
	[tilespmem:s15+$0x0] =	vst.add.f32.msk $0xffff, v5  }
0x70: {  	s8 =	sor.u32 $0x40, s2;
	[tilespmem:s20+$0x0] =	vst.add.f32.msk $0xffff, v6  }
0x71: {  	s11 =	sor.u32 $0x4070, s2;
	[tilespmem:s8+$0x0] =	vst.add.f32.msk $0xffff, v2  }
0x72: {  	[tilespmem:s11+$0x0] =	vst.add.f32.msk $0xffff, v0  }
0x73: {  	s12 =	sor.u32 $0x4000, s2;
	v0 =	vld [tilespmem:s2+$0x10060]  }
0x74: {  	s14 =	sor.u32 $0x4010, s2;
	[tilespmem:s12+$0x0] =	vst.add.f32.msk $0xffff, v3  }
0x75: {  	s19 =	sor.u32 $0x4020, s2;
	s4 =	sor.u32 $0x4030, s2;
	s3 =	sor.u32 $0x60, s2;
	[tilespmem:s14+$0x0] =	vst.add.f32.msk $0xffff, v4  }
0x76: {  	s5 =	sor.u32 $0x4050, s2;
	s7 =	sor.u32 $0x4040, s2;
	s6 =	sor.u32 $0x50, s2;
	[tilespmem:s19+$0x0] =	vst.add.f32.msk $0xffff, v5  }
0x77: {  	s0 =	simm.s32 $0x0;
	[tilespmem:s4+$0x0] =	vst.add.f32.msk $0xffff, v6;
	s4 =	sor.u32 $0x4060, s2;
	s2 =	simm.s32 $0x0  }
.LBB2_2:
0x78: {  	s0 =	sadd.s32 $0x8, s0;
	[tilespmem:s7+$0x0] =	vst.add.f32.msk $0xffff, v2  }
0x79: {  	s2 =	sadd.s32 $0x400, s2;
	s7 =	sshll.u32 s0, $0x4;
	p0 =	slt.u32 s0, $0x3F8;
	[tilespmem:s6+$0x0] =	vst.add.f32.msk $0xffff, v1  }
0x7a: {  	s8 =	sshll.u32 s0, $0x1;
	s6 =	sand.u32 $0x2000, s7;
	s7 =	sand.u32 $0x1C00, s2;
	[tilespmem:s5+$0x0] =	vst.add.f32.msk $0xffff, v1  }
0x7b: {  	s5 =	sor.u32 s7, s6;
	s6 =	sand.u32 $0x380, s8;
	[tilespmem:s3+$0x0] =	vst.add.f32.msk $0xffff, v0  }
0x7c: {  	s8 =	sor.u32 s6, s5;
	[tilespmem:s4+$0x0] =	vst.add.f32.msk $0xffff, v0  }
0x7d: {  	s9 =	sor.u32 $0x4000, s8;
	s10 =	sor.u32 $0x10, s8;
	s11 =	sor.u32 $0x4010, s8;
	v0 =	vld [tilespmem:s8+$0x10070]  }
0x7e: {  	s12 =	sor.u32 $0x20, s8;
	s13 =	sor.u32 $0x4020, s8;
	s14 =	sor.u32 $0x30, s8;
	v3 =	vld [tilespmem:s8+$0x10000]  }
0x7f: {  	s15 =	sor.u32 $0x4030, s8;
	s20 =	sor.u32 $0x40, s8;
	s7 =	sor.u32 $0x4040, s8;
	v4 =	vld [tilespmem:s8+$0x10010]  }
0x80: {  	s6 =	sor.u32 $0x50, s8;
	s5 =	sor.u32 $0x4050, s8;
	s3 =	sor.u32 $0x60, s8;
	v5 =	vld [tilespmem:s8+$0x10020]  }
0x81: {  	s4 =	sor.u32 $0x4060, s8;
	s1 =	sor.u32 $0x70, s8;
	v6 =	vld [tilespmem:s8+$0x10030]  }
0x82: {  	[tilespmem:s1+$0x0] =	vst.add.f32.msk $0xffff, v0;
	s1 =	sor.u32 $0x4070, s8  }
0x83: {  	[tilespmem:s1+$0x0] =	vst.add.f32.msk $0xffff, v0  }
0x84: {  	v2 =	vld [tilespmem:s8+$0x10040]  }
0x85: {  	v1 =	vld [tilespmem:s8+$0x10050]  }
0x86: {  	v0 =	vld [tilespmem:s8+$0x10060]  }
0x87: {  	[tilespmem:s8+$0x0] =	vst.add.f32.msk $0xffff, v3  }
0x88: {  	[tilespmem:s9+$0x0] =	vst.add.f32.msk $0xffff, v3  }
0x89: {  	[tilespmem:s10+$0x0] =	vst.add.f32.msk $0xffff, v4  }
0x8a: {  	[tilespmem:s11+$0x0] =	vst.add.f32.msk $0xffff, v4  }
.Ltmp0:
0x8b: {  	[tilespmem:s12+$0x0] =	vst.add.f32.msk $0xffff, v5;
	(pc) =	sbr.rel @p0 .LBB2_2-.Ltmp0, $4  }
0x8c: {  	[tilespmem:s13+$0x0] =	vst.add.f32.msk $0xffff, v5  }
0x8d: {  	[tilespmem:s14+$0x0] =	vst.add.f32.msk $0xffff, v6  }
0x8e: {  	[tilespmem:s15+$0x0] =	vst.add.f32.msk $0xffff, v6  }
0x8f: {  	[tilespmem:s20+$0x0] =	vst.add.f32.msk $0xffff, v2  }
0x90: {  	[tilespmem:s7+$0x0] =	vst.add.f32.msk $0xffff, v2  }
0x91: {  	[tilespmem:s6+$0x0] =	vst.add.f32.msk $0xffff, v1  }
0x92: {  	[tilespmem:s3+$0x0] =	vst.add.f32.msk $0xffff, v0  }
0x93: {  	[tilespmem:s5+$0x0] =	vst.add.f32.msk $0xffff, v1  }
0x94: {  	[tilespmem:s4+$0x0] =	vst.add.f32.msk $0xffff, v0  }
0x95: {  	s1 =	sld [smem:$0x7F4];
	_ =	sdelay $0x1  }
0x96: {  	s0 =	simm.s32 $0x0  }
0x97: {  	[hbm4b:s1+s0] =	stream.linear.scatter [tilespmem:s0], [sflag:$0x5], $0x4000, $0x38;
	[tilespmem:$0x18000] =	vst v63  }
0x98: {  	s2 =	rddreg [dreg:$0x8]  }
0x99: {  	[hbm4b:s2+s0] =	stream.linear.scatter [tilespmem:s16], [sflag:$0x6], $0x4000, $0x38;
	[tilespmem:$0x18000] =	vst v63  }
0x9a: {  	_ =	swait.ge [sflag:s23], $0x4000  }
0x9b: {  	[sflag:s23] =	ssyncset.done $0x0  }
0x9c: {  	s3 =	rddreg [dreg:$0x9];
	[sflag:s23] =	ssyncadd.s32 $0xFFFFC000  }
0x9d: {  	[tilespmem:s0], [sflag:$0x1] =	stream.linear.gather [hbm4b:s3+s0], $0x4000, $0x38;
	[tilespmem:$0x18000] =	vst v63  }
0x9e: {  	_ =	swait.ge [sflag:s24], $0x4000  }
0x9f: {  	[sflag:s24] =	ssyncset.done $0x0  }
0xa0: {  	s4 =	rddreg [dreg:$0xa];
	[sflag:s24] =	ssyncadd.s32 $0xFFFFC000  }
0xa1: {  	[tilespmem:s16], [sflag:$0x2] =	stream.linear.gather [hbm4b:s4+s0], $0x4000, $0x38;
	[tilespmem:$0x18000] =	vst v63  }
0xa2: {  	_ =	swait.ge [sflag:s25], $0x4000  }
0xa3: {  	[sflag:s25] =	ssyncset.done $0x0  }
0xa4: {  	s6 =	simm.s32 $0x0;
	s5 =	simm.s32 $0x0;
	[sflag:s25] =	ssyncadd.s32 $0xFFFFC000  }
0xa5: {  	s1 =	sand.u32 $0x2000, s5;
	s2 =	sand.u32 $0x1C00, s0;
	_ =	swait.ge [sflag:s26], $0x4000  }
0xa6: {  	s7 =	sand.u32 $0x380, s6;
	s1 =	sor.u32 s2, s1;
	[sflag:s26] =	ssyncset.done $0x0  }
0xa7: {  	s1 =	sor.u32 s7, s1;
	[sflag:s26] =	ssyncadd.s32 $0xFFFFC000  }
0xa8: {  	v0 =	vld [tilespmem:s1+$0x10070]  }
0xa9: {  	v2 =	vld [tilespmem:s1+$0x10000]  }
0xaa: {  	v3 =	vld [tilespmem:s1+$0x10010]  }
0xab: {  	v4 =	vld [tilespmem:s1+$0x10020]  }
0xac: {  	v5 =	vld [tilespmem:s1+$0x10030]  }
0xad: {  	s2 =	sor.u32 $0x8070, s1;
	v1 =	vld [tilespmem:s1+$0x10040]  }
0xae: {  	s9 =	sor.u32 $0x8000, s1;
	[tilespmem:s2+$0x0] =	vst.add.f32.msk $0xffff, v0  }
0xaf: {  	s11 =	sor.u32 $0x8010, s1;
	[tilespmem:s9+$0x0] =	vst.add.f32.msk $0xffff, v2  }
0xb0: {  	s13 =	sor.u32 $0x8020, s1;
	[tilespmem:s11+$0x0] =	vst.add.f32.msk $0xffff, v3  }
0xb1: {  	s15 =	sor.u32 $0x8030, s1;
	[tilespmem:s13+$0x0] =	vst.add.f32.msk $0xffff, v4  }
0xb2: {  	s20 =	sor.u32 $0x8040, s1;
	[tilespmem:s15+$0x0] =	vst.add.f32.msk $0xffff, v5  }
0xb3: {  	s8 =	sor.u32 $0xC070, s1;
	[tilespmem:s20+$0x0] =	vst.add.f32.msk $0xffff, v1  }
0xb4: {  	[tilespmem:s8+$0x0] =	vst.add.f32.msk $0xffff, v0  }
0xb5: {  	s10 =	sor.u32 $0xC000, s1;
	v0 =	vld [tilespmem:s1+$0x10050]  }
0xb6: {  	s12 =	sor.u32 $0xC010, s1;
	[tilespmem:s10+$0x0] =	vst.add.f32.msk $0xffff, v2  }
0xb7: {  	s14 =	sor.u32 $0xC020, s1;
	[tilespmem:s12+$0x0] =	vst.add.f32.msk $0xffff, v3  }
0xb8: {  	s19 =	sor.u32 $0xC030, s1;
	[tilespmem:s14+$0x0] =	vst.add.f32.msk $0xffff, v4  }
0xb9: {  	s7 =	sor.u32 $0xC040, s1;
	s6 =	sor.u32 $0x8050, s1;
	s5 =	sor.u32 $0xC050, s1;
	v2 =	vld [tilespmem:s1+$0x10060]  }
0xba: {  	s3 =	sor.u32 $0xC060, s1;
	s4 =	sor.u32 $0x8060, s1;
	s2 =	simm.s32 $0x0;
	[tilespmem:s19+$0x0] =	vst.add.f32.msk $0xffff, v5  }
.LBB2_4:
0xbb: {  	s2 =	sadd.s32 $0x8, s2;
	[tilespmem:s7+$0x0] =	vst.add.f32.msk $0xffff, v1  }
0xbc: {  	s0 =	sadd.s32 $0x400, s0;
	s1 =	sshll.u32 s2, $0x4;
	p0 =	slt.u32 s2, $0x3F8;
	[tilespmem:s6+$0x0] =	vst.add.f32.msk $0xffff, v0  }
0xbd: {  	s6 =	sand.u32 $0x1C00, s0;
	s7 =	sshll.u32 s2, $0x1;
	s1 =	sand.u32 $0x2000, s1;
	[tilespmem:s5+$0x0] =	vst.add.f32.msk $0xffff, v0  }
0xbe: {  	s5 =	sand.u32 $0x380, s7;
	s1 =	sor.u32 s6, s1;
	[tilespmem:s4+$0x0] =	vst.add.f32.msk $0xffff, v2  }
0xbf: {  	s1 =	sor.u32 s5, s1;
	[tilespmem:s3+$0x0] =	vst.add.f32.msk $0xffff, v2  }
0xc0: {  	s8 =	sor.u32 $0x8000, s1;
	s9 =	sor.u32 $0xC000, s1;
	s10 =	sor.u32 $0x8010, s1;
	v0 =	vld [tilespmem:s1+$0x10070]  }
0xc1: {  	s11 =	sor.u32 $0xC010, s1;
	s12 =	sor.u32 $0x8020, s1;
	s13 =	sor.u32 $0xC020, s1;
	v3 =	vld [tilespmem:s1+$0x10000]  }
0xc2: {  	s14 =	sor.u32 $0x8030, s1;
	s15 =	sor.u32 $0xC030, s1;
	s20 =	sor.u32 $0x8040, s1;
	v4 =	vld [tilespmem:s1+$0x10010]  }
0xc3: {  	s7 =	sor.u32 $0xC040, s1;
	s6 =	sor.u32 $0x8050, s1;
	s5 =	sor.u32 $0xC050, s1;
	v5 =	vld [tilespmem:s1+$0x10020]  }
0xc4: {  	s4 =	sor.u32 $0x8060, s1;
	s3 =	sor.u32 $0xC060, s1;
	s19 =	sor.u32 $0x8070, s1;
	v6 =	vld [tilespmem:s1+$0x10030]  }
0xc5: {  	[tilespmem:s19+$0x0] =	vst.add.f32.msk $0xffff, v0;
	s19 =	sor.u32 $0xC070, s1  }
0xc6: {  	[tilespmem:s19+$0x0] =	vst.add.f32.msk $0xffff, v0  }
0xc7: {  	v1 =	vld [tilespmem:s1+$0x10040]  }
0xc8: {  	v0 =	vld [tilespmem:s1+$0x10050]  }
0xc9: {  	v2 =	vld [tilespmem:s1+$0x10060]  }
0xca: {  	[tilespmem:s8+$0x0] =	vst.add.f32.msk $0xffff, v3  }
0xcb: {  	[tilespmem:s9+$0x0] =	vst.add.f32.msk $0xffff, v3  }
0xcc: {  	[tilespmem:s10+$0x0] =	vst.add.f32.msk $0xffff, v4  }
0xcd: {  	[tilespmem:s11+$0x0] =	vst.add.f32.msk $0xffff, v4  }
.Ltmp1:
0xce: {  	[tilespmem:s12+$0x0] =	vst.add.f32.msk $0xffff, v5;
	(pc) =	sbr.rel @p0 .LBB2_4-.Ltmp1, $4  }
0xcf: {  	[tilespmem:s13+$0x0] =	vst.add.f32.msk $0xffff, v5  }
0xd0: {  	[tilespmem:s14+$0x0] =	vst.add.f32.msk $0xffff, v6  }
0xd1: {  	[tilespmem:s15+$0x0] =	vst.add.f32.msk $0xffff, v6  }
0xd2: {  	[tilespmem:s20+$0x0] =	vst.add.f32.msk $0xffff, v1  }
0xd3: {  	[tilespmem:s7+$0x0] =	vst.add.f32.msk $0xffff, v1  }
0xd4: {  	[tilespmem:s6+$0x0] =	vst.add.f32.msk $0xffff, v0  }
0xd5: {  	[tilespmem:s4+$0x0] =	vst.add.f32.msk $0xffff, v2  }
0xd6: {  	[tilespmem:s5+$0x0] =	vst.add.f32.msk $0xffff, v0  }
0xd7: {  	[tilespmem:s3+$0x0] =	vst.add.f32.msk $0xffff, v2  }
0xd8: {  	s0 =	simm.s32 $0x0;
	s1 =	rddreg [dreg:$0xb]  }
0xd9: {  	[hbm4b:s1+s0] =	stream.linear.scatter [tilespmem:s17], [sflag:$0x7], $0x4000, $0x38;
	[tilespmem:$0x18000] =	vst v63  }
0xda: {  	s19 =	rddreg [dreg:$0xc]  }
0xdb: {  	[hbm4b:s19+s0] =	stream.linear.scatter [tilespmem:s18], [sflag:$0x8], $0x4000, $0x38;
	[tilespmem:$0x18000] =	vst v63  }
0xdc: {  	_ =	swait.ge [sflag:s28], $0x4000  }
0xdd: {  	[sflag:s28] =	ssyncset.done $0x0  }
0xde: {  	s2 =	simm.s32 $0x10000;
	s20 =	rddreg [dreg:$0xd];
	[sflag:s28] =	ssyncadd.s32 $0xFFFFC000  }
0xdf: {  	[tilespmem:s2], [sflag:$0x9] =	stream.linear.gather [hbm4b:s20+s0], $0x4000, $0x38;
	[tilespmem:$0x18000] =	vst v63  }
0xe0: {  	_ =	swait.ge [sflag:s29], $0x4000  }
0xe1: {  	[sflag:s29] =	ssyncset.done $0x0  }
0xe2: {  	s3 =	rddreg [dreg:$0xe];
	[sflag:s29] =	ssyncadd.s32 $0xFFFFC000  }
0xe3: {  	[tilespmem:s17], [sflag:$0x3] =	stream.linear.gather [hbm4b:s3+s0], $0x4000, $0x38;
	[tilespmem:$0x18000] =	vst v63  }
0xe4: {  	_ =	swait.ge [sflag:s30], $0x4000  }
0xe5: {  	[sflag:s30] =	ssyncset.done $0x0  }
0xe6: {  	s4 =	rddreg [dreg:$0xf];
	[sflag:s30] =	ssyncadd.s32 $0xFFFFC000  }
0xe7: {  	[tilespmem:s18], [sflag:$0x4] =	stream.linear.gather [hbm4b:s4+s0], $0x4000, $0x38;
	[tilespmem:$0x18000] =	vst v63  }
0xe8: {  	_ =	swait.ge [sflag:s21], $0x4000  }
0xe9: {  	[sflag:s21] =	ssyncset.done $0x0  }
0xea: {  	s7 =	simm.s32 $0x0;
	s5 =	simm.s32 $0x0;
	[sflag:s21] =	ssyncadd.s32 $0xFFFFC000  }
0xeb: {  	s6 =	sand.u32 $0x1C00, s0;
	s1 =	sand.u32 $0x2000, s5;
	_ =	swait.ge [sflag:s22], $0x4000  }
0xec: {  	s8 =	sand.u32 $0x380, s7;
	s1 =	sor.u32 s6, s1;
	[sflag:s22] =	ssyncset.done $0x0  }
0xed: {  	s1 =	sor.u32 s8, s1;
	[sflag:s22] =	ssyncadd.s32 $0xFFFFC000  }
0xee: {  	v0 =	vld [tilespmem:s1+$0x14070]  }
0xef: {  	v2 =	vld [tilespmem:s1+$0x14000]  }
0xf0: {  	v3 =	vld [tilespmem:s1+$0x14010]  }
0xf1: {  	v4 =	vld [tilespmem:s1+$0x14020]  }
0xf2: {  	v5 =	vld [tilespmem:s1+$0x14030]  }
0xf3: {  	s2 =	sor.u32 $0x70, s1;
	v1 =	vld [tilespmem:s1+$0x14040]  }
0xf4: {  	[tilespmem:s2+$0x0] =	vst.add.f32.msk $0xffff, v0  }
0xf5: {  	s11 =	sor.u32 $0x10, s1;
	[tilespmem:s1+$0x0] =	vst.add.f32.msk $0xffff, v2  }
0xf6: {  	s13 =	sor.u32 $0x20, s1;
	[tilespmem:s11+$0x0] =	vst.add.f32.msk $0xffff, v3  }
0xf7: {  	s15 =	sor.u32 $0x30, s1;
	[tilespmem:s13+$0x0] =	vst.add.f32.msk $0xffff, v4  }
0xf8: {  	s20 =	sor.u32 $0x40, s1;
	[tilespmem:s15+$0x0] =	vst.add.f32.msk $0xffff, v5  }
0xf9: {  	s9 =	sor.u32 $0x4070, s1;
	[tilespmem:s20+$0x0] =	vst.add.f32.msk $0xffff, v1  }
0xfa: {  	[tilespmem:s9+$0x0] =	vst.add.f32.msk $0xffff, v0  }
0xfb: {  	s10 =	sor.u32 $0x4000, s1;
	v0 =	vld [tilespmem:s1+$0x14050]  }
0xfc: {  	s12 =	sor.u32 $0x4010, s1;
	[tilespmem:s10+$0x0] =	vst.add.f32.msk $0xffff, v2  }
0xfd: {  	s14 =	sor.u32 $0x4020, s1;
	[tilespmem:s12+$0x0] =	vst.add.f32.msk $0xffff, v3  }
0xfe: {  	s19 =	sor.u32 $0x4030, s1;
	[tilespmem:s14+$0x0] =	vst.add.f32.msk $0xffff, v4  }
0xff: {  	s7 =	sor.u32 $0x4040, s1;
	s6 =	sor.u32 $0x50, s1;
	s5 =	sor.u32 $0x4050, s1;
	v2 =	vld [tilespmem:s1+$0x14060]  }
0x100: {  	s3 =	sor.u32 $0x60, s1;
	s4 =	sor.u32 $0x4060, s1;
	s2 =	simm.s32 $0x0;
	[tilespmem:s19+$0x0] =	vst.add.f32.msk $0xffff, v5  }
.LBB2_6:
0x101: {  	s2 =	sadd.s32 $0x8, s2;
	[tilespmem:s7+$0x0] =	vst.add.f32.msk $0xffff, v1  }
0x102: {  	s0 =	sadd.s32 $0x400, s0;
	s1 =	sshll.u32 s2, $0x4;
	p0 =	slt.u32 s2, $0x3F8;
	[tilespmem:s6+$0x0] =	vst.add.f32.msk $0xffff, v0  }
0x103: {  	s6 =	sand.u32 $0x1C00, s0;
	s7 =	sshll.u32 s2, $0x1;
	s1 =	sand.u32 $0x2000, s1;
	[tilespmem:s5+$0x0] =	vst.add.f32.msk $0xffff, v0  }
0x104: {  	s5 =	sand.u32 $0x380, s7;
	s1 =	sor.u32 s6, s1;
	[tilespmem:s3+$0x0] =	vst.add.f32.msk $0xffff, v2  }
0x105: {  	s1 =	sor.u32 s5, s1;
	[tilespmem:s4+$0x0] =	vst.add.f32.msk $0xffff, v2  }
0x106: {  	s8 =	sor.u32 $0x4000, s1;
	s9 =	sor.u32 $0x10, s1;
	s10 =	sor.u32 $0x4010, s1;
	v0 =	vld [tilespmem:s1+$0x14070]  }
0x107: {  	s11 =	sor.u32 $0x20, s1;
	s12 =	sor.u32 $0x4020, s1;
	s13 =	sor.u32 $0x30, s1;
	v3 =	vld [tilespmem:s1+$0x14000]  }
0x108: {  	s14 =	sor.u32 $0x4030, s1;
	s15 =	sor.u32 $0x40, s1;
	s7 =	sor.u32 $0x4040, s1;
	v4 =	vld [tilespmem:s1+$0x14010]  }
0x109: {  	s6 =	sor.u32 $0x50, s1;
	s5 =	sor.u32 $0x4050, s1;
	s3 =	sor.u32 $0x60, s1;
	v5 =	vld [tilespmem:s1+$0x14020]  }
0x10a: {  	s4 =	sor.u32 $0x4060, s1;
	s19 =	sor.u32 $0x70, s1;
	v6 =	vld [tilespmem:s1+$0x14030]  }
0x10b: {  	[tilespmem:s19+$0x0] =	vst.add.f32.msk $0xffff, v0;
	s19 =	sor.u32 $0x4070, s1  }
0x10c: {  	[tilespmem:s19+$0x0] =	vst.add.f32.msk $0xffff, v0  }
0x10d: {  	v1 =	vld [tilespmem:s1+$0x14040]  }
0x10e: {  	v0 =	vld [tilespmem:s1+$0x14050]  }
0x10f: {  	v2 =	vld [tilespmem:s1+$0x14060]  }
0x110: {  	[tilespmem:s1+$0x0] =	vst.add.f32.msk $0xffff, v3  }
0x111: {  	[tilespmem:s8+$0x0] =	vst.add.f32.msk $0xffff, v3  }
0x112: {  	[tilespmem:s9+$0x0] =	vst.add.f32.msk $0xffff, v4  }
0x113: {  	[tilespmem:s10+$0x0] =	vst.add.f32.msk $0xffff, v4  }
.Ltmp2:
0x114: {  	[tilespmem:s11+$0x0] =	vst.add.f32.msk $0xffff, v5;
	(pc) =	sbr.rel @p0 .LBB2_6-.Ltmp2, $4  }
0x115: {  	[tilespmem:s12+$0x0] =	vst.add.f32.msk $0xffff, v5  }
0x116: {  	[tilespmem:s13+$0x0] =	vst.add.f32.msk $0xffff, v6  }
0x117: {  	[tilespmem:s14+$0x0] =	vst.add.f32.msk $0xffff, v6  }
0x118: {  	[tilespmem:s15+$0x0] =	vst.add.f32.msk $0xffff, v1  }
0x119: {  	[tilespmem:s7+$0x0] =	vst.add.f32.msk $0xffff, v1  }
0x11a: {  	[tilespmem:s6+$0x0] =	vst.add.f32.msk $0xffff, v0  }
0x11b: {  	[tilespmem:s3+$0x0] =	vst.add.f32.msk $0xffff, v2  }
0x11c: {  	[tilespmem:s5+$0x0] =	vst.add.f32.msk $0xffff, v0  }
0x11d: {  	[tilespmem:s4+$0x0] =	vst.add.f32.msk $0xffff, v2  }
0x11e: {  	s0 =	simm.s32 $0x0;
	s1 =	rddreg [dreg:$0x10]  }
0x11f: {  	[hbm4b:s1+s0] =	stream.linear.scatter [tilespmem:s0], [sflag:$0x5], $0x4000, $0x38;
	[tilespmem:$0x18000] =	vst v63  }
0x120: {  	s2 =	rddreg [dreg:$0x11]  }
0x121: {  	[hbm4b:s2+s0] =	stream.linear.scatter [tilespmem:s16], [sflag:$0x6], $0x4000, $0x38;
	[tilespmem:$0x18000] =	vst v63  }
0x122: {  	_ =	swait.ge [sflag:s23], $0x4000  }
0x123: {  	[sflag:s23] =	ssyncset.done $0x0  }
0x124: {  	s3 =	rddreg [dreg:$0x12];
	[sflag:s23] =	ssyncadd.s32 $0xFFFFC000  }
0x125: {  	[tilespmem:s0], [sflag:$0x1] =	stream.linear.gather [hbm4b:s3+s0], $0x4000, $0x38;
	[tilespmem:$0x18000] =	vst v63  }
0x126: {  	_ =	swait.ge [sflag:s24], $0x4000  }
0x127: {  	[sflag:s24] =	ssyncset.done $0x0  }
0x128: {  	s4 =	rddreg [dreg:$0x16];
	[sflag:s24] =	ssyncadd.s32 $0xFFFFC000  }
0x129: {  	[tilespmem:s16], [sflag:$0x2] =	stream.linear.gather [hbm4b:s4+s0], $0x4000, $0x38;
	[tilespmem:$0x18000] =	vst v63  }
0x12a: {  	_ =	swait.ge [sflag:s25], $0x4000  }
0x12b: {  	[sflag:s25] =	ssyncset.done $0x0  }
0x12c: {  	s6 =	simm.s32 $0x0;
	s5 =	simm.s32 $0x0;
	[sflag:s25] =	ssyncadd.s32 $0xFFFFC000  }
0x12d: {  	s1 =	sand.u32 $0x2000, s5;
	s2 =	sand.u32 $0x1C00, s0;
	_ =	swait.ge [sflag:s26], $0x4000  }
0x12e: {  	s7 =	sand.u32 $0x380, s6;
	s1 =	sor.u32 s2, s1;
	[sflag:s26] =	ssyncset.done $0x0  }
0x12f: {  	s1 =	sor.u32 s7, s1;
	[sflag:s26] =	ssyncadd.s32 $0xFFFFC000  }
0x130: {  	v0 =	vld [tilespmem:s1+$0x14070]  }
0x131: {  	v2 =	vld [tilespmem:s1+$0x14000]  }
0x132: {  	v3 =	vld [tilespmem:s1+$0x14010]  }
0x133: {  	v4 =	vld [tilespmem:s1+$0x14020]  }
0x134: {  	v5 =	vld [tilespmem:s1+$0x14030]  }
0x135: {  	s2 =	sor.u32 $0x8070, s1;
	v1 =	vld [tilespmem:s1+$0x14040]  }
0x136: {  	s9 =	sor.u32 $0x8000, s1;
	[tilespmem:s2+$0x0] =	vst.add.f32.msk $0xffff, v0  }
0x137: {  	s11 =	sor.u32 $0x8010, s1;
	[tilespmem:s9+$0x0] =	vst.add.f32.msk $0xffff, v2  }
0x138: {  	s13 =	sor.u32 $0x8020, s1;
	[tilespmem:s11+$0x0] =	vst.add.f32.msk $0xffff, v3  }
0x139: {  	s15 =	sor.u32 $0x8030, s1;
	[tilespmem:s13+$0x0] =	vst.add.f32.msk $0xffff, v4  }
0x13a: {  	s20 =	sor.u32 $0x8040, s1;
	[tilespmem:s15+$0x0] =	vst.add.f32.msk $0xffff, v5  }
0x13b: {  	s8 =	sor.u32 $0xC070, s1;
	[tilespmem:s20+$0x0] =	vst.add.f32.msk $0xffff, v1  }
0x13c: {  	[tilespmem:s8+$0x0] =	vst.add.f32.msk $0xffff, v0  }
0x13d: {  	s10 =	sor.u32 $0xC000, s1;
	v0 =	vld [tilespmem:s1+$0x14050]  }
0x13e: {  	s12 =	sor.u32 $0xC010, s1;
	[tilespmem:s10+$0x0] =	vst.add.f32.msk $0xffff, v2  }
0x13f: {  	s14 =	sor.u32 $0xC020, s1;
	[tilespmem:s12+$0x0] =	vst.add.f32.msk $0xffff, v3  }
0x140: {  	s19 =	sor.u32 $0xC030, s1;
	[tilespmem:s14+$0x0] =	vst.add.f32.msk $0xffff, v4  }
0x141: {  	s7 =	sor.u32 $0xC040, s1;
	s6 =	sor.u32 $0x8050, s1;
	s5 =	sor.u32 $0xC050, s1;
	v2 =	vld [tilespmem:s1+$0x14060]  }
0x142: {  	s3 =	sor.u32 $0xC060, s1;
	s4 =	sor.u32 $0x8060, s1;
	s2 =	simm.s32 $0x0;
	[tilespmem:s19+$0x0] =	vst.add.f32.msk $0xffff, v5  }
.LBB2_8:
0x143: {  	s2 =	sadd.s32 $0x8, s2;
	[tilespmem:s7+$0x0] =	vst.add.f32.msk $0xffff, v1  }
0x144: {  	s0 =	sadd.s32 $0x400, s0;
	s1 =	sshll.u32 s2, $0x4;
	p0 =	slt.u32 s2, $0x3F8;
	[tilespmem:s6+$0x0] =	vst.add.f32.msk $0xffff, v0  }
0x145: {  	s6 =	sand.u32 $0x1C00, s0;
	s7 =	sshll.u32 s2, $0x1;
	s1 =	sand.u32 $0x2000, s1;
	[tilespmem:s5+$0x0] =	vst.add.f32.msk $0xffff, v0  }
0x146: {  	s5 =	sand.u32 $0x380, s7;
	s1 =	sor.u32 s6, s1;
	[tilespmem:s4+$0x0] =	vst.add.f32.msk $0xffff, v2  }
0x147: {  	s1 =	sor.u32 s5, s1;
	[tilespmem:s3+$0x0] =	vst.add.f32.msk $0xffff, v2  }
0x148: {  	s8 =	sor.u32 $0x8000, s1;
	s9 =	sor.u32 $0xC000, s1;
	s10 =	sor.u32 $0x8010, s1;
	v0 =	vld [tilespmem:s1+$0x14070]  }
0x149: {  	s11 =	sor.u32 $0xC010, s1;
	s12 =	sor.u32 $0x8020, s1;
	s13 =	sor.u32 $0xC020, s1;
	v3 =	vld [tilespmem:s1+$0x14000]  }
0x14a: {  	s14 =	sor.u32 $0x8030, s1;
	s15 =	sor.u32 $0xC030, s1;
	s19 =	sor.u32 $0x8040, s1;
	v4 =	vld [tilespmem:s1+$0x14010]  }
0x14b: {  	s7 =	sor.u32 $0xC040, s1;
	s6 =	sor.u32 $0x8050, s1;
	s5 =	sor.u32 $0xC050, s1;
	v5 =	vld [tilespmem:s1+$0x14020]  }
0x14c: {  	s4 =	sor.u32 $0x8060, s1;
	s3 =	sor.u32 $0xC060, s1;
	s20 =	sor.u32 $0x8070, s1;
	v6 =	vld [tilespmem:s1+$0x14030]  }
0x14d: {  	[tilespmem:s20+$0x0] =	vst.add.f32.msk $0xffff, v0;
	s20 =	sor.u32 $0xC070, s1  }
0x14e: {  	[tilespmem:s20+$0x0] =	vst.add.f32.msk $0xffff, v0  }
0x14f: {  	v1 =	vld [tilespmem:s1+$0x14040]  }
0x150: {  	v0 =	vld [tilespmem:s1+$0x14050]  }
0x151: {  	v2 =	vld [tilespmem:s1+$0x14060]  }
0x152: {  	[tilespmem:s8+$0x0] =	vst.add.f32.msk $0xffff, v3  }
0x153: {  	[tilespmem:s9+$0x0] =	vst.add.f32.msk $0xffff, v3  }
0x154: {  	[tilespmem:s10+$0x0] =	vst.add.f32.msk $0xffff, v4  }
0x155: {  	[tilespmem:s11+$0x0] =	vst.add.f32.msk $0xffff, v4  }
.Ltmp3:
0x156: {  	[tilespmem:s12+$0x0] =	vst.add.f32.msk $0xffff, v5;
	(pc) =	sbr.rel @p0 .LBB2_8-.Ltmp3, $4  }
0x157: {  	[tilespmem:s13+$0x0] =	vst.add.f32.msk $0xffff, v5  }
0x158: {  	[tilespmem:s14+$0x0] =	vst.add.f32.msk $0xffff, v6  }
0x159: {  	[tilespmem:s15+$0x0] =	vst.add.f32.msk $0xffff, v6  }
0x15a: {  	[tilespmem:s19+$0x0] =	vst.add.f32.msk $0xffff, v1  }
0x15b: {  	[tilespmem:s7+$0x0] =	vst.add.f32.msk $0xffff, v1  }
0x15c: {  	[tilespmem:s6+$0x0] =	vst.add.f32.msk $0xffff, v0  }
0x15d: {  	[tilespmem:s4+$0x0] =	vst.add.f32.msk $0xffff, v2  }
0x15e: {  	[tilespmem:s5+$0x0] =	vst.add.f32.msk $0xffff, v0  }
0x15f: {  	[tilespmem:s3+$0x0] =	vst.add.f32.msk $0xffff, v2  }
0x160: {  	s0 =	simm.s32 $0x0;
	s1 =	rddreg [dreg:$0x13]  }
0x161: {  	[hbm4b:s1+s0] =	stream.linear.scatter [tilespmem:s17], [sflag:$0x7], $0x4000, $0x38;
	[tilespmem:$0x18000] =	vst v63  }
0x162: {  	s19 =	simm.s32 $0x9;
	s15 =	rddreg [dreg:$0x14]  }
0x163: {  	[hbm4b:s15+s0] =	stream.linear.scatter [tilespmem:s18], [sflag:$0x8], $0x4000, $0x38;
	[tilespmem:$0x18000] =	vst v63  }
0x164: {  	_ =	swait.ge [sflag:s19], $0x4000  }
0x165: {  	[sflag:s19] =	ssyncset.done $0x0  }
0x166: {  	s2 =	simm.s32 $0x14000;
	s20 =	rddreg [dreg:$0x1c];
	[sflag:s19] =	ssyncadd.s32 $0xFFFFC000  }
0x167: {  	[tilespmem:s2], [sflag:$0xA] =	stream.linear.gather [hbm4b:s20+s0], $0x4000, $0x38;
	[tilespmem:$0x18000] =	vst v63  }
0x168: {  	_ =	swait.ge [sflag:s29], $0x4000  }
0x169: {  	[sflag:s29] =	ssyncset.done $0x0  }
0x16a: {  	s3 =	rddreg [dreg:$0x18];
	[sflag:s29] =	ssyncadd.s32 $0xFFFFC000  }
0x16b: {  	[tilespmem:s17], [sflag:$0x3] =	stream.linear.gather [hbm4b:s3+s0], $0x4000, $0x38;
	[tilespmem:$0x18000] =	vst v63  }
0x16c: {  	_ =	swait.ge [sflag:s30], $0x4000  }
0x16d: {  	[sflag:s30] =	ssyncset.done $0x0  }
0x16e: {  	s4 =	rddreg [dreg:$0x1a];
	[sflag:s30] =	ssyncadd.s32 $0xFFFFC000  }
0x16f: {  	[tilespmem:s18], [sflag:$0x4] =	stream.linear.gather [hbm4b:s4+s0], $0x4000, $0x38;
	[tilespmem:$0x18000] =	vst v63  }
0x170: {  	_ =	swait.ge [sflag:s21], $0x4000  }
0x171: {  	[sflag:s21] =	ssyncset.done $0x0  }
0x172: {  	s7 =	simm.s32 $0x0;
	s5 =	simm.s32 $0x0;
	[sflag:s21] =	ssyncadd.s32 $0xFFFFC000  }
0x173: {  	s6 =	sand.u32 $0x1C00, s0;
	s1 =	sand.u32 $0x2000, s5;
	_ =	swait.ge [sflag:s22], $0x4000  }
0x174: {  	s8 =	sand.u32 $0x380, s7;
	s1 =	sor.u32 s6, s1;
	[sflag:s22] =	ssyncset.done $0x0  }
0x175: {  	s1 =	sor.u32 s8, s1;
	[sflag:s22] =	ssyncadd.s32 $0xFFFFC000  }
0x176: {  	v0 =	vld [tilespmem:s1+$0x10070]  }
0x177: {  	v2 =	vld [tilespmem:s1+$0x10000]  }
0x178: {  	v3 =	vld [tilespmem:s1+$0x10010]  }
0x179: {  	v4 =	vld [tilespmem:s1+$0x10020]  }
0x17a: {  	v5 =	vld [tilespmem:s1+$0x10030]  }
0x17b: {  	s2 =	sor.u32 $0x70, s1;
	v1 =	vld [tilespmem:s1+$0x10040]  }
0x17c: {  	[tilespmem:s2+$0x0] =	vst.add.f32.msk $0xffff, v0  }
0x17d: {  	s11 =	sor.u32 $0x10, s1;
	[tilespmem:s1+$0x0] =	vst.add.f32.msk $0xffff, v2  }
0x17e: {  	s13 =	sor.u32 $0x20, s1;
	[tilespmem:s11+$0x0] =	vst.add.f32.msk $0xffff, v3  }
0x17f: {  	s15 =	sor.u32 $0x30, s1;
	[tilespmem:s13+$0x0] =	vst.add.f32.msk $0xffff, v4  }
0x180: {  	s20 =	sor.u32 $0x40, s1;
	[tilespmem:s15+$0x0] =	vst.add.f32.msk $0xffff, v5  }
0x181: {  	s9 =	sor.u32 $0x4070, s1;
	[tilespmem:s20+$0x0] =	vst.add.f32.msk $0xffff, v1  }
0x182: {  	[tilespmem:s9+$0x0] =	vst.add.f32.msk $0xffff, v0  }
0x183: {  	s10 =	sor.u32 $0x4000, s1;
	v0 =	vld [tilespmem:s1+$0x10050]  }
0x184: {  	s12 =	sor.u32 $0x4010, s1;
	[tilespmem:s10+$0x0] =	vst.add.f32.msk $0xffff, v2  }
0x185: {  	s14 =	sor.u32 $0x4020, s1;
	[tilespmem:s12+$0x0] =	vst.add.f32.msk $0xffff, v3  }
0x186: {  	s7 =	sor.u32 $0x4040, s1;
	[tilespmem:s14+$0x0] =	vst.add.f32.msk $0xffff, v4  }
0x187: {  	s6 =	sor.u32 $0x50, s1;
	s5 =	sor.u32 $0x4050, s1;
	s19 =	sor.u32 $0x4030, s1;
	v2 =	vld [tilespmem:s1+$0x10060]  }
0x188: {  	s3 =	sor.u32 $0x60, s1;
	s4 =	sor.u32 $0x4060, s1;
	s2 =	simm.s32 $0x0;
	[tilespmem:s19+$0x0] =	vst.add.f32.msk $0xffff, v5  }
.LBB2_10:
0x189: {  	s2 =	sadd.s32 $0x8, s2;
	[tilespmem:s7+$0x0] =	vst.add.f32.msk $0xffff, v1  }
0x18a: {  	s0 =	sadd.s32 $0x400, s0;
	s1 =	sshll.u32 s2, $0x4;
	p0 =	slt.u32 s2, $0x3F8;
	[tilespmem:s6+$0x0] =	vst.add.f32.msk $0xffff, v0  }
0x18b: {  	s6 =	sand.u32 $0x1C00, s0;
	s7 =	sshll.u32 s2, $0x1;
	s1 =	sand.u32 $0x2000, s1;
	[tilespmem:s5+$0x0] =	vst.add.f32.msk $0xffff, v0  }
0x18c: {  	s5 =	sand.u32 $0x380, s7;
	s1 =	sor.u32 s6, s1;
	[tilespmem:s3+$0x0] =	vst.add.f32.msk $0xffff, v2  }
0x18d: {  	s1 =	sor.u32 s5, s1;
	[tilespmem:s4+$0x0] =	vst.add.f32.msk $0xffff, v2  }
0x18e: {  	s8 =	sor.u32 $0x4000, s1;
	s9 =	sor.u32 $0x10, s1;
	s10 =	sor.u32 $0x4010, s1;
	v0 =	vld [tilespmem:s1+$0x10070]  }
0x18f: {  	s11 =	sor.u32 $0x20, s1;
	s12 =	sor.u32 $0x4020, s1;
	s13 =	sor.u32 $0x30, s1;
	v3 =	vld [tilespmem:s1+$0x10000]  }
0x190: {  	s14 =	sor.u32 $0x4030, s1;
	s15 =	sor.u32 $0x40, s1;
	s7 =	sor.u32 $0x4040, s1;
	v4 =	vld [tilespmem:s1+$0x10010]  }
0x191: {  	s6 =	sor.u32 $0x50, s1;
	s5 =	sor.u32 $0x4050, s1;
	s3 =	sor.u32 $0x60, s1;
	v5 =	vld [tilespmem:s1+$0x10020]  }
0x192: {  	s4 =	sor.u32 $0x4060, s1;
	s19 =	sor.u32 $0x70, s1;
	v6 =	vld [tilespmem:s1+$0x10030]  }
0x193: {  	[tilespmem:s19+$0x0] =	vst.add.f32.msk $0xffff, v0;
	s19 =	sor.u32 $0x4070, s1  }
0x194: {  	[tilespmem:s19+$0x0] =	vst.add.f32.msk $0xffff, v0  }
0x195: {  	v1 =	vld [tilespmem:s1+$0x10040]  }
0x196: {  	v0 =	vld [tilespmem:s1+$0x10050]  }
0x197: {  	v2 =	vld [tilespmem:s1+$0x10060]  }
0x198: {  	[tilespmem:s1+$0x0] =	vst.add.f32.msk $0xffff, v3  }
0x199: {  	[tilespmem:s8+$0x0] =	vst.add.f32.msk $0xffff, v3  }
0x19a: {  	[tilespmem:s9+$0x0] =	vst.add.f32.msk $0xffff, v4  }
0x19b: {  	[tilespmem:s10+$0x0] =	vst.add.f32.msk $0xffff, v4  }
.Ltmp4:
0x19c: {  	[tilespmem:s11+$0x0] =	vst.add.f32.msk $0xffff, v5;
	(pc) =	sbr.rel @p0 .LBB2_10-.Ltmp4, $4  }
0x19d: {  	[tilespmem:s12+$0x0] =	vst.add.f32.msk $0xffff, v5  }
0x19e: {  	[tilespmem:s13+$0x0] =	vst.add.f32.msk $0xffff, v6  }
0x19f: {  	[tilespmem:s14+$0x0] =	vst.add.f32.msk $0xffff, v6  }
0x1a0: {  	[tilespmem:s15+$0x0] =	vst.add.f32.msk $0xffff, v1  }
0x1a1: {  	[tilespmem:s7+$0x0] =	vst.add.f32.msk $0xffff, v1  }
0x1a2: {  	[tilespmem:s6+$0x0] =	vst.add.f32.msk $0xffff, v0  }
0x1a3: {  	[tilespmem:s3+$0x0] =	vst.add.f32.msk $0xffff, v2  }
0x1a4: {  	[tilespmem:s5+$0x0] =	vst.add.f32.msk $0xffff, v0  }
0x1a5: {  	[tilespmem:s4+$0x0] =	vst.add.f32.msk $0xffff, v2  }
0x1a6: {  	s0 =	simm.s32 $0x0;
	s1 =	rddreg [dreg:$0x15]  }
0x1a7: {  	[hbm4b:s1+s0] =	stream.linear.scatter [tilespmem:s0], [sflag:$0x5], $0x4000, $0x38;
	[tilespmem:$0x18000] =	vst v63  }
0x1a8: {  	s2 =	rddreg [dreg:$0x17]  }
0x1a9: {  	[hbm4b:s2+s0] =	stream.linear.scatter [tilespmem:s16], [sflag:$0x6], $0x4000, $0x38;
	[tilespmem:$0x18000] =	vst v63  }
0x1aa: {  	_ =	swait.ge [sflag:s23], $0x4000  }
0x1ab: {  	[sflag:s23] =	ssyncset.done $0x0  }
0x1ac: {  	s3 =	rddreg [dreg:$0x1d];
	[sflag:s23] =	ssyncadd.s32 $0xFFFFC000  }
0x1ad: {  	[tilespmem:s0], [sflag:$0x1] =	stream.linear.gather [hbm4b:s3+s0], $0x4000, $0x38;
	[tilespmem:$0x18000] =	vst v63  }
0x1ae: {  	_ =	swait.ge [sflag:s24], $0x4000  }
0x1af: {  	[sflag:s24] =	ssyncset.done $0x0  }
0x1b0: {  	s4 =	rddreg [dreg:$0x1f];
	[sflag:s24] =	ssyncadd.s32 $0xFFFFC000  }
0x1b1: {  	[tilespmem:s16], [sflag:$0x2] =	stream.linear.gather [hbm4b:s4+s0], $0x4000, $0x38;
	[tilespmem:$0x18000] =	vst v63  }
0x1b2: {  	_ =	swait.ge [sflag:s25], $0x4000  }
0x1b3: {  	[sflag:s25] =	ssyncset.done $0x0  }
0x1b4: {  	s6 =	simm.s32 $0x0;
	s5 =	simm.s32 $0x0;
	[sflag:s25] =	ssyncadd.s32 $0xFFFFC000  }
0x1b5: {  	s1 =	sand.u32 $0x2000, s5;
	s2 =	sand.u32 $0x1C00, s0;
	_ =	swait.ge [sflag:s26], $0x4000  }
0x1b6: {  	s7 =	sand.u32 $0x380, s6;
	s1 =	sor.u32 s2, s1;
	[sflag:s26] =	ssyncset.done $0x0  }
0x1b7: {  	s1 =	sor.u32 s7, s1;
	[sflag:s26] =	ssyncadd.s32 $0xFFFFC000  }
0x1b8: {  	v0 =	vld [tilespmem:s1+$0x10070]  }
0x1b9: {  	v2 =	vld [tilespmem:s1+$0x10000]  }
0x1ba: {  	v3 =	vld [tilespmem:s1+$0x10010]  }
0x1bb: {  	v4 =	vld [tilespmem:s1+$0x10020]  }
0x1bc: {  	v5 =	vld [tilespmem:s1+$0x10030]  }
0x1bd: {  	s2 =	sor.u32 $0x8070, s1;
	v1 =	vld [tilespmem:s1+$0x10040]  }
0x1be: {  	s9 =	sor.u32 $0x8000, s1;
	[tilespmem:s2+$0x0] =	vst.add.f32.msk $0xffff, v0  }
0x1bf: {  	s11 =	sor.u32 $0x8010, s1;
	[tilespmem:s9+$0x0] =	vst.add.f32.msk $0xffff, v2  }
0x1c0: {  	s13 =	sor.u32 $0x8020, s1;
	[tilespmem:s11+$0x0] =	vst.add.f32.msk $0xffff, v3  }
0x1c1: {  	s15 =	sor.u32 $0x8030, s1;
	[tilespmem:s13+$0x0] =	vst.add.f32.msk $0xffff, v4  }
0x1c2: {  	s20 =	sor.u32 $0x8040, s1;
	[tilespmem:s15+$0x0] =	vst.add.f32.msk $0xffff, v5  }
0x1c3: {  	s8 =	sor.u32 $0xC070, s1;
	[tilespmem:s20+$0x0] =	vst.add.f32.msk $0xffff, v1  }
0x1c4: {  	[tilespmem:s8+$0x0] =	vst.add.f32.msk $0xffff, v0  }
0x1c5: {  	s10 =	sor.u32 $0xC000, s1;
	v0 =	vld [tilespmem:s1+$0x10050]  }
0x1c6: {  	s12 =	sor.u32 $0xC010, s1;
	[tilespmem:s10+$0x0] =	vst.add.f32.msk $0xffff, v2  }
0x1c7: {  	s14 =	sor.u32 $0xC020, s1;
	[tilespmem:s12+$0x0] =	vst.add.f32.msk $0xffff, v3  }
0x1c8: {  	s19 =	sor.u32 $0xC030, s1;
	[tilespmem:s14+$0x0] =	vst.add.f32.msk $0xffff, v4  }
0x1c9: {  	s7 =	sor.u32 $0xC040, s1;
	s6 =	sor.u32 $0x8050, s1;
	s5 =	sor.u32 $0xC050, s1;
	v2 =	vld [tilespmem:s1+$0x10060]  }
0x1ca: {  	s3 =	sor.u32 $0xC060, s1;
	s4 =	sor.u32 $0x8060, s1;
	s2 =	simm.s32 $0x0;
	[tilespmem:s19+$0x0] =	vst.add.f32.msk $0xffff, v5  }
.LBB2_12:
0x1cb: {  	s2 =	sadd.s32 $0x8, s2;
	[tilespmem:s7+$0x0] =	vst.add.f32.msk $0xffff, v1  }
0x1cc: {  	s0 =	sadd.s32 $0x400, s0;
	s1 =	sshll.u32 s2, $0x4;
	p0 =	slt.u32 s2, $0x3F8;
	[tilespmem:s6+$0x0] =	vst.add.f32.msk $0xffff, v0  }
0x1cd: {  	s6 =	sand.u32 $0x1C00, s0;
	s7 =	sshll.u32 s2, $0x1;
	s1 =	sand.u32 $0x2000, s1;
	[tilespmem:s5+$0x0] =	vst.add.f32.msk $0xffff, v0  }
0x1ce: {  	s5 =	sand.u32 $0x380, s7;
	s1 =	sor.u32 s6, s1;
	[tilespmem:s4+$0x0] =	vst.add.f32.msk $0xffff, v2  }
0x1cf: {  	s1 =	sor.u32 s5, s1;
	[tilespmem:s3+$0x0] =	vst.add.f32.msk $0xffff, v2  }
0x1d0: {  	s8 =	sor.u32 $0x8000, s1;
	s9 =	sor.u32 $0xC000, s1;
	s10 =	sor.u32 $0x8010, s1;
	v0 =	vld [tilespmem:s1+$0x10070]  }
0x1d1: {  	s11 =	sor.u32 $0xC010, s1;
	s12 =	sor.u32 $0x8020, s1;
	s13 =	sor.u32 $0xC020, s1;
	v3 =	vld [tilespmem:s1+$0x10000]  }
0x1d2: {  	s14 =	sor.u32 $0x8030, s1;
	s15 =	sor.u32 $0xC030, s1;
	s19 =	sor.u32 $0x8040, s1;
	v4 =	vld [tilespmem:s1+$0x10010]  }
0x1d3: {  	s7 =	sor.u32 $0xC040, s1;
	s6 =	sor.u32 $0x8050, s1;
	s5 =	sor.u32 $0xC050, s1;
	v5 =	vld [tilespmem:s1+$0x10020]  }
0x1d4: {  	s4 =	sor.u32 $0x8060, s1;
	s3 =	sor.u32 $0xC060, s1;
	s20 =	sor.u32 $0x8070, s1;
	v6 =	vld [tilespmem:s1+$0x10030]  }
0x1d5: {  	[tilespmem:s20+$0x0] =	vst.add.f32.msk $0xffff, v0;
	s20 =	sor.u32 $0xC070, s1  }
0x1d6: {  	[tilespmem:s20+$0x0] =	vst.add.f32.msk $0xffff, v0  }
0x1d7: {  	v1 =	vld [tilespmem:s1+$0x10040]  }
0x1d8: {  	v0 =	vld [tilespmem:s1+$0x10050]  }
0x1d9: {  	v2 =	vld [tilespmem:s1+$0x10060]  }
0x1da: {  	[tilespmem:s8+$0x0] =	vst.add.f32.msk $0xffff, v3  }
0x1db: {  	[tilespmem:s9+$0x0] =	vst.add.f32.msk $0xffff, v3  }
0x1dc: {  	[tilespmem:s10+$0x0] =	vst.add.f32.msk $0xffff, v4  }
0x1dd: {  	[tilespmem:s11+$0x0] =	vst.add.f32.msk $0xffff, v4  }
.Ltmp5:
0x1de: {  	[tilespmem:s12+$0x0] =	vst.add.f32.msk $0xffff, v5;
	(pc) =	sbr.rel @p0 .LBB2_12-.Ltmp5, $4  }
0x1df: {  	[tilespmem:s13+$0x0] =	vst.add.f32.msk $0xffff, v5  }
0x1e0: {  	[tilespmem:s14+$0x0] =	vst.add.f32.msk $0xffff, v6  }
0x1e1: {  	[tilespmem:s15+$0x0] =	vst.add.f32.msk $0xffff, v6  }
0x1e2: {  	[tilespmem:s19+$0x0] =	vst.add.f32.msk $0xffff, v1  }
0x1e3: {  	[tilespmem:s7+$0x0] =	vst.add.f32.msk $0xffff, v1  }
0x1e4: {  	[tilespmem:s6+$0x0] =	vst.add.f32.msk $0xffff, v0  }
0x1e5: {  	[tilespmem:s4+$0x0] =	vst.add.f32.msk $0xffff, v2  }
0x1e6: {  	[tilespmem:s5+$0x0] =	vst.add.f32.msk $0xffff, v0  }
0x1e7: {  	[tilespmem:s3+$0x0] =	vst.add.f32.msk $0xffff, v2  }
0x1e8: {  	s0 =	simm.s32 $0x0;
	s1 =	rddreg [dreg:$0x19]  }
0x1e9: {  	[hbm4b:s1+s0] =	stream.linear.scatter [tilespmem:s17], [sflag:$0x7], $0x4000, $0x38;
	[tilespmem:$0x18000] =	vst v63  }
0x1ea: {  	s19 =	rddreg [dreg:$0x1b]  }
0x1eb: {  	[hbm4b:s19+s0] =	stream.linear.scatter [tilespmem:s18], [sflag:$0x8], $0x4000, $0x38;
	[tilespmem:$0x18000] =	vst v63  }
0x1ec: {  	_ =	swait.ge [sflag:s28], $0x4000  }
0x1ed: {  	s20 =	sld [smem:$0x7D6]  }
0x1ee: {  	[sflag:s28] =	ssyncset.done $0x0  }
0x1ef: {  	s2 =	simm.s32 $0x10000;
	[sflag:s28] =	ssyncadd.s32 $0xFFFFC000  }
0x1f0: {  	[tilespmem:s2], [sflag:$0x9] =	stream.linear.gather [hbm4b:s20+s0], $0x4000, $0x38;
	[tilespmem:$0x18000] =	vst v63  }
0x1f1: {  	_ =	swait.ge [sflag:s29], $0x4000  }
0x1f2: {  	s3 =	sld [smem:$0x7D2]  }
0x1f3: {  	[sflag:s29] =	ssyncset.done $0x0  }
0x1f4: {  	[sflag:s29] =	ssyncadd.s32 $0xFFFFC000  }
0x1f5: {  	[tilespmem:s17], [sflag:$0x3] =	stream.linear.gather [hbm4b:s3+s0], $0x4000, $0x38;
	[tilespmem:$0x18000] =	vst v63  }
0x1f6: {  	_ =	swait.ge [sflag:s30], $0x4000  }
0x1f7: {  	s4 =	sld [smem:$0x7D4]  }
0x1f8: {  	[sflag:s30] =	ssyncset.done $0x0  }
0x1f9: {  	[sflag:s30] =	ssyncadd.s32 $0xFFFFC000  }
0x1fa: {  	[tilespmem:s18], [sflag:$0x4] =	stream.linear.gather [hbm4b:s4+s0], $0x4000, $0x38;
	[tilespmem:$0x18000] =	vst v63  }
0x1fb: {  	_ =	swait.ge [sflag:s21], $0x4000  }
0x1fc: {  	[sflag:s21] =	ssyncset.done $0x0  }
0x1fd: {  	s7 =	simm.s32 $0x0;
	s5 =	simm.s32 $0x0;
	[sflag:s21] =	ssyncadd.s32 $0xFFFFC000  }
0x1fe: {  	s6 =	sand.u32 $0x1C00, s0;
	s1 =	sand.u32 $0x2000, s5;
	_ =	swait.ge [sflag:s22], $0x4000  }
0x1ff: {  	s8 =	sand.u32 $0x380, s7;
	s1 =	sor.u32 s6, s1;
	[sflag:s22] =	ssyncset.done $0x0  }
0x200: {  	s1 =	sor.u32 s8, s1;
	[sflag:s22] =	ssyncadd.s32 $0xFFFFC000  }
0x201: {  	v0 =	vld [tilespmem:s1+$0x14070]  }
0x202: {  	v2 =	vld [tilespmem:s1+$0x14000]  }
0x203: {  	v3 =	vld [tilespmem:s1+$0x14010]  }
0x204: {  	v4 =	vld [tilespmem:s1+$0x14020]  }
0x205: {  	v5 =	vld [tilespmem:s1+$0x14030]  }
0x206: {  	s2 =	sor.u32 $0x70, s1;
	v1 =	vld [tilespmem:s1+$0x14040]  }
0x207: {  	[tilespmem:s2+$0x0] =	vst.add.f32.msk $0xffff, v0  }
0x208: {  	s11 =	sor.u32 $0x10, s1;
	[tilespmem:s1+$0x0] =	vst.add.f32.msk $0xffff, v2  }
0x209: {  	s13 =	sor.u32 $0x20, s1;
	[tilespmem:s11+$0x0] =	vst.add.f32.msk $0xffff, v3  }
0x20a: {  	s15 =	sor.u32 $0x30, s1;
	[tilespmem:s13+$0x0] =	vst.add.f32.msk $0xffff, v4  }
0x20b: {  	s20 =	sor.u32 $0x40, s1;
	[tilespmem:s15+$0x0] =	vst.add.f32.msk $0xffff, v5  }
0x20c: {  	s9 =	sor.u32 $0x4070, s1;
	[tilespmem:s20+$0x0] =	vst.add.f32.msk $0xffff, v1  }
0x20d: {  	[tilespmem:s9+$0x0] =	vst.add.f32.msk $0xffff, v0  }
0x20e: {  	s10 =	sor.u32 $0x4000, s1;
	v0 =	vld [tilespmem:s1+$0x14050]  }
0x20f: {  	s12 =	sor.u32 $0x4010, s1;
	[tilespmem:s10+$0x0] =	vst.add.f32.msk $0xffff, v2  }
0x210: {  	s14 =	sor.u32 $0x4020, s1;
	[tilespmem:s12+$0x0] =	vst.add.f32.msk $0xffff, v3  }
0x211: {  	s19 =	sor.u32 $0x4030, s1;
	[tilespmem:s14+$0x0] =	vst.add.f32.msk $0xffff, v4  }
0x212: {  	s7 =	sor.u32 $0x4040, s1;
	s6 =	sor.u32 $0x50, s1;
	s5 =	sor.u32 $0x4050, s1;
	v2 =	vld [tilespmem:s1+$0x14060]  }
0x213: {  	s3 =	sor.u32 $0x60, s1;
	s4 =	sor.u32 $0x4060, s1;
	s2 =	simm.s32 $0x0;
	[tilespmem:s19+$0x0] =	vst.add.f32.msk $0xffff, v5  }
.LBB2_14:
0x214: {  	s2 =	sadd.s32 $0x8, s2;
	[tilespmem:s7+$0x0] =	vst.add.f32.msk $0xffff, v1  }
0x215: {  	s0 =	sadd.s32 $0x400, s0;
	s1 =	sshll.u32 s2, $0x4;
	p0 =	slt.u32 s2, $0x3F8;
	[tilespmem:s6+$0x0] =	vst.add.f32.msk $0xffff, v0  }
0x216: {  	s6 =	sand.u32 $0x1C00, s0;
	s7 =	sshll.u32 s2, $0x1;
	s1 =	sand.u32 $0x2000, s1;
	[tilespmem:s5+$0x0] =	vst.add.f32.msk $0xffff, v0  }
0x217: {  	s5 =	sand.u32 $0x380, s7;
	s1 =	sor.u32 s6, s1;
	[tilespmem:s3+$0x0] =	vst.add.f32.msk $0xffff, v2  }
0x218: {  	s1 =	sor.u32 s5, s1;
	[tilespmem:s4+$0x0] =	vst.add.f32.msk $0xffff, v2  }
0x219: {  	s8 =	sor.u32 $0x4000, s1;
	s9 =	sor.u32 $0x10, s1;
	s10 =	sor.u32 $0x4010, s1;
	v0 =	vld [tilespmem:s1+$0x14070]  }
0x21a: {  	s11 =	sor.u32 $0x20, s1;
	s12 =	sor.u32 $0x4020, s1;
	s13 =	sor.u32 $0x30, s1;
	v3 =	vld [tilespmem:s1+$0x14000]  }
0x21b: {  	s14 =	sor.u32 $0x4030, s1;
	s15 =	sor.u32 $0x40, s1;
	s7 =	sor.u32 $0x4040, s1;
	v4 =	vld [tilespmem:s1+$0x14010]  }
0x21c: {  	s6 =	sor.u32 $0x50, s1;
	s5 =	sor.u32 $0x4050, s1;
	s3 =	sor.u32 $0x60, s1;
	v5 =	vld [tilespmem:s1+$0x14020]  }
0x21d: {  	s4 =	sor.u32 $0x4060, s1;
	s19 =	sor.u32 $0x70, s1;
	v6 =	vld [tilespmem:s1+$0x14030]  }
0x21e: {  	[tilespmem:s19+$0x0] =	vst.add.f32.msk $0xffff, v0;
	s19 =	sor.u32 $0x4070, s1  }
0x21f: {  	[tilespmem:s19+$0x0] =	vst.add.f32.msk $0xffff, v0  }
0x220: {  	v1 =	vld [tilespmem:s1+$0x14040]  }
0x221: {  	v0 =	vld [tilespmem:s1+$0x14050]  }
0x222: {  	v2 =	vld [tilespmem:s1+$0x14060]  }
0x223: {  	[tilespmem:s1+$0x0] =	vst.add.f32.msk $0xffff, v3  }
0x224: {  	[tilespmem:s8+$0x0] =	vst.add.f32.msk $0xffff, v3  }
0x225: {  	[tilespmem:s9+$0x0] =	vst.add.f32.msk $0xffff, v4  }
0x226: {  	[tilespmem:s10+$0x0] =	vst.add.f32.msk $0xffff, v4  }
.Ltmp6:
0x227: {  	[tilespmem:s11+$0x0] =	vst.add.f32.msk $0xffff, v5;
	(pc) =	sbr.rel @p0 .LBB2_14-.Ltmp6, $4  }
0x228: {  	[tilespmem:s12+$0x0] =	vst.add.f32.msk $0xffff, v5  }
0x229: {  	[tilespmem:s13+$0x0] =	vst.add.f32.msk $0xffff, v6  }
0x22a: {  	[tilespmem:s14+$0x0] =	vst.add.f32.msk $0xffff, v6  }
0x22b: {  	[tilespmem:s15+$0x0] =	vst.add.f32.msk $0xffff, v1  }
0x22c: {  	[tilespmem:s7+$0x0] =	vst.add.f32.msk $0xffff, v1  }
0x22d: {  	[tilespmem:s6+$0x0] =	vst.add.f32.msk $0xffff, v0  }
0x22e: {  	[tilespmem:s3+$0x0] =	vst.add.f32.msk $0xffff, v2  }
0x22f: {  	[tilespmem:s5+$0x0] =	vst.add.f32.msk $0xffff, v0  }
0x230: {  	[tilespmem:s4+$0x0] =	vst.add.f32.msk $0xffff, v2  }
0x231: {  	s1 =	rddreg [dreg:$0x1e]  }
0x232: {  	s0 =	simm.s32 $0x0;
	s2 =	sld [smem:$0x7D1]  }
0x233: {  	[hbm4b:s1+s0] =	stream.linear.scatter [tilespmem:s0], [sflag:$0x5], $0x4000, $0x38;
	[tilespmem:$0x18000] =	vst v63  }
0x234: {  	_ = 	snop  }
0x235: {  	[hbm4b:s2+s0] =	stream.linear.scatter [tilespmem:s16], [sflag:$0x6], $0x4000, $0x38;
	[tilespmem:$0x18000] =	vst v63  }
0x236: {  	_ =	swait.ge [sflag:s23], $0x4000  }
0x237: {  	s3 =	sld [smem:$0x7D7]  }
0x238: {  	[sflag:s23] =	ssyncset.done $0x0  }
0x239: {  	[sflag:s23] =	ssyncadd.s32 $0xFFFFC000  }
0x23a: {  	[tilespmem:s0], [sflag:$0x1] =	stream.linear.gather [hbm4b:s3+s0], $0x4000, $0x38;
	[tilespmem:$0x18000] =	vst v63  }
0x23b: {  	_ =	swait.ge [sflag:s24], $0x4000  }
0x23c: {  	s4 =	sld [smem:$0x7D9]  }
0x23d: {  	[sflag:s24] =	ssyncset.done $0x0  }
0x23e: {  	[sflag:s24] =	ssyncadd.s32 $0xFFFFC000  }
0x23f: {  	[tilespmem:s16], [sflag:$0x2] =	stream.linear.gather [hbm4b:s4+s0], $0x4000, $0x38;
	[tilespmem:$0x18000] =	vst v63  }
0x240: {  	_ =	swait.ge [sflag:s25], $0x4000  }
0x241: {  	[sflag:s25] =	ssyncset.done $0x0  }
0x242: {  	s6 =	simm.s32 $0x0;
	s5 =	simm.s32 $0x0;
	[sflag:s25] =	ssyncadd.s32 $0xFFFFC000  }
0x243: {  	s1 =	sand.u32 $0x2000, s5;
	s2 =	sand.u32 $0x1C00, s0;
	_ =	swait.ge [sflag:s26], $0x4000  }
0x244: {  	s7 =	sand.u32 $0x380, s6;
	s1 =	sor.u32 s2, s1;
	[sflag:s26] =	ssyncset.done $0x0  }
0x245: {  	s1 =	sor.u32 s7, s1;
	[sflag:s26] =	ssyncadd.s32 $0xFFFFC000  }
0x246: {  	v0 =	vld [tilespmem:s1+$0x14070]  }
0x247: {  	v2 =	vld [tilespmem:s1+$0x14000]  }
0x248: {  	v3 =	vld [tilespmem:s1+$0x14010]  }
0x249: {  	v4 =	vld [tilespmem:s1+$0x14020]  }
0x24a: {  	v5 =	vld [tilespmem:s1+$0x14030]  }
0x24b: {  	s2 =	sor.u32 $0x8070, s1;
	v1 =	vld [tilespmem:s1+$0x14040]  }
0x24c: {  	s9 =	sor.u32 $0x8000, s1;
	[tilespmem:s2+$0x0] =	vst.add.f32.msk $0xffff, v0  }
0x24d: {  	s11 =	sor.u32 $0x8010, s1;
	[tilespmem:s9+$0x0] =	vst.add.f32.msk $0xffff, v2  }
0x24e: {  	s13 =	sor.u32 $0x8020, s1;
	[tilespmem:s11+$0x0] =	vst.add.f32.msk $0xffff, v3  }
0x24f: {  	s15 =	sor.u32 $0x8030, s1;
	[tilespmem:s13+$0x0] =	vst.add.f32.msk $0xffff, v4  }
0x250: {  	s20 =	sor.u32 $0x8040, s1;
	[tilespmem:s15+$0x0] =	vst.add.f32.msk $0xffff, v5  }
0x251: {  	s8 =	sor.u32 $0xC070, s1;
	[tilespmem:s20+$0x0] =	vst.add.f32.msk $0xffff, v1  }
0x252: {  	[tilespmem:s8+$0x0] =	vst.add.f32.msk $0xffff, v0  }
0x253: {  	s10 =	sor.u32 $0xC000, s1;
	v0 =	vld [tilespmem:s1+$0x14050]  }
0x254: {  	s12 =	sor.u32 $0xC010, s1;
	[tilespmem:s10+$0x0] =	vst.add.f32.msk $0xffff, v2  }
0x255: {  	s14 =	sor.u32 $0xC020, s1;
	[tilespmem:s12+$0x0] =	vst.add.f32.msk $0xffff, v3  }
0x256: {  	s19 =	sor.u32 $0xC030, s1;
	[tilespmem:s14+$0x0] =	vst.add.f32.msk $0xffff, v4  }
0x257: {  	s7 =	sor.u32 $0xC040, s1;
	s6 =	sor.u32 $0x8050, s1;
	s5 =	sor.u32 $0xC050, s1;
	v2 =	vld [tilespmem:s1+$0x14060]  }
0x258: {  	s3 =	sor.u32 $0xC060, s1;
	s4 =	sor.u32 $0x8060, s1;
	s2 =	simm.s32 $0x0;
	[tilespmem:s19+$0x0] =	vst.add.f32.msk $0xffff, v5  }
.LBB2_16:
0x259: {  	s2 =	sadd.s32 $0x8, s2;
	[tilespmem:s7+$0x0] =	vst.add.f32.msk $0xffff, v1  }
0x25a: {  	s0 =	sadd.s32 $0x400, s0;
	s1 =	sshll.u32 s2, $0x4;
	p0 =	slt.u32 s2, $0x3F8;
	[tilespmem:s6+$0x0] =	vst.add.f32.msk $0xffff, v0  }
0x25b: {  	s6 =	sand.u32 $0x1C00, s0;
	s7 =	sshll.u32 s2, $0x1;
	s1 =	sand.u32 $0x2000, s1;
	[tilespmem:s5+$0x0] =	vst.add.f32.msk $0xffff, v0  }
0x25c: {  	s5 =	sand.u32 $0x380, s7;
	s1 =	sor.u32 s6, s1;
	[tilespmem:s4+$0x0] =	vst.add.f32.msk $0xffff, v2  }
0x25d: {  	s1 =	sor.u32 s5, s1;
	[tilespmem:s3+$0x0] =	vst.add.f32.msk $0xffff, v2  }
0x25e: {  	s8 =	sor.u32 $0x8000, s1;
	s9 =	sor.u32 $0xC000, s1;
	s10 =	sor.u32 $0x8010, s1;
	v0 =	vld [tilespmem:s1+$0x14070]  }
0x25f: {  	s11 =	sor.u32 $0xC010, s1;
	s12 =	sor.u32 $0x8020, s1;
	s13 =	sor.u32 $0xC020, s1;
	v3 =	vld [tilespmem:s1+$0x14000]  }
0x260: {  	s14 =	sor.u32 $0x8030, s1;
	s15 =	sor.u32 $0xC030, s1;
	s19 =	sor.u32 $0x8040, s1;
	v4 =	vld [tilespmem:s1+$0x14010]  }
0x261: {  	s7 =	sor.u32 $0xC040, s1;
	s6 =	sor.u32 $0x8050, s1;
	s5 =	sor.u32 $0xC050, s1;
	v5 =	vld [tilespmem:s1+$0x14020]  }
0x262: {  	s4 =	sor.u32 $0x8060, s1;
	s3 =	sor.u32 $0xC060, s1;
	s20 =	sor.u32 $0x8070, s1;
	v6 =	vld [tilespmem:s1+$0x14030]  }
0x263: {  	[tilespmem:s20+$0x0] =	vst.add.f32.msk $0xffff, v0;
	s20 =	sor.u32 $0xC070, s1  }
0x264: {  	[tilespmem:s20+$0x0] =	vst.add.f32.msk $0xffff, v0  }
0x265: {  	v1 =	vld [tilespmem:s1+$0x14040]  }
0x266: {  	v0 =	vld [tilespmem:s1+$0x14050]  }
0x267: {  	v2 =	vld [tilespmem:s1+$0x14060]  }
0x268: {  	[tilespmem:s8+$0x0] =	vst.add.f32.msk $0xffff, v3  }
0x269: {  	[tilespmem:s9+$0x0] =	vst.add.f32.msk $0xffff, v3  }
0x26a: {  	[tilespmem:s10+$0x0] =	vst.add.f32.msk $0xffff, v4  }
0x26b: {  	[tilespmem:s11+$0x0] =	vst.add.f32.msk $0xffff, v4  }
.Ltmp7:
0x26c: {  	[tilespmem:s12+$0x0] =	vst.add.f32.msk $0xffff, v5;
	(pc) =	sbr.rel @p0 .LBB2_16-.Ltmp7, $4  }
0x26d: {  	[tilespmem:s13+$0x0] =	vst.add.f32.msk $0xffff, v5  }
0x26e: {  	[tilespmem:s14+$0x0] =	vst.add.f32.msk $0xffff, v6  }
0x26f: {  	[tilespmem:s15+$0x0] =	vst.add.f32.msk $0xffff, v6  }
0x270: {  	[tilespmem:s19+$0x0] =	vst.add.f32.msk $0xffff, v1  }
0x271: {  	[tilespmem:s7+$0x0] =	vst.add.f32.msk $0xffff, v1  }
0x272: {  	[tilespmem:s6+$0x0] =	vst.add.f32.msk $0xffff, v0  }
0x273: {  	[tilespmem:s4+$0x0] =	vst.add.f32.msk $0xffff, v2  }
0x274: {  	[tilespmem:s5+$0x0] =	vst.add.f32.msk $0xffff, v0  }
0x275: {  	[tilespmem:s3+$0x0] =	vst.add.f32.msk $0xffff, v2  }
0x276: {  	s1 =	sld [smem:$0x7D3];
	_ =	sdelay $0x1  }
0x277: {  	s0 =	simm.s32 $0x0;
	s15 =	sld [smem:$0x7D5]  }
0x278: {  	[hbm4b:s1+s0] =	stream.linear.scatter [tilespmem:s17], [sflag:$0x7], $0x4000, $0x38;
	[tilespmem:$0x18000] =	vst v63  }
0x279: {  	s19 =	simm.s32 $0x9  }
0x27a: {  	[hbm4b:s15+s0] =	stream.linear.scatter [tilespmem:s18], [sflag:$0x8], $0x4000, $0x38;
	[tilespmem:$0x18000] =	vst v63  }
0x27b: {  	_ =	swait.ge [sflag:s19], $0x4000  }
0x27c: {  	s20 =	sld [smem:$0x7DF]  }
0x27d: {  	[sflag:s19] =	ssyncset.done $0x0  }
0x27e: {  	s2 =	simm.s32 $0x14000;
	[sflag:s19] =	ssyncadd.s32 $0xFFFFC000  }
0x27f: {  	[tilespmem:s2], [sflag:$0xA] =	stream.linear.gather [hbm4b:s20+s0], $0x4000, $0x38;
	[tilespmem:$0x18000] =	vst v63  }
0x280: {  	_ =	swait.ge [sflag:s29], $0x4000  }
0x281: {  	s3 =	sld [smem:$0x7DB]  }
0x282: {  	[sflag:s29] =	ssyncset.done $0x0  }
0x283: {  	[sflag:s29] =	ssyncadd.s32 $0xFFFFC000  }
0x284: {  	[tilespmem:s17], [sflag:$0x3] =	stream.linear.gather [hbm4b:s3+s0], $0x4000, $0x38;
	[tilespmem:$0x18000] =	vst v63  }
0x285: {  	_ =	swait.ge [sflag:s30], $0x4000  }
0x286: {  	s4 =	sld [smem:$0x7DD]  }
0x287: {  	[sflag:s30] =	ssyncset.done $0x0  }
0x288: {  	[sflag:s30] =	ssyncadd.s32 $0xFFFFC000  }
0x289: {  	[tilespmem:s18], [sflag:$0x4] =	stream.linear.gather [hbm4b:s4+s0], $0x4000, $0x38;
	[tilespmem:$0x18000] =	vst v63  }
0x28a: {  	_ =	swait.ge [sflag:s21], $0x4000  }
0x28b: {  	[sflag:s21] =	ssyncset.done $0x0  }
0x28c: {  	s7 =	simm.s32 $0x0;
	s5 =	simm.s32 $0x0;
	[sflag:s21] =	ssyncadd.s32 $0xFFFFC000  }
0x28d: {  	s6 =	sand.u32 $0x1C00, s0;
	s1 =	sand.u32 $0x2000, s5;
	_ =	swait.ge [sflag:s22], $0x4000  }
0x28e: {  	s8 =	sand.u32 $0x380, s7;
	s1 =	sor.u32 s6, s1;
	[sflag:s22] =	ssyncset.done $0x0  }
0x28f: {  	s1 =	sor.u32 s8, s1;
	[sflag:s22] =	ssyncadd.s32 $0xFFFFC000  }
0x290: {  	v0 =	vld [tilespmem:s1+$0x10070]  }
0x291: {  	v2 =	vld [tilespmem:s1+$0x10000]  }
0x292: {  	v3 =	vld [tilespmem:s1+$0x10010]  }
0x293: {  	v4 =	vld [tilespmem:s1+$0x10020]  }
0x294: {  	v5 =	vld [tilespmem:s1+$0x10030]  }
0x295: {  	s2 =	sor.u32 $0x70, s1;
	v1 =	vld [tilespmem:s1+$0x10040]  }
0x296: {  	[tilespmem:s2+$0x0] =	vst.add.f32.msk $0xffff, v0  }
0x297: {  	s11 =	sor.u32 $0x10, s1;
	[tilespmem:s1+$0x0] =	vst.add.f32.msk $0xffff, v2  }
0x298: {  	s13 =	sor.u32 $0x20, s1;
	[tilespmem:s11+$0x0] =	vst.add.f32.msk $0xffff, v3  }
0x299: {  	s15 =	sor.u32 $0x30, s1;
	[tilespmem:s13+$0x0] =	vst.add.f32.msk $0xffff, v4  }
0x29a: {  	s20 =	sor.u32 $0x40, s1;
	[tilespmem:s15+$0x0] =	vst.add.f32.msk $0xffff, v5  }
0x29b: {  	s9 =	sor.u32 $0x4070, s1;
	[tilespmem:s20+$0x0] =	vst.add.f32.msk $0xffff, v1  }
0x29c: {  	[tilespmem:s9+$0x0] =	vst.add.f32.msk $0xffff, v0  }
0x29d: {  	s10 =	sor.u32 $0x4000, s1;
	v0 =	vld [tilespmem:s1+$0x10050]  }
0x29e: {  	s12 =	sor.u32 $0x4010, s1;
	[tilespmem:s10+$0x0] =	vst.add.f32.msk $0xffff, v2  }
0x29f: {  	s14 =	sor.u32 $0x4020, s1;
	[tilespmem:s12+$0x0] =	vst.add.f32.msk $0xffff, v3  }
0x2a0: {  	s7 =	sor.u32 $0x4040, s1;
	[tilespmem:s14+$0x0] =	vst.add.f32.msk $0xffff, v4  }
0x2a1: {  	s6 =	sor.u32 $0x50, s1;
	s5 =	sor.u32 $0x4050, s1;
	s19 =	sor.u32 $0x4030, s1;
	v2 =	vld [tilespmem:s1+$0x10060]  }
0x2a2: {  	s3 =	sor.u32 $0x60, s1;
	s4 =	sor.u32 $0x4060, s1;
	s2 =	simm.s32 $0x0;
	[tilespmem:s19+$0x0] =	vst.add.f32.msk $0xffff, v5  }
.LBB2_18:
0x2a3: {  	s2 =	sadd.s32 $0x8, s2;
	[tilespmem:s7+$0x0] =	vst.add.f32.msk $0xffff, v1  }
0x2a4: {  	s0 =	sadd.s32 $0x400, s0;
	s1 =	sshll.u32 s2, $0x4;
	p0 =	slt.u32 s2, $0x3F8;
	[tilespmem:s6+$0x0] =	vst.add.f32.msk $0xffff, v0  }
0x2a5: {  	s6 =	sand.u32 $0x1C00, s0;
	s7 =	sshll.u32 s2, $0x1;
	s1 =	sand.u32 $0x2000, s1;
	[tilespmem:s5+$0x0] =	vst.add.f32.msk $0xffff, v0  }
0x2a6: {  	s5 =	sand.u32 $0x380, s7;
	s1 =	sor.u32 s6, s1;
	[tilespmem:s3+$0x0] =	vst.add.f32.msk $0xffff, v2  }
0x2a7: {  	s1 =	sor.u32 s5, s1;
	[tilespmem:s4+$0x0] =	vst.add.f32.msk $0xffff, v2  }
0x2a8: {  	s8 =	sor.u32 $0x4000, s1;
	s9 =	sor.u32 $0x10, s1;
	s10 =	sor.u32 $0x4010, s1;
	v0 =	vld [tilespmem:s1+$0x10070]  }
0x2a9: {  	s11 =	sor.u32 $0x20, s1;
	s12 =	sor.u32 $0x4020, s1;
	s13 =	sor.u32 $0x30, s1;
	v3 =	vld [tilespmem:s1+$0x10000]  }
0x2aa: {  	s14 =	sor.u32 $0x4030, s1;
	s15 =	sor.u32 $0x40, s1;
	s7 =	sor.u32 $0x4040, s1;
	v4 =	vld [tilespmem:s1+$0x10010]  }
0x2ab: {  	s6 =	sor.u32 $0x50, s1;
	s5 =	sor.u32 $0x4050, s1;
	s3 =	sor.u32 $0x60, s1;
	v5 =	vld [tilespmem:s1+$0x10020]  }
0x2ac: {  	s4 =	sor.u32 $0x4060, s1;
	s19 =	sor.u32 $0x70, s1;
	v6 =	vld [tilespmem:s1+$0x10030]  }
0x2ad: {  	[tilespmem:s19+$0x0] =	vst.add.f32.msk $0xffff, v0;
	s19 =	sor.u32 $0x4070, s1  }
0x2ae: {  	[tilespmem:s19+$0x0] =	vst.add.f32.msk $0xffff, v0  }
0x2af: {  	v1 =	vld [tilespmem:s1+$0x10040]  }
0x2b0: {  	v0 =	vld [tilespmem:s1+$0x10050]  }
0x2b1: {  	v2 =	vld [tilespmem:s1+$0x10060]  }
0x2b2: {  	[tilespmem:s1+$0x0] =	vst.add.f32.msk $0xffff, v3  }
0x2b3: {  	[tilespmem:s8+$0x0] =	vst.add.f32.msk $0xffff, v3  }
0x2b4: {  	[tilespmem:s9+$0x0] =	vst.add.f32.msk $0xffff, v4  }
0x2b5: {  	[tilespmem:s10+$0x0] =	vst.add.f32.msk $0xffff, v4  }
.Ltmp8:
0x2b6: {  	[tilespmem:s11+$0x0] =	vst.add.f32.msk $0xffff, v5;
	(pc) =	sbr.rel @p0 .LBB2_18-.Ltmp8, $4  }
0x2b7: {  	[tilespmem:s12+$0x0] =	vst.add.f32.msk $0xffff, v5  }
0x2b8: {  	[tilespmem:s13+$0x0] =	vst.add.f32.msk $0xffff, v6  }
0x2b9: {  	[tilespmem:s14+$0x0] =	vst.add.f32.msk $0xffff, v6  }
0x2ba: {  	[tilespmem:s15+$0x0] =	vst.add.f32.msk $0xffff, v1  }
0x2bb: {  	[tilespmem:s7+$0x0] =	vst.add.f32.msk $0xffff, v1  }
0x2bc: {  	[tilespmem:s6+$0x0] =	vst.add.f32.msk $0xffff, v0  }
0x2bd: {  	[tilespmem:s3+$0x0] =	vst.add.f32.msk $0xffff, v2  }
0x2be: {  	[tilespmem:s5+$0x0] =	vst.add.f32.msk $0xffff, v0  }
0x2bf: {  	[tilespmem:s4+$0x0] =	vst.add.f32.msk $0xffff, v2  }
0x2c0: {  	s1 =	sld [smem:$0x7D8];
	_ =	sdelay $0x1  }
0x2c1: {  	s0 =	simm.s32 $0x0;
	s2 =	sld [smem:$0x7DA]  }
0x2c2: {  	[hbm4b:s1+s0] =	stream.linear.scatter [tilespmem:s0], [sflag:$0x5], $0x4000, $0x38;
	[tilespmem:$0x18000] =	vst v63  }
0x2c3: {  	_ = 	snop  }
0x2c4: {  	[hbm4b:s2+s0] =	stream.linear.scatter [tilespmem:s16], [sflag:$0x6], $0x4000, $0x38;
	[tilespmem:$0x18000] =	vst v63  }
0x2c5: {  	_ =	swait.ge [sflag:s23], $0x4000  }
0x2c6: {  	s3 =	sld [smem:$0x7E0]  }
0x2c7: {  	[sflag:s23] =	ssyncset.done $0x0  }
0x2c8: {  	[sflag:s23] =	ssyncadd.s32 $0xFFFFC000  }
0x2c9: {  	[tilespmem:s0], [sflag:$0x1] =	stream.linear.gather [hbm4b:s3+s0], $0x4000, $0x38;
	[tilespmem:$0x18000] =	vst v63  }
0x2ca: {  	_ =	swait.ge [sflag:s24], $0x4000  }
0x2cb: {  	s4 =	sld [smem:$0x7E2]  }
0x2cc: {  	[sflag:s24] =	ssyncset.done $0x0  }
0x2cd: {  	[sflag:s24] =	ssyncadd.s32 $0xFFFFC000  }
0x2ce: {  	[tilespmem:s16], [sflag:$0x2] =	stream.linear.gather [hbm4b:s4+s0], $0x4000, $0x38;
	[tilespmem:$0x18000] =	vst v63  }
0x2cf: {  	_ =	swait.ge [sflag:s25], $0x4000  }
0x2d0: {  	[sflag:s25] =	ssyncset.done $0x0  }
0x2d1: {  	s6 =	simm.s32 $0x0;
	s5 =	simm.s32 $0x0;
	[sflag:s25] =	ssyncadd.s32 $0xFFFFC000  }
0x2d2: {  	s1 =	sand.u32 $0x2000, s5;
	s2 =	sand.u32 $0x1C00, s0;
	_ =	swait.ge [sflag:s26], $0x4000  }
0x2d3: {  	s7 =	sand.u32 $0x380, s6;
	s1 =	sor.u32 s2, s1;
	[sflag:s26] =	ssyncset.done $0x0  }
0x2d4: {  	s1 =	sor.u32 s7, s1;
	[sflag:s26] =	ssyncadd.s32 $0xFFFFC000  }
0x2d5: {  	v0 =	vld [tilespmem:s1+$0x10070]  }
0x2d6: {  	v2 =	vld [tilespmem:s1+$0x10000]  }
0x2d7: {  	v3 =	vld [tilespmem:s1+$0x10010]  }
0x2d8: {  	v4 =	vld [tilespmem:s1+$0x10020]  }
0x2d9: {  	v5 =	vld [tilespmem:s1+$0x10030]  }
0x2da: {  	s2 =	sor.u32 $0x8070, s1;
	v1 =	vld [tilespmem:s1+$0x10040]  }
0x2db: {  	s9 =	sor.u32 $0x8000, s1;
	[tilespmem:s2+$0x0] =	vst.add.f32.msk $0xffff, v0  }
0x2dc: {  	s11 =	sor.u32 $0x8010, s1;
	[tilespmem:s9+$0x0] =	vst.add.f32.msk $0xffff, v2  }
0x2dd: {  	s13 =	sor.u32 $0x8020, s1;
	[tilespmem:s11+$0x0] =	vst.add.f32.msk $0xffff, v3  }
0x2de: {  	s15 =	sor.u32 $0x8030, s1;
	[tilespmem:s13+$0x0] =	vst.add.f32.msk $0xffff, v4  }
0x2df: {  	s20 =	sor.u32 $0x8040, s1;
	[tilespmem:s15+$0x0] =	vst.add.f32.msk $0xffff, v5  }
0x2e0: {  	s8 =	sor.u32 $0xC070, s1;
	[tilespmem:s20+$0x0] =	vst.add.f32.msk $0xffff, v1  }
0x2e1: {  	[tilespmem:s8+$0x0] =	vst.add.f32.msk $0xffff, v0  }
0x2e2: {  	s10 =	sor.u32 $0xC000, s1;
	v0 =	vld [tilespmem:s1+$0x10050]  }
0x2e3: {  	s12 =	sor.u32 $0xC010, s1;
	[tilespmem:s10+$0x0] =	vst.add.f32.msk $0xffff, v2  }
0x2e4: {  	s14 =	sor.u32 $0xC020, s1;
	[tilespmem:s12+$0x0] =	vst.add.f32.msk $0xffff, v3  }
0x2e5: {  	s19 =	sor.u32 $0xC030, s1;
	[tilespmem:s14+$0x0] =	vst.add.f32.msk $0xffff, v4  }
0x2e6: {  	s7 =	sor.u32 $0xC040, s1;
	s6 =	sor.u32 $0x8050, s1;
	s5 =	sor.u32 $0xC050, s1;
	v2 =	vld [tilespmem:s1+$0x10060]  }
0x2e7: {  	s3 =	sor.u32 $0xC060, s1;
	s4 =	sor.u32 $0x8060, s1;
	s2 =	simm.s32 $0x0;
	[tilespmem:s19+$0x0] =	vst.add.f32.msk $0xffff, v5  }
.LBB2_20:
0x2e8: {  	s2 =	sadd.s32 $0x8, s2;
	[tilespmem:s7+$0x0] =	vst.add.f32.msk $0xffff, v1  }
0x2e9: {  	s0 =	sadd.s32 $0x400, s0;
	s1 =	sshll.u32 s2, $0x4;
	p0 =	slt.u32 s2, $0x3F8;
	[tilespmem:s6+$0x0] =	vst.add.f32.msk $0xffff, v0  }
0x2ea: {  	s6 =	sand.u32 $0x1C00, s0;
	s7 =	sshll.u32 s2, $0x1;
	s1 =	sand.u32 $0x2000, s1;
	[tilespmem:s5+$0x0] =	vst.add.f32.msk $0xffff, v0  }
0x2eb: {  	s5 =	sand.u32 $0x380, s7;
	s1 =	sor.u32 s6, s1;
	[tilespmem:s4+$0x0] =	vst.add.f32.msk $0xffff, v2  }
0x2ec: {  	s1 =	sor.u32 s5, s1;
	[tilespmem:s3+$0x0] =	vst.add.f32.msk $0xffff, v2  }
0x2ed: {  	s8 =	sor.u32 $0x8000, s1;
	s9 =	sor.u32 $0xC000, s1;
	s10 =	sor.u32 $0x8010, s1;
	v0 =	vld [tilespmem:s1+$0x10070]  }
0x2ee: {  	s11 =	sor.u32 $0xC010, s1;
	s12 =	sor.u32 $0x8020, s1;
	s13 =	sor.u32 $0xC020, s1;
	v3 =	vld [tilespmem:s1+$0x10000]  }
0x2ef: {  	s14 =	sor.u32 $0x8030, s1;
	s15 =	sor.u32 $0xC030, s1;
	s19 =	sor.u32 $0x8040, s1;
	v4 =	vld [tilespmem:s1+$0x10010]  }
0x2f0: {  	s7 =	sor.u32 $0xC040, s1;
	s6 =	sor.u32 $0x8050, s1;
	s5 =	sor.u32 $0xC050, s1;
	v5 =	vld [tilespmem:s1+$0x10020]  }
0x2f1: {  	s4 =	sor.u32 $0x8060, s1;
	s3 =	sor.u32 $0xC060, s1;
	s20 =	sor.u32 $0x8070, s1;
	v6 =	vld [tilespmem:s1+$0x10030]  }
0x2f2: {  	[tilespmem:s20+$0x0] =	vst.add.f32.msk $0xffff, v0;
	s20 =	sor.u32 $0xC070, s1  }
0x2f3: {  	[tilespmem:s20+$0x0] =	vst.add.f32.msk $0xffff, v0  }
0x2f4: {  	v1 =	vld [tilespmem:s1+$0x10040]  }
0x2f5: {  	v0 =	vld [tilespmem:s1+$0x10050]  }
0x2f6: {  	v2 =	vld [tilespmem:s1+$0x10060]  }
0x2f7: {  	[tilespmem:s8+$0x0] =	vst.add.f32.msk $0xffff, v3  }
0x2f8: {  	[tilespmem:s9+$0x0] =	vst.add.f32.msk $0xffff, v3  }
0x2f9: {  	[tilespmem:s10+$0x0] =	vst.add.f32.msk $0xffff, v4  }
0x2fa: {  	[tilespmem:s11+$0x0] =	vst.add.f32.msk $0xffff, v4  }
.Ltmp9:
0x2fb: {  	[tilespmem:s12+$0x0] =	vst.add.f32.msk $0xffff, v5;
	(pc) =	sbr.rel @p0 .LBB2_20-.Ltmp9, $4  }
0x2fc: {  	[tilespmem:s13+$0x0] =	vst.add.f32.msk $0xffff, v5  }
0x2fd: {  	[tilespmem:s14+$0x0] =	vst.add.f32.msk $0xffff, v6  }
0x2fe: {  	[tilespmem:s15+$0x0] =	vst.add.f32.msk $0xffff, v6  }
0x2ff: {  	[tilespmem:s19+$0x0] =	vst.add.f32.msk $0xffff, v1  }
0x300: {  	[tilespmem:s7+$0x0] =	vst.add.f32.msk $0xffff, v1  }
0x301: {  	[tilespmem:s6+$0x0] =	vst.add.f32.msk $0xffff, v0  }
0x302: {  	[tilespmem:s4+$0x0] =	vst.add.f32.msk $0xffff, v2  }
0x303: {  	[tilespmem:s5+$0x0] =	vst.add.f32.msk $0xffff, v0  }
0x304: {  	[tilespmem:s3+$0x0] =	vst.add.f32.msk $0xffff, v2  }
0x305: {  	s1 =	sld [smem:$0x7DC];
	_ =	sdelay $0x1  }
0x306: {  	s0 =	simm.s32 $0x0;
	s19 =	sld [smem:$0x7DE]  }
0x307: {  	[hbm4b:s1+s0] =	stream.linear.scatter [tilespmem:s17], [sflag:$0x7], $0x4000, $0x38;
	[tilespmem:$0x18000] =	vst v63  }
0x308: {  	_ = 	snop  }
0x309: {  	[hbm4b:s19+s0] =	stream.linear.scatter [tilespmem:s18], [sflag:$0x8], $0x4000, $0x38;
	[tilespmem:$0x18000] =	vst v63  }
0x30a: {  	_ =	swait.ge [sflag:s28], $0x4000  }
0x30b: {  	s20 =	sld [smem:$0x7E9]  }
0x30c: {  	[sflag:s28] =	ssyncset.done $0x0  }
0x30d: {  	s2 =	simm.s32 $0x10000;
	[sflag:s28] =	ssyncadd.s32 $0xFFFFC000  }
0x30e: {  	[tilespmem:s2], [sflag:$0x9] =	stream.linear.gather [hbm4b:s20+s0], $0x4000, $0x38;
	[tilespmem:$0x18000] =	vst v63  }
0x30f: {  	_ =	swait.ge [sflag:s29], $0x4000  }
0x310: {  	s3 =	sld [smem:$0x7E4]  }
0x311: {  	[sflag:s29] =	ssyncset.done $0x0  }
0x312: {  	[sflag:s29] =	ssyncadd.s32 $0xFFFFC000  }
0x313: {  	[tilespmem:s17], [sflag:$0x3] =	stream.linear.gather [hbm4b:s3+s0], $0x4000, $0x38;
	[tilespmem:$0x18000] =	vst v63  }
0x314: {  	_ =	swait.ge [sflag:s30], $0x4000  }
0x315: {  	s4 =	sld [smem:$0x7E6]  }
0x316: {  	[sflag:s30] =	ssyncset.done $0x0  }
0x317: {  	[sflag:s30] =	ssyncadd.s32 $0xFFFFC000  }
0x318: {  	[tilespmem:s18], [sflag:$0x4] =	stream.linear.gather [hbm4b:s4+s0], $0x4000, $0x38;
	[tilespmem:$0x18000] =	vst v63  }
0x319: {  	_ =	swait.ge [sflag:s21], $0x4000  }
0x31a: {  	[sflag:s21] =	ssyncset.done $0x0  }
0x31b: {  	s7 =	simm.s32 $0x0;
	s5 =	simm.s32 $0x0;
	[sflag:s21] =	ssyncadd.s32 $0xFFFFC000  }
0x31c: {  	s6 =	sand.u32 $0x1C00, s0;
	s1 =	sand.u32 $0x2000, s5;
	_ =	swait.ge [sflag:s22], $0x4000  }
0x31d: {  	s8 =	sand.u32 $0x380, s7;
	s1 =	sor.u32 s6, s1;
	[sflag:s22] =	ssyncset.done $0x0  }
0x31e: {  	s1 =	sor.u32 s8, s1;
	[sflag:s22] =	ssyncadd.s32 $0xFFFFC000  }
0x31f: {  	v0 =	vld [tilespmem:s1+$0x14070]  }
0x320: {  	v2 =	vld [tilespmem:s1+$0x14000]  }
0x321: {  	v3 =	vld [tilespmem:s1+$0x14010]  }
0x322: {  	v4 =	vld [tilespmem:s1+$0x14020]  }
0x323: {  	v5 =	vld [tilespmem:s1+$0x14030]  }
0x324: {  	s2 =	sor.u32 $0x70, s1;
	v1 =	vld [tilespmem:s1+$0x14040]  }
0x325: {  	[tilespmem:s2+$0x0] =	vst.add.f32.msk $0xffff, v0  }
0x326: {  	s11 =	sor.u32 $0x10, s1;
	[tilespmem:s1+$0x0] =	vst.add.f32.msk $0xffff, v2  }
0x327: {  	s13 =	sor.u32 $0x20, s1;
	[tilespmem:s11+$0x0] =	vst.add.f32.msk $0xffff, v3  }
0x328: {  	s15 =	sor.u32 $0x30, s1;
	[tilespmem:s13+$0x0] =	vst.add.f32.msk $0xffff, v4  }
0x329: {  	s20 =	sor.u32 $0x40, s1;
	[tilespmem:s15+$0x0] =	vst.add.f32.msk $0xffff, v5  }
0x32a: {  	s9 =	sor.u32 $0x4070, s1;
	[tilespmem:s20+$0x0] =	vst.add.f32.msk $0xffff, v1  }
0x32b: {  	[tilespmem:s9+$0x0] =	vst.add.f32.msk $0xffff, v0  }
0x32c: {  	s10 =	sor.u32 $0x4000, s1;
	v0 =	vld [tilespmem:s1+$0x14050]  }
0x32d: {  	s12 =	sor.u32 $0x4010, s1;
	[tilespmem:s10+$0x0] =	vst.add.f32.msk $0xffff, v2  }
0x32e: {  	s14 =	sor.u32 $0x4020, s1;
	[tilespmem:s12+$0x0] =	vst.add.f32.msk $0xffff, v3  }
0x32f: {  	s19 =	sor.u32 $0x4030, s1;
	[tilespmem:s14+$0x0] =	vst.add.f32.msk $0xffff, v4  }
0x330: {  	s7 =	sor.u32 $0x4040, s1;
	s6 =	sor.u32 $0x50, s1;
	s5 =	sor.u32 $0x4050, s1;
	v2 =	vld [tilespmem:s1+$0x14060]  }
0x331: {  	s3 =	sor.u32 $0x60, s1;
	s4 =	sor.u32 $0x4060, s1;
	s2 =	simm.s32 $0x0;
	[tilespmem:s19+$0x0] =	vst.add.f32.msk $0xffff, v5  }
.LBB2_22:
0x332: {  	s2 =	sadd.s32 $0x8, s2;
	[tilespmem:s7+$0x0] =	vst.add.f32.msk $0xffff, v1  }
0x333: {  	s0 =	sadd.s32 $0x400, s0;
	s1 =	sshll.u32 s2, $0x4;
	p0 =	slt.u32 s2, $0x3F8;
	[tilespmem:s6+$0x0] =	vst.add.f32.msk $0xffff, v0  }
0x334: {  	s6 =	sand.u32 $0x1C00, s0;
	s7 =	sshll.u32 s2, $0x1;
	s1 =	sand.u32 $0x2000, s1;
	[tilespmem:s5+$0x0] =	vst.add.f32.msk $0xffff, v0  }
0x335: {  	s5 =	sand.u32 $0x380, s7;
	s1 =	sor.u32 s6, s1;
	[tilespmem:s3+$0x0] =	vst.add.f32.msk $0xffff, v2  }
0x336: {  	s1 =	sor.u32 s5, s1;
	[tilespmem:s4+$0x0] =	vst.add.f32.msk $0xffff, v2  }
0x337: {  	s8 =	sor.u32 $0x4000, s1;
	s9 =	sor.u32 $0x10, s1;
	s10 =	sor.u32 $0x4010, s1;
	v0 =	vld [tilespmem:s1+$0x14070]  }
0x338: {  	s11 =	sor.u32 $0x20, s1;
	s12 =	sor.u32 $0x4020, s1;
	s13 =	sor.u32 $0x30, s1;
	v3 =	vld [tilespmem:s1+$0x14000]  }
0x339: {  	s14 =	sor.u32 $0x4030, s1;
	s15 =	sor.u32 $0x40, s1;
	s7 =	sor.u32 $0x4040, s1;
	v4 =	vld [tilespmem:s1+$0x14010]  }
0x33a: {  	s6 =	sor.u32 $0x50, s1;
	s5 =	sor.u32 $0x4050, s1;
	s3 =	sor.u32 $0x60, s1;
	v5 =	vld [tilespmem:s1+$0x14020]  }
0x33b: {  	s4 =	sor.u32 $0x4060, s1;
	s19 =	sor.u32 $0x70, s1;
	v6 =	vld [tilespmem:s1+$0x14030]  }
0x33c: {  	[tilespmem:s19+$0x0] =	vst.add.f32.msk $0xffff, v0;
	s19 =	sor.u32 $0x4070, s1  }
0x33d: {  	[tilespmem:s19+$0x0] =	vst.add.f32.msk $0xffff, v0  }
0x33e: {  	v1 =	vld [tilespmem:s1+$0x14040]  }
0x33f: {  	v0 =	vld [tilespmem:s1+$0x14050]  }
0x340: {  	v2 =	vld [tilespmem:s1+$0x14060]  }
0x341: {  	[tilespmem:s1+$0x0] =	vst.add.f32.msk $0xffff, v3  }
0x342: {  	[tilespmem:s8+$0x0] =	vst.add.f32.msk $0xffff, v3  }
0x343: {  	[tilespmem:s9+$0x0] =	vst.add.f32.msk $0xffff, v4  }
0x344: {  	[tilespmem:s10+$0x0] =	vst.add.f32.msk $0xffff, v4  }
.Ltmp10:
0x345: {  	[tilespmem:s11+$0x0] =	vst.add.f32.msk $0xffff, v5;
	(pc) =	sbr.rel @p0 .LBB2_22-.Ltmp10, $4  }
0x346: {  	[tilespmem:s12+$0x0] =	vst.add.f32.msk $0xffff, v5  }
0x347: {  	[tilespmem:s13+$0x0] =	vst.add.f32.msk $0xffff, v6  }
0x348: {  	[tilespmem:s14+$0x0] =	vst.add.f32.msk $0xffff, v6  }
0x349: {  	[tilespmem:s15+$0x0] =	vst.add.f32.msk $0xffff, v1  }
0x34a: {  	[tilespmem:s7+$0x0] =	vst.add.f32.msk $0xffff, v1  }
0x34b: {  	[tilespmem:s6+$0x0] =	vst.add.f32.msk $0xffff, v0  }
0x34c: {  	[tilespmem:s3+$0x0] =	vst.add.f32.msk $0xffff, v2  }
0x34d: {  	[tilespmem:s5+$0x0] =	vst.add.f32.msk $0xffff, v0  }
0x34e: {  	[tilespmem:s4+$0x0] =	vst.add.f32.msk $0xffff, v2  }
0x34f: {  	s1 =	sld [smem:$0x7E1];
	_ =	sdelay $0x1  }
0x350: {  	s0 =	simm.s32 $0x0;
	s2 =	sld [smem:$0x7E3]  }
0x351: {  	[hbm4b:s1+s0] =	stream.linear.scatter [tilespmem:s0], [sflag:$0x5], $0x4000, $0x38;
	[tilespmem:$0x18000] =	vst v63  }
0x352: {  	_ = 	snop  }
0x353: {  	[hbm4b:s2+s0] =	stream.linear.scatter [tilespmem:s16], [sflag:$0x6], $0x4000, $0x38;
	[tilespmem:$0x18000] =	vst v63  }
0x354: {  	_ =	swait.ge [sflag:s23], $0x4000  }
0x355: {  	s3 =	sld [smem:$0x7EB]  }
0x356: {  	[sflag:s23] =	ssyncset.done $0x0  }
0x357: {  	[sflag:s23] =	ssyncadd.s32 $0xFFFFC000  }
0x358: {  	[tilespmem:s0], [sflag:$0x1] =	stream.linear.gather [hbm4b:s3+s0], $0x4000, $0x38;
	[tilespmem:$0x18000] =	vst v63  }
0x359: {  	_ =	swait.ge [sflag:s24], $0x4000  }
0x35a: {  	s4 =	sld [smem:$0x7ED]  }
0x35b: {  	[sflag:s24] =	ssyncset.done $0x0  }
0x35c: {  	[sflag:s24] =	ssyncadd.s32 $0xFFFFC000  }
0x35d: {  	[tilespmem:s16], [sflag:$0x2] =	stream.linear.gather [hbm4b:s4+s0], $0x4000, $0x38;
	[tilespmem:$0x18000] =	vst v63  }
0x35e: {  	_ =	swait.ge [sflag:s25], $0x4000  }
0x35f: {  	[sflag:s25] =	ssyncset.done $0x0  }
0x360: {  	s6 =	simm.s32 $0x0;
	s5 =	simm.s32 $0x0;
	[sflag:s25] =	ssyncadd.s32 $0xFFFFC000  }
0x361: {  	s1 =	sand.u32 $0x2000, s5;
	s2 =	sand.u32 $0x1C00, s0;
	_ =	swait.ge [sflag:s26], $0x4000  }
0x362: {  	s7 =	sand.u32 $0x380, s6;
	s1 =	sor.u32 s2, s1;
	[sflag:s26] =	ssyncset.done $0x0  }
0x363: {  	s1 =	sor.u32 s7, s1;
	[sflag:s26] =	ssyncadd.s32 $0xFFFFC000  }
0x364: {  	v0 =	vld [tilespmem:s1+$0x14070]  }
0x365: {  	v2 =	vld [tilespmem:s1+$0x14000]  }
0x366: {  	v3 =	vld [tilespmem:s1+$0x14010]  }
0x367: {  	v4 =	vld [tilespmem:s1+$0x14020]  }
0x368: {  	v5 =	vld [tilespmem:s1+$0x14030]  }
0x369: {  	s2 =	sor.u32 $0x8070, s1;
	v1 =	vld [tilespmem:s1+$0x14040]  }
0x36a: {  	s9 =	sor.u32 $0x8000, s1;
	[tilespmem:s2+$0x0] =	vst.add.f32.msk $0xffff, v0  }
0x36b: {  	s11 =	sor.u32 $0x8010, s1;
	[tilespmem:s9+$0x0] =	vst.add.f32.msk $0xffff, v2  }
0x36c: {  	s13 =	sor.u32 $0x8020, s1;
	[tilespmem:s11+$0x0] =	vst.add.f32.msk $0xffff, v3  }
0x36d: {  	s15 =	sor.u32 $0x8030, s1;
	[tilespmem:s13+$0x0] =	vst.add.f32.msk $0xffff, v4  }
0x36e: {  	s20 =	sor.u32 $0x8040, s1;
	[tilespmem:s15+$0x0] =	vst.add.f32.msk $0xffff, v5  }
0x36f: {  	s8 =	sor.u32 $0xC070, s1;
	[tilespmem:s20+$0x0] =	vst.add.f32.msk $0xffff, v1  }
0x370: {  	[tilespmem:s8+$0x0] =	vst.add.f32.msk $0xffff, v0  }
0x371: {  	s10 =	sor.u32 $0xC000, s1;
	v0 =	vld [tilespmem:s1+$0x14050]  }
0x372: {  	s12 =	sor.u32 $0xC010, s1;
	[tilespmem:s10+$0x0] =	vst.add.f32.msk $0xffff, v2  }
0x373: {  	s14 =	sor.u32 $0xC020, s1;
	[tilespmem:s12+$0x0] =	vst.add.f32.msk $0xffff, v3  }
0x374: {  	s19 =	sor.u32 $0xC030, s1;
	[tilespmem:s14+$0x0] =	vst.add.f32.msk $0xffff, v4  }
0x375: {  	s7 =	sor.u32 $0xC040, s1;
	s6 =	sor.u32 $0x8050, s1;
	s5 =	sor.u32 $0xC050, s1;
	v2 =	vld [tilespmem:s1+$0x14060]  }
0x376: {  	s3 =	sor.u32 $0xC060, s1;
	s4 =	sor.u32 $0x8060, s1;
	s2 =	simm.s32 $0x0;
	[tilespmem:s19+$0x0] =	vst.add.f32.msk $0xffff, v5  }
.LBB2_24:
0x377: {  	s2 =	sadd.s32 $0x8, s2;
	[tilespmem:s7+$0x0] =	vst.add.f32.msk $0xffff, v1  }
0x378: {  	s0 =	sadd.s32 $0x400, s0;
	s1 =	sshll.u32 s2, $0x4;
	p0 =	slt.u32 s2, $0x3F8;
	[tilespmem:s6+$0x0] =	vst.add.f32.msk $0xffff, v0  }
0x379: {  	s6 =	sand.u32 $0x1C00, s0;
	s7 =	sshll.u32 s2, $0x1;
	s1 =	sand.u32 $0x2000, s1;
	[tilespmem:s5+$0x0] =	vst.add.f32.msk $0xffff, v0  }
0x37a: {  	s5 =	sand.u32 $0x380, s7;
	s1 =	sor.u32 s6, s1;
	[tilespmem:s4+$0x0] =	vst.add.f32.msk $0xffff, v2  }
0x37b: {  	s1 =	sor.u32 s5, s1;
	[tilespmem:s3+$0x0] =	vst.add.f32.msk $0xffff, v2  }
0x37c: {  	s8 =	sor.u32 $0x8000, s1;
	s9 =	sor.u32 $0xC000, s1;
	s10 =	sor.u32 $0x8010, s1;
	v0 =	vld [tilespmem:s1+$0x14070]  }
0x37d: {  	s11 =	sor.u32 $0xC010, s1;
	s12 =	sor.u32 $0x8020, s1;
	s13 =	sor.u32 $0xC020, s1;
	v3 =	vld [tilespmem:s1+$0x14000]  }
0x37e: {  	s14 =	sor.u32 $0x8030, s1;
	s15 =	sor.u32 $0xC030, s1;
	s19 =	sor.u32 $0x8040, s1;
	v4 =	vld [tilespmem:s1+$0x14010]  }
0x37f: {  	s7 =	sor.u32 $0xC040, s1;
	s6 =	sor.u32 $0x8050, s1;
	s5 =	sor.u32 $0xC050, s1;
	v5 =	vld [tilespmem:s1+$0x14020]  }
0x380: {  	s4 =	sor.u32 $0x8060, s1;
	s3 =	sor.u32 $0xC060, s1;
	s20 =	sor.u32 $0x8070, s1;
	v6 =	vld [tilespmem:s1+$0x14030]  }
0x381: {  	[tilespmem:s20+$0x0] =	vst.add.f32.msk $0xffff, v0;
	s20 =	sor.u32 $0xC070, s1  }
0x382: {  	[tilespmem:s20+$0x0] =	vst.add.f32.msk $0xffff, v0  }
0x383: {  	v1 =	vld [tilespmem:s1+$0x14040]  }
0x384: {  	v0 =	vld [tilespmem:s1+$0x14050]  }
0x385: {  	v2 =	vld [tilespmem:s1+$0x14060]  }
0x386: {  	[tilespmem:s8+$0x0] =	vst.add.f32.msk $0xffff, v3  }
0x387: {  	[tilespmem:s9+$0x0] =	vst.add.f32.msk $0xffff, v3  }
0x388: {  	[tilespmem:s10+$0x0] =	vst.add.f32.msk $0xffff, v4  }
0x389: {  	[tilespmem:s11+$0x0] =	vst.add.f32.msk $0xffff, v4  }
.Ltmp11:
0x38a: {  	[tilespmem:s12+$0x0] =	vst.add.f32.msk $0xffff, v5;
	(pc) =	sbr.rel @p0 .LBB2_24-.Ltmp11, $4  }
0x38b: {  	[tilespmem:s13+$0x0] =	vst.add.f32.msk $0xffff, v5  }
0x38c: {  	[tilespmem:s14+$0x0] =	vst.add.f32.msk $0xffff, v6  }
0x38d: {  	[tilespmem:s15+$0x0] =	vst.add.f32.msk $0xffff, v6  }
0x38e: {  	[tilespmem:s19+$0x0] =	vst.add.f32.msk $0xffff, v1  }
0x38f: {  	[tilespmem:s7+$0x0] =	vst.add.f32.msk $0xffff, v1  }
0x390: {  	[tilespmem:s6+$0x0] =	vst.add.f32.msk $0xffff, v0  }
0x391: {  	[tilespmem:s4+$0x0] =	vst.add.f32.msk $0xffff, v2  }
0x392: {  	[tilespmem:s5+$0x0] =	vst.add.f32.msk $0xffff, v0  }
0x393: {  	[tilespmem:s3+$0x0] =	vst.add.f32.msk $0xffff, v2  }
0x394: {  	s1 =	sld [smem:$0x7E5];
	_ =	sdelay $0x1  }
0x395: {  	s0 =	simm.s32 $0x0;
	s15 =	sld [smem:$0x7E7]  }
0x396: {  	[hbm4b:s1+s0] =	stream.linear.scatter [tilespmem:s17], [sflag:$0x7], $0x4000, $0x38;
	[tilespmem:$0x18000] =	vst v63  }
0x397: {  	s19 =	simm.s32 $0x9  }
0x398: {  	[hbm4b:s15+s0] =	stream.linear.scatter [tilespmem:s18], [sflag:$0x8], $0x4000, $0x38;
	[tilespmem:$0x18000] =	vst v63  }
0x399: {  	_ =	swait.ge [sflag:s19], $0x4000  }
0x39a: {  	s20 =	sld [smem:$0x7EA]  }
0x39b: {  	[sflag:s19] =	ssyncset.done $0x0  }
0x39c: {  	s2 =	simm.s32 $0x14000;
	[sflag:s19] =	ssyncadd.s32 $0xFFFFC000  }
0x39d: {  	[tilespmem:s2], [sflag:$0xA] =	stream.linear.gather [hbm4b:s20+s0], $0x4000, $0x38;
	[tilespmem:$0x18000] =	vst v63  }
0x39e: {  	_ =	swait.ge [sflag:s29], $0x4000  }
0x39f: {  	s3 =	sld [smem:$0x7EF]  }
0x3a0: {  	[sflag:s29] =	ssyncset.done $0x0  }
0x3a1: {  	[sflag:s29] =	ssyncadd.s32 $0xFFFFC000  }
0x3a2: {  	[tilespmem:s17], [sflag:$0x3] =	stream.linear.gather [hbm4b:s3+s0], $0x4000, $0x38;
	[tilespmem:$0x18000] =	vst v63  }
0x3a3: {  	_ =	swait.ge [sflag:s30], $0x4000  }
0x3a4: {  	s4 =	sld [smem:$0x7F1]  }
0x3a5: {  	[sflag:s30] =	ssyncset.done $0x0  }
0x3a6: {  	[sflag:s30] =	ssyncadd.s32 $0xFFFFC000  }
0x3a7: {  	[tilespmem:s18], [sflag:$0x4] =	stream.linear.gather [hbm4b:s4+s0], $0x4000, $0x38;
	[tilespmem:$0x18000] =	vst v63  }
0x3a8: {  	_ =	swait.ge [sflag:s21], $0x4000  }
0x3a9: {  	[sflag:s21] =	ssyncset.done $0x0  }
0x3aa: {  	s7 =	simm.s32 $0x0;
	s5 =	simm.s32 $0x0;
	[sflag:s21] =	ssyncadd.s32 $0xFFFFC000  }
0x3ab: {  	s6 =	sand.u32 $0x1C00, s0;
	s1 =	sand.u32 $0x2000, s5;
	_ =	swait.ge [sflag:s22], $0x4000  }
0x3ac: {  	s8 =	sand.u32 $0x380, s7;
	s1 =	sor.u32 s6, s1;
	[sflag:s22] =	ssyncset.done $0x0  }
0x3ad: {  	s1 =	sor.u32 s8, s1;
	[sflag:s22] =	ssyncadd.s32 $0xFFFFC000  }
0x3ae: {  	v0 =	vld [tilespmem:s1+$0x10070]  }
0x3af: {  	v2 =	vld [tilespmem:s1+$0x10000]  }
0x3b0: {  	v3 =	vld [tilespmem:s1+$0x10010]  }
0x3b1: {  	v4 =	vld [tilespmem:s1+$0x10020]  }
0x3b2: {  	v5 =	vld [tilespmem:s1+$0x10030]  }
0x3b3: {  	s2 =	sor.u32 $0x70, s1;
	v1 =	vld [tilespmem:s1+$0x10040]  }
0x3b4: {  	[tilespmem:s2+$0x0] =	vst.add.f32.msk $0xffff, v0  }
0x3b5: {  	s11 =	sor.u32 $0x10, s1;
	[tilespmem:s1+$0x0] =	vst.add.f32.msk $0xffff, v2  }
0x3b6: {  	s13 =	sor.u32 $0x20, s1;
	[tilespmem:s11+$0x0] =	vst.add.f32.msk $0xffff, v3  }
0x3b7: {  	s15 =	sor.u32 $0x30, s1;
	[tilespmem:s13+$0x0] =	vst.add.f32.msk $0xffff, v4  }
0x3b8: {  	s20 =	sor.u32 $0x40, s1;
	[tilespmem:s15+$0x0] =	vst.add.f32.msk $0xffff, v5  }
0x3b9: {  	s9 =	sor.u32 $0x4070, s1;
	[tilespmem:s20+$0x0] =	vst.add.f32.msk $0xffff, v1  }
0x3ba: {  	[tilespmem:s9+$0x0] =	vst.add.f32.msk $0xffff, v0  }
0x3bb: {  	s10 =	sor.u32 $0x4000, s1;
	v0 =	vld [tilespmem:s1+$0x10050]  }
0x3bc: {  	s12 =	sor.u32 $0x4010, s1;
	[tilespmem:s10+$0x0] =	vst.add.f32.msk $0xffff, v2  }
0x3bd: {  	s14 =	sor.u32 $0x4020, s1;
	[tilespmem:s12+$0x0] =	vst.add.f32.msk $0xffff, v3  }
0x3be: {  	s7 =	sor.u32 $0x4040, s1;
	[tilespmem:s14+$0x0] =	vst.add.f32.msk $0xffff, v4  }
0x3bf: {  	s6 =	sor.u32 $0x50, s1;
	s5 =	sor.u32 $0x4050, s1;
	s19 =	sor.u32 $0x4030, s1;
	v2 =	vld [tilespmem:s1+$0x10060]  }
0x3c0: {  	s3 =	sor.u32 $0x60, s1;
	s4 =	sor.u32 $0x4060, s1;
	s2 =	simm.s32 $0x0;
	[tilespmem:s19+$0x0] =	vst.add.f32.msk $0xffff, v5  }
.LBB2_26:
0x3c1: {  	s2 =	sadd.s32 $0x8, s2;
	[tilespmem:s7+$0x0] =	vst.add.f32.msk $0xffff, v1  }
0x3c2: {  	s0 =	sadd.s32 $0x400, s0;
	s1 =	sshll.u32 s2, $0x4;
	p0 =	slt.u32 s2, $0x3F8;
	[tilespmem:s6+$0x0] =	vst.add.f32.msk $0xffff, v0  }
0x3c3: {  	s6 =	sand.u32 $0x1C00, s0;
	s7 =	sshll.u32 s2, $0x1;
	s1 =	sand.u32 $0x2000, s1;
	[tilespmem:s5+$0x0] =	vst.add.f32.msk $0xffff, v0  }
0x3c4: {  	s5 =	sand.u32 $0x380, s7;
	s1 =	sor.u32 s6, s1;
	[tilespmem:s3+$0x0] =	vst.add.f32.msk $0xffff, v2  }
0x3c5: {  	s1 =	sor.u32 s5, s1;
	[tilespmem:s4+$0x0] =	vst.add.f32.msk $0xffff, v2  }
0x3c6: {  	s8 =	sor.u32 $0x4000, s1;
	s9 =	sor.u32 $0x10, s1;
	s10 =	sor.u32 $0x4010, s1;
	v0 =	vld [tilespmem:s1+$0x10070]  }
0x3c7: {  	s11 =	sor.u32 $0x20, s1;
	s12 =	sor.u32 $0x4020, s1;
	s13 =	sor.u32 $0x30, s1;
	v3 =	vld [tilespmem:s1+$0x10000]  }
0x3c8: {  	s14 =	sor.u32 $0x4030, s1;
	s15 =	sor.u32 $0x40, s1;
	s7 =	sor.u32 $0x4040, s1;
	v4 =	vld [tilespmem:s1+$0x10010]  }
0x3c9: {  	s6 =	sor.u32 $0x50, s1;
	s5 =	sor.u32 $0x4050, s1;
	s3 =	sor.u32 $0x60, s1;
	v5 =	vld [tilespmem:s1+$0x10020]  }
0x3ca: {  	s4 =	sor.u32 $0x4060, s1;
	s19 =	sor.u32 $0x70, s1;
	v6 =	vld [tilespmem:s1+$0x10030]  }
0x3cb: {  	[tilespmem:s19+$0x0] =	vst.add.f32.msk $0xffff, v0;
	s19 =	sor.u32 $0x4070, s1  }
0x3cc: {  	[tilespmem:s19+$0x0] =	vst.add.f32.msk $0xffff, v0  }
0x3cd: {  	v1 =	vld [tilespmem:s1+$0x10040]  }
0x3ce: {  	v0 =	vld [tilespmem:s1+$0x10050]  }
0x3cf: {  	v2 =	vld [tilespmem:s1+$0x10060]  }
0x3d0: {  	[tilespmem:s1+$0x0] =	vst.add.f32.msk $0xffff, v3  }
0x3d1: {  	[tilespmem:s8+$0x0] =	vst.add.f32.msk $0xffff, v3  }
0x3d2: {  	[tilespmem:s9+$0x0] =	vst.add.f32.msk $0xffff, v4  }
0x3d3: {  	[tilespmem:s10+$0x0] =	vst.add.f32.msk $0xffff, v4  }
.Ltmp12:
0x3d4: {  	[tilespmem:s11+$0x0] =	vst.add.f32.msk $0xffff, v5;
	(pc) =	sbr.rel @p0 .LBB2_26-.Ltmp12, $4  }
0x3d5: {  	[tilespmem:s12+$0x0] =	vst.add.f32.msk $0xffff, v5  }
0x3d6: {  	[tilespmem:s13+$0x0] =	vst.add.f32.msk $0xffff, v6  }
0x3d7: {  	[tilespmem:s14+$0x0] =	vst.add.f32.msk $0xffff, v6  }
0x3d8: {  	[tilespmem:s15+$0x0] =	vst.add.f32.msk $0xffff, v1  }
0x3d9: {  	[tilespmem:s7+$0x0] =	vst.add.f32.msk $0xffff, v1  }
0x3da: {  	[tilespmem:s6+$0x0] =	vst.add.f32.msk $0xffff, v0  }
0x3db: {  	[tilespmem:s3+$0x0] =	vst.add.f32.msk $0xffff, v2  }
0x3dc: {  	[tilespmem:s5+$0x0] =	vst.add.f32.msk $0xffff, v0  }
0x3dd: {  	[tilespmem:s4+$0x0] =	vst.add.f32.msk $0xffff, v2  }
0x3de: {  	s1 =	sld [smem:$0x7EC];
	_ =	sdelay $0x1  }
0x3df: {  	s0 =	simm.s32 $0x0;
	s2 =	sld [smem:$0x7EE]  }
0x3e0: {  	[hbm4b:s1+s0] =	stream.linear.scatter [tilespmem:s0], [sflag:$0x5], $0x4000, $0x38;
	[tilespmem:$0x18000] =	vst v63  }
0x3e1: {  	_ = 	snop  }
0x3e2: {  	[hbm4b:s2+s0] =	stream.linear.scatter [tilespmem:s16], [sflag:$0x6], $0x4000, $0x38;
	[tilespmem:$0x18000] =	vst v63  }
0x3e3: {  	_ =	swait.ge [sflag:s23], $0x4000  }
0x3e4: {  	s3 =	sld [smem:$0x7F5]  }
0x3e5: {  	[sflag:s23] =	ssyncset.done $0x0  }
0x3e6: {  	[sflag:s23] =	ssyncadd.s32 $0xFFFFC000  }
0x3e7: {  	[tilespmem:s0], [sflag:$0x1] =	stream.linear.gather [hbm4b:s3+s0], $0x4000, $0x38;
	[tilespmem:$0x18000] =	vst v63  }
0x3e8: {  	_ =	swait.ge [sflag:s24], $0x4000  }
0x3e9: {  	s4 =	sld [smem:$0x7F6]  }
0x3ea: {  	[sflag:s24] =	ssyncset.done $0x0  }
0x3eb: {  	[sflag:s24] =	ssyncadd.s32 $0xFFFFC000  }
0x3ec: {  	[tilespmem:s16], [sflag:$0x2] =	stream.linear.gather [hbm4b:s4+s0], $0x4000, $0x38;
	[tilespmem:$0x18000] =	vst v63  }
0x3ed: {  	_ =	swait.ge [sflag:s25], $0x4000  }
0x3ee: {  	[sflag:s25] =	ssyncset.done $0x0  }
0x3ef: {  	s6 =	simm.s32 $0x0;
	s5 =	simm.s32 $0x0;
	[sflag:s25] =	ssyncadd.s32 $0xFFFFC000  }
0x3f0: {  	s1 =	sand.u32 $0x2000, s5;
	s2 =	sand.u32 $0x1C00, s0;
	_ =	swait.ge [sflag:s26], $0x4000  }
0x3f1: {  	s7 =	sand.u32 $0x380, s6;
	s1 =	sor.u32 s2, s1;
	[sflag:s26] =	ssyncset.done $0x0  }
0x3f2: {  	s1 =	sor.u32 s7, s1;
	[sflag:s26] =	ssyncadd.s32 $0xFFFFC000  }
0x3f3: {  	v0 =	vld [tilespmem:s1+$0x10070]  }
0x3f4: {  	v2 =	vld [tilespmem:s1+$0x10000]  }
0x3f5: {  	v3 =	vld [tilespmem:s1+$0x10010]  }
0x3f6: {  	v4 =	vld [tilespmem:s1+$0x10020]  }
0x3f7: {  	v5 =	vld [tilespmem:s1+$0x10030]  }
0x3f8: {  	s2 =	sor.u32 $0x8070, s1;
	v1 =	vld [tilespmem:s1+$0x10040]  }
0x3f9: {  	s9 =	sor.u32 $0x8000, s1;
	[tilespmem:s2+$0x0] =	vst.add.f32.msk $0xffff, v0  }
0x3fa: {  	s11 =	sor.u32 $0x8010, s1;
	[tilespmem:s9+$0x0] =	vst.add.f32.msk $0xffff, v2  }
0x3fb: {  	s13 =	sor.u32 $0x8020, s1;
	[tilespmem:s11+$0x0] =	vst.add.f32.msk $0xffff, v3  }
0x3fc: {  	s15 =	sor.u32 $0x8030, s1;
	[tilespmem:s13+$0x0] =	vst.add.f32.msk $0xffff, v4  }
0x3fd: {  	s20 =	sor.u32 $0x8040, s1;
	[tilespmem:s15+$0x0] =	vst.add.f32.msk $0xffff, v5  }
0x3fe: {  	s8 =	sor.u32 $0xC070, s1;
	[tilespmem:s20+$0x0] =	vst.add.f32.msk $0xffff, v1  }
0x3ff: {  	[tilespmem:s8+$0x0] =	vst.add.f32.msk $0xffff, v0  }
0x400: {  	s10 =	sor.u32 $0xC000, s1;
	v0 =	vld [tilespmem:s1+$0x10050]  }
0x401: {  	s12 =	sor.u32 $0xC010, s1;
	[tilespmem:s10+$0x0] =	vst.add.f32.msk $0xffff, v2  }
0x402: {  	s14 =	sor.u32 $0xC020, s1;
	[tilespmem:s12+$0x0] =	vst.add.f32.msk $0xffff, v3  }
0x403: {  	s19 =	sor.u32 $0xC030, s1;
	[tilespmem:s14+$0x0] =	vst.add.f32.msk $0xffff, v4  }
0x404: {  	s7 =	sor.u32 $0xC040, s1;
	s6 =	sor.u32 $0x8050, s1;
	s5 =	sor.u32 $0xC050, s1;
	v2 =	vld [tilespmem:s1+$0x10060]  }
0x405: {  	s3 =	sor.u32 $0xC060, s1;
	s4 =	sor.u32 $0x8060, s1;
	s2 =	simm.s32 $0x0;
	[tilespmem:s19+$0x0] =	vst.add.f32.msk $0xffff, v5  }
.LBB2_28:
0x406: {  	s2 =	sadd.s32 $0x8, s2;
	[tilespmem:s7+$0x0] =	vst.add.f32.msk $0xffff, v1  }
0x407: {  	s0 =	sadd.s32 $0x400, s0;
	s1 =	sshll.u32 s2, $0x4;
	p0 =	slt.u32 s2, $0x3F8;
	[tilespmem:s6+$0x0] =	vst.add.f32.msk $0xffff, v0  }
0x408: {  	s6 =	sand.u32 $0x1C00, s0;
	s7 =	sshll.u32 s2, $0x1;
	s1 =	sand.u32 $0x2000, s1;
	[tilespmem:s5+$0x0] =	vst.add.f32.msk $0xffff, v0  }
0x409: {  	s5 =	sand.u32 $0x380, s7;
	s1 =	sor.u32 s6, s1;
	[tilespmem:s4+$0x0] =	vst.add.f32.msk $0xffff, v2  }
0x40a: {  	s1 =	sor.u32 s5, s1;
	[tilespmem:s3+$0x0] =	vst.add.f32.msk $0xffff, v2  }
0x40b: {  	s8 =	sor.u32 $0x8000, s1;
	s9 =	sor.u32 $0xC000, s1;
	s10 =	sor.u32 $0x8010, s1;
	v0 =	vld [tilespmem:s1+$0x10070]  }
0x40c: {  	s11 =	sor.u32 $0xC010, s1;
	s12 =	sor.u32 $0x8020, s1;
	s13 =	sor.u32 $0xC020, s1;
	v3 =	vld [tilespmem:s1+$0x10000]  }
0x40d: {  	s14 =	sor.u32 $0x8030, s1;
	s15 =	sor.u32 $0xC030, s1;
	s19 =	sor.u32 $0x8040, s1;
	v4 =	vld [tilespmem:s1+$0x10010]  }
0x40e: {  	s7 =	sor.u32 $0xC040, s1;
	s6 =	sor.u32 $0x8050, s1;
	s5 =	sor.u32 $0xC050, s1;
	v5 =	vld [tilespmem:s1+$0x10020]  }
0x40f: {  	s4 =	sor.u32 $0x8060, s1;
	s3 =	sor.u32 $0xC060, s1;
	s20 =	sor.u32 $0x8070, s1;
	v6 =	vld [tilespmem:s1+$0x10030]  }
0x410: {  	[tilespmem:s20+$0x0] =	vst.add.f32.msk $0xffff, v0;
	s20 =	sor.u32 $0xC070, s1  }
0x411: {  	[tilespmem:s20+$0x0] =	vst.add.f32.msk $0xffff, v0  }
0x412: {  	v1 =	vld [tilespmem:s1+$0x10040]  }
0x413: {  	v0 =	vld [tilespmem:s1+$0x10050]  }
0x414: {  	v2 =	vld [tilespmem:s1+$0x10060]  }
0x415: {  	[tilespmem:s8+$0x0] =	vst.add.f32.msk $0xffff, v3  }
0x416: {  	[tilespmem:s9+$0x0] =	vst.add.f32.msk $0xffff, v3  }
0x417: {  	[tilespmem:s10+$0x0] =	vst.add.f32.msk $0xffff, v4  }
0x418: {  	[tilespmem:s11+$0x0] =	vst.add.f32.msk $0xffff, v4  }
.Ltmp13:
0x419: {  	[tilespmem:s12+$0x0] =	vst.add.f32.msk $0xffff, v5;
	(pc) =	sbr.rel @p0 .LBB2_28-.Ltmp13, $4  }
0x41a: {  	[tilespmem:s13+$0x0] =	vst.add.f32.msk $0xffff, v5  }
0x41b: {  	[tilespmem:s14+$0x0] =	vst.add.f32.msk $0xffff, v6  }
0x41c: {  	[tilespmem:s15+$0x0] =	vst.add.f32.msk $0xffff, v6  }
0x41d: {  	[tilespmem:s19+$0x0] =	vst.add.f32.msk $0xffff, v1  }
0x41e: {  	[tilespmem:s7+$0x0] =	vst.add.f32.msk $0xffff, v1  }
0x41f: {  	[tilespmem:s6+$0x0] =	vst.add.f32.msk $0xffff, v0  }
0x420: {  	[tilespmem:s4+$0x0] =	vst.add.f32.msk $0xffff, v2  }
0x421: {  	[tilespmem:s5+$0x0] =	vst.add.f32.msk $0xffff, v0  }
0x422: {  	[tilespmem:s3+$0x0] =	vst.add.f32.msk $0xffff, v2  }
0x423: {  	s1 =	sld [smem:$0x7F0];
	_ =	sdelay $0x1  }
0x424: {  	s0 =	simm.s32 $0x0;
	s3 =	sld [smem:$0x7F2]  }
0x425: {  	[hbm4b:s1+s0] =	stream.linear.scatter [tilespmem:s17], [sflag:$0x7], $0x4000, $0x38;
	[tilespmem:$0x18000] =	vst v63  }
0x426: {  	_ = 	snop  }
0x427: {  	[hbm4b:s3+s0] =	stream.linear.scatter [tilespmem:s18], [sflag:$0x8], $0x4000, $0x38;
	[tilespmem:$0x18000] =	vst v63  }
0x428: {  	_ =	swait.ge [sflag:s28], $0x4000  }
0x429: {  	[sflag:s28] =	ssyncset.done $0x0  }
0x42a: {  	[sflag:s28] =	ssyncadd.s32 $0xFFFFC000  }
0x42b: {  	_ =	swait.ge [sflag:s29], $0x4000  }
0x42c: {  	s4 =	sld [smem:$0x7F7]  }
0x42d: {  	[sflag:s29] =	ssyncset.done $0x0  }
0x42e: {  	[sflag:s29] =	ssyncadd.s32 $0xFFFFC000  }
0x42f: {  	[tilespmem:s17], [sflag:$0x3] =	stream.linear.gather [hbm4b:s4+s0], $0x4000, $0x38;
	[tilespmem:$0x18000] =	vst v63  }
0x430: {  	_ =	swait.ge [sflag:s30], $0x4000  }
0x431: {  	s5 =	sld [smem:$0x7F8]  }
0x432: {  	[sflag:s30] =	ssyncset.done $0x0  }
0x433: {  	[sflag:s30] =	ssyncadd.s32 $0xFFFFC000  }
0x434: {  	[tilespmem:s18], [sflag:$0x4] =	stream.linear.gather [hbm4b:s5+s0], $0x4000, $0x38;
	[tilespmem:$0x18000] =	vst v63  }
0x435: {  	_ =	swait.ge [sflag:s21], $0x4000  }
0x436: {  	[sflag:s21] =	ssyncset.done $0x0  }
0x437: {  	s6 =	simm.s32 $0x0;
	s7 =	simm.s32 $0x0;
	[sflag:s21] =	ssyncadd.s32 $0xFFFFC000  }
0x438: {  	s2 =	sand.u32 $0x1C00, s0;
	s1 =	sand.u32 $0x2000, s6;
	_ =	swait.ge [sflag:s22], $0x4000  }
0x439: {  	s8 =	sand.u32 $0x380, s7;
	s1 =	sor.u32 s2, s1;
	[sflag:s22] =	ssyncset.done $0x0  }
0x43a: {  	s1 =	sor.u32 s8, s1;
	[sflag:s22] =	ssyncadd.s32 $0xFFFFC000  }
0x43b: {  	v0 =	vld [tilespmem:s1+$0x14070]  }
0x43c: {  	v2 =	vld [tilespmem:s1+$0x14000]  }
0x43d: {  	v3 =	vld [tilespmem:s1+$0x14010]  }
0x43e: {  	v4 =	vld [tilespmem:s1+$0x14020]  }
0x43f: {  	v5 =	vld [tilespmem:s1+$0x14030]  }
0x440: {  	s2 =	sor.u32 $0x70, s1;
	v1 =	vld [tilespmem:s1+$0x14040]  }
0x441: {  	[tilespmem:s2+$0x0] =	vst.add.f32.msk $0xffff, v0  }
0x442: {  	s11 =	sor.u32 $0x10, s1;
	[tilespmem:s1+$0x0] =	vst.add.f32.msk $0xffff, v2  }
0x443: {  	s13 =	sor.u32 $0x20, s1;
	[tilespmem:s11+$0x0] =	vst.add.f32.msk $0xffff, v3  }
0x444: {  	s15 =	sor.u32 $0x30, s1;
	[tilespmem:s13+$0x0] =	vst.add.f32.msk $0xffff, v4  }
0x445: {  	s20 =	sor.u32 $0x40, s1;
	[tilespmem:s15+$0x0] =	vst.add.f32.msk $0xffff, v5  }
0x446: {  	s9 =	sor.u32 $0x4070, s1;
	[tilespmem:s20+$0x0] =	vst.add.f32.msk $0xffff, v1  }
0x447: {  	[tilespmem:s9+$0x0] =	vst.add.f32.msk $0xffff, v0  }
0x448: {  	s10 =	sor.u32 $0x4000, s1;
	v0 =	vld [tilespmem:s1+$0x14050]  }
0x449: {  	s12 =	sor.u32 $0x4010, s1;
	[tilespmem:s10+$0x0] =	vst.add.f32.msk $0xffff, v2  }
0x44a: {  	s14 =	sor.u32 $0x4020, s1;
	[tilespmem:s12+$0x0] =	vst.add.f32.msk $0xffff, v3  }
0x44b: {  	s19 =	sor.u32 $0x4030, s1;
	[tilespmem:s14+$0x0] =	vst.add.f32.msk $0xffff, v4  }
0x44c: {  	s7 =	sor.u32 $0x4040, s1;
	s6 =	sor.u32 $0x50, s1;
	s3 =	sor.u32 $0x60, s1;
	v2 =	vld [tilespmem:s1+$0x14060]  }
0x44d: {  	s4 =	sor.u32 $0x4060, s1;
	s5 =	sor.u32 $0x4050, s1;
	s2 =	simm.s32 $0x0;
	[tilespmem:s19+$0x0] =	vst.add.f32.msk $0xffff, v5  }
.LBB2_30:
0x44e: {  	s2 =	sadd.s32 $0x8, s2;
	[tilespmem:s7+$0x0] =	vst.add.f32.msk $0xffff, v1  }
0x44f: {  	s0 =	sadd.s32 $0x400, s0;
	s1 =	sshll.u32 s2, $0x4;
	p0 =	slt.u32 s2, $0x3F8;
	[tilespmem:s6+$0x0] =	vst.add.f32.msk $0xffff, v0  }
0x450: {  	s6 =	sand.u32 $0x1C00, s0;
	s7 =	sshll.u32 s2, $0x1;
	s1 =	sand.u32 $0x2000, s1;
	[tilespmem:s5+$0x0] =	vst.add.f32.msk $0xffff, v0  }
0x451: {  	s5 =	sand.u32 $0x380, s7;
	s1 =	sor.u32 s6, s1;
	[tilespmem:s3+$0x0] =	vst.add.f32.msk $0xffff, v2  }
0x452: {  	s1 =	sor.u32 s5, s1;
	[tilespmem:s4+$0x0] =	vst.add.f32.msk $0xffff, v2  }
0x453: {  	s8 =	sor.u32 $0x4000, s1;
	s9 =	sor.u32 $0x10, s1;
	s10 =	sor.u32 $0x4010, s1;
	v0 =	vld [tilespmem:s1+$0x14070]  }
0x454: {  	s11 =	sor.u32 $0x20, s1;
	s12 =	sor.u32 $0x4020, s1;
	s13 =	sor.u32 $0x30, s1;
	v3 =	vld [tilespmem:s1+$0x14000]  }
0x455: {  	s14 =	sor.u32 $0x4030, s1;
	s15 =	sor.u32 $0x40, s1;
	s7 =	sor.u32 $0x4040, s1;
	v4 =	vld [tilespmem:s1+$0x14010]  }
0x456: {  	s6 =	sor.u32 $0x50, s1;
	s5 =	sor.u32 $0x4050, s1;
	s3 =	sor.u32 $0x60, s1;
	v5 =	vld [tilespmem:s1+$0x14020]  }
0x457: {  	s4 =	sor.u32 $0x4060, s1;
	s19 =	sor.u32 $0x70, s1;
	v6 =	vld [tilespmem:s1+$0x14030]  }
0x458: {  	[tilespmem:s19+$0x0] =	vst.add.f32.msk $0xffff, v0;
	s19 =	sor.u32 $0x4070, s1  }
0x459: {  	[tilespmem:s19+$0x0] =	vst.add.f32.msk $0xffff, v0  }
0x45a: {  	v1 =	vld [tilespmem:s1+$0x14040]  }
0x45b: {  	v0 =	vld [tilespmem:s1+$0x14050]  }
0x45c: {  	v2 =	vld [tilespmem:s1+$0x14060]  }
0x45d: {  	[tilespmem:s1+$0x0] =	vst.add.f32.msk $0xffff, v3  }
0x45e: {  	[tilespmem:s8+$0x0] =	vst.add.f32.msk $0xffff, v3  }
0x45f: {  	[tilespmem:s9+$0x0] =	vst.add.f32.msk $0xffff, v4  }
0x460: {  	[tilespmem:s10+$0x0] =	vst.add.f32.msk $0xffff, v4  }
.Ltmp14:
0x461: {  	[tilespmem:s11+$0x0] =	vst.add.f32.msk $0xffff, v5;
	(pc) =	sbr.rel @p0 .LBB2_30-.Ltmp14, $4  }
0x462: {  	[tilespmem:s12+$0x0] =	vst.add.f32.msk $0xffff, v5  }
0x463: {  	[tilespmem:s13+$0x0] =	vst.add.f32.msk $0xffff, v6  }
0x464: {  	[tilespmem:s14+$0x0] =	vst.add.f32.msk $0xffff, v6  }
0x465: {  	[tilespmem:s15+$0x0] =	vst.add.f32.msk $0xffff, v1  }
0x466: {  	[tilespmem:s7+$0x0] =	vst.add.f32.msk $0xffff, v1  }
0x467: {  	[tilespmem:s6+$0x0] =	vst.add.f32.msk $0xffff, v0  }
0x468: {  	[tilespmem:s3+$0x0] =	vst.add.f32.msk $0xffff, v2  }
0x469: {  	[tilespmem:s5+$0x0] =	vst.add.f32.msk $0xffff, v0  }
0x46a: {  	[tilespmem:s4+$0x0] =	vst.add.f32.msk $0xffff, v2  }
0x46b: {  	s1 =	sld [smem:$0x7F9];
	_ =	sdelay $0x1  }
0x46c: {  	s0 =	simm.s32 $0x0;
	s5 =	sld [smem:$0x7FA]  }
0x46d: {  	[hbm4b:s1+s0] =	stream.linear.scatter [tilespmem:s0], [sflag:$0x5], $0x4000, $0x38;
	[tilespmem:$0x18000] =	vst v63  }
0x46e: {  	_ = 	snop  }
0x46f: {  	[hbm4b:s5+s0] =	stream.linear.scatter [tilespmem:s16], [sflag:$0x6], $0x4000, $0x38;
	[tilespmem:$0x18000] =	vst v63  }
0x470: {  	_ =	swait.ge [sflag:s25], $0x4000  }
0x471: {  	[sflag:s25] =	ssyncset.done $0x0  }
0x472: {  	s6 =	simm.s32 $0x0;
	s7 =	simm.s32 $0x0;
	[sflag:s25] =	ssyncadd.s32 $0xFFFFC000  }
0x473: {  	s2 =	sand.u32 $0x1C00, s0;
	s1 =	sand.u32 $0x2000, s6;
	_ =	swait.ge [sflag:s26], $0x4000  }
0x474: {  	s8 =	sand.u32 $0x380, s7;
	s1 =	sor.u32 s2, s1;
	[sflag:s26] =	ssyncset.done $0x0  }
0x475: {  	s1 =	sor.u32 s8, s1;
	[sflag:s26] =	ssyncadd.s32 $0xFFFFC000  }
0x476: {  	v0 =	vld [tilespmem:s1+$0x14070]  }
0x477: {  	v3 =	vld [tilespmem:s1+$0x14000]  }
0x478: {  	v4 =	vld [tilespmem:s1+$0x14010]  }
0x479: {  	v5 =	vld [tilespmem:s1+$0x14020]  }
0x47a: {  	v6 =	vld [tilespmem:s1+$0x14030]  }
0x47b: {  	v2 =	vld [tilespmem:s1+$0x14040]  }
0x47c: {  	s2 =	sor.u32 $0x8070, s1;
	v1 =	vld [tilespmem:s1+$0x14050]  }
0x47d: {  	s10 =	sor.u32 $0x8000, s1;
	[tilespmem:s2+$0x0] =	vst.add.f32.msk $0xffff, v0  }
0x47e: {  	s12 =	sor.u32 $0x8010, s1;
	[tilespmem:s10+$0x0] =	vst.add.f32.msk $0xffff, v3  }
0x47f: {  	s14 =	sor.u32 $0x8020, s1;
	[tilespmem:s12+$0x0] =	vst.add.f32.msk $0xffff, v4  }
0x480: {  	s19 =	sor.u32 $0x8030, s1;
	[tilespmem:s14+$0x0] =	vst.add.f32.msk $0xffff, v5  }
0x481: {  	s8 =	sor.u32 $0x8040, s1;
	[tilespmem:s19+$0x0] =	vst.add.f32.msk $0xffff, v6  }
0x482: {  	s9 =	sor.u32 $0xC070, s1;
	[tilespmem:s8+$0x0] =	vst.add.f32.msk $0xffff, v2  }
0x483: {  	[tilespmem:s9+$0x0] =	vst.add.f32.msk $0xffff, v0  }
0x484: {  	s11 =	sor.u32 $0xC000, s1;
	v0 =	vld [tilespmem:s1+$0x14060]  }
0x485: {  	s13 =	sor.u32 $0xC010, s1;
	[tilespmem:s11+$0x0] =	vst.add.f32.msk $0xffff, v3  }
0x486: {  	s15 =	sor.u32 $0xC020, s1;
	s20 =	sor.u32 $0xC030, s1;
	[tilespmem:s13+$0x0] =	vst.add.f32.msk $0xffff, v4  }
0x487: {  	s7 =	sor.u32 $0xC040, s1;
	s6 =	sor.u32 $0x8050, s1;
	s5 =	sor.u32 $0xC050, s1;
	[tilespmem:s15+$0x0] =	vst.add.f32.msk $0xffff, v5  }
0x488: {  	s4 =	sor.u32 $0x8060, s1;
	s3 =	sor.u32 $0xC060, s1;
	s2 =	simm.s32 $0x0;
	[tilespmem:s20+$0x0] =	vst.add.f32.msk $0xffff, v6  }
.LBB2_32:
0x489: {  	s2 =	sadd.s32 $0x8, s2;
	[tilespmem:s7+$0x0] =	vst.add.f32.msk $0xffff, v2  }
0x48a: {  	s0 =	sadd.s32 $0x400, s0;
	s1 =	sshll.u32 s2, $0x4;
	p0 =	slt.u32 s2, $0x3F8;
	[tilespmem:s6+$0x0] =	vst.add.f32.msk $0xffff, v1  }
0x48b: {  	s6 =	sand.u32 $0x1C00, s0;
	s7 =	sshll.u32 s2, $0x1;
	s1 =	sand.u32 $0x2000, s1;
	[tilespmem:s5+$0x0] =	vst.add.f32.msk $0xffff, v1  }
0x48c: {  	s5 =	sand.u32 $0x380, s7;
	s1 =	sor.u32 s6, s1;
	[tilespmem:s4+$0x0] =	vst.add.f32.msk $0xffff, v0  }
0x48d: {  	s1 =	sor.u32 s5, s1;
	[tilespmem:s3+$0x0] =	vst.add.f32.msk $0xffff, v0  }
0x48e: {  	s8 =	sor.u32 $0x8000, s1;
	s9 =	sor.u32 $0xC000, s1;
	s10 =	sor.u32 $0x8010, s1;
	v0 =	vld [tilespmem:s1+$0x14070]  }
0x48f: {  	s11 =	sor.u32 $0xC010, s1;
	s12 =	sor.u32 $0x8020, s1;
	s13 =	sor.u32 $0xC020, s1;
	v3 =	vld [tilespmem:s1+$0x14000]  }
0x490: {  	s14 =	sor.u32 $0x8030, s1;
	s15 =	sor.u32 $0xC030, s1;
	s19 =	sor.u32 $0x8040, s1;
	v4 =	vld [tilespmem:s1+$0x14010]  }
0x491: {  	s7 =	sor.u32 $0xC040, s1;
	s6 =	sor.u32 $0x8050, s1;
	s5 =	sor.u32 $0xC050, s1;
	v5 =	vld [tilespmem:s1+$0x14020]  }
0x492: {  	s4 =	sor.u32 $0x8060, s1;
	s3 =	sor.u32 $0xC060, s1;
	s20 =	sor.u32 $0x8070, s1;
	v6 =	vld [tilespmem:s1+$0x14030]  }
0x493: {  	[tilespmem:s20+$0x0] =	vst.add.f32.msk $0xffff, v0;
	s20 =	sor.u32 $0xC070, s1  }
0x494: {  	[tilespmem:s20+$0x0] =	vst.add.f32.msk $0xffff, v0  }
0x495: {  	v2 =	vld [tilespmem:s1+$0x14040]  }
0x496: {  	v1 =	vld [tilespmem:s1+$0x14050]  }
0x497: {  	v0 =	vld [tilespmem:s1+$0x14060]  }
0x498: {  	[tilespmem:s8+$0x0] =	vst.add.f32.msk $0xffff, v3  }
0x499: {  	[tilespmem:s9+$0x0] =	vst.add.f32.msk $0xffff, v3  }
0x49a: {  	[tilespmem:s10+$0x0] =	vst.add.f32.msk $0xffff, v4  }
0x49b: {  	[tilespmem:s11+$0x0] =	vst.add.f32.msk $0xffff, v4  }
.Ltmp15:
0x49c: {  	[tilespmem:s12+$0x0] =	vst.add.f32.msk $0xffff, v5;
	(pc) =	sbr.rel @p0 .LBB2_32-.Ltmp15, $4  }
0x49d: {  	[tilespmem:s13+$0x0] =	vst.add.f32.msk $0xffff, v5  }
0x49e: {  	[tilespmem:s14+$0x0] =	vst.add.f32.msk $0xffff, v6  }
0x49f: {  	[tilespmem:s15+$0x0] =	vst.add.f32.msk $0xffff, v6  }
0x4a0: {  	[tilespmem:s19+$0x0] =	vst.add.f32.msk $0xffff, v2  }
0x4a1: {  	[tilespmem:s7+$0x0] =	vst.add.f32.msk $0xffff, v2  }
0x4a2: {  	[tilespmem:s6+$0x0] =	vst.add.f32.msk $0xffff, v1  }
0x4a3: {  	[tilespmem:s4+$0x0] =	vst.add.f32.msk $0xffff, v0  }
0x4a4: {  	[tilespmem:s5+$0x0] =	vst.add.f32.msk $0xffff, v1  }
0x4a5: {  	[tilespmem:s3+$0x0] =	vst.add.f32.msk $0xffff, v0  }
0x4a6: {  	s0 =	sld [smem:$0x7FB];
	_ =	sdelay $0x1  }
0x4a7: {  	s1 =	simm.s32 $0x0;
	s19 =	sld [smem:$0x7FC]  }
0x4a8: {  	[hbm4b:s0+s1] =	stream.linear.scatter [tilespmem:s17], [sflag:$0x7], $0x4000, $0x38;
	[tilespmem:$0x18000] =	vst v63  }
0x4a9: {  	_ = 	snop  }
0x4aa: {  	[hbm4b:s19+s1] =	stream.linear.scatter [tilespmem:s18], [sflag:$0x8], $0x4000, $0x38;
	[tilespmem:$0x18000] =	vst v63  }
0x4ab: {  	_ =	swait.ge [sflag:s23], $0x4000  }
0x4ac: {  	[sflag:s23] =	ssyncset.done $0x0  }
0x4ad: {  	[sflag:s23] =	ssyncadd.s32 $0xFFFFC000  }
0x4ae: {  	_ =	swait.ge [sflag:s24], $0x4000  }
0x4af: {  	[sflag:s24] =	ssyncset.done $0x0  }
0x4b0: {  	[sflag:s24] =	ssyncadd.s32 $0xFFFFC000  }
0x4b1: {  	_ =	swait.ge [sflag:s29], $0x4000  }
0x4b2: {  	[sflag:s29] =	ssyncset.done $0x0  }
0x4b3: {  	[sflag:s29] =	ssyncadd.s32 $0xFFFFC000  }
0x4b4: {  	_ =	swait.ge [sflag:s30], $0x4000  }
0x4b5: {  	s20 =	sld [smem:$0x7FD];
	_ =	sdelay $0x1  }
0x4b6: {  	s31 =	sadd.s32 $0x1, s31  }
0x4b7: {  	p0 =	sne.s32 s31, s20  }
.Ltmp16:
0x4b8: {  	_ = 	snop;
	(pc) =	sbr.rel @p0 .LBB2_1-.Ltmp16, $3  }
0x4b9: {  	_ =	sdelay $0x1  }
0x4ba: {  	[sflag:s30] =	ssyncset.done $0x0  }
0x4bb: {  	[sflag:s30] =	ssyncadd.s32 $0xFFFFC000  }
0x4bc: {  	_ =	sfence.sel $0x180000  }
0x4bd: {  	[bflag:$0x0] =	sbarrier.arrive $0xFFFF  }
0x4be: {  	_ =	strace $0x90000047  }
0x4bf: {  	s0 =	stileid.u32;
	[bflag:$0x2] =	sbarrier.arrive $0xFFFF  }
0x4c0: {  	p0 =	sne.s32 s0, $0x0;
	s0 =	rddreg [dreg:$0x3]  }
0x4c1: {  	s0 =	sadd.s32 @!p0 $0x100000, s0  }
0x4c2: {  	[sflag:s0] =	ssyncadd.tile.s32 @!p0 $0x1;
	_ =	shalt  }
.Lfunc_end2:
_tile_overlayer_lowered:
.L_overlay_start_2:
0x4c3: {  	(tag) =	ssettag $0x2  }
0x4c4: {  	s0 =	rddreg [dreg:$0x0];
	s2 =	stileid.u32  }
0x4c5: {  	s1 =	rddreg [dreg:$0x1];
	p0 =	sne.s32 s2, $0x0  }
0x4c6: {  	s3 =	rddreg [dreg:$0x2];
	[bflag:$0x3] =	sbarrier.arrive $0xFFFF;
	s2 =	simm.s32 @!p0 $0x1C0B  }
0x4c7: {  	[timem:s3], [sflag:s2] =	dma.local @!p0 [hbm:s0], s1  }
0x4c8: {  	s0 =	simm.s32 @!p0 $0xB  }
0x4c9: {  	_ =	swait.ge @!p0 [sflag:s0], s1  }
0x4ca: {  	s1 =	ssub.s32 @!p0 $0x0, s1;
	[sflag:s0] =	ssyncset.done @!p0 $0x0  }
0x4cb: {  	[sflag:s0] =	ssyncadd.s32 @!p0 s1  }
0x4cc: {  	[bflag:$0x3] =	sbarrier.arrive $0xFFFF  }
0x4cd: {  	_ =	shalt  }

</sc_bundles>
